<compile_context>
chip_gen: v7x
topology: tpu7x:2x2x1
jax: 0.10.2.dev20260603
libtpu: 0.0.44.dev20260713+nightly
codegen_flags: <defaults>
</compile_context>

<pallas_src>
import functools

import jax
import jax.numpy as jnp
from jax import lax
from jax.experimental import pallas as pl
from jax.experimental.pallas import tpu as pltpu
from jax.experimental.pallas import tpu_sc as plsc

N = 10000
D = 128
H = 15
E = 320000

NC = 2
NS = 16
NW = NC * NS
CHUNK = 128
CPT = 80
EP = NW * CPT * CHUNK
NBUF = 4
NPAD = 10112
RPT = NPAD // NS

F = 16
BM = 1000
GRID = N // BM

_sc_mesh = plsc.VectorSubcoreMesh(core_axis_name="c", subcore_axis_name="s")
_sc_params = pltpu.CompilerParams(use_tc_tiling_on_sc=False,
                                  needs_layout_passes=False)


def _zero_fill(ref, n):
    @plsc.parallel_loop(0, n, unroll=8)
    def body(i):
        ref[i] = jnp.zeros((F,), jnp.float32)


def _round_bf16(v):
    i = plsc.bitcast(v, jnp.int32)
    r = (i + jnp.int32(0x7FFF) + ((i >> 16) & 1)) & jnp.int32(-65536)
    return plsc.bitcast(r, jnp.float32)


def _rsqrt16(d):
    i = plsc.bitcast(d, jnp.int32)
    x = plsc.bitcast(jnp.int32(0x5F3759DF) - (i >> 1), jnp.float32)
    for _ in range(3):
        x = x * (1.5 - 0.5 * d * x * x)
    return x


def _scatter_phase(y_sh, acc_sh, sidx, didx, rows, gsems, ssems):
    def _gather(j, b):
        return pltpu.make_async_copy(y_sh.at[sidx.at[j]], rows.at[b],
                                     gsems[b])

    def _scatter(j, b):
        return pltpu.make_async_copy(rows.at[b], acc_sh.at[didx.at[j]],
                                     ssems[b])

    for b in range(NBUF - 1):
        _gather(b, b).start()

    def chunk(j0, _):
        for b0 in range(NBUF):
            j = j0 + b0
            nb = (b0 + NBUF - 1) % NBUF

            @pl.when((j + NBUF - 1 < CPT) & (j >= 1))
            def _():
                _scatter(j - 1, nb).wait()

            @pl.when(j + NBUF - 1 < CPT)
            def _():
                _gather(j + NBUF - 1, nb).start()

            _gather(j, b0).wait()
            pltpu.async_copy(rows.at[b0], acc_sh.at[didx.at[j]], ssems[b0],
                             add=True)
        return 0
    lax.fori_loop(0, CPT // NBUF, lambda i, c: chunk(i * NBUF, c), 0,
                  unroll=False)

    for b in range(NBUF):
        _scatter(CPT - NBUF + b, b).wait()


@functools.partial(
    pl.kernel,
    out_type=jax.ShapeDtypeStruct((NC, NPAD, F), jnp.float32),
    mesh=_sc_mesh,
    scratch_types=[
        pltpu.VMEM((CPT, CHUNK), jnp.int32),
        pltpu.VMEM((CHUNK, F), jnp.float32),
        pltpu.VMEM((RPT, F), jnp.float32),
        pltpu.VMEM_SHARED((NPAD, F), jnp.float32),
        [pltpu.SemaphoreType.DMA] * NBUF,
    ],
    compiler_params=_sc_params,
)
def _sc_count(dst_hbm, out_hbm, didx, ones, zbuf, acc_sh, csems):
    cid = lax.axis_index("c")
    sid = lax.axis_index("s")
    wid = cid * NS + sid
    lo = sid * RPT
    pltpu.sync_copy(dst_hbm.at[pl.ds(wid * CPT, CPT)], didx)

    @plsc.parallel_loop(0, CHUNK, unroll=8)
    def ob(i):
        ones[i] = jnp.ones((F,), jnp.float32)
    _zero_fill(zbuf, RPT)
    pltpu.sync_copy(zbuf, acc_sh.at[pl.ds(lo, RPT)])
    plsc.subcore_barrier()

    def chunk(j0, _):
        for b0 in range(NBUF):
            j = j0 + b0

            @pl.when(j >= NBUF)
            def _():
                pltpu.make_async_copy(ones, acc_sh.at[didx.at[j]],
                                      csems[b0]).wait()
            pltpu.async_copy(ones, acc_sh.at[didx.at[j]], csems[b0],
                             add=True)
        return 0
    lax.fori_loop(0, CPT // NBUF, lambda i, c: chunk(i * NBUF, c), 0,
                  unroll=False)
    for b in range(NBUF):
        pltpu.make_async_copy(ones, acc_sh.at[didx.at[b]], csems[b]).wait()

    plsc.subcore_barrier()
    pltpu.sync_copy(acc_sh.at[pl.ds(lo, RPT)],
                    out_hbm.at[cid].at[pl.ds(lo, RPT)])


@functools.partial(
    pl.kernel,
    out_type=jax.ShapeDtypeStruct((4, NPAD, F), jnp.float32),
    mesh=_sc_mesh,
    scratch_types=[
        pltpu.VMEM((CPT, CHUNK), jnp.int32),
        pltpu.VMEM((CPT, CHUNK), jnp.int32),
        pltpu.VMEM((NBUF, CHUNK, F), jnp.float32),
        pltpu.VMEM((RPT, F), jnp.float32),
        pltpu.VMEM((RPT, F), jnp.float32),
        pltpu.VMEM((RPT, F), jnp.float32),
        pltpu.VMEM((RPT, F), jnp.float32),
        pltpu.VMEM((RPT, F), jnp.float32),
        pltpu.VMEM((RPT, F), jnp.float32),
        pltpu.VMEM_SHARED((NPAD, F), jnp.float32),
        pltpu.VMEM_SHARED((NPAD, F), jnp.float32),
        [pltpu.SemaphoreType.DMA] * NBUF,
        [pltpu.SemaphoreType.DMA] * NBUF,
    ],
    compiler_params=_sc_params,
)
def _sc_l1(src_hbm, dst_hbm, cnt_hbm, xw_hbm, out_hbm,
           sidx, didx, rows, zbuf, c0, c1, xwb, yb, db, acc_sh, y_sh, sems, ssems):
    cid = lax.axis_index("c")
    sid = lax.axis_index("s")
    wid = cid * NS + sid
    lo = sid * RPT
    pltpu.sync_copy(src_hbm.at[pl.ds(wid * CPT, CPT)], sidx)
    pltpu.sync_copy(dst_hbm.at[pl.ds(wid * CPT, CPT)], didx)
    pltpu.sync_copy(cnt_hbm.at[0].at[pl.ds(lo, RPT)], c0)
    pltpu.sync_copy(cnt_hbm.at[1].at[pl.ds(lo, RPT)], c1)
    pltpu.sync_copy(xw_hbm.at[pl.ds(lo, RPT)], xwb)
    _zero_fill(zbuf, RPT)

    @plsc.parallel_loop(0, RPT, unroll=4)
    def row(i):
        deg = c0[i] + c1[i] + 1.0
        dv = _rsqrt16(deg)
        db[i] = dv
        yb[i] = dv * xwb[i]

    pltpu.sync_copy(zbuf, acc_sh.at[pl.ds(lo, RPT)])
    pltpu.sync_copy(yb, y_sh.at[pl.ds(lo, RPT)])

    @pl.when(cid == 0)
    def _():
        pltpu.sync_copy(yb, out_hbm.at[2].at[pl.ds(lo, RPT)])
        pltpu.sync_copy(db, out_hbm.at[3].at[pl.ds(lo, RPT)])

    plsc.subcore_barrier()
    _scatter_phase(y_sh, acc_sh, sidx, didx, rows, sems, ssems)
    plsc.subcore_barrier()
    pltpu.sync_copy(acc_sh.at[pl.ds(lo, RPT)],
                    out_hbm.at[cid].at[pl.ds(lo, RPT)])


@functools.partial(
    pl.kernel,
    out_type=jax.ShapeDtypeStruct((4, NPAD, F), jnp.float32),
    mesh=_sc_mesh,
    scratch_types=[
        pltpu.VMEM((CPT, CHUNK), jnp.int32),
        pltpu.VMEM((CPT, CHUNK), jnp.int32),
        pltpu.VMEM((NBUF, CHUNK, F), jnp.float32),
        pltpu.VMEM((RPT, F), jnp.float32),
        pltpu.VMEM((RPT, F), jnp.float32),
        pltpu.VMEM((RPT, F), jnp.float32),
        pltpu.VMEM((RPT, F), jnp.float32),
        pltpu.VMEM((RPT, F), jnp.float32),
        pltpu.VMEM((RPT, F), jnp.float32),
        pltpu.VMEM((F, F), jnp.float32),
        pltpu.VMEM((1, F), jnp.float32),
        pltpu.VMEM_SHARED((NPAD, F), jnp.float32),
        pltpu.VMEM_SHARED((NPAD, F), jnp.float32),
        [pltpu.SemaphoreType.DMA] * NBUF,
        [pltpu.SemaphoreType.DMA] * NBUF,
    ],
    compiler_params=_sc_params,
)
def _sc_l23(src_hbm, dst_hbm, prev_hbm, w_hbm, b_hbm, out_hbm,
            sidx, didx, rows, zbuf, a0, a1, ypb, db, yb, wv, bv,
            acc_sh, y_sh, sems, ssems):
    cid = lax.axis_index("c")
    sid = lax.axis_index("s")
    wid = cid * NS + sid
    lo = sid * RPT
    pltpu.sync_copy(src_hbm.at[pl.ds(wid * CPT, CPT)], sidx)
    pltpu.sync_copy(dst_hbm.at[pl.ds(wid * CPT, CPT)], didx)
    pltpu.sync_copy(prev_hbm.at[0].at[pl.ds(lo, RPT)], a0)
    pltpu.sync_copy(prev_hbm.at[1].at[pl.ds(lo, RPT)], a1)
    pltpu.sync_copy(prev_hbm.at[2].at[pl.ds(lo, RPT)], ypb)
    pltpu.sync_copy(prev_hbm.at[3].at[pl.ds(lo, RPT)], db)
    pltpu.sync_copy(w_hbm, wv)
    pltpu.sync_copy(b_hbm, bv)
    _zero_fill(zbuf, RPT)

    brow = bv[0]
    wrows = [_round_bf16(wv[k]) for k in range(F)]

    @plsc.parallel_loop(0, RPT, unroll=2)
    def row(i):
        dv = db[i]
        hv = jnp.maximum(dv * (a0[i] + a1[i] + ypb[i]) + brow, 0.0)
        hv = _round_bf16(hv)
        acc_v = hv[0] * wrows[0]
        for k in range(1, F):
            acc_v = acc_v + hv[k] * wrows[k]
        yb[i] = dv * acc_v

    pltpu.sync_copy(zbuf, acc_sh.at[pl.ds(lo, RPT)])
    pltpu.sync_copy(yb, y_sh.at[pl.ds(lo, RPT)])

    @pl.when(cid == 0)
    def _():
        pltpu.sync_copy(yb, out_hbm.at[2].at[pl.ds(lo, RPT)])
        pltpu.sync_copy(db, out_hbm.at[3].at[pl.ds(lo, RPT)])

    plsc.subcore_barrier()
    _scatter_phase(y_sh, acc_sh, sidx, didx, rows, sems, ssems)
    plsc.subcore_barrier()
    pltpu.sync_copy(acc_sh.at[pl.ds(lo, RPT)],
                    out_hbm.at[cid].at[pl.ds(lo, RPT)])


@functools.partial(
    pl.kernel,
    out_type=jax.ShapeDtypeStruct((NPAD, 128), jnp.float32),
    mesh=_sc_mesh,
    scratch_types=[
        pltpu.VMEM((CPT, CHUNK), jnp.int32),
        pltpu.VMEM((CPT, CHUNK), jnp.int32),
        pltpu.VMEM((NBUF, CHUNK, F), jnp.float32),
        pltpu.VMEM((RPT, F), jnp.float32),
        pltpu.VMEM((RPT, F), jnp.float32),
        pltpu.VMEM((RPT, F), jnp.float32),
        pltpu.VMEM((RPT, F), jnp.float32),
        pltpu.VMEM((RPT, F), jnp.float32),
        pltpu.VMEM((RPT, F), jnp.float32),
        pltpu.VMEM((F, F), jnp.float32),
        pltpu.VMEM((1, F), jnp.float32),
        pltpu.VMEM_SHARED((NPAD, F), jnp.float32),
        pltpu.VMEM_SHARED((NPAD, F), jnp.float32),
        [pltpu.SemaphoreType.DMA] * NBUF,
        [pltpu.SemaphoreType.DMA] * NBUF,
    ],
    compiler_params=_sc_params,
)
def _sc_l3(src_hbm, dst_hbm, prev_hbm, w_hbm, b_hbm, out_hbm,
           sidx, didx, rows, zbuf, a0, a1, ypb, db, yb, wv, bv,
           acc_sh, y_sh, sems, ssems):
    cid = lax.axis_index("c")
    sid = lax.axis_index("s")
    wid = cid * NS + sid
    lo = sid * RPT
    pltpu.sync_copy(src_hbm.at[pl.ds(wid * CPT, CPT)], sidx)
    pltpu.sync_copy(dst_hbm.at[pl.ds(wid * CPT, CPT)], didx)
    pltpu.sync_copy(prev_hbm.at[0].at[pl.ds(lo, RPT)], a0)
    pltpu.sync_copy(prev_hbm.at[1].at[pl.ds(lo, RPT)], a1)
    pltpu.sync_copy(prev_hbm.at[2].at[pl.ds(lo, RPT)], ypb)
    pltpu.sync_copy(prev_hbm.at[3].at[pl.ds(lo, RPT)], db)
    pltpu.sync_copy(w_hbm, wv)
    pltpu.sync_copy(b_hbm, bv)
    _zero_fill(zbuf, RPT)

    brow = bv[0]
    wrows = [_round_bf16(wv[k]) for k in range(F)]

    @plsc.parallel_loop(0, RPT, unroll=2)
    def row(i):
        dv = db[i]
        hv = jnp.maximum(dv * (a0[i] + a1[i] + ypb[i]) + brow, 0.0)
        hv = _round_bf16(hv)
        acc_v = hv[0] * wrows[0]
        for k in range(1, F):
            acc_v = acc_v + hv[k] * wrows[k]
        yb[i] = dv * acc_v

    pltpu.sync_copy(zbuf, acc_sh.at[pl.ds(lo, RPT)])
    pltpu.sync_copy(yb, y_sh.at[pl.ds(lo, RPT)])

    @pl.when(cid == 0)
    def _():
        pltpu.sync_copy(yb, out_hbm.at[pl.ds(lo, RPT), pl.ds(2 * F, F)])
        pltpu.sync_copy(db, out_hbm.at[pl.ds(lo, RPT), pl.ds(3 * F, F)])

    plsc.subcore_barrier()
    _scatter_phase(y_sh, acc_sh, sidx, didx, rows, sems, ssems)
    plsc.subcore_barrier()

    @pl.when(cid == 0)
    def _():
        pltpu.sync_copy(acc_sh.at[pl.ds(lo, RPT)],
                        out_hbm.at[pl.ds(lo, RPT), pl.ds(0, F)])

    @pl.when(cid == 1)
    def _():
        pltpu.sync_copy(acc_sh.at[pl.ds(lo, RPT)],
                        out_hbm.at[pl.ds(lo, RPT), pl.ds(F, F)])



def _tc_pre_body(x_ref, w_ref, o_ref):
    o_ref[...] = jnp.dot(x_ref[...], w_ref[...],
                         preferred_element_type=jnp.float32)


_tc_pre = pl.pallas_call(
    _tc_pre_body,
    grid=(GRID,),
    in_specs=[
        pl.BlockSpec((BM, D), lambda i: (i, 0)),
        pl.BlockSpec((D, F), lambda i: (0, 0)),
    ],
    out_specs=pl.BlockSpec((BM, F), lambda i: (i, 0)),
    out_shape=jax.ShapeDtypeStruct((NPAD, F), jnp.float32),
)


def _tc_post_body(p_ref, b_ref, wc_ref, bc_ref, o_ref):
    p = p_ref[...]
    acc = p[:, 0:F] + p[:, F:2 * F]
    h = jnp.maximum(p[:, 3 * F:4 * F] * (acc + p[:, 2 * F:3 * F]) + b_ref[...],
                    0.0)
    o_ref[...] = jnp.dot(h, wc_ref[...],
                         preferred_element_type=jnp.float32) + bc_ref[...]


_tc_post = pl.pallas_call(
    _tc_post_body,
    grid=(GRID,),
    in_specs=[
        pl.BlockSpec((BM, 128), lambda i: (i, 0)),
        pl.BlockSpec((1, F), lambda i: (0, 0)),
        pl.BlockSpec((F, D), lambda i: (0, 0)),
        pl.BlockSpec((1, D), lambda i: (0, 0)),
    ],
    out_specs=pl.BlockSpec((BM, D), lambda i: (i, 0)),
    out_shape=jax.ShapeDtypeStruct((N, D), jnp.float32),
)


def kernel(x, edge_index, W1, b1, W2, b2, W3, b3, Wc, bc):
    pad = EP - E
    srcp = jnp.concatenate([edge_index[0], jnp.zeros((pad,), jnp.int32)])
    srcp = srcp.reshape(NW * CPT, CHUNK)
    dstp = jnp.concatenate([edge_index[1], jnp.full((pad,), N, jnp.int32)])
    dstp = dstp.reshape(NW * CPT, CHUNK)

    W1p = jnp.pad(W1, ((0, 0), (0, F - H)))
    W2p = jnp.pad(W2, ((0, F - H), (0, F - H)))
    W3p = jnp.pad(W3, ((0, F - H), (0, F - H)))
    Wcp = jnp.pad(Wc, ((0, F - H), (0, 0)))
    b1p = jnp.pad(b1, (0, F - H)).reshape(1, F)
    b2p = jnp.pad(b2, (0, F - H)).reshape(1, F)
    b3p = jnp.pad(b3, (0, F - H)).reshape(1, F)
    bcp = bc.reshape(1, D)

    cnt = _sc_count(dstp)
    xw = _tc_pre(x, W1p)
    p1 = _sc_l1(srcp, dstp, cnt, xw)
    p2 = _sc_l23(srcp, dstp, p1, W2p, b1p)
    p3 = _sc_l3(srcp, dstp, p2, W3p, b2p)
    return _tc_post(p3, b3p, Wcp, bcp)

# --- scband reference (transcript-rebuilt; emitter-appended) ---
"""Pipeline reference for scband-gnn-75076028334671 (READ-ONLY COPY).

The authoritative reference and input builder live on the scoring server;
editing this copy changes nothing except your own understanding.
"""

import jax, jax.numpy as jnp
import numpy as np

N = 10000
D = 128
H = 15
E = 320000


def setup_inputs(seed: int = 0) -> dict:
    key = jax.random.key(seed)
    ks = jax.random.split(key, 12)
    x = jax.random.normal(ks[0], (N, D), dtype=jnp.float32)
    edge_index = jax.random.randint(ks[1], (2, E), 0, N, dtype=jnp.int32)
    W1 = jax.random.normal(ks[2], (D, H), dtype=jnp.float32) * (1.0 / np.sqrt(D))
    b1 = jnp.zeros((H,), dtype=jnp.float32)
    W2 = jax.random.normal(ks[3], (H, H), dtype=jnp.float32) * (1.0 / np.sqrt(H))
    b2 = jnp.zeros((H,), dtype=jnp.float32)
    W3 = jax.random.normal(ks[4], (H, H), dtype=jnp.float32) * (1.0 / np.sqrt(H))
    b3 = jnp.zeros((H,), dtype=jnp.float32)
    Wc = jax.random.normal(ks[5], (H, D), dtype=jnp.float32) * (1.0 / np.sqrt(H))
    bc = jnp.zeros((D,), dtype=jnp.float32)
    return {"x": x, "edge_index": edge_index, "W1": W1, "b1": b1, "W2": W2, "b2": b2, "W3": W3, "b3": b3, "Wc": Wc, "bc": bc}


def _gcn_conv(x, src, dst, W, b):
    # GCNConv: out = D^{-1/2} (A + I) D^{-1/2} X W + b
    n = x.shape[0]
    xw = x @ W
    loop = jnp.arange(n, dtype=src.dtype)
    s = jnp.concatenate([src, loop])
    d = jnp.concatenate([dst, loop])
    deg = jnp.zeros((n,), dtype=xw.dtype).at[d].add(1.0)
    dinv = jnp.where(deg > 0, deg ** -0.5, 0.0)
    norm = dinv[s] * dinv[d]
    msg = xw[s] * norm[:, None]
    out = jnp.zeros((n, xw.shape[1]), dtype=xw.dtype).at[d].add(msg)
    return out + b


def reference(x, edge_index, W1, b1, W2, b2, W3, b3, Wc, bc):
    src = edge_index[0]
    dst = edge_index[1]
    h = jax.nn.relu(_gcn_conv(x, src, dst, W1, b1))
    h = jax.nn.relu(_gcn_conv(h, src, dst, W2, b2))
    h = jax.nn.relu(_gcn_conv(h, src, dst, W3, b3))
    out = h @ Wc + bc
    return out

if __name__ == "__main__":
    import jax
    _d = setup_inputs()
    print(jax.jit(kernel)(*tuple(_d.values())))

</pallas_src>

<mosaic_0001>
#map = affine_map<(d0, d1) -> (0, 0)>
#map1 = affine_map<(d0, d1) -> (0, 0, 0)>
module attributes {stable_mosaic.version = 14 : i64} {
  func.func @_sc_l3(%arg0: i32, %arg1: i32, %arg2: memref<2560x128xi32, #tpu.memory_space<hbm>>, %arg3: memref<2560x128xi32, #tpu.memory_space<hbm>>, %arg4: memref<4x10112x16xf32, #tpu.memory_space<hbm>>, %arg5: memref<16x16xf32, #tpu.memory_space<hbm>>, %arg6: memref<1x16xf32, #tpu.memory_space<hbm>>, %arg7: memref<10112x128xf32, #tpu.memory_space<hbm>>, %arg8: memref<80x128xi32, #tpu.memory_space<vmem>>, %arg9: memref<80x128xi32, #tpu.memory_space<vmem>>, %arg10: memref<4x128x16xf32, #tpu.memory_space<vmem>>, %arg11: memref<632x16xf32, #tpu.memory_space<vmem>>, %arg12: memref<632x16xf32, #tpu.memory_space<vmem>>, %arg13: memref<632x16xf32, #tpu.memory_space<vmem>>, %arg14: memref<632x16xf32, #tpu.memory_space<vmem>>, %arg15: memref<632x16xf32, #tpu.memory_space<vmem>>, %arg16: memref<632x16xf32, #tpu.memory_space<vmem>>, %arg17: memref<16x16xf32, #tpu.memory_space<vmem>>, %arg18: memref<1x16xf32, #tpu.memory_space<vmem>>, %arg19: memref<10112x16xf32, #tpu.memory_space<vmem_shared>>, %arg20: memref<10112x16xf32, #tpu.memory_space<vmem_shared>>, %arg21: memref<!tpu.dma_semaphore, #tpu.memory_space<semaphore_mem>>, %arg22: memref<!tpu.dma_semaphore, #tpu.memory_space<semaphore_mem>>, %arg23: memref<!tpu.dma_semaphore, #tpu.memory_space<semaphore_mem>>, %arg24: memref<!tpu.dma_semaphore, #tpu.memory_space<semaphore_mem>>, %arg25: memref<!tpu.dma_semaphore, #tpu.memory_space<semaphore_mem>>, %arg26: memref<!tpu.dma_semaphore, #tpu.memory_space<semaphore_mem>>, %arg27: memref<!tpu.dma_semaphore, #tpu.memory_space<semaphore_mem>>, %arg28: memref<!tpu.dma_semaphore, #tpu.memory_space<semaphore_mem>>) attributes {dimension_semantics = [#tpu.dimension_semantics<core_parallel>, #tpu.dimension_semantics<subcore_parallel>], iteration_bounds = array<i64: 2, 16>, scalar_prefetch = 0 : i64, scratch_operands = 21 : i64, tpu.core_type = #tpu.core_type<sc_vector_subcore>, window_params = [{transform_indices = #map}, {transform_indices = #map}, {transform_indices = #map1}, {transform_indices = #map}, {transform_indices = #map}, {transform_indices = #map}]} {
    %mul3A = arith.constant 16 : i32
    %mul3A_0 = arith.muli %arg0, %mul3A : i32
    %add3A = arith.addi %mul3A_0, %arg1 : i32
    %mul3A_1 = arith.constant 632 : i32
    %mul3A_2 = arith.muli %arg1, %mul3A_1 : i32
    %mul3A_3 = arith.constant 80 : i32
    %mul3A_4 = arith.muli %add3A, %mul3A_3 : i32
    "tpu.region"() ({
      %run_scoped3A_420 = tpu.sem_alloc : memref<!tpu.dma_semaphore, #tpu.memory_space<semaphore_mem>>
      %dma_start3A_421 = arith.constant 0 : i32
      %dma_start3A_422 = tpu.memref_slice %arg2[%mul3A_4, %dma_start3A_421] : memref<2560x128xi32, #tpu.memory_space<hbm>> -> memref<80x128xi32, #tpu.memory_space<hbm>>
      %dma_start3A_423 = arith.constant 0 : i32
      %dma_start3A_424 = tpu.memref_slice %arg2[%mul3A_4, %dma_start3A_423] : memref<2560x128xi32, #tpu.memory_space<hbm>> -> memref<80x128xi32, #tpu.memory_space<hbm>>
      tpu.enqueue_dma source(%dma_start3A_424 : memref<80x128xi32, #tpu.memory_space<hbm>>) target(%arg8 : memref<80x128xi32, #tpu.memory_space<vmem>>) target_semaphore(%run_scoped3A_420 : memref<!tpu.dma_semaphore, #tpu.memory_space<semaphore_mem>>)
      %dma_wait3A_425 = arith.constant 0 : i32
      %dma_wait3A_426 = tpu.memref_slice %arg2[%mul3A_4, %dma_wait3A_425] : memref<2560x128xi32, #tpu.memory_space<hbm>> -> memref<80x128xi32, #tpu.memory_space<hbm>>
      %dma_wait3A_427 = arith.constant 0 : i32
      %dma_wait3A_428 = tpu.memref_slice %arg2[%mul3A_4, %dma_wait3A_427] : memref<2560x128xi32, #tpu.memory_space<hbm>> -> memref<80x128xi32, #tpu.memory_space<hbm>>
      tpu.wait_dma2 semaphore(%run_scoped3A_420 : memref<!tpu.dma_semaphore, #tpu.memory_space<semaphore_mem>>) src(%dma_wait3A_428 : memref<80x128xi32, #tpu.memory_space<hbm>>) dst(%arg8 : memref<80x128xi32, #tpu.memory_space<vmem>>)
      tpu.yield
    }) : () -> ()
    %mul3A_5 = arith.constant 80 : i32
    %mul3A_6 = arith.muli %add3A, %mul3A_5 : i32
    "tpu.region"() ({
      %run_scoped3A_420 = tpu.sem_alloc : memref<!tpu.dma_semaphore, #tpu.memory_space<semaphore_mem>>
      %dma_start3A_421 = arith.constant 0 : i32
      %dma_start3A_422 = tpu.memref_slice %arg3[%mul3A_6, %dma_start3A_421] : memref<2560x128xi32, #tpu.memory_space<hbm>> -> memref<80x128xi32, #tpu.memory_space<hbm>>
      %dma_start3A_423 = arith.constant 0 : i32
      %dma_start3A_424 = tpu.memref_slice %arg3[%mul3A_6, %dma_start3A_423] : memref<2560x128xi32, #tpu.memory_space<hbm>> -> memref<80x128xi32, #tpu.memory_space<hbm>>
      tpu.enqueue_dma source(%dma_start3A_424 : memref<80x128xi32, #tpu.memory_space<hbm>>) target(%arg9 : memref<80x128xi32, #tpu.memory_space<vmem>>) target_semaphore(%run_scoped3A_420 : memref<!tpu.dma_semaphore, #tpu.memory_space<semaphore_mem>>)
      %dma_wait3A_425 = arith.constant 0 : i32
      %dma_wait3A_426 = tpu.memref_slice %arg3[%mul3A_6, %dma_wait3A_425] : memref<2560x128xi32, #tpu.memory_space<hbm>> -> memref<80x128xi32, #tpu.memory_space<hbm>>
      %dma_wait3A_427 = arith.constant 0 : i32
      %dma_wait3A_428 = tpu.memref_slice %arg3[%mul3A_6, %dma_wait3A_427] : memref<2560x128xi32, #tpu.memory_space<hbm>> -> memref<80x128xi32, #tpu.memory_space<hbm>>
      tpu.wait_dma2 semaphore(%run_scoped3A_420 : memref<!tpu.dma_semaphore, #tpu.memory_space<semaphore_mem>>) src(%dma_wait3A_428 : memref<80x128xi32, #tpu.memory_space<hbm>>) dst(%arg9 : memref<80x128xi32, #tpu.memory_space<vmem>>)
      tpu.yield
    }) : () -> ()
    %run_scoped3A = arith.constant 0 : i32
    "tpu.region"() ({
      %run_scoped3A_420 = tpu.sem_alloc : memref<!tpu.dma_semaphore, #tpu.memory_space<semaphore_mem>>
      %dma_start3A_421 = arith.constant 0 : i32
      %dma_start3A_422 = arith.constant 0 : i32
      %dma_start3A_423 = tpu.memref_slice %arg4[%run_scoped3A, %dma_start3A_421, %dma_start3A_422] : memref<4x10112x16xf32, #tpu.memory_space<hbm>> -> memref<1x10112x16xf32, #tpu.memory_space<hbm>>
      %dma_start3A_424 = tpu.memref_squeeze %dma_start3A_423 : memref<1x10112x16xf32, #tpu.memory_space<hbm>> -> memref<10112x16xf32, #tpu.memory_space<hbm>>
      %dma_start3A_425 = arith.constant 0 : i32
      %dma_start3A_426 = tpu.memref_slice %dma_start3A_424[%mul3A_2, %dma_start3A_425] : memref<10112x16xf32, #tpu.memory_space<hbm>> -> memref<632x16xf32, #tpu.memory_space<hbm>>
      %dma_start3A_427 = arith.constant 0 : i32
      %dma_start3A_428 = arith.constant 0 : i32
      %dma_start3A_429 = tpu.memref_slice %arg4[%run_scoped3A, %dma_start3A_427, %dma_start3A_428] : memref<4x10112x16xf32, #tpu.memory_space<hbm>> -> memref<1x10112x16xf32, #tpu.memory_space<hbm>>
      %dma_start3A_430 = tpu.memref_squeeze %dma_start3A_429 : memref<1x10112x16xf32, #tpu.memory_space<hbm>> -> memref<10112x16xf32, #tpu.memory_space<hbm>>
      %dma_start3A_431 = arith.constant 0 : i32
      %dma_start3A_432 = tpu.memref_slice %dma_start3A_430[%mul3A_2, %dma_start3A_431] : memref<10112x16xf32, #tpu.memory_space<hbm>> -> memref<632x16xf32, #tpu.memory_space<hbm>>
      tpu.enqueue_dma source(%dma_start3A_432 : memref<632x16xf32, #tpu.memory_space<hbm>>) target(%arg12 : memref<632x16xf32, #tpu.memory_space<vmem>>) target_semaphore(%run_scoped3A_420 : memref<!tpu.dma_semaphore, #tpu.memory_space<semaphore_mem>>)
      %dma_wait3A_433 = arith.constant 0 : i32
      %dma_wait3A_434 = arith.constant 0 : i32
      %dma_wait3A_435 = tpu.memref_slice %arg4[%run_scoped3A, %dma_wait3A_433, %dma_wait3A_434] : memref<4x10112x16xf32, #tpu.memory_space<hbm>> -> memref<1x10112x16xf32, #tpu.memory_space<hbm>>
      %dma_wait3A_436 = tpu.memref_squeeze %dma_wait3A_435 : memref<1x10112x16xf32, #tpu.memory_space<hbm>> -> memref<10112x16xf32, #tpu.memory_space<hbm>>
      %dma_wait3A_437 = arith.constant 0 : i32
      %dma_wait3A_438 = tpu.memref_slice %dma_wait3A_436[%mul3A_2, %dma_wait3A_437] : memref<10112x16xf32, #tpu.memory_space<hbm>> -> memref<632x16xf32, #tpu.memory_space<hbm>>
      %dma_wait3A_439 = arith.constant 0 : i32
      %dma_wait3A_440 = arith.constant 0 : i32
      %dma_wait3A_441 = tpu.memref_slice %arg4[%run_scoped3A, %dma_wait3A_439, %dma_wait3A_440] : memref<4x10112x16xf32, #tpu.memory_space<hbm>> -> memref<1x10112x16xf32, #tpu.memory_space<hbm>>
      %dma_wait3A_442 = tpu.memref_squeeze %dma_wait3A_441 : memref<1x10112x16xf32, #tpu.memory_space<hbm>> -> memref<10112x16xf32, #tpu.memory_space<hbm>>
      %dma_wait3A_443 = arith.constant 0 : i32
      %dma_wait3A_444 = tpu.memref_slice %dma_wait3A_442[%mul3A_2, %dma_wait3A_443] : memref<10112x16xf32, #tpu.memory_space<hbm>> -> memref<632x16xf32, #tpu.memory_space<hbm>>
      tpu.wait_dma2 semaphore(%run_scoped3A_420 : memref<!tpu.dma_semaphore, #tpu.memory_space<semaphore_mem>>) src(%dma_wait3A_444 : memref<632x16xf32, #tpu.memory_space<hbm>>) dst(%arg12 : memref<632x16xf32, #tpu.memory_space<vmem>>)
      tpu.yield
    }) : () -> ()
    %run_scoped3A_7 = arith.constant 1 : i32
    "tpu.region"() ({
      %run_scoped3A_420 = tpu.sem_alloc : memref<!tpu.dma_semaphore, #tpu.memory_space<semaphore_mem>>
      %dma_start3A_421 = arith.constant 0 : i32
      %dma_start3A_422 = arith.constant 0 : i32
      %dma_start3A_423 = tpu.memref_slice %arg4[%run_scoped3A_7, %dma_start3A_421, %dma_start3A_422] : memref<4x10112x16xf32, #tpu.memory_space<hbm>> -> memref<1x10112x16xf32, #tpu.memory_space<hbm>>
      %dma_start3A_424 = tpu.memref_squeeze %dma_start3A_423 : memref<1x10112x16xf32, #tpu.memory_space<hbm>> -> memref<10112x16xf32, #tpu.memory_space<hbm>>
      %dma_start3A_425 = arith.constant 0 : i32
      %dma_start3A_426 = tpu.memref_slice %dma_start3A_424[%mul3A_2, %dma_start3A_425] : memref<10112x16xf32, #tpu.memory_space<hbm>> -> memref<632x16xf32, #tpu.memory_space<hbm>>
      %dma_start3A_427 = arith.constant 0 : i32
      %dma_start3A_428 = arith.constant 0 : i32
      %dma_start3A_429 = tpu.memref_slice %arg4[%run_scoped3A_7, %dma_start3A_427, %dma_start3A_428] : memref<4x10112x16xf32, #tpu.memory_space<hbm>> -> memref<1x10112x16xf32, #tpu.memory_space<hbm>>
      %dma_start3A_430 = tpu.memref_squeeze %dma_start3A_429 : memref<1x10112x16xf32, #tpu.memory_space<hbm>> -> memref<10112x16xf32, #tpu.memory_space<hbm>>
      %dma_start3A_431 = arith.constant 0 : i32
      %dma_start3A_432 = tpu.memref_slice %dma_start3A_430[%mul3A_2, %dma_start3A_431] : memref<10112x16xf32, #tpu.memory_space<hbm>> -> memref<632x16xf32, #tpu.memory_space<hbm>>
      tpu.enqueue_dma source(%dma_start3A_432 : memref<632x16xf32, #tpu.memory_space<hbm>>) target(%arg13 : memref<632x16xf32, #tpu.memory_space<vmem>>) target_semaphore(%run_scoped3A_420 : memref<!tpu.dma_semaphore, #tpu.memory_space<semaphore_mem>>)
      %dma_wait3A_433 = arith.constant 0 : i32
      %dma_wait3A_434 = arith.constant 0 : i32
      %dma_wait3A_435 = tpu.memref_slice %arg4[%run_scoped3A_7, %dma_wait3A_433, %dma_wait3A_434] : memref<4x10112x16xf32, #tpu.memory_space<hbm>> -> memref<1x10112x16xf32, #tpu.memory_space<hbm>>
      %dma_wait3A_436 = tpu.memref_squeeze %dma_wait3A_435 : memref<1x10112x16xf32, #tpu.memory_space<hbm>> -> memref<10112x16xf32, #tpu.memory_space<hbm>>
      %dma_wait3A_437 = arith.constant 0 : i32
      %dma_wait3A_438 = tpu.memref_slice %dma_wait3A_436[%mul3A_2, %dma_wait3A_437] : memref<10112x16xf32, #tpu.memory_space<hbm>> -> memref<632x16xf32, #tpu.memory_space<hbm>>
      %dma_wait3A_439 = arith.constant 0 : i32
      %dma_wait3A_440 = arith.constant 0 : i32
      %dma_wait3A_441 = tpu.memref_slice %arg4[%run_scoped3A_7, %dma_wait3A_439, %dma_wait3A_440] : memref<4x10112x16xf32, #tpu.memory_space<hbm>> -> memref<1x10112x16xf32, #tpu.memory_space<hbm>>
      %dma_wait3A_442 = tpu.memref_squeeze %dma_wait3A_441 : memref<1x10112x16xf32, #tpu.memory_space<hbm>> -> memref<10112x16xf32, #tpu.memory_space<hbm>>
      %dma_wait3A_443 = arith.constant 0 : i32
      %dma_wait3A_444 = tpu.memref_slice %dma_wait3A_442[%mul3A_2, %dma_wait3A_443] : memref<10112x16xf32, #tpu.memory_space<hbm>> -> memref<632x16xf32, #tpu.memory_space<hbm>>
      tpu.wait_dma2 semaphore(%run_scoped3A_420 : memref<!tpu.dma_semaphore, #tpu.memory_space<semaphore_mem>>) src(%dma_wait3A_444 : memref<632x16xf32, #tpu.memory_space<hbm>>) dst(%arg13 : memref<632x16xf32, #tpu.memory_space<vmem>>)
      tpu.yield
    }) : () -> ()
    %run_scoped3A_8 = arith.constant 2 : i32
    "tpu.region"() ({
      %run_scoped3A_420 = tpu.sem_alloc : memref<!tpu.dma_semaphore, #tpu.memory_space<semaphore_mem>>
      %dma_start3A_421 = arith.constant 0 : i32
      %dma_start3A_422 = arith.constant 0 : i32
      %dma_start3A_423 = tpu.memref_slice %arg4[%run_scoped3A_8, %dma_start3A_421, %dma_start3A_422] : memref<4x10112x16xf32, #tpu.memory_space<hbm>> -> memref<1x10112x16xf32, #tpu.memory_space<hbm>>
      %dma_start3A_424 = tpu.memref_squeeze %dma_start3A_423 : memref<1x10112x16xf32, #tpu.memory_space<hbm>> -> memref<10112x16xf32, #tpu.memory_space<hbm>>
      %dma_start3A_425 = arith.constant 0 : i32
      %dma_start3A_426 = tpu.memref_slice %dma_start3A_424[%mul3A_2, %dma_start3A_425] : memref<10112x16xf32, #tpu.memory_space<hbm>> -> memref<632x16xf32, #tpu.memory_space<hbm>>
      %dma_start3A_427 = arith.constant 0 : i32
      %dma_start3A_428 = arith.constant 0 : i32
      %dma_start3A_429 = tpu.memref_slice %arg4[%run_scoped3A_8, %dma_start3A_427, %dma_start3A_428] : memref<4x10112x16xf32, #tpu.memory_space<hbm>> -> memref<1x10112x16xf32, #tpu.memory_space<hbm>>
      %dma_start3A_430 = tpu.memref_squeeze %dma_start3A_429 : memref<1x10112x16xf32, #tpu.memory_space<hbm>> -> memref<10112x16xf32, #tpu.memory_space<hbm>>
      %dma_start3A_431 = arith.constant 0 : i32
      %dma_start3A_432 = tpu.memref_slice %dma_start3A_430[%mul3A_2, %dma_start3A_431] : memref<10112x16xf32, #tpu.memory_space<hbm>> -> memref<632x16xf32, #tpu.memory_space<hbm>>
      tpu.enqueue_dma source(%dma_start3A_432 : memref<632x16xf32, #tpu.memory_space<hbm>>) target(%arg14 : memref<632x16xf32, #tpu.memory_space<vmem>>) target_semaphore(%run_scoped3A_420 : memref<!tpu.dma_semaphore, #tpu.memory_space<semaphore_mem>>)
      %dma_wait3A_433 = arith.constant 0 : i32
      %dma_wait3A_434 = arith.constant 0 : i32
      %dma_wait3A_435 = tpu.memref_slice %arg4[%run_scoped3A_8, %dma_wait3A_433, %dma_wait3A_434] : memref<4x10112x16xf32, #tpu.memory_space<hbm>> -> memref<1x10112x16xf32, #tpu.memory_space<hbm>>
      %dma_wait3A_436 = tpu.memref_squeeze %dma_wait3A_435 : memref<1x10112x16xf32, #tpu.memory_space<hbm>> -> memref<10112x16xf32, #tpu.memory_space<hbm>>
      %dma_wait3A_437 = arith.constant 0 : i32
      %dma_wait3A_438 = tpu.memref_slice %dma_wait3A_436[%mul3A_2, %dma_wait3A_437] : memref<10112x16xf32, #tpu.memory_space<hbm>> -> memref<632x16xf32, #tpu.memory_space<hbm>>
      %dma_wait3A_439 = arith.constant 0 : i32
      %dma_wait3A_440 = arith.constant 0 : i32
      %dma_wait3A_441 = tpu.memref_slice %arg4[%run_scoped3A_8, %dma_wait3A_439, %dma_wait3A_440] : memref<4x10112x16xf32, #tpu.memory_space<hbm>> -> memref<1x10112x16xf32, #tpu.memory_space<hbm>>
      %dma_wait3A_442 = tpu.memref_squeeze %dma_wait3A_441 : memref<1x10112x16xf32, #tpu.memory_space<hbm>> -> memref<10112x16xf32, #tpu.memory_space<hbm>>
      %dma_wait3A_443 = arith.constant 0 : i32
      %dma_wait3A_444 = tpu.memref_slice %dma_wait3A_442[%mul3A_2, %dma_wait3A_443] : memref<10112x16xf32, #tpu.memory_space<hbm>> -> memref<632x16xf32, #tpu.memory_space<hbm>>
      tpu.wait_dma2 semaphore(%run_scoped3A_420 : memref<!tpu.dma_semaphore, #tpu.memory_space<semaphore_mem>>) src(%dma_wait3A_444 : memref<632x16xf32, #tpu.memory_space<hbm>>) dst(%arg14 : memref<632x16xf32, #tpu.memory_space<vmem>>)
      tpu.yield
    }) : () -> ()
    %run_scoped3A_9 = arith.constant 3 : i32
    "tpu.region"() ({
      %run_scoped3A_420 = tpu.sem_alloc : memref<!tpu.dma_semaphore, #tpu.memory_space<semaphore_mem>>
      %dma_start3A_421 = arith.constant 0 : i32
      %dma_start3A_422 = arith.constant 0 : i32
      %dma_start3A_423 = tpu.memref_slice %arg4[%run_scoped3A_9, %dma_start3A_421, %dma_start3A_422] : memref<4x10112x16xf32, #tpu.memory_space<hbm>> -> memref<1x10112x16xf32, #tpu.memory_space<hbm>>
      %dma_start3A_424 = tpu.memref_squeeze %dma_start3A_423 : memref<1x10112x16xf32, #tpu.memory_space<hbm>> -> memref<10112x16xf32, #tpu.memory_space<hbm>>
      %dma_start3A_425 = arith.constant 0 : i32
      %dma_start3A_426 = tpu.memref_slice %dma_start3A_424[%mul3A_2, %dma_start3A_425] : memref<10112x16xf32, #tpu.memory_space<hbm>> -> memref<632x16xf32, #tpu.memory_space<hbm>>
      %dma_start3A_427 = arith.constant 0 : i32
      %dma_start3A_428 = arith.constant 0 : i32
      %dma_start3A_429 = tpu.memref_slice %arg4[%run_scoped3A_9, %dma_start3A_427, %dma_start3A_428] : memref<4x10112x16xf32, #tpu.memory_space<hbm>> -> memref<1x10112x16xf32, #tpu.memory_space<hbm>>
      %dma_start3A_430 = tpu.memref_squeeze %dma_start3A_429 : memref<1x10112x16xf32, #tpu.memory_space<hbm>> -> memref<10112x16xf32, #tpu.memory_space<hbm>>
      %dma_start3A_431 = arith.constant 0 : i32
      %dma_start3A_432 = tpu.memref_slice %dma_start3A_430[%mul3A_2, %dma_start3A_431] : memref<10112x16xf32, #tpu.memory_space<hbm>> -> memref<632x16xf32, #tpu.memory_space<hbm>>
      tpu.enqueue_dma source(%dma_start3A_432 : memref<632x16xf32, #tpu.memory_space<hbm>>) target(%arg15 : memref<632x16xf32, #tpu.memory_space<vmem>>) target_semaphore(%run_scoped3A_420 : memref<!tpu.dma_semaphore, #tpu.memory_space<semaphore_mem>>)
      %dma_wait3A_433 = arith.constant 0 : i32
      %dma_wait3A_434 = arith.constant 0 : i32
      %dma_wait3A_435 = tpu.memref_slice %arg4[%run_scoped3A_9, %dma_wait3A_433, %dma_wait3A_434] : memref<4x10112x16xf32, #tpu.memory_space<hbm>> -> memref<1x10112x16xf32, #tpu.memory_space<hbm>>
      %dma_wait3A_436 = tpu.memref_squeeze %dma_wait3A_435 : memref<1x10112x16xf32, #tpu.memory_space<hbm>> -> memref<10112x16xf32, #tpu.memory_space<hbm>>
      %dma_wait3A_437 = arith.constant 0 : i32
      %dma_wait3A_438 = tpu.memref_slice %dma_wait3A_436[%mul3A_2, %dma_wait3A_437] : memref<10112x16xf32, #tpu.memory_space<hbm>> -> memref<632x16xf32, #tpu.memory_space<hbm>>
      %dma_wait3A_439 = arith.constant 0 : i32
      %dma_wait3A_440 = arith.constant 0 : i32
      %dma_wait3A_441 = tpu.memref_slice %arg4[%run_scoped3A_9, %dma_wait3A_439, %dma_wait3A_440] : memref<4x10112x16xf32, #tpu.memory_space<hbm>> -> memref<1x10112x16xf32, #tpu.memory_space<hbm>>
      %dma_wait3A_442 = tpu.memref_squeeze %dma_wait3A_441 : memref<1x10112x16xf32, #tpu.memory_space<hbm>> -> memref<10112x16xf32, #tpu.memory_space<hbm>>
      %dma_wait3A_443 = arith.constant 0 : i32
      %dma_wait3A_444 = tpu.memref_slice %dma_wait3A_442[%mul3A_2, %dma_wait3A_443] : memref<10112x16xf32, #tpu.memory_space<hbm>> -> memref<632x16xf32, #tpu.memory_space<hbm>>
      tpu.wait_dma2 semaphore(%run_scoped3A_420 : memref<!tpu.dma_semaphore, #tpu.memory_space<semaphore_mem>>) src(%dma_wait3A_444 : memref<632x16xf32, #tpu.memory_space<hbm>>) dst(%arg15 : memref<632x16xf32, #tpu.memory_space<vmem>>)
      tpu.yield
    }) : () -> ()
    "tpu.region"() ({
      %run_scoped3A_420 = tpu.sem_alloc : memref<!tpu.dma_semaphore, #tpu.memory_space<semaphore_mem>>
      tpu.enqueue_dma source(%arg5 : memref<16x16xf32, #tpu.memory_space<hbm>>) target(%arg17 : memref<16x16xf32, #tpu.memory_space<vmem>>) target_semaphore(%run_scoped3A_420 : memref<!tpu.dma_semaphore, #tpu.memory_space<semaphore_mem>>)
      tpu.wait_dma2 semaphore(%run_scoped3A_420 : memref<!tpu.dma_semaphore, #tpu.memory_space<semaphore_mem>>) src(%arg5 : memref<16x16xf32, #tpu.memory_space<hbm>>) dst(%arg17 : memref<16x16xf32, #tpu.memory_space<vmem>>)
      tpu.yield
    }) : () -> ()
    "tpu.region"() ({
      %run_scoped3A_420 = tpu.sem_alloc : memref<!tpu.dma_semaphore, #tpu.memory_space<semaphore_mem>>
      tpu.enqueue_dma source(%arg6 : memref<1x16xf32, #tpu.memory_space<hbm>>) target(%arg18 : memref<1x16xf32, #tpu.memory_space<vmem>>) target_semaphore(%run_scoped3A_420 : memref<!tpu.dma_semaphore, #tpu.memory_space<semaphore_mem>>)
      tpu.wait_dma2 semaphore(%run_scoped3A_420 : memref<!tpu.dma_semaphore, #tpu.memory_space<semaphore_mem>>) src(%arg6 : memref<1x16xf32, #tpu.memory_space<hbm>>) dst(%arg18 : memref<1x16xf32, #tpu.memory_space<vmem>>)
      tpu.yield
    }) : () -> ()
    %parallel_loop3A = arith.constant 0 : i32
    %parallel_loop3A_10 = arith.constant 632 : i32
    %parallel_loop3A_11 = arith.constant 1 : i32
    scf.for %parallel_loop3A_420 = %parallel_loop3A to %parallel_loop3A_10 step %parallel_loop3A_11  : i32 {
      %parallel_loop3A_421 = arith.constant 0.000000e+00 : f32
      %parallel_loop3A_422 = vector.broadcast %parallel_loop3A_421 : f32 to vector<16xf32>
      %parallel_loop3A_423 = arith.index_cast %parallel_loop3A_420 : i32 to index
      %parallel_loop3A_424 = arith.constant 0 : index
      %parallel_loop3A_425 = tpu.vector_load %arg11[%parallel_loop3A_423, %parallel_loop3A_424] {strides = array<i32>} : memref<632x16xf32, #tpu.memory_space<vmem>>, vector<16xf32>,
      tpu.vector_store %arg11[%parallel_loop3A_423, %parallel_loop3A_424], %parallel_loop3A_422 {strides = array<i32>} : memref<632x16xf32, #tpu.memory_space<vmem>>, vector<16xf32>,
    } {sc.loop_unroll_factor = 8 : i64, sc.parallel_access}
    %get3A = arith.constant 0 : i32
    %get3A_12 = arith.index_cast %get3A : i32 to index
    %get3A_13 = arith.constant 0 : index
    %get3A_14 = tpu.vector_load %arg18[%get3A_12, %get3A_13] {strides = array<i32>} : memref<1x16xf32, #tpu.memory_space<vmem>>, vector<16xf32>,
    %get3A_15 = arith.constant 0 : i32
    %get3A_16 = arith.index_cast %get3A_15 : i32 to index
    %get3A_17 = arith.constant 0 : index
    %get3A_18 = tpu.vector_load %arg17[%get3A_16, %get3A_17] {strides = array<i32>} : memref<16x16xf32, #tpu.memory_space<vmem>>, vector<16xf32>,
    %bitcast3A = vector.bitcast %get3A_18 : vector<16xf32> to vector<16xi32>
    %add3A_19 = arith.constant 32767 : i32
    %add3A_20 = vector.broadcast %add3A_19 : i32 to vector<16xi32>
    %add3A_21 = arith.addi %bitcast3A, %add3A_20 : vector<16xi32>
    %shift_right_arithmetic3A = arith.constant 16 : i32
    %shift_right_arithmetic3A_22 = vector.broadcast %shift_right_arithmetic3A : i32 to vector<16xi32>
    %shift_right_arithmetic3A_23 = arith.shrsi %bitcast3A, %shift_right_arithmetic3A_22 : vector<16xi32>
    %and3A = arith.constant 1 : i32
    %and3A_24 = vector.broadcast %and3A : i32 to vector<16xi32>
    %and3A_25 = arith.andi %shift_right_arithmetic3A_23, %and3A_24 : vector<16xi32>
    %add3A_26 = arith.addi %add3A_21, %and3A_25 : vector<16xi32>
    %and3A_27 = arith.constant -65536 : i32
    %and3A_28 = vector.broadcast %and3A_27 : i32 to vector<16xi32>
    %and3A_29 = arith.andi %add3A_26, %and3A_28 : vector<16xi32>
    %bitcast3A_30 = vector.bitcast %and3A_29 : vector<16xi32> to vector<16xf32>
    %get3A_31 = arith.constant 1 : i32
    %get3A_32 = arith.index_cast %get3A_31 : i32 to index
    %get3A_33 = arith.constant 0 : index
    %get3A_34 = tpu.vector_load %arg17[%get3A_32, %get3A_33] {strides = array<i32>} : memref<16x16xf32, #tpu.memory_space<vmem>>, vector<16xf32>,
    %bitcast3A_35 = vector.bitcast %get3A_34 : vector<16xf32> to vector<16xi32>
    %add3A_36 = arith.constant 32767 : i32
    %add3A_37 = vector.broadcast %add3A_36 : i32 to vector<16xi32>
    %add3A_38 = arith.addi %bitcast3A_35, %add3A_37 : vector<16xi32>
    %shift_right_arithmetic3A_39 = arith.constant 16 : i32
    %shift_right_arithmetic3A_40 = vector.broadcast %shift_right_arithmetic3A_39 : i32 to vector<16xi32>
    %shift_right_arithmetic3A_41 = arith.shrsi %bitcast3A_35, %shift_right_arithmetic3A_40 : vector<16xi32>
    %and3A_42 = arith.constant 1 : i32
    %and3A_43 = vector.broadcast %and3A_42 : i32 to vector<16xi32>
    %and3A_44 = arith.andi %shift_right_arithmetic3A_41, %and3A_43 : vector<16xi32>
    %add3A_45 = arith.addi %add3A_38, %and3A_44 : vector<16xi32>
    %and3A_46 = arith.constant -65536 : i32
    %and3A_47 = vector.broadcast %and3A_46 : i32 to vector<16xi32>
    %and3A_48 = arith.andi %add3A_45, %and3A_47 : vector<16xi32>
    %bitcast3A_49 = vector.bitcast %and3A_48 : vector<16xi32> to vector<16xf32>
    %get3A_50 = arith.constant 2 : i32
    %get3A_51 = arith.index_cast %get3A_50 : i32 to index
    %get3A_52 = arith.constant 0 : index
    %get3A_53 = tpu.vector_load %arg17[%get3A_51, %get3A_52] {strides = array<i32>} : memref<16x16xf32, #tpu.memory_space<vmem>>, vector<16xf32>,
    %bitcast3A_54 = vector.bitcast %get3A_53 : vector<16xf32> to vector<16xi32>
    %add3A_55 = arith.constant 32767 : i32
    %add3A_56 = vector.broadcast %add3A_55 : i32 to vector<16xi32>
    %add3A_57 = arith.addi %bitcast3A_54, %add3A_56 : vector<16xi32>
    %shift_right_arithmetic3A_58 = arith.constant 16 : i32
    %shift_right_arithmetic3A_59 = vector.broadcast %shift_right_arithmetic3A_58 : i32 to vector<16xi32>
    %shift_right_arithmetic3A_60 = arith.shrsi %bitcast3A_54, %shift_right_arithmetic3A_59 : vector<16xi32>
    %and3A_61 = arith.constant 1 : i32
    %and3A_62 = vector.broadcast %and3A_61 : i32 to vector<16xi32>
    %and3A_63 = arith.andi %shift_right_arithmetic3A_60, %and3A_62 : vector<16xi32>
    %add3A_64 = arith.addi %add3A_57, %and3A_63 : vector<16xi32>
    %and3A_65 = arith.constant -65536 : i32
    %and3A_66 = vector.broadcast %and3A_65 : i32 to vector<16xi32>
    %and3A_67 = arith.andi %add3A_64, %and3A_66 : vector<16xi32>
    %bitcast3A_68 = vector.bitcast %and3A_67 : vector<16xi32> to vector<16xf32>
    %get3A_69 = arith.constant 3 : i32
    %get3A_70 = arith.index_cast %get3A_69 : i32 to index
    %get3A_71 = arith.constant 0 : index
    %get3A_72 = tpu.vector_load %arg17[%get3A_70, %get3A_71] {strides = array<i32>} : memref<16x16xf32, #tpu.memory_space<vmem>>, vector<16xf32>,
    %bitcast3A_73 = vector.bitcast %get3A_72 : vector<16xf32> to vector<16xi32>
    %add3A_74 = arith.constant 32767 : i32
    %add3A_75 = vector.broadcast %add3A_74 : i32 to vector<16xi32>
    %add3A_76 = arith.addi %bitcast3A_73, %add3A_75 : vector<16xi32>
    %shift_right_arithmetic3A_77 = arith.constant 16 : i32
    %shift_right_arithmetic3A_78 = vector.broadcast %shift_right_arithmetic3A_77 : i32 to vector<16xi32>
    %shift_right_arithmetic3A_79 = arith.shrsi %bitcast3A_73, %shift_right_arithmetic3A_78 : vector<16xi32>
    %and3A_80 = arith.constant 1 : i32
    %and3A_81 = vector.broadcast %and3A_80 : i32 to vector<16xi32>
    %and3A_82 = arith.andi %shift_right_arithmetic3A_79, %and3A_81 : vector<16xi32>
    %add3A_83 = arith.addi %add3A_76, %and3A_82 : vector<16xi32>
    %and3A_84 = arith.constant -65536 : i32
    %and3A_85 = vector.broadcast %and3A_84 : i32 to vector<16xi32>
    %and3A_86 = arith.andi %add3A_83, %and3A_85 : vector<16xi32>
    %bitcast3A_87 = vector.bitcast %and3A_86 : vector<16xi32> to vector<16xf32>
    %get3A_88 = arith.constant 4 : i32
    %get3A_89 = arith.index_cast %get3A_88 : i32 to index
    %get3A_90 = arith.constant 0 : index
    %get3A_91 = tpu.vector_load %arg17[%get3A_89, %get3A_90] {strides = array<i32>} : memref<16x16xf32, #tpu.memory_space<vmem>>, vector<16xf32>,
    %bitcast3A_92 = vector.bitcast %get3A_91 : vector<16xf32> to vector<16xi32>
    %add3A_93 = arith.constant 32767 : i32
    %add3A_94 = vector.broadcast %add3A_93 : i32 to vector<16xi32>
    %add3A_95 = arith.addi %bitcast3A_92, %add3A_94 : vector<16xi32>
    %shift_right_arithmetic3A_96 = arith.constant 16 : i32
    %shift_right_arithmetic3A_97 = vector.broadcast %shift_right_arithmetic3A_96 : i32 to vector<16xi32>
    %shift_right_arithmetic3A_98 = arith.shrsi %bitcast3A_92, %shift_right_arithmetic3A_97 : vector<16xi32>
    %and3A_99 = arith.constant 1 : i32
    %and3A_100 = vector.broadcast %and3A_99 : i32 to vector<16xi32>
    %and3A_101 = arith.andi %shift_right_arithmetic3A_98, %and3A_100 : vector<16xi32>
    %add3A_102 = arith.addi %add3A_95, %and3A_101 : vector<16xi32>
    %and3A_103 = arith.constant -65536 : i32
    %and3A_104 = vector.broadcast %and3A_103 : i32 to vector<16xi32>
    %and3A_105 = arith.andi %add3A_102, %and3A_104 : vector<16xi32>
    %bitcast3A_106 = vector.bitcast %and3A_105 : vector<16xi32> to vector<16xf32>
    %get3A_107 = arith.constant 5 : i32
    %get3A_108 = arith.index_cast %get3A_107 : i32 to index
    %get3A_109 = arith.constant 0 : index
    %get3A_110 = tpu.vector_load %arg17[%get3A_108, %get3A_109] {strides = array<i32>} : memref<16x16xf32, #tpu.memory_space<vmem>>, vector<16xf32>,
    %bitcast3A_111 = vector.bitcast %get3A_110 : vector<16xf32> to vector<16xi32>
    %add3A_112 = arith.constant 32767 : i32
    %add3A_113 = vector.broadcast %add3A_112 : i32 to vector<16xi32>
    %add3A_114 = arith.addi %bitcast3A_111, %add3A_113 : vector<16xi32>
    %shift_right_arithmetic3A_115 = arith.constant 16 : i32
    %shift_right_arithmetic3A_116 = vector.broadcast %shift_right_arithmetic3A_115 : i32 to vector<16xi32>
    %shift_right_arithmetic3A_117 = arith.shrsi %bitcast3A_111, %shift_right_arithmetic3A_116 : vector<16xi32>
    %and3A_118 = arith.constant 1 : i32
    %and3A_119 = vector.broadcast %and3A_118 : i32 to vector<16xi32>
    %and3A_120 = arith.andi %shift_right_arithmetic3A_117, %and3A_119 : vector<16xi32>
    %add3A_121 = arith.addi %add3A_114, %and3A_120 : vector<16xi32>
    %and3A_122 = arith.constant -65536 : i32
    %and3A_123 = vector.broadcast %and3A_122 : i32 to vector<16xi32>
    %and3A_124 = arith.andi %add3A_121, %and3A_123 : vector<16xi32>
    %bitcast3A_125 = vector.bitcast %and3A_124 : vector<16xi32> to vector<16xf32>
    %get3A_126 = arith.constant 6 : i32
    %get3A_127 = arith.index_cast %get3A_126 : i32 to index
    %get3A_128 = arith.constant 0 : index
    %get3A_129 = tpu.vector_load %arg17[%get3A_127, %get3A_128] {strides = array<i32>} : memref<16x16xf32, #tpu.memory_space<vmem>>, vector<16xf32>,
    %bitcast3A_130 = vector.bitcast %get3A_129 : vector<16xf32> to vector<16xi32>
    %add3A_131 = arith.constant 32767 : i32
    %add3A_132 = vector.broadcast %add3A_131 : i32 to vector<16xi32>
    %add3A_133 = arith.addi %bitcast3A_130, %add3A_132 : vector<16xi32>
    %shift_right_arithmetic3A_134 = arith.constant 16 : i32
    %shift_right_arithmetic3A_135 = vector.broadcast %shift_right_arithmetic3A_134 : i32 to vector<16xi32>
    %shift_right_arithmetic3A_136 = arith.shrsi %bitcast3A_130, %shift_right_arithmetic3A_135 : vector<16xi32>
    %and3A_137 = arith.constant 1 : i32
    %and3A_138 = vector.broadcast %and3A_137 : i32 to vector<16xi32>
    %and3A_139 = arith.andi %shift_right_arithmetic3A_136, %and3A_138 : vector<16xi32>
    %add3A_140 = arith.addi %add3A_133, %and3A_139 : vector<16xi32>
    %and3A_141 = arith.constant -65536 : i32
    %and3A_142 = vector.broadcast %and3A_141 : i32 to vector<16xi32>
    %and3A_143 = arith.andi %add3A_140, %and3A_142 : vector<16xi32>
    %bitcast3A_144 = vector.bitcast %and3A_143 : vector<16xi32> to vector<16xf32>
    %get3A_145 = arith.constant 7 : i32
    %get3A_146 = arith.index_cast %get3A_145 : i32 to index
    %get3A_147 = arith.constant 0 : index
    %get3A_148 = tpu.vector_load %arg17[%get3A_146, %get3A_147] {strides = array<i32>} : memref<16x16xf32, #tpu.memory_space<vmem>>, vector<16xf32>,
    %bitcast3A_149 = vector.bitcast %get3A_148 : vector<16xf32> to vector<16xi32>
    %add3A_150 = arith.constant 32767 : i32
    %add3A_151 = vector.broadcast %add3A_150 : i32 to vector<16xi32>
    %add3A_152 = arith.addi %bitcast3A_149, %add3A_151 : vector<16xi32>
    %shift_right_arithmetic3A_153 = arith.constant 16 : i32
    %shift_right_arithmetic3A_154 = vector.broadcast %shift_right_arithmetic3A_153 : i32 to vector<16xi32>
    %shift_right_arithmetic3A_155 = arith.shrsi %bitcast3A_149, %shift_right_arithmetic3A_154 : vector<16xi32>
    %and3A_156 = arith.constant 1 : i32
    %and3A_157 = vector.broadcast %and3A_156 : i32 to vector<16xi32>
    %and3A_158 = arith.andi %shift_right_arithmetic3A_155, %and3A_157 : vector<16xi32>
    %add3A_159 = arith.addi %add3A_152, %and3A_158 : vector<16xi32>
    %and3A_160 = arith.constant -65536 : i32
    %and3A_161 = vector.broadcast %and3A_160 : i32 to vector<16xi32>
    %and3A_162 = arith.andi %add3A_159, %and3A_161 : vector<16xi32>
    %bitcast3A_163 = vector.bitcast %and3A_162 : vector<16xi32> to vector<16xf32>
    %get3A_164 = arith.constant 8 : i32
    %get3A_165 = arith.index_cast %get3A_164 : i32 to index
    %get3A_166 = arith.constant 0 : index
    %get3A_167 = tpu.vector_load %arg17[%get3A_165, %get3A_166] {strides = array<i32>} : memref<16x16xf32, #tpu.memory_space<vmem>>, vector<16xf32>,
    %bitcast3A_168 = vector.bitcast %get3A_167 : vector<16xf32> to vector<16xi32>
    %add3A_169 = arith.constant 32767 : i32
    %add3A_170 = vector.broadcast %add3A_169 : i32 to vector<16xi32>
    %add3A_171 = arith.addi %bitcast3A_168, %add3A_170 : vector<16xi32>
    %shift_right_arithmetic3A_172 = arith.constant 16 : i32
    %shift_right_arithmetic3A_173 = vector.broadcast %shift_right_arithmetic3A_172 : i32 to vector<16xi32>
    %shift_right_arithmetic3A_174 = arith.shrsi %bitcast3A_168, %shift_right_arithmetic3A_173 : vector<16xi32>
    %and3A_175 = arith.constant 1 : i32
    %and3A_176 = vector.broadcast %and3A_175 : i32 to vector<16xi32>
    %and3A_177 = arith.andi %shift_right_arithmetic3A_174, %and3A_176 : vector<16xi32>
    %add3A_178 = arith.addi %add3A_171, %and3A_177 : vector<16xi32>
    %and3A_179 = arith.constant -65536 : i32
    %and3A_180 = vector.broadcast %and3A_179 : i32 to vector<16xi32>
    %and3A_181 = arith.andi %add3A_178, %and3A_180 : vector<16xi32>
    %bitcast3A_182 = vector.bitcast %and3A_181 : vector<16xi32> to vector<16xf32>
    %get3A_183 = arith.constant 9 : i32
    %get3A_184 = arith.index_cast %get3A_183 : i32 to index
    %get3A_185 = arith.constant 0 : index
    %get3A_186 = tpu.vector_load %arg17[%get3A_184, %get3A_185] {strides = array<i32>} : memref<16x16xf32, #tpu.memory_space<vmem>>, vector<16xf32>,
    %bitcast3A_187 = vector.bitcast %get3A_186 : vector<16xf32> to vector<16xi32>
    %add3A_188 = arith.constant 32767 : i32
    %add3A_189 = vector.broadcast %add3A_188 : i32 to vector<16xi32>
    %add3A_190 = arith.addi %bitcast3A_187, %add3A_189 : vector<16xi32>
    %shift_right_arithmetic3A_191 = arith.constant 16 : i32
    %shift_right_arithmetic3A_192 = vector.broadcast %shift_right_arithmetic3A_191 : i32 to vector<16xi32>
    %shift_right_arithmetic3A_193 = arith.shrsi %bitcast3A_187, %shift_right_arithmetic3A_192 : vector<16xi32>
    %and3A_194 = arith.constant 1 : i32
    %and3A_195 = vector.broadcast %and3A_194 : i32 to vector<16xi32>
    %and3A_196 = arith.andi %shift_right_arithmetic3A_193, %and3A_195 : vector<16xi32>
    %add3A_197 = arith.addi %add3A_190, %and3A_196 : vector<16xi32>
    %and3A_198 = arith.constant -65536 : i32
    %and3A_199 = vector.broadcast %and3A_198 : i32 to vector<16xi32>
    %and3A_200 = arith.andi %add3A_197, %and3A_199 : vector<16xi32>
    %bitcast3A_201 = vector.bitcast %and3A_200 : vector<16xi32> to vector<16xf32>
    %get3A_202 = arith.constant 10 : i32
    %get3A_203 = arith.index_cast %get3A_202 : i32 to index
    %get3A_204 = arith.constant 0 : index
    %get3A_205 = tpu.vector_load %arg17[%get3A_203, %get3A_204] {strides = array<i32>} : memref<16x16xf32, #tpu.memory_space<vmem>>, vector<16xf32>,
    %bitcast3A_206 = vector.bitcast %get3A_205 : vector<16xf32> to vector<16xi32>
    %add3A_207 = arith.constant 32767 : i32
    %add3A_208 = vector.broadcast %add3A_207 : i32 to vector<16xi32>
    %add3A_209 = arith.addi %bitcast3A_206, %add3A_208 : vector<16xi32>
    %shift_right_arithmetic3A_210 = arith.constant 16 : i32
    %shift_right_arithmetic3A_211 = vector.broadcast %shift_right_arithmetic3A_210 : i32 to vector<16xi32>
    %shift_right_arithmetic3A_212 = arith.shrsi %bitcast3A_206, %shift_right_arithmetic3A_211 : vector<16xi32>
    %and3A_213 = arith.constant 1 : i32
    %and3A_214 = vector.broadcast %and3A_213 : i32 to vector<16xi32>
    %and3A_215 = arith.andi %shift_right_arithmetic3A_212, %and3A_214 : vector<16xi32>
    %add3A_216 = arith.addi %add3A_209, %and3A_215 : vector<16xi32>
    %and3A_217 = arith.constant -65536 : i32
    %and3A_218 = vector.broadcast %and3A_217 : i32 to vector<16xi32>
    %and3A_219 = arith.andi %add3A_216, %and3A_218 : vector<16xi32>
    %bitcast3A_220 = vector.bitcast %and3A_219 : vector<16xi32> to vector<16xf32>
    %get3A_221 = arith.constant 11 : i32
    %get3A_222 = arith.index_cast %get3A_221 : i32 to index
    %get3A_223 = arith.constant 0 : index
    %get3A_224 = tpu.vector_load %arg17[%get3A_222, %get3A_223] {strides = array<i32>} : memref<16x16xf32, #tpu.memory_space<vmem>>, vector<16xf32>,
    %bitcast3A_225 = vector.bitcast %get3A_224 : vector<16xf32> to vector<16xi32>
    %add3A_226 = arith.constant 32767 : i32
    %add3A_227 = vector.broadcast %add3A_226 : i32 to vector<16xi32>
    %add3A_228 = arith.addi %bitcast3A_225, %add3A_227 : vector<16xi32>
    %shift_right_arithmetic3A_229 = arith.constant 16 : i32
    %shift_right_arithmetic3A_230 = vector.broadcast %shift_right_arithmetic3A_229 : i32 to vector<16xi32>
    %shift_right_arithmetic3A_231 = arith.shrsi %bitcast3A_225, %shift_right_arithmetic3A_230 : vector<16xi32>
    %and3A_232 = arith.constant 1 : i32
    %and3A_233 = vector.broadcast %and3A_232 : i32 to vector<16xi32>
    %and3A_234 = arith.andi %shift_right_arithmetic3A_231, %and3A_233 : vector<16xi32>
    %add3A_235 = arith.addi %add3A_228, %and3A_234 : vector<16xi32>
    %and3A_236 = arith.constant -65536 : i32
    %and3A_237 = vector.broadcast %and3A_236 : i32 to vector<16xi32>
    %and3A_238 = arith.andi %add3A_235, %and3A_237 : vector<16xi32>
    %bitcast3A_239 = vector.bitcast %and3A_238 : vector<16xi32> to vector<16xf32>
    %get3A_240 = arith.constant 12 : i32
    %get3A_241 = arith.index_cast %get3A_240 : i32 to index
    %get3A_242 = arith.constant 0 : index
    %get3A_243 = tpu.vector_load %arg17[%get3A_241, %get3A_242] {strides = array<i32>} : memref<16x16xf32, #tpu.memory_space<vmem>>, vector<16xf32>,
    %bitcast3A_244 = vector.bitcast %get3A_243 : vector<16xf32> to vector<16xi32>
    %add3A_245 = arith.constant 32767 : i32
    %add3A_246 = vector.broadcast %add3A_245 : i32 to vector<16xi32>
    %add3A_247 = arith.addi %bitcast3A_244, %add3A_246 : vector<16xi32>
    %shift_right_arithmetic3A_248 = arith.constant 16 : i32
    %shift_right_arithmetic3A_249 = vector.broadcast %shift_right_arithmetic3A_248 : i32 to vector<16xi32>
    %shift_right_arithmetic3A_250 = arith.shrsi %bitcast3A_244, %shift_right_arithmetic3A_249 : vector<16xi32>
    %and3A_251 = arith.constant 1 : i32
    %and3A_252 = vector.broadcast %and3A_251 : i32 to vector<16xi32>
    %and3A_253 = arith.andi %shift_right_arithmetic3A_250, %and3A_252 : vector<16xi32>
    %add3A_254 = arith.addi %add3A_247, %and3A_253 : vector<16xi32>
    %and3A_255 = arith.constant -65536 : i32
    %and3A_256 = vector.broadcast %and3A_255 : i32 to vector<16xi32>
    %and3A_257 = arith.andi %add3A_254, %and3A_256 : vector<16xi32>
    %bitcast3A_258 = vector.bitcast %and3A_257 : vector<16xi32> to vector<16xf32>
    %get3A_259 = arith.constant 13 : i32
    %get3A_260 = arith.index_cast %get3A_259 : i32 to index
    %get3A_261 = arith.constant 0 : index
    %get3A_262 = tpu.vector_load %arg17[%get3A_260, %get3A_261] {strides = array<i32>} : memref<16x16xf32, #tpu.memory_space<vmem>>, vector<16xf32>,
    %bitcast3A_263 = vector.bitcast %get3A_262 : vector<16xf32> to vector<16xi32>
    %add3A_264 = arith.constant 32767 : i32
    %add3A_265 = vector.broadcast %add3A_264 : i32 to vector<16xi32>
    %add3A_266 = arith.addi %bitcast3A_263, %add3A_265 : vector<16xi32>
    %shift_right_arithmetic3A_267 = arith.constant 16 : i32
    %shift_right_arithmetic3A_268 = vector.broadcast %shift_right_arithmetic3A_267 : i32 to vector<16xi32>
    %shift_right_arithmetic3A_269 = arith.shrsi %bitcast3A_263, %shift_right_arithmetic3A_268 : vector<16xi32>
    %and3A_270 = arith.constant 1 : i32
    %and3A_271 = vector.broadcast %and3A_270 : i32 to vector<16xi32>
    %and3A_272 = arith.andi %shift_right_arithmetic3A_269, %and3A_271 : vector<16xi32>
    %add3A_273 = arith.addi %add3A_266, %and3A_272 : vector<16xi32>
    %and3A_274 = arith.constant -65536 : i32
    %and3A_275 = vector.broadcast %and3A_274 : i32 to vector<16xi32>
    %and3A_276 = arith.andi %add3A_273, %and3A_275 : vector<16xi32>
    %bitcast3A_277 = vector.bitcast %and3A_276 : vector<16xi32> to vector<16xf32>
    %get3A_278 = arith.constant 14 : i32
    %get3A_279 = arith.index_cast %get3A_278 : i32 to index
    %get3A_280 = arith.constant 0 : index
    %get3A_281 = tpu.vector_load %arg17[%get3A_279, %get3A_280] {strides = array<i32>} : memref<16x16xf32, #tpu.memory_space<vmem>>, vector<16xf32>,
    %bitcast3A_282 = vector.bitcast %get3A_281 : vector<16xf32> to vector<16xi32>
    %add3A_283 = arith.constant 32767 : i32
    %add3A_284 = vector.broadcast %add3A_283 : i32 to vector<16xi32>
    %add3A_285 = arith.addi %bitcast3A_282, %add3A_284 : vector<16xi32>
    %shift_right_arithmetic3A_286 = arith.constant 16 : i32
    %shift_right_arithmetic3A_287 = vector.broadcast %shift_right_arithmetic3A_286 : i32 to vector<16xi32>
    %shift_right_arithmetic3A_288 = arith.shrsi %bitcast3A_282, %shift_right_arithmetic3A_287 : vector<16xi32>
    %and3A_289 = arith.constant 1 : i32
    %and3A_290 = vector.broadcast %and3A_289 : i32 to vector<16xi32>
    %and3A_291 = arith.andi %shift_right_arithmetic3A_288, %and3A_290 : vector<16xi32>
    %add3A_292 = arith.addi %add3A_285, %and3A_291 : vector<16xi32>
    %and3A_293 = arith.constant -65536 : i32
    %and3A_294 = vector.broadcast %and3A_293 : i32 to vector<16xi32>
    %and3A_295 = arith.andi %add3A_292, %and3A_294 : vector<16xi32>
    %bitcast3A_296 = vector.bitcast %and3A_295 : vector<16xi32> to vector<16xf32>
    %get3A_297 = arith.constant 15 : i32
    %get3A_298 = arith.index_cast %get3A_297 : i32 to index
    %get3A_299 = arith.constant 0 : index
    %get3A_300 = tpu.vector_load %arg17[%get3A_298, %get3A_299] {strides = array<i32>} : memref<16x16xf32, #tpu.memory_space<vmem>>, vector<16xf32>,
    %bitcast3A_301 = vector.bitcast %get3A_300 : vector<16xf32> to vector<16xi32>
    %add3A_302 = arith.constant 32767 : i32
    %add3A_303 = vector.broadcast %add3A_302 : i32 to vector<16xi32>
    %add3A_304 = arith.addi %bitcast3A_301, %add3A_303 : vector<16xi32>
    %shift_right_arithmetic3A_305 = arith.constant 16 : i32
    %shift_right_arithmetic3A_306 = vector.broadcast %shift_right_arithmetic3A_305 : i32 to vector<16xi32>
    %shift_right_arithmetic3A_307 = arith.shrsi %bitcast3A_301, %shift_right_arithmetic3A_306 : vector<16xi32>
    %and3A_308 = arith.constant 1 : i32
    %and3A_309 = vector.broadcast %and3A_308 : i32 to vector<16xi32>
    %and3A_310 = arith.andi %shift_right_arithmetic3A_307, %and3A_309 : vector<16xi32>
    %add3A_311 = arith.addi %add3A_304, %and3A_310 : vector<16xi32>
    %and3A_312 = arith.constant -65536 : i32
    %and3A_313 = vector.broadcast %and3A_312 : i32 to vector<16xi32>
    %and3A_314 = arith.andi %add3A_311, %and3A_313 : vector<16xi32>
    %bitcast3A_315 = vector.bitcast %and3A_314 : vector<16xi32> to vector<16xf32>
    %parallel_loop3A_316 = arith.constant 0 : i32
    %parallel_loop3A_317 = arith.constant 632 : i32
    %parallel_loop3A_318 = arith.constant 1 : i32
    scf.for %parallel_loop3A_420 = %parallel_loop3A_316 to %parallel_loop3A_317 step %parallel_loop3A_318  : i32 {
      %parallel_loop3A_421 = arith.index_cast %parallel_loop3A_420 : i32 to index
      %parallel_loop3A_422 = arith.constant 0 : index
      %parallel_loop3A_423 = tpu.vector_load %arg15[%parallel_loop3A_421, %parallel_loop3A_422] {strides = array<i32>} : memref<632x16xf32, #tpu.memory_space<vmem>>, vector<16xf32>,
      %parallel_loop3A_424 = arith.index_cast %parallel_loop3A_420 : i32 to index
      %parallel_loop3A_425 = arith.constant 0 : index
      %parallel_loop3A_426 = tpu.vector_load %arg12[%parallel_loop3A_424, %parallel_loop3A_425] {strides = array<i32>} : memref<632x16xf32, #tpu.memory_space<vmem>>, vector<16xf32>,
      %parallel_loop3A_427 = arith.index_cast %parallel_loop3A_420 : i32 to index
      %parallel_loop3A_428 = arith.constant 0 : index
      %parallel_loop3A_429 = tpu.vector_load %arg13[%parallel_loop3A_427, %parallel_loop3A_428] {strides = array<i32>} : memref<632x16xf32, #tpu.memory_space<vmem>>, vector<16xf32>,
      %parallel_loop3A_430 = arith.addf %parallel_loop3A_426, %parallel_loop3A_429 : vector<16xf32>
      %parallel_loop3A_431 = arith.index_cast %parallel_loop3A_420 : i32 to index
      %parallel_loop3A_432 = arith.constant 0 : index
      %parallel_loop3A_433 = tpu.vector_load %arg14[%parallel_loop3A_431, %parallel_loop3A_432] {strides = array<i32>} : memref<632x16xf32, #tpu.memory_space<vmem>>, vector<16xf32>,
      %parallel_loop3A_434 = arith.addf %parallel_loop3A_430, %parallel_loop3A_433 : vector<16xf32>
      %parallel_loop3A_435 = arith.mulf %parallel_loop3A_423, %parallel_loop3A_434 : vector<16xf32>
      %parallel_loop3A_436 = arith.addf %parallel_loop3A_435, %get3A_14 : vector<16xf32>
      %parallel_loop3A_437 = arith.constant 0.000000e+00 : f32
      %parallel_loop3A_438 = vector.broadcast %parallel_loop3A_437 : f32 to vector<16xf32>
      %parallel_loop3A_439 = arith.maximumf %parallel_loop3A_436, %parallel_loop3A_438 : vector<16xf32>
      %parallel_loop3A_440 = vector.bitcast %parallel_loop3A_439 : vector<16xf32> to vector<16xi32>
      %parallel_loop3A_441 = arith.constant 32767 : i32
      %parallel_loop3A_442 = vector.broadcast %parallel_loop3A_441 : i32 to vector<16xi32>
      %parallel_loop3A_443 = arith.addi %parallel_loop3A_440, %parallel_loop3A_442 : vector<16xi32>
      %parallel_loop3A_444 = arith.constant 16 : i32
      %parallel_loop3A_445 = vector.broadcast %parallel_loop3A_444 : i32 to vector<16xi32>
      %parallel_loop3A_446 = arith.shrsi %parallel_loop3A_440, %parallel_loop3A_445 : vector<16xi32>
      %parallel_loop3A_447 = arith.constant 1 : i32
      %parallel_loop3A_448 = vector.broadcast %parallel_loop3A_447 : i32 to vector<16xi32>
      %parallel_loop3A_449 = arith.andi %parallel_loop3A_446, %parallel_loop3A_448 : vector<16xi32>
      %parallel_loop3A_450 = arith.addi %parallel_loop3A_443, %parallel_loop3A_449 : vector<16xi32>
      %parallel_loop3A_451 = arith.constant -65536 : i32
      %parallel_loop3A_452 = vector.broadcast %parallel_loop3A_451 : i32 to vector<16xi32>
      %parallel_loop3A_453 = arith.andi %parallel_loop3A_450, %parallel_loop3A_452 : vector<16xi32>
      %parallel_loop3A_454 = vector.bitcast %parallel_loop3A_453 : vector<16xi32> to vector<16xf32>
      %parallel_loop3A_455 = vector.extract_strided_slice %parallel_loop3A_454 {offsets = [0], sizes = [1], strides = [1]} : vector<16xf32> to vector<1xf32>
      %parallel_loop3A_456 = vector.extract %parallel_loop3A_455[0] : f32 from vector<1xf32>
      %parallel_loop3A_457 = vector.broadcast %parallel_loop3A_456 : f32 to vector<16xf32>
      %parallel_loop3A_458 = arith.mulf %parallel_loop3A_457, %bitcast3A_30 : vector<16xf32>
      %parallel_loop3A_459 = vector.extract_strided_slice %parallel_loop3A_454 {offsets = [1], sizes = [1], strides = [1]} : vector<16xf32> to vector<1xf32>
      %parallel_loop3A_460 = vector.extract %parallel_loop3A_459[0] : f32 from vector<1xf32>
      %parallel_loop3A_461 = vector.broadcast %parallel_loop3A_460 : f32 to vector<16xf32>
      %parallel_loop3A_462 = arith.mulf %parallel_loop3A_461, %bitcast3A_49 : vector<16xf32>
      %parallel_loop3A_463 = arith.addf %parallel_loop3A_458, %parallel_loop3A_462 : vector<16xf32>
      %parallel_loop3A_464 = vector.extract_strided_slice %parallel_loop3A_454 {offsets = [2], sizes = [1], strides = [1]} : vector<16xf32> to vector<1xf32>
      %parallel_loop3A_465 = vector.extract %parallel_loop3A_464[0] : f32 from vector<1xf32>
      %parallel_loop3A_466 = vector.broadcast %parallel_loop3A_465 : f32 to vector<16xf32>
      %parallel_loop3A_467 = arith.mulf %parallel_loop3A_466, %bitcast3A_68 : vector<16xf32>
      %parallel_loop3A_468 = arith.addf %parallel_loop3A_463, %parallel_loop3A_467 : vector<16xf32>
      %parallel_loop3A_469 = vector.extract_strided_slice %parallel_loop3A_454 {offsets = [3], sizes = [1], strides = [1]} : vector<16xf32> to vector<1xf32>
      %parallel_loop3A_470 = vector.extract %parallel_loop3A_469[0] : f32 from vector<1xf32>
      %parallel_loop3A_471 = vector.broadcast %parallel_loop3A_470 : f32 to vector<16xf32>
      %parallel_loop3A_472 = arith.mulf %parallel_loop3A_471, %bitcast3A_87 : vector<16xf32>
      %parallel_loop3A_473 = arith.addf %parallel_loop3A_468, %parallel_loop3A_472 : vector<16xf32>
      %parallel_loop3A_474 = vector.extract_strided_slice %parallel_loop3A_454 {offsets = [4], sizes = [1], strides = [1]} : vector<16xf32> to vector<1xf32>
      %parallel_loop3A_475 = vector.extract %parallel_loop3A_474[0] : f32 from vector<1xf32>
      %parallel_loop3A_476 = vector.broadcast %parallel_loop3A_475 : f32 to vector<16xf32>
      %parallel_loop3A_477 = arith.mulf %parallel_loop3A_476, %bitcast3A_106 : vector<16xf32>
      %parallel_loop3A_478 = arith.addf %parallel_loop3A_473, %parallel_loop3A_477 : vector<16xf32>
      %parallel_loop3A_479 = vector.extract_strided_slice %parallel_loop3A_454 {offsets = [5], sizes = [1], strides = [1]} : vector<16xf32> to vector<1xf32>
      %parallel_loop3A_480 = vector.extract %parallel_loop3A_479[0] : f32 from vector<1xf32>
      %parallel_loop3A_481 = vector.broadcast %parallel_loop3A_480 : f32 to vector<16xf32>
      %parallel_loop3A_482 = arith.mulf %parallel_loop3A_481, %bitcast3A_125 : vector<16xf32>
      %parallel_loop3A_483 = arith.addf %parallel_loop3A_478, %parallel_loop3A_482 : vector<16xf32>
      %parallel_loop3A_484 = vector.extract_strided_slice %parallel_loop3A_454 {offsets = [6], sizes = [1], strides = [1]} : vector<16xf32> to vector<1xf32>
      %parallel_loop3A_485 = vector.extract %parallel_loop3A_484[0] : f32 from vector<1xf32>
      %parallel_loop3A_486 = vector.broadcast %parallel_loop3A_485 : f32 to vector<16xf32>
      %parallel_loop3A_487 = arith.mulf %parallel_loop3A_486, %bitcast3A_144 : vector<16xf32>
      %parallel_loop3A_488 = arith.addf %parallel_loop3A_483, %parallel_loop3A_487 : vector<16xf32>
      %parallel_loop3A_489 = vector.extract_strided_slice %parallel_loop3A_454 {offsets = [7], sizes = [1], strides = [1]} : vector<16xf32> to vector<1xf32>
      %parallel_loop3A_490 = vector.extract %parallel_loop3A_489[0] : f32 from vector<1xf32>
      %parallel_loop3A_491 = vector.broadcast %parallel_loop3A_490 : f32 to vector<16xf32>
      %parallel_loop3A_492 = arith.mulf %parallel_loop3A_491, %bitcast3A_163 : vector<16xf32>
      %parallel_loop3A_493 = arith.addf %parallel_loop3A_488, %parallel_loop3A_492 : vector<16xf32>
      %parallel_loop3A_494 = vector.extract_strided_slice %parallel_loop3A_454 {offsets = [8], sizes = [1], strides = [1]} : vector<16xf32> to vector<1xf32>
      %parallel_loop3A_495 = vector.extract %parallel_loop3A_494[0] : f32 from vector<1xf32>
      %parallel_loop3A_496 = vector.broadcast %parallel_loop3A_495 : f32 to vector<16xf32>
      %parallel_loop3A_497 = arith.mulf %parallel_loop3A_496, %bitcast3A_182 : vector<16xf32>
      %parallel_loop3A_498 = arith.addf %parallel_loop3A_493, %parallel_loop3A_497 : vector<16xf32>
      %parallel_loop3A_499 = vector.extract_strided_slice %parallel_loop3A_454 {offsets = [9], sizes = [1], strides = [1]} : vector<16xf32> to vector<1xf32>
      %parallel_loop3A_500 = vector.extract %parallel_loop3A_499[0] : f32 from vector<1xf32>
      %parallel_loop3A_501 = vector.broadcast %parallel_loop3A_500 : f32 to vector<16xf32>
      %parallel_loop3A_502 = arith.mulf %parallel_loop3A_501, %bitcast3A_201 : vector<16xf32>
      %parallel_loop3A_503 = arith.addf %parallel_loop3A_498, %parallel_loop3A_502 : vector<16xf32>
      %parallel_loop3A_504 = vector.extract_strided_slice %parallel_loop3A_454 {offsets = [10], sizes = [1], strides = [1]} : vector<16xf32> to vector<1xf32>
      %parallel_loop3A_505 = vector.extract %parallel_loop3A_504[0] : f32 from vector<1xf32>
      %parallel_loop3A_506 = vector.broadcast %parallel_loop3A_505 : f32 to vector<16xf32>
      %parallel_loop3A_507 = arith.mulf %parallel_loop3A_506, %bitcast3A_220 : vector<16xf32>
      %parallel_loop3A_508 = arith.addf %parallel_loop3A_503, %parallel_loop3A_507 : vector<16xf32>
      %parallel_loop3A_509 = vector.extract_strided_slice %parallel_loop3A_454 {offsets = [11], sizes = [1], strides = [1]} : vector<16xf32> to vector<1xf32>
      %parallel_loop3A_510 = vector.extract %parallel_loop3A_509[0] : f32 from vector<1xf32>
      %parallel_loop3A_511 = vector.broadcast %parallel_loop3A_510 : f32 to vector<16xf32>
      %parallel_loop3A_512 = arith.mulf %parallel_loop3A_511, %bitcast3A_239 : vector<16xf32>
      %parallel_loop3A_513 = arith.addf %parallel_loop3A_508, %parallel_loop3A_512 : vector<16xf32>
      %parallel_loop3A_514 = vector.extract_strided_slice %parallel_loop3A_454 {offsets = [12], sizes = [1], strides = [1]} : vector<16xf32> to vector<1xf32>
      %parallel_loop3A_515 = vector.extract %parallel_loop3A_514[0] : f32 from vector<1xf32>
      %parallel_loop3A_516 = vector.broadcast %parallel_loop3A_515 : f32 to vector<16xf32>
      %parallel_loop3A_517 = arith.mulf %parallel_loop3A_516, %bitcast3A_258 : vector<16xf32>
      %parallel_loop3A_518 = arith.addf %parallel_loop3A_513, %parallel_loop3A_517 : vector<16xf32>
      %parallel_loop3A_519 = vector.extract_strided_slice %parallel_loop3A_454 {offsets = [13], sizes = [1], strides = [1]} : vector<16xf32> to vector<1xf32>
      %parallel_loop3A_520 = vector.extract %parallel_loop3A_519[0] : f32 from vector<1xf32>
      %parallel_loop3A_521 = vector.broadcast %parallel_loop3A_520 : f32 to vector<16xf32>
      %parallel_loop3A_522 = arith.mulf %parallel_loop3A_521, %bitcast3A_277 : vector<16xf32>
      %parallel_loop3A_523 = arith.addf %parallel_loop3A_518, %parallel_loop3A_522 : vector<16xf32>
      %parallel_loop3A_524 = vector.extract_strided_slice %parallel_loop3A_454 {offsets = [14], sizes = [1], strides = [1]} : vector<16xf32> to vector<1xf32>
      %parallel_loop3A_525 = vector.extract %parallel_loop3A_524[0] : f32 from vector<1xf32>
      %parallel_loop3A_526 = vector.broadcast %parallel_loop3A_525 : f32 to vector<16xf32>
      %parallel_loop3A_527 = arith.mulf %parallel_loop3A_526, %bitcast3A_296 : vector<16xf32>
      %parallel_loop3A_528 = arith.addf %parallel_loop3A_523, %parallel_loop3A_527 : vector<16xf32>
      %parallel_loop3A_529 = vector.extract_strided_slice %parallel_loop3A_454 {offsets = [15], sizes = [1], strides = [1]} : vector<16xf32> to vector<1xf32>
      %parallel_loop3A_530 = vector.extract %parallel_loop3A_529[0] : f32 from vector<1xf32>
      %parallel_loop3A_531 = vector.broadcast %parallel_loop3A_530 : f32 to vector<16xf32>
      %parallel_loop3A_532 = arith.mulf %parallel_loop3A_531, %bitcast3A_315 : vector<16xf32>
      %parallel_loop3A_533 = arith.addf %parallel_loop3A_528, %parallel_loop3A_532 : vector<16xf32>
      %parallel_loop3A_534 = arith.mulf %parallel_loop3A_423, %parallel_loop3A_533 : vector<16xf32>
      %parallel_loop3A_535 = arith.index_cast %parallel_loop3A_420 : i32 to index
      %parallel_loop3A_536 = arith.constant 0 : index
      %parallel_loop3A_537 = tpu.vector_load %arg16[%parallel_loop3A_535, %parallel_loop3A_536] {strides = array<i32>} : memref<632x16xf32, #tpu.memory_space<vmem>>, vector<16xf32>,
      tpu.vector_store %arg16[%parallel_loop3A_535, %parallel_loop3A_536], %parallel_loop3A_534 {strides = array<i32>} : memref<632x16xf32, #tpu.memory_space<vmem>>, vector<16xf32>,
    } {sc.loop_unroll_factor = 2 : i64, sc.parallel_access}
    "tpu.region"() ({
      %run_scoped3A_420 = tpu.sem_alloc : memref<!tpu.dma_semaphore, #tpu.memory_space<semaphore_mem>>
      %dma_start3A_421 = arith.constant 0 : i32
      %dma_start3A_422 = tpu.memref_slice %arg19[%mul3A_2, %dma_start3A_421] : memref<10112x16xf32, #tpu.memory_space<vmem_shared>> -> memref<632x16xf32, #tpu.memory_space<vmem_shared>>
      %dma_start3A_423 = arith.constant 0 : i32
      %dma_start3A_424 = tpu.memref_slice %arg19[%mul3A_2, %dma_start3A_423] : memref<10112x16xf32, #tpu.memory_space<vmem_shared>> -> memref<632x16xf32, #tpu.memory_space<vmem_shared>>
      tpu.enqueue_dma source(%arg11 : memref<632x16xf32, #tpu.memory_space<vmem>>) target(%dma_start3A_424 : memref<632x16xf32, #tpu.memory_space<vmem_shared>>) target_semaphore(%run_scoped3A_420 : memref<!tpu.dma_semaphore, #tpu.memory_space<semaphore_mem>>)
      %dma_wait3A_425 = arith.constant 0 : i32
      %dma_wait3A_426 = tpu.memref_slice %arg19[%mul3A_2, %dma_wait3A_425] : memref<10112x16xf32, #tpu.memory_space<vmem_shared>> -> memref<632x16xf32, #tpu.memory_space<vmem_shared>>
      %dma_wait3A_427 = arith.constant 0 : i32
      %dma_wait3A_428 = tpu.memref_slice %arg19[%mul3A_2, %dma_wait3A_427] : memref<10112x16xf32, #tpu.memory_space<vmem_shared>> -> memref<632x16xf32, #tpu.memory_space<vmem_shared>>
      tpu.wait_dma2 semaphore(%run_scoped3A_420 : memref<!tpu.dma_semaphore, #tpu.memory_space<semaphore_mem>>) src(%arg11 : memref<632x16xf32, #tpu.memory_space<vmem>>) dst(%dma_wait3A_428 : memref<632x16xf32, #tpu.memory_space<vmem_shared>>)
      tpu.yield
    }) : () -> ()
    "tpu.region"() ({
      %run_scoped3A_420 = tpu.sem_alloc : memref<!tpu.dma_semaphore, #tpu.memory_space<semaphore_mem>>
      %dma_start3A_421 = arith.constant 0 : i32
      %dma_start3A_422 = tpu.memref_slice %arg20[%mul3A_2, %dma_start3A_421] : memref<10112x16xf32, #tpu.memory_space<vmem_shared>> -> memref<632x16xf32, #tpu.memory_space<vmem_shared>>
      %dma_start3A_423 = arith.constant 0 : i32
      %dma_start3A_424 = tpu.memref_slice %arg20[%mul3A_2, %dma_start3A_423] : memref<10112x16xf32, #tpu.memory_space<vmem_shared>> -> memref<632x16xf32, #tpu.memory_space<vmem_shared>>
      tpu.enqueue_dma source(%arg16 : memref<632x16xf32, #tpu.memory_space<vmem>>) target(%dma_start3A_424 : memref<632x16xf32, #tpu.memory_space<vmem_shared>>) target_semaphore(%run_scoped3A_420 : memref<!tpu.dma_semaphore, #tpu.memory_space<semaphore_mem>>)
      %dma_wait3A_425 = arith.constant 0 : i32
      %dma_wait3A_426 = tpu.memref_slice %arg20[%mul3A_2, %dma_wait3A_425] : memref<10112x16xf32, #tpu.memory_space<vmem_shared>> -> memref<632x16xf32, #tpu.memory_space<vmem_shared>>
      %dma_wait3A_427 = arith.constant 0 : i32
      %dma_wait3A_428 = tpu.memref_slice %arg20[%mul3A_2, %dma_wait3A_427] : memref<10112x16xf32, #tpu.memory_space<vmem_shared>> -> memref<632x16xf32, #tpu.memory_space<vmem_shared>>
      tpu.wait_dma2 semaphore(%run_scoped3A_420 : memref<!tpu.dma_semaphore, #tpu.memory_space<semaphore_mem>>) src(%arg16 : memref<632x16xf32, #tpu.memory_space<vmem>>) dst(%dma_wait3A_428 : memref<632x16xf32, #tpu.memory_space<vmem_shared>>)
      tpu.yield
    }) : () -> ()
    %eq3A = arith.constant 0 : i32
    %eq3A_319 = arith.cmpi eq, %arg0, %eq3A : i32
    %convert_element_type3A = arith.extui %eq3A_319 : i1 to i32
    %cond3A = arith.constant 0 : i32
    %cond3A_320 = arith.cmpi ne, %convert_element_type3A, %cond3A : i32
    scf.if %cond3A_320 {
      "tpu.region"() ({
        %run_scoped3A_420 = tpu.sem_alloc : memref<!tpu.dma_semaphore, #tpu.memory_space<semaphore_mem>>
        %dma_start3A_421 = arith.constant 32 : i32
        %dma_start3A_422 = tpu.memref_slice %arg7[%mul3A_2, %dma_start3A_421] : memref<10112x128xf32, #tpu.memory_space<hbm>> -> memref<632x16xf32, #tpu.memory_space<hbm>>
        %dma_start3A_423 = arith.constant 32 : i32
        %dma_start3A_424 = tpu.memref_slice %arg7[%mul3A_2, %dma_start3A_423] : memref<10112x128xf32, #tpu.memory_space<hbm>> -> memref<632x16xf32, #tpu.memory_space<hbm>>
        tpu.enqueue_dma source(%arg16 : memref<632x16xf32, #tpu.memory_space<vmem>>) target(%dma_start3A_424 : memref<632x16xf32, #tpu.memory_space<hbm>>) target_semaphore(%run_scoped3A_420 : memref<!tpu.dma_semaphore, #tpu.memory_space<semaphore_mem>>)
        %dma_wait3A_425 = arith.constant 32 : i32
        %dma_wait3A_426 = tpu.memref_slice %arg7[%mul3A_2, %dma_wait3A_425] : memref<10112x128xf32, #tpu.memory_space<hbm>> -> memref<632x16xf32, #tpu.memory_space<hbm>>
        %dma_wait3A_427 = arith.constant 32 : i32
        %dma_wait3A_428 = tpu.memref_slice %arg7[%mul3A_2, %dma_wait3A_427] : memref<10112x128xf32, #tpu.memory_space<hbm>> -> memref<632x16xf32, #tpu.memory_space<hbm>>
        tpu.wait_dma2 semaphore(%run_scoped3A_420 : memref<!tpu.dma_semaphore, #tpu.memory_space<semaphore_mem>>) src(%arg16 : memref<632x16xf32, #tpu.memory_space<vmem>>) dst(%dma_wait3A_428 : memref<632x16xf32, #tpu.memory_space<hbm>>)
        tpu.yield
      }) : () -> ()
      "tpu.region"() ({
        %run_scoped3A_420 = tpu.sem_alloc : memref<!tpu.dma_semaphore, #tpu.memory_space<semaphore_mem>>
        %dma_start3A_421 = arith.constant 48 : i32
        %dma_start3A_422 = tpu.memref_slice %arg7[%mul3A_2, %dma_start3A_421] : memref<10112x128xf32, #tpu.memory_space<hbm>> -> memref<632x16xf32, #tpu.memory_space<hbm>>
        %dma_start3A_423 = arith.constant 48 : i32
        %dma_start3A_424 = tpu.memref_slice %arg7[%mul3A_2, %dma_start3A_423] : memref<10112x128xf32, #tpu.memory_space<hbm>> -> memref<632x16xf32, #tpu.memory_space<hbm>>
        tpu.enqueue_dma source(%arg15 : memref<632x16xf32, #tpu.memory_space<vmem>>) target(%dma_start3A_424 : memref<632x16xf32, #tpu.memory_space<hbm>>) target_semaphore(%run_scoped3A_420 : memref<!tpu.dma_semaphore, #tpu.memory_space<semaphore_mem>>)
        %dma_wait3A_425 = arith.constant 48 : i32
        %dma_wait3A_426 = tpu.memref_slice %arg7[%mul3A_2, %dma_wait3A_425] : memref<10112x128xf32, #tpu.memory_space<hbm>> -> memref<632x16xf32, #tpu.memory_space<hbm>>
        %dma_wait3A_427 = arith.constant 48 : i32
        %dma_wait3A_428 = tpu.memref_slice %arg7[%mul3A_2, %dma_wait3A_427] : memref<10112x128xf32, #tpu.memory_space<hbm>> -> memref<632x16xf32, #tpu.memory_space<hbm>>
        tpu.wait_dma2 semaphore(%run_scoped3A_420 : memref<!tpu.dma_semaphore, #tpu.memory_space<semaphore_mem>>) src(%arg15 : memref<632x16xf32, #tpu.memory_space<vmem>>) dst(%dma_wait3A_428 : memref<632x16xf32, #tpu.memory_space<hbm>>)
        tpu.yield
      }) : () -> ()
    } else {
    }
    %barrier3A = arith.constant 0 : index
    tpu.barrier barrier_id(%barrier3A)
    %dma_start3A = arith.constant 0 : i32
    %dma_start3A_321 = arith.constant 0 : i32
    %dma_start3A_322 = arith.constant 0 : i32
    %dma_start3A_323 = arith.constant 0 : i32
    %dma_start3A_324 = tpu.memref_slice %arg10[%dma_start3A_321, %dma_start3A_322, %dma_start3A_323] : memref<4x128x16xf32, #tpu.memory_space<vmem>> -> memref<1x128x16xf32, #tpu.memory_space<vmem>>
    %dma_start3A_325 = tpu.memref_squeeze %dma_start3A_324 : memref<1x128x16xf32, #tpu.memory_space<vmem>> -> memref<128x16xf32, #tpu.memory_space<vmem>>
    %dma_start3A_326 = arith.constant 0 : i32
    %dma_start3A_327 = tpu.memref_slice %arg8[%dma_start3A, %dma_start3A_326] : memref<80x128xi32, #tpu.memory_space<vmem>> -> memref<1x128xi32, #tpu.memory_space<vmem>>
    %dma_start3A_328 = tpu.memref_squeeze %dma_start3A_327 : memref<1x128xi32, #tpu.memory_space<vmem>> -> memref<128xi32, #tpu.memory_space<vmem>>
    %dma_start3A_329 = arith.constant 0 : i32
    %dma_start3A_330 = arith.constant 0 : i32
    %dma_start3A_331 = tpu.memref_slice %arg20[%dma_start3A_329, %dma_start3A_330] : memref<10112x16xf32, #tpu.memory_space<vmem_shared>> -> memref<10112x16xf32, #tpu.memory_space<vmem_shared>>
    tpu.enqueue_indirect_dma source(%dma_start3A_331 : memref<10112x16xf32, #tpu.memory_space<vmem_shared>>) target(%dma_start3A_325 : memref<128x16xf32, #tpu.memory_space<vmem>>) offsets(%dma_start3A_328 : memref<128xi32, #tpu.memory_space<vmem>>) semaphore(%arg21 : memref<!tpu.dma_semaphore, #tpu.memory_space<semaphore_mem>>)
    %dma_start3A_332 = arith.constant 1 : i32
    %dma_start3A_333 = arith.constant 1 : i32
    %dma_start3A_334 = arith.constant 0 : i32
    %dma_start3A_335 = arith.constant 0 : i32
    %dma_start3A_336 = tpu.memref_slice %arg10[%dma_start3A_333, %dma_start3A_334, %dma_start3A_335] : memref<4x128x16xf32, #tpu.memory_space<vmem>> -> memref<1x128x16xf32, #tpu.memory_space<vmem>>
    %dma_start3A_337 = tpu.memref_squeeze %dma_start3A_336 : memref<1x128x16xf32, #tpu.memory_space<vmem>> -> memref<128x16xf32, #tpu.memory_space<vmem>>
    %dma_start3A_338 = arith.constant 0 : i32
    %dma_start3A_339 = tpu.memref_slice %arg8[%dma_start3A_332, %dma_start3A_338] : memref<80x128xi32, #tpu.memory_space<vmem>> -> memref<1x128xi32, #tpu.memory_space<vmem>>
    %dma_start3A_340 = tpu.memref_squeeze %dma_start3A_339 : memref<1x128xi32, #tpu.memory_space<vmem>> -> memref<128xi32, #tpu.memory_space<vmem>>
    %dma_start3A_341 = arith.constant 0 : i32
    %dma_start3A_342 = arith.constant 0 : i32
    %dma_start3A_343 = tpu.memref_slice %arg20[%dma_start3A_341, %dma_start3A_342] : memref<10112x16xf32, #tpu.memory_space<vmem_shared>> -> memref<10112x16xf32, #tpu.memory_space<vmem_shared>>
    tpu.enqueue_indirect_dma source(%dma_start3A_343 : memref<10112x16xf32, #tpu.memory_space<vmem_shared>>) target(%dma_start3A_337 : memref<128x16xf32, #tpu.memory_space<vmem>>) offsets(%dma_start3A_340 : memref<128xi32, #tpu.memory_space<vmem>>) semaphore(%arg22 : memref<!tpu.dma_semaphore, #tpu.memory_space<semaphore_mem>>)
    %dma_start3A_344 = arith.constant 2 : i32
    %dma_start3A_345 = arith.constant 2 : i32
    %dma_start3A_346 = arith.constant 0 : i32
    %dma_start3A_347 = arith.constant 0 : i32
    %dma_start3A_348 = tpu.memref_slice %arg10[%dma_start3A_345, %dma_start3A_346, %dma_start3A_347] : memref<4x128x16xf32, #tpu.memory_space<vmem>> -> memref<1x128x16xf32, #tpu.memory_space<vmem>>
    %dma_start3A_349 = tpu.memref_squeeze %dma_start3A_348 : memref<1x128x16xf32, #tpu.memory_space<vmem>> -> memref<128x16xf32, #tpu.memory_space<vmem>>
    %dma_start3A_350 = arith.constant 0 : i32
    %dma_start3A_351 = tpu.memref_slice %arg8[%dma_start3A_344, %dma_start3A_350] : memref<80x128xi32, #tpu.memory_space<vmem>> -> memref<1x128xi32, #tpu.memory_space<vmem>>
    %dma_start3A_352 = tpu.memref_squeeze %dma_start3A_351 : memref<1x128xi32, #tpu.memory_space<vmem>> -> memref<128xi32, #tpu.memory_space<vmem>>
    %dma_start3A_353 = arith.constant 0 : i32
    %dma_start3A_354 = arith.constant 0 : i32
    %dma_start3A_355 = tpu.memref_slice %arg20[%dma_start3A_353, %dma_start3A_354] : memref<10112x16xf32, #tpu.memory_space<vmem_shared>> -> memref<10112x16xf32, #tpu.memory_space<vmem_shared>>
    tpu.enqueue_indirect_dma source(%dma_start3A_355 : memref<10112x16xf32, #tpu.memory_space<vmem_shared>>) target(%dma_start3A_349 : memref<128x16xf32, #tpu.memory_space<vmem>>) offsets(%dma_start3A_352 : memref<128xi32, #tpu.memory_space<vmem>>) semaphore(%arg23 : memref<!tpu.dma_semaphore, #tpu.memory_space<semaphore_mem>>)
    %scan3A = arith.constant 0 : i32
    %scan3A_356 = arith.constant 0 : i32
    %scan3A_357 = arith.constant 20 : i32
    %scan3A_358 = arith.addi %scan3A_356, %scan3A_357 : i32
    %scan3A_359 = arith.constant 1 : i32
    %scan3A_360 = scf.for %scan3A_420 = %scan3A_356 to %scan3A_358 step %scan3A_359 iter_args(%scan3A_421 = %scan3A) -> (i32)  : i32 {
      %mul3A_422 = arith.constant 4 : i32
      %mul3A_423 = arith.muli %scan3A_420, %mul3A_422 : i32
      %add3A_424 = arith.constant 0 : i32
      %add3A_425 = arith.addi %mul3A_423, %add3A_424 : i32
      %add3A_426 = arith.constant 4 : i32
      %add3A_427 = arith.addi %add3A_425, %add3A_426 : i32
      %sub3A = arith.constant 1 : i32
      %sub3A_428 = arith.subi %add3A_427, %sub3A : i32
      %lt3A = arith.constant 80 : i32
      %lt3A_429 = arith.cmpi slt, %sub3A_428, %lt3A : i32
      %ge3A = arith.constant 1 : i32
      %ge3A_430 = arith.cmpi sge, %add3A_425, %ge3A : i32
      %and3A_431 = arith.andi %lt3A_429, %ge3A_430 : i1
      %convert_element_type3A_432 = arith.extui %and3A_431 : i1 to i32
      %cond3A_433 = arith.constant 0 : i32
      %cond3A_434 = arith.cmpi ne, %convert_element_type3A_432, %cond3A_433 : i32
      scf.if %cond3A_434 {
        %sub3A_602 = arith.constant 1 : i32
        %sub3A_603 = arith.subi %add3A_425, %sub3A_602 : i32
        %dma_wait3A_604 = arith.constant 3 : i32
        %dma_wait3A_605 = arith.constant 0 : i32
        %dma_wait3A_606 = arith.constant 0 : i32
        %dma_wait3A_607 = tpu.memref_slice %arg10[%dma_wait3A_604, %dma_wait3A_605, %dma_wait3A_606] : memref<4x128x16xf32, #tpu.memory_space<vmem>> -> memref<1x128x16xf32, #tpu.memory_space<vmem>>
        %dma_wait3A_608 = tpu.memref_squeeze %dma_wait3A_607 : memref<1x128x16xf32, #tpu.memory_space<vmem>> -> memref<128x16xf32, #tpu.memory_space<vmem>>
        %dma_wait3A_609 = arith.constant 0 : i32
        %dma_wait3A_610 = tpu.memref_slice %arg9[%sub3A_603, %dma_wait3A_609] : memref<80x128xi32, #tpu.memory_space<vmem>> -> memref<1x128xi32, #tpu.memory_space<vmem>>
        %dma_wait3A_611 = tpu.memref_squeeze %dma_wait3A_610 : memref<1x128xi32, #tpu.memory_space<vmem>> -> memref<128xi32, #tpu.memory_space<vmem>>
        %dma_wait3A_612 = arith.constant 0 : i32
        %dma_wait3A_613 = arith.constant 0 : i32
        %dma_wait3A_614 = tpu.memref_slice %arg19[%dma_wait3A_612, %dma_wait3A_613] : memref<10112x16xf32, #tpu.memory_space<vmem_shared>> -> memref<10112x16xf32, #tpu.memory_space<vmem_shared>>
        tpu.wait_indirect_dma semaphore(%arg28 : memref<!tpu.dma_semaphore, #tpu.memory_space<semaphore_mem>>) src(%dma_wait3A_608 : memref<128x16xf32, #tpu.memory_space<vmem>>) dst(%dma_wait3A_614 : memref<10112x16xf32, #tpu.memory_space<vmem_shared>>)
      } else {
      }
      %add3A_435 = arith.constant 4 : i32
      %add3A_436 = arith.addi %add3A_425, %add3A_435 : i32
      %sub3A_437 = arith.constant 1 : i32
      %sub3A_438 = arith.subi %add3A_436, %sub3A_437 : i32
      %lt3A_439 = arith.constant 80 : i32
      %lt3A_440 = arith.cmpi slt, %sub3A_438, %lt3A_439 : i32
      %convert_element_type3A_441 = arith.extui %lt3A_440 : i1 to i32
      %cond3A_442 = arith.constant 0 : i32
      %cond3A_443 = arith.cmpi ne, %convert_element_type3A_441, %cond3A_442 : i32
      scf.if %cond3A_443 {
        %add3A_602 = arith.constant 4 : i32
        %add3A_603 = arith.addi %add3A_425, %add3A_602 : i32
        %sub3A_604 = arith.constant 1 : i32
        %sub3A_605 = arith.subi %add3A_603, %sub3A_604 : i32
        %dma_start3A_606 = arith.constant 3 : i32
        %dma_start3A_607 = arith.constant 0 : i32
        %dma_start3A_608 = arith.constant 0 : i32
        %dma_start3A_609 = tpu.memref_slice %arg10[%dma_start3A_606, %dma_start3A_607, %dma_start3A_608] : memref<4x128x16xf32, #tpu.memory_space<vmem>> -> memref<1x128x16xf32, #tpu.memory_space<vmem>>
        %dma_start3A_610 = tpu.memref_squeeze %dma_start3A_609 : memref<1x128x16xf32, #tpu.memory_space<vmem>> -> memref<128x16xf32, #tpu.memory_space<vmem>>
        %dma_start3A_611 = arith.constant 0 : i32
        %dma_start3A_612 = tpu.memref_slice %arg8[%sub3A_605, %dma_start3A_611] : memref<80x128xi32, #tpu.memory_space<vmem>> -> memref<1x128xi32, #tpu.memory_space<vmem>>
        %dma_start3A_613 = tpu.memref_squeeze %dma_start3A_612 : memref<1x128xi32, #tpu.memory_space<vmem>> -> memref<128xi32, #tpu.memory_space<vmem>>
        %dma_start3A_614 = arith.constant 0 : i32
        %dma_start3A_615 = arith.constant 0 : i32
        %dma_start3A_616 = tpu.memref_slice %arg20[%dma_start3A_614, %dma_start3A_615] : memref<10112x16xf32, #tpu.memory_space<vmem_shared>> -> memref<10112x16xf32, #tpu.memory_space<vmem_shared>>
        tpu.enqueue_indirect_dma source(%dma_start3A_616 : memref<10112x16xf32, #tpu.memory_space<vmem_shared>>) target(%dma_start3A_610 : memref<128x16xf32, #tpu.memory_space<vmem>>) offsets(%dma_start3A_613 : memref<128xi32, #tpu.memory_space<vmem>>) semaphore(%arg24 : memref<!tpu.dma_semaphore, #tpu.memory_space<semaphore_mem>>)
      } else {
      }
      %dma_wait3A_444 = arith.constant 0 : i32
      %dma_wait3A_445 = arith.constant 0 : i32
      %dma_wait3A_446 = arith.constant 0 : i32
      %dma_wait3A_447 = tpu.memref_slice %arg10[%dma_wait3A_444, %dma_wait3A_445, %dma_wait3A_446] : memref<4x128x16xf32, #tpu.memory_space<vmem>> -> memref<1x128x16xf32, #tpu.memory_space<vmem>>
      %dma_wait3A_448 = tpu.memref_squeeze %dma_wait3A_447 : memref<1x128x16xf32, #tpu.memory_space<vmem>> -> memref<128x16xf32, #tpu.memory_space<vmem>>
      %dma_wait3A_449 = arith.constant 0 : i32
      %dma_wait3A_450 = tpu.memref_slice %arg8[%add3A_425, %dma_wait3A_449] : memref<80x128xi32, #tpu.memory_space<vmem>> -> memref<1x128xi32, #tpu.memory_space<vmem>>
      %dma_wait3A_451 = tpu.memref_squeeze %dma_wait3A_450 : memref<1x128xi32, #tpu.memory_space<vmem>> -> memref<128xi32, #tpu.memory_space<vmem>>
      %dma_wait3A_452 = arith.constant 0 : i32
      %dma_wait3A_453 = arith.constant 0 : i32
      %dma_wait3A_454 = tpu.memref_slice %arg20[%dma_wait3A_452, %dma_wait3A_453] : memref<10112x16xf32, #tpu.memory_space<vmem_shared>> -> memref<10112x16xf32, #tpu.memory_space<vmem_shared>>
      tpu.wait_indirect_dma semaphore(%arg21 : memref<!tpu.dma_semaphore, #tpu.memory_space<semaphore_mem>>) src(%dma_wait3A_454 : memref<10112x16xf32, #tpu.memory_space<vmem_shared>>) dst(%dma_wait3A_448 : memref<128x16xf32, #tpu.memory_space<vmem>>)
      %dma_start3A_455 = arith.constant 0 : i32
      %dma_start3A_456 = arith.constant 0 : i32
      %dma_start3A_457 = arith.constant 0 : i32
      %dma_start3A_458 = tpu.memref_slice %arg10[%dma_start3A_455, %dma_start3A_456, %dma_start3A_457] : memref<4x128x16xf32, #tpu.memory_space<vmem>> -> memref<1x128x16xf32, #tpu.memory_space<vmem>>
      %dma_start3A_459 = tpu.memref_squeeze %dma_start3A_458 : memref<1x128x16xf32, #tpu.memory_space<vmem>> -> memref<128x16xf32, #tpu.memory_space<vmem>>
      %dma_start3A_460 = arith.constant 0 : i32
      %dma_start3A_461 = tpu.memref_slice %arg9[%add3A_425, %dma_start3A_460] : memref<80x128xi32, #tpu.memory_space<vmem>> -> memref<1x128xi32, #tpu.memory_space<vmem>>
      %dma_start3A_462 = tpu.memref_squeeze %dma_start3A_461 : memref<1x128xi32, #tpu.memory_space<vmem>> -> memref<128xi32, #tpu.memory_space<vmem>>
      %dma_start3A_463 = arith.constant 0 : i32
      %dma_start3A_464 = arith.constant 0 : i32
      %dma_start3A_465 = tpu.memref_slice %arg19[%dma_start3A_463, %dma_start3A_464] : memref<10112x16xf32, #tpu.memory_space<vmem_shared>> -> memref<10112x16xf32, #tpu.memory_space<vmem_shared>>
      tpu.enqueue_indirect_dma source(%dma_start3A_459 : memref<128x16xf32, #tpu.memory_space<vmem>>) target(%dma_start3A_465 : memref<10112x16xf32, #tpu.memory_space<vmem_shared>>) offsets(%dma_start3A_462 : memref<128xi32, #tpu.memory_space<vmem>>) semaphore(%arg25 : memref<!tpu.dma_semaphore, #tpu.memory_space<semaphore_mem>>) {add = true}
      %add3A_466 = arith.constant 1 : i32
      %add3A_467 = arith.addi %mul3A_423, %add3A_466 : i32
      %add3A_468 = arith.constant 4 : i32
      %add3A_469 = arith.addi %add3A_467, %add3A_468 : i32
      %sub3A_470 = arith.constant 1 : i32
      %sub3A_471 = arith.subi %add3A_469, %sub3A_470 : i32
      %lt3A_472 = arith.constant 80 : i32
      %lt3A_473 = arith.cmpi slt, %sub3A_471, %lt3A_472 : i32
      %ge3A_474 = arith.constant 1 : i32
      %ge3A_475 = arith.cmpi sge, %add3A_467, %ge3A_474 : i32
      %and3A_476 = arith.andi %lt3A_473, %ge3A_475 : i1
      %convert_element_type3A_477 = arith.extui %and3A_476 : i1 to i32
      %cond3A_478 = arith.constant 0 : i32
      %cond3A_479 = arith.cmpi ne, %convert_element_type3A_477, %cond3A_478 : i32
      scf.if %cond3A_479 {
        %sub3A_602 = arith.constant 1 : i32
        %sub3A_603 = arith.subi %add3A_467, %sub3A_602 : i32
        %dma_wait3A_604 = arith.constant 0 : i32
        %dma_wait3A_605 = arith.constant 0 : i32
        %dma_wait3A_606 = arith.constant 0 : i32
        %dma_wait3A_607 = tpu.memref_slice %arg10[%dma_wait3A_604, %dma_wait3A_605, %dma_wait3A_606] : memref<4x128x16xf32, #tpu.memory_space<vmem>> -> memref<1x128x16xf32, #tpu.memory_space<vmem>>
        %dma_wait3A_608 = tpu.memref_squeeze %dma_wait3A_607 : memref<1x128x16xf32, #tpu.memory_space<vmem>> -> memref<128x16xf32, #tpu.memory_space<vmem>>
        %dma_wait3A_609 = arith.constant 0 : i32
        %dma_wait3A_610 = tpu.memref_slice %arg9[%sub3A_603, %dma_wait3A_609] : memref<80x128xi32, #tpu.memory_space<vmem>> -> memref<1x128xi32, #tpu.memory_space<vmem>>
        %dma_wait3A_611 = tpu.memref_squeeze %dma_wait3A_610 : memref<1x128xi32, #tpu.memory_space<vmem>> -> memref<128xi32, #tpu.memory_space<vmem>>
        %dma_wait3A_612 = arith.constant 0 : i32
        %dma_wait3A_613 = arith.constant 0 : i32
        %dma_wait3A_614 = tpu.memref_slice %arg19[%dma_wait3A_612, %dma_wait3A_613] : memref<10112x16xf32, #tpu.memory_space<vmem_shared>> -> memref<10112x16xf32, #tpu.memory_space<vmem_shared>>
        tpu.wait_indirect_dma semaphore(%arg25 : memref<!tpu.dma_semaphore, #tpu.memory_space<semaphore_mem>>) src(%dma_wait3A_608 : memref<128x16xf32, #tpu.memory_space<vmem>>) dst(%dma_wait3A_614 : memref<10112x16xf32, #tpu.memory_space<vmem_shared>>)
      } else {
      }
      %add3A_480 = arith.constant 4 : i32
      %add3A_481 = arith.addi %add3A_467, %add3A_480 : i32
      %sub3A_482 = arith.constant 1 : i32
      %sub3A_483 = arith.subi %add3A_481, %sub3A_482 : i32
      %lt3A_484 = arith.constant 80 : i32
      %lt3A_485 = arith.cmpi slt, %sub3A_483, %lt3A_484 : i32
      %convert_element_type3A_486 = arith.extui %lt3A_485 : i1 to i32
      %cond3A_487 = arith.constant 0 : i32
      %cond3A_488 = arith.cmpi ne, %convert_element_type3A_486, %cond3A_487 : i32
      scf.if %cond3A_488 {
        %add3A_602 = arith.constant 4 : i32
        %add3A_603 = arith.addi %add3A_467, %add3A_602 : i32
        %sub3A_604 = arith.constant 1 : i32
        %sub3A_605 = arith.subi %add3A_603, %sub3A_604 : i32
        %dma_start3A_606 = arith.constant 0 : i32
        %dma_start3A_607 = arith.constant 0 : i32
        %dma_start3A_608 = arith.constant 0 : i32
        %dma_start3A_609 = tpu.memref_slice %arg10[%dma_start3A_606, %dma_start3A_607, %dma_start3A_608] : memref<4x128x16xf32, #tpu.memory_space<vmem>> -> memref<1x128x16xf32, #tpu.memory_space<vmem>>
        %dma_start3A_610 = tpu.memref_squeeze %dma_start3A_609 : memref<1x128x16xf32, #tpu.memory_space<vmem>> -> memref<128x16xf32, #tpu.memory_space<vmem>>
        %dma_start3A_611 = arith.constant 0 : i32
        %dma_start3A_612 = tpu.memref_slice %arg8[%sub3A_605, %dma_start3A_611] : memref<80x128xi32, #tpu.memory_space<vmem>> -> memref<1x128xi32, #tpu.memory_space<vmem>>
        %dma_start3A_613 = tpu.memref_squeeze %dma_start3A_612 : memref<1x128xi32, #tpu.memory_space<vmem>> -> memref<128xi32, #tpu.memory_space<vmem>>
        %dma_start3A_614 = arith.constant 0 : i32
        %dma_start3A_615 = arith.constant 0 : i32
        %dma_start3A_616 = tpu.memref_slice %arg20[%dma_start3A_614, %dma_start3A_615] : memref<10112x16xf32, #tpu.memory_space<vmem_shared>> -> memref<10112x16xf32, #tpu.memory_space<vmem_shared>>
        tpu.enqueue_indirect_dma source(%dma_start3A_616 : memref<10112x16xf32, #tpu.memory_space<vmem_shared>>) target(%dma_start3A_610 : memref<128x16xf32, #tpu.memory_space<vmem>>) offsets(%dma_start3A_613 : memref<128xi32, #tpu.memory_space<vmem>>) semaphore(%arg21 : memref<!tpu.dma_semaphore, #tpu.memory_space<semaphore_mem>>)
      } else {
      }
      %dma_wait3A_489 = arith.constant 1 : i32
      %dma_wait3A_490 = arith.constant 0 : i32
      %dma_wait3A_491 = arith.constant 0 : i32
      %dma_wait3A_492 = tpu.memref_slice %arg10[%dma_wait3A_489, %dma_wait3A_490, %dma_wait3A_491] : memref<4x128x16xf32, #tpu.memory_space<vmem>> -> memref<1x128x16xf32, #tpu.memory_space<vmem>>
      %dma_wait3A_493 = tpu.memref_squeeze %dma_wait3A_492 : memref<1x128x16xf32, #tpu.memory_space<vmem>> -> memref<128x16xf32, #tpu.memory_space<vmem>>
      %dma_wait3A_494 = arith.constant 0 : i32
      %dma_wait3A_495 = tpu.memref_slice %arg8[%add3A_467, %dma_wait3A_494] : memref<80x128xi32, #tpu.memory_space<vmem>> -> memref<1x128xi32, #tpu.memory_space<vmem>>
      %dma_wait3A_496 = tpu.memref_squeeze %dma_wait3A_495 : memref<1x128xi32, #tpu.memory_space<vmem>> -> memref<128xi32, #tpu.memory_space<vmem>>
      %dma_wait3A_497 = arith.constant 0 : i32
      %dma_wait3A_498 = arith.constant 0 : i32
      %dma_wait3A_499 = tpu.memref_slice %arg20[%dma_wait3A_497, %dma_wait3A_498] : memref<10112x16xf32, #tpu.memory_space<vmem_shared>> -> memref<10112x16xf32, #tpu.memory_space<vmem_shared>>
      tpu.wait_indirect_dma semaphore(%arg22 : memref<!tpu.dma_semaphore, #tpu.memory_space<semaphore_mem>>) src(%dma_wait3A_499 : memref<10112x16xf32, #tpu.memory_space<vmem_shared>>) dst(%dma_wait3A_493 : memref<128x16xf32, #tpu.memory_space<vmem>>)
      %dma_start3A_500 = arith.constant 1 : i32
      %dma_start3A_501 = arith.constant 0 : i32
      %dma_start3A_502 = arith.constant 0 : i32
      %dma_start3A_503 = tpu.memref_slice %arg10[%dma_start3A_500, %dma_start3A_501, %dma_start3A_502] : memref<4x128x16xf32, #tpu.memory_space<vmem>> -> memref<1x128x16xf32, #tpu.memory_space<vmem>>
      %dma_start3A_504 = tpu.memref_squeeze %dma_start3A_503 : memref<1x128x16xf32, #tpu.memory_space<vmem>> -> memref<128x16xf32, #tpu.memory_space<vmem>>
      %dma_start3A_505 = arith.constant 0 : i32
      %dma_start3A_506 = tpu.memref_slice %arg9[%add3A_467, %dma_start3A_505] : memref<80x128xi32, #tpu.memory_space<vmem>> -> memref<1x128xi32, #tpu.memory_space<vmem>>
      %dma_start3A_507 = tpu.memref_squeeze %dma_start3A_506 : memref<1x128xi32, #tpu.memory_space<vmem>> -> memref<128xi32, #tpu.memory_space<vmem>>
      %dma_start3A_508 = arith.constant 0 : i32
      %dma_start3A_509 = arith.constant 0 : i32
      %dma_start3A_510 = tpu.memref_slice %arg19[%dma_start3A_508, %dma_start3A_509] : memref<10112x16xf32, #tpu.memory_space<vmem_shared>> -> memref<10112x16xf32, #tpu.memory_space<vmem_shared>>
      tpu.enqueue_indirect_dma source(%dma_start3A_504 : memref<128x16xf32, #tpu.memory_space<vmem>>) target(%dma_start3A_510 : memref<10112x16xf32, #tpu.memory_space<vmem_shared>>) offsets(%dma_start3A_507 : memref<128xi32, #tpu.memory_space<vmem>>) semaphore(%arg26 : memref<!tpu.dma_semaphore, #tpu.memory_space<semaphore_mem>>) {add = true}
      %add3A_511 = arith.constant 2 : i32
      %add3A_512 = arith.addi %mul3A_423, %add3A_511 : i32
      %add3A_513 = arith.constant 4 : i32
      %add3A_514 = arith.addi %add3A_512, %add3A_513 : i32
      %sub3A_515 = arith.constant 1 : i32
      %sub3A_516 = arith.subi %add3A_514, %sub3A_515 : i32
      %lt3A_517 = arith.constant 80 : i32
      %lt3A_518 = arith.cmpi slt, %sub3A_516, %lt3A_517 : i32
      %ge3A_519 = arith.constant 1 : i32
      %ge3A_520 = arith.cmpi sge, %add3A_512, %ge3A_519 : i32
      %and3A_521 = arith.andi %lt3A_518, %ge3A_520 : i1
      %convert_element_type3A_522 = arith.extui %and3A_521 : i1 to i32
      %cond3A_523 = arith.constant 0 : i32
      %cond3A_524 = arith.cmpi ne, %convert_element_type3A_522, %cond3A_523 : i32
      scf.if %cond3A_524 {
        %sub3A_602 = arith.constant 1 : i32
        %sub3A_603 = arith.subi %add3A_512, %sub3A_602 : i32
        %dma_wait3A_604 = arith.constant 1 : i32
        %dma_wait3A_605 = arith.constant 0 : i32
        %dma_wait3A_606 = arith.constant 0 : i32
        %dma_wait3A_607 = tpu.memref_slice %arg10[%dma_wait3A_604, %dma_wait3A_605, %dma_wait3A_606] : memref<4x128x16xf32, #tpu.memory_space<vmem>> -> memref<1x128x16xf32, #tpu.memory_space<vmem>>
        %dma_wait3A_608 = tpu.memref_squeeze %dma_wait3A_607 : memref<1x128x16xf32, #tpu.memory_space<vmem>> -> memref<128x16xf32, #tpu.memory_space<vmem>>
        %dma_wait3A_609 = arith.constant 0 : i32
        %dma_wait3A_610 = tpu.memref_slice %arg9[%sub3A_603, %dma_wait3A_609] : memref<80x128xi32, #tpu.memory_space<vmem>> -> memref<1x128xi32, #tpu.memory_space<vmem>>
        %dma_wait3A_611 = tpu.memref_squeeze %dma_wait3A_610 : memref<1x128xi32, #tpu.memory_space<vmem>> -> memref<128xi32, #tpu.memory_space<vmem>>
        %dma_wait3A_612 = arith.constant 0 : i32
        %dma_wait3A_613 = arith.constant 0 : i32
        %dma_wait3A_614 = tpu.memref_slice %arg19[%dma_wait3A_612, %dma_wait3A_613] : memref<10112x16xf32, #tpu.memory_space<vmem_shared>> -> memref<10112x16xf32, #tpu.memory_space<vmem_shared>>
        tpu.wait_indirect_dma semaphore(%arg26 : memref<!tpu.dma_semaphore, #tpu.memory_space<semaphore_mem>>) src(%dma_wait3A_608 : memref<128x16xf32, #tpu.memory_space<vmem>>) dst(%dma_wait3A_614 : memref<10112x16xf32, #tpu.memory_space<vmem_shared>>)
      } else {
      }
      %add3A_525 = arith.constant 4 : i32
      %add3A_526 = arith.addi %add3A_512, %add3A_525 : i32
      %sub3A_527 = arith.constant 1 : i32
      %sub3A_528 = arith.subi %add3A_526, %sub3A_527 : i32
      %lt3A_529 = arith.constant 80 : i32
      %lt3A_530 = arith.cmpi slt, %sub3A_528, %lt3A_529 : i32
      %convert_element_type3A_531 = arith.extui %lt3A_530 : i1 to i32
      %cond3A_532 = arith.constant 0 : i32
      %cond3A_533 = arith.cmpi ne, %convert_element_type3A_531, %cond3A_532 : i32
      scf.if %cond3A_533 {
        %add3A_602 = arith.constant 4 : i32
        %add3A_603 = arith.addi %add3A_512, %add3A_602 : i32
        %sub3A_604 = arith.constant 1 : i32
        %sub3A_605 = arith.subi %add3A_603, %sub3A_604 : i32
        %dma_start3A_606 = arith.constant 1 : i32
        %dma_start3A_607 = arith.constant 0 : i32
        %dma_start3A_608 = arith.constant 0 : i32
        %dma_start3A_609 = tpu.memref_slice %arg10[%dma_start3A_606, %dma_start3A_607, %dma_start3A_608] : memref<4x128x16xf32, #tpu.memory_space<vmem>> -> memref<1x128x16xf32, #tpu.memory_space<vmem>>
        %dma_start3A_610 = tpu.memref_squeeze %dma_start3A_609 : memref<1x128x16xf32, #tpu.memory_space<vmem>> -> memref<128x16xf32, #tpu.memory_space<vmem>>
        %dma_start3A_611 = arith.constant 0 : i32
        %dma_start3A_612 = tpu.memref_slice %arg8[%sub3A_605, %dma_start3A_611] : memref<80x128xi32, #tpu.memory_space<vmem>> -> memref<1x128xi32, #tpu.memory_space<vmem>>
        %dma_start3A_613 = tpu.memref_squeeze %dma_start3A_612 : memref<1x128xi32, #tpu.memory_space<vmem>> -> memref<128xi32, #tpu.memory_space<vmem>>
        %dma_start3A_614 = arith.constant 0 : i32
        %dma_start3A_615 = arith.constant 0 : i32
        %dma_start3A_616 = tpu.memref_slice %arg20[%dma_start3A_614, %dma_start3A_615] : memref<10112x16xf32, #tpu.memory_space<vmem_shared>> -> memref<10112x16xf32, #tpu.memory_space<vmem_shared>>
        tpu.enqueue_indirect_dma source(%dma_start3A_616 : memref<10112x16xf32, #tpu.memory_space<vmem_shared>>) target(%dma_start3A_610 : memref<128x16xf32, #tpu.memory_space<vmem>>) offsets(%dma_start3A_613 : memref<128xi32, #tpu.memory_space<vmem>>) semaphore(%arg22 : memref<!tpu.dma_semaphore, #tpu.memory_space<semaphore_mem>>)
      } else {
      }
      %dma_wait3A_534 = arith.constant 2 : i32
      %dma_wait3A_535 = arith.constant 0 : i32
      %dma_wait3A_536 = arith.constant 0 : i32
      %dma_wait3A_537 = tpu.memref_slice %arg10[%dma_wait3A_534, %dma_wait3A_535, %dma_wait3A_536] : memref<4x128x16xf32, #tpu.memory_space<vmem>> -> memref<1x128x16xf32, #tpu.memory_space<vmem>>
      %dma_wait3A_538 = tpu.memref_squeeze %dma_wait3A_537 : memref<1x128x16xf32, #tpu.memory_space<vmem>> -> memref<128x16xf32, #tpu.memory_space<vmem>>
      %dma_wait3A_539 = arith.constant 0 : i32
      %dma_wait3A_540 = tpu.memref_slice %arg8[%add3A_512, %dma_wait3A_539] : memref<80x128xi32, #tpu.memory_space<vmem>> -> memref<1x128xi32, #tpu.memory_space<vmem>>
      %dma_wait3A_541 = tpu.memref_squeeze %dma_wait3A_540 : memref<1x128xi32, #tpu.memory_space<vmem>> -> memref<128xi32, #tpu.memory_space<vmem>>
      %dma_wait3A_542 = arith.constant 0 : i32
      %dma_wait3A_543 = arith.constant 0 : i32
      %dma_wait3A_544 = tpu.memref_slice %arg20[%dma_wait3A_542, %dma_wait3A_543] : memref<10112x16xf32, #tpu.memory_space<vmem_shared>> -> memref<10112x16xf32, #tpu.memory_space<vmem_shared>>
      tpu.wait_indirect_dma semaphore(%arg23 : memref<!tpu.dma_semaphore, #tpu.memory_space<semaphore_mem>>) src(%dma_wait3A_544 : memref<10112x16xf32, #tpu.memory_space<vmem_shared>>) dst(%dma_wait3A_538 : memref<128x16xf32, #tpu.memory_space<vmem>>)
      %dma_start3A_545 = arith.constant 2 : i32
      %dma_start3A_546 = arith.constant 0 : i32
      %dma_start3A_547 = arith.constant 0 : i32
      %dma_start3A_548 = tpu.memref_slice %arg10[%dma_start3A_545, %dma_start3A_546, %dma_start3A_547] : memref<4x128x16xf32, #tpu.memory_space<vmem>> -> memref<1x128x16xf32, #tpu.memory_space<vmem>>
      %dma_start3A_549 = tpu.memref_squeeze %dma_start3A_548 : memref<1x128x16xf32, #tpu.memory_space<vmem>> -> memref<128x16xf32, #tpu.memory_space<vmem>>
      %dma_start3A_550 = arith.constant 0 : i32
      %dma_start3A_551 = tpu.memref_slice %arg9[%add3A_512, %dma_start3A_550] : memref<80x128xi32, #tpu.memory_space<vmem>> -> memref<1x128xi32, #tpu.memory_space<vmem>>
      %dma_start3A_552 = tpu.memref_squeeze %dma_start3A_551 : memref<1x128xi32, #tpu.memory_space<vmem>> -> memref<128xi32, #tpu.memory_space<vmem>>
      %dma_start3A_553 = arith.constant 0 : i32
      %dma_start3A_554 = arith.constant 0 : i32
      %dma_start3A_555 = tpu.memref_slice %arg19[%dma_start3A_553, %dma_start3A_554] : memref<10112x16xf32, #tpu.memory_space<vmem_shared>> -> memref<10112x16xf32, #tpu.memory_space<vmem_shared>>
      tpu.enqueue_indirect_dma source(%dma_start3A_549 : memref<128x16xf32, #tpu.memory_space<vmem>>) target(%dma_start3A_555 : memref<10112x16xf32, #tpu.memory_space<vmem_shared>>) offsets(%dma_start3A_552 : memref<128xi32, #tpu.memory_space<vmem>>) semaphore(%arg27 : memref<!tpu.dma_semaphore, #tpu.memory_space<semaphore_mem>>) {add = true}
      %add3A_556 = arith.constant 3 : i32
      %add3A_557 = arith.addi %mul3A_423, %add3A_556 : i32
      %add3A_558 = arith.constant 4 : i32
      %add3A_559 = arith.addi %add3A_557, %add3A_558 : i32
      %sub3A_560 = arith.constant 1 : i32
      %sub3A_561 = arith.subi %add3A_559, %sub3A_560 : i32
      %lt3A_562 = arith.constant 80 : i32
      %lt3A_563 = arith.cmpi slt, %sub3A_561, %lt3A_562 : i32
      %ge3A_564 = arith.constant 1 : i32
      %ge3A_565 = arith.cmpi sge, %add3A_557, %ge3A_564 : i32
      %and3A_566 = arith.andi %lt3A_563, %ge3A_565 : i1
      %convert_element_type3A_567 = arith.extui %and3A_566 : i1 to i32
      %cond3A_568 = arith.constant 0 : i32
      %cond3A_569 = arith.cmpi ne, %convert_element_type3A_567, %cond3A_568 : i32
      scf.if %cond3A_569 {
        %sub3A_602 = arith.constant 1 : i32
        %sub3A_603 = arith.subi %add3A_557, %sub3A_602 : i32
        %dma_wait3A_604 = arith.constant 2 : i32
        %dma_wait3A_605 = arith.constant 0 : i32
        %dma_wait3A_606 = arith.constant 0 : i32
        %dma_wait3A_607 = tpu.memref_slice %arg10[%dma_wait3A_604, %dma_wait3A_605, %dma_wait3A_606] : memref<4x128x16xf32, #tpu.memory_space<vmem>> -> memref<1x128x16xf32, #tpu.memory_space<vmem>>
        %dma_wait3A_608 = tpu.memref_squeeze %dma_wait3A_607 : memref<1x128x16xf32, #tpu.memory_space<vmem>> -> memref<128x16xf32, #tpu.memory_space<vmem>>
        %dma_wait3A_609 = arith.constant 0 : i32
        %dma_wait3A_610 = tpu.memref_slice %arg9[%sub3A_603, %dma_wait3A_609] : memref<80x128xi32, #tpu.memory_space<vmem>> -> memref<1x128xi32, #tpu.memory_space<vmem>>
        %dma_wait3A_611 = tpu.memref_squeeze %dma_wait3A_610 : memref<1x128xi32, #tpu.memory_space<vmem>> -> memref<128xi32, #tpu.memory_space<vmem>>
        %dma_wait3A_612 = arith.constant 0 : i32
        %dma_wait3A_613 = arith.constant 0 : i32
        %dma_wait3A_614 = tpu.memref_slice %arg19[%dma_wait3A_612, %dma_wait3A_613] : memref<10112x16xf32, #tpu.memory_space<vmem_shared>> -> memref<10112x16xf32, #tpu.memory_space<vmem_shared>>
        tpu.wait_indirect_dma semaphore(%arg27 : memref<!tpu.dma_semaphore, #tpu.memory_space<semaphore_mem>>) src(%dma_wait3A_608 : memref<128x16xf32, #tpu.memory_space<vmem>>) dst(%dma_wait3A_614 : memref<10112x16xf32, #tpu.memory_space<vmem_shared>>)
      } else {
      }
      %add3A_570 = arith.constant 4 : i32
      %add3A_571 = arith.addi %add3A_557, %add3A_570 : i32
      %sub3A_572 = arith.constant 1 : i32
      %sub3A_573 = arith.subi %add3A_571, %sub3A_572 : i32
      %lt3A_574 = arith.constant 80 : i32
      %lt3A_575 = arith.cmpi slt, %sub3A_573, %lt3A_574 : i32
      %convert_element_type3A_576 = arith.extui %lt3A_575 : i1 to i32
      %cond3A_577 = arith.constant 0 : i32
      %cond3A_578 = arith.cmpi ne, %convert_element_type3A_576, %cond3A_577 : i32
      scf.if %cond3A_578 {
        %add3A_602 = arith.constant 4 : i32
        %add3A_603 = arith.addi %add3A_557, %add3A_602 : i32
        %sub3A_604 = arith.constant 1 : i32
        %sub3A_605 = arith.subi %add3A_603, %sub3A_604 : i32
        %dma_start3A_606 = arith.constant 2 : i32
        %dma_start3A_607 = arith.constant 0 : i32
        %dma_start3A_608 = arith.constant 0 : i32
        %dma_start3A_609 = tpu.memref_slice %arg10[%dma_start3A_606, %dma_start3A_607, %dma_start3A_608] : memref<4x128x16xf32, #tpu.memory_space<vmem>> -> memref<1x128x16xf32, #tpu.memory_space<vmem>>
        %dma_start3A_610 = tpu.memref_squeeze %dma_start3A_609 : memref<1x128x16xf32, #tpu.memory_space<vmem>> -> memref<128x16xf32, #tpu.memory_space<vmem>>
        %dma_start3A_611 = arith.constant 0 : i32
        %dma_start3A_612 = tpu.memref_slice %arg8[%sub3A_605, %dma_start3A_611] : memref<80x128xi32, #tpu.memory_space<vmem>> -> memref<1x128xi32, #tpu.memory_space<vmem>>
        %dma_start3A_613 = tpu.memref_squeeze %dma_start3A_612 : memref<1x128xi32, #tpu.memory_space<vmem>> -> memref<128xi32, #tpu.memory_space<vmem>>
        %dma_start3A_614 = arith.constant 0 : i32
        %dma_start3A_615 = arith.constant 0 : i32
        %dma_start3A_616 = tpu.memref_slice %arg20[%dma_start3A_614, %dma_start3A_615] : memref<10112x16xf32, #tpu.memory_space<vmem_shared>> -> memref<10112x16xf32, #tpu.memory_space<vmem_shared>>
        tpu.enqueue_indirect_dma source(%dma_start3A_616 : memref<10112x16xf32, #tpu.memory_space<vmem_shared>>) target(%dma_start3A_610 : memref<128x16xf32, #tpu.memory_space<vmem>>) offsets(%dma_start3A_613 : memref<128xi32, #tpu.memory_space<vmem>>) semaphore(%arg23 : memref<!tpu.dma_semaphore, #tpu.memory_space<semaphore_mem>>)
      } else {
      }
      %dma_wait3A_579 = arith.constant 3 : i32
      %dma_wait3A_580 = arith.constant 0 : i32
      %dma_wait3A_581 = arith.constant 0 : i32
      %dma_wait3A_582 = tpu.memref_slice %arg10[%dma_wait3A_579, %dma_wait3A_580, %dma_wait3A_581] : memref<4x128x16xf32, #tpu.memory_space<vmem>> -> memref<1x128x16xf32, #tpu.memory_space<vmem>>
      %dma_wait3A_583 = tpu.memref_squeeze %dma_wait3A_582 : memref<1x128x16xf32, #tpu.memory_space<vmem>> -> memref<128x16xf32, #tpu.memory_space<vmem>>
      %dma_wait3A_584 = arith.constant 0 : i32
      %dma_wait3A_585 = tpu.memref_slice %arg8[%add3A_557, %dma_wait3A_584] : memref<80x128xi32, #tpu.memory_space<vmem>> -> memref<1x128xi32, #tpu.memory_space<vmem>>
      %dma_wait3A_586 = tpu.memref_squeeze %dma_wait3A_585 : memref<1x128xi32, #tpu.memory_space<vmem>> -> memref<128xi32, #tpu.memory_space<vmem>>
      %dma_wait3A_587 = arith.constant 0 : i32
      %dma_wait3A_588 = arith.constant 0 : i32
      %dma_wait3A_589 = tpu.memref_slice %arg20[%dma_wait3A_587, %dma_wait3A_588] : memref<10112x16xf32, #tpu.memory_space<vmem_shared>> -> memref<10112x16xf32, #tpu.memory_space<vmem_shared>>
      tpu.wait_indirect_dma semaphore(%arg24 : memref<!tpu.dma_semaphore, #tpu.memory_space<semaphore_mem>>) src(%dma_wait3A_589 : memref<10112x16xf32, #tpu.memory_space<vmem_shared>>) dst(%dma_wait3A_583 : memref<128x16xf32, #tpu.memory_space<vmem>>)
      %dma_start3A_590 = arith.constant 3 : i32
      %dma_start3A_591 = arith.constant 0 : i32
      %dma_start3A_592 = arith.constant 0 : i32
      %dma_start3A_593 = tpu.memref_slice %arg10[%dma_start3A_590, %dma_start3A_591, %dma_start3A_592] : memref<4x128x16xf32, #tpu.memory_space<vmem>> -> memref<1x128x16xf32, #tpu.memory_space<vmem>>
      %dma_start3A_594 = tpu.memref_squeeze %dma_start3A_593 : memref<1x128x16xf32, #tpu.memory_space<vmem>> -> memref<128x16xf32, #tpu.memory_space<vmem>>
      %dma_start3A_595 = arith.constant 0 : i32
      %dma_start3A_596 = tpu.memref_slice %arg9[%add3A_557, %dma_start3A_595] : memref<80x128xi32, #tpu.memory_space<vmem>> -> memref<1x128xi32, #tpu.memory_space<vmem>>
      %dma_start3A_597 = tpu.memref_squeeze %dma_start3A_596 : memref<1x128xi32, #tpu.memory_space<vmem>> -> memref<128xi32, #tpu.memory_space<vmem>>
      %dma_start3A_598 = arith.constant 0 : i32
      %dma_start3A_599 = arith.constant 0 : i32
      %dma_start3A_600 = tpu.memref_slice %arg19[%dma_start3A_598, %dma_start3A_599] : memref<10112x16xf32, #tpu.memory_space<vmem_shared>> -> memref<10112x16xf32, #tpu.memory_space<vmem_shared>>
      tpu.enqueue_indirect_dma source(%dma_start3A_594 : memref<128x16xf32, #tpu.memory_space<vmem>>) target(%dma_start3A_600 : memref<10112x16xf32, #tpu.memory_space<vmem_shared>>) offsets(%dma_start3A_597 : memref<128xi32, #tpu.memory_space<vmem>>) semaphore(%arg28 : memref<!tpu.dma_semaphore, #tpu.memory_space<semaphore_mem>>) {add = true}
      %scan3A_601 = arith.constant 0 : i32
      scf.yield %scan3A_601 : i32
    }
    %scan3A_361 = arith.constant 20 : i32
    %dma_wait3A = arith.constant 0 : i32
    %dma_wait3A_362 = arith.constant 76 : i32
    %dma_wait3A_363 = arith.constant 0 : i32
    %dma_wait3A_364 = arith.constant 0 : i32
    %dma_wait3A_365 = tpu.memref_slice %arg10[%dma_wait3A, %dma_wait3A_363, %dma_wait3A_364] : memref<4x128x16xf32, #tpu.memory_space<vmem>> -> memref<1x128x16xf32, #tpu.memory_space<vmem>>
    %dma_wait3A_366 = tpu.memref_squeeze %dma_wait3A_365 : memref<1x128x16xf32, #tpu.memory_space<vmem>> -> memref<128x16xf32, #tpu.memory_space<vmem>>
    %dma_wait3A_367 = arith.constant 0 : i32
    %dma_wait3A_368 = tpu.memref_slice %arg9[%dma_wait3A_362, %dma_wait3A_367] : memref<80x128xi32, #tpu.memory_space<vmem>> -> memref<1x128xi32, #tpu.memory_space<vmem>>
    %dma_wait3A_369 = tpu.memref_squeeze %dma_wait3A_368 : memref<1x128xi32, #tpu.memory_space<vmem>> -> memref<128xi32, #tpu.memory_space<vmem>>
    %dma_wait3A_370 = arith.constant 0 : i32
    %dma_wait3A_371 = arith.constant 0 : i32
    %dma_wait3A_372 = tpu.memref_slice %arg19[%dma_wait3A_370, %dma_wait3A_371] : memref<10112x16xf32, #tpu.memory_space<vmem_shared>> -> memref<10112x16xf32, #tpu.memory_space<vmem_shared>>
    tpu.wait_indirect_dma semaphore(%arg25 : memref<!tpu.dma_semaphore, #tpu.memory_space<semaphore_mem>>) src(%dma_wait3A_366 : memref<128x16xf32, #tpu.memory_space<vmem>>) dst(%dma_wait3A_372 : memref<10112x16xf32, #tpu.memory_space<vmem_shared>>)
    %dma_wait3A_373 = arith.constant 1 : i32
    %dma_wait3A_374 = arith.constant 77 : i32
    %dma_wait3A_375 = arith.constant 0 : i32
    %dma_wait3A_376 = arith.constant 0 : i32
    %dma_wait3A_377 = tpu.memref_slice %arg10[%dma_wait3A_373, %dma_wait3A_375, %dma_wait3A_376] : memref<4x128x16xf32, #tpu.memory_space<vmem>> -> memref<1x128x16xf32, #tpu.memory_space<vmem>>
    %dma_wait3A_378 = tpu.memref_squeeze %dma_wait3A_377 : memref<1x128x16xf32, #tpu.memory_space<vmem>> -> memref<128x16xf32, #tpu.memory_space<vmem>>
    %dma_wait3A_379 = arith.constant 0 : i32
    %dma_wait3A_380 = tpu.memref_slice %arg9[%dma_wait3A_374, %dma_wait3A_379] : memref<80x128xi32, #tpu.memory_space<vmem>> -> memref<1x128xi32, #tpu.memory_space<vmem>>
    %dma_wait3A_381 = tpu.memref_squeeze %dma_wait3A_380 : memref<1x128xi32, #tpu.memory_space<vmem>> -> memref<128xi32, #tpu.memory_space<vmem>>
    %dma_wait3A_382 = arith.constant 0 : i32
    %dma_wait3A_383 = arith.constant 0 : i32
    %dma_wait3A_384 = tpu.memref_slice %arg19[%dma_wait3A_382, %dma_wait3A_383] : memref<10112x16xf32, #tpu.memory_space<vmem_shared>> -> memref<10112x16xf32, #tpu.memory_space<vmem_shared>>
    tpu.wait_indirect_dma semaphore(%arg26 : memref<!tpu.dma_semaphore, #tpu.memory_space<semaphore_mem>>) src(%dma_wait3A_378 : memref<128x16xf32, #tpu.memory_space<vmem>>) dst(%dma_wait3A_384 : memref<10112x16xf32, #tpu.memory_space<vmem_shared>>)
    %dma_wait3A_385 = arith.constant 2 : i32
    %dma_wait3A_386 = arith.constant 78 : i32
    %dma_wait3A_387 = arith.constant 0 : i32
    %dma_wait3A_388 = arith.constant 0 : i32
    %dma_wait3A_389 = tpu.memref_slice %arg10[%dma_wait3A_385, %dma_wait3A_387, %dma_wait3A_388] : memref<4x128x16xf32, #tpu.memory_space<vmem>> -> memref<1x128x16xf32, #tpu.memory_space<vmem>>
    %dma_wait3A_390 = tpu.memref_squeeze %dma_wait3A_389 : memref<1x128x16xf32, #tpu.memory_space<vmem>> -> memref<128x16xf32, #tpu.memory_space<vmem>>
    %dma_wait3A_391 = arith.constant 0 : i32
    %dma_wait3A_392 = tpu.memref_slice %arg9[%dma_wait3A_386, %dma_wait3A_391] : memref<80x128xi32, #tpu.memory_space<vmem>> -> memref<1x128xi32, #tpu.memory_space<vmem>>
    %dma_wait3A_393 = tpu.memref_squeeze %dma_wait3A_392 : memref<1x128xi32, #tpu.memory_space<vmem>> -> memref<128xi32, #tpu.memory_space<vmem>>
    %dma_wait3A_394 = arith.constant 0 : i32
    %dma_wait3A_395 = arith.constant 0 : i32
    %dma_wait3A_396 = tpu.memref_slice %arg19[%dma_wait3A_394, %dma_wait3A_395] : memref<10112x16xf32, #tpu.memory_space<vmem_shared>> -> memref<10112x16xf32, #tpu.memory_space<vmem_shared>>
    tpu.wait_indirect_dma semaphore(%arg27 : memref<!tpu.dma_semaphore, #tpu.memory_space<semaphore_mem>>) src(%dma_wait3A_390 : memref<128x16xf32, #tpu.memory_space<vmem>>) dst(%dma_wait3A_396 : memref<10112x16xf32, #tpu.memory_space<vmem_shared>>)
    %dma_wait3A_397 = arith.constant 3 : i32
    %dma_wait3A_398 = arith.constant 79 : i32
    %dma_wait3A_399 = arith.constant 0 : i32
    %dma_wait3A_400 = arith.constant 0 : i32
    %dma_wait3A_401 = tpu.memref_slice %arg10[%dma_wait3A_397, %dma_wait3A_399, %dma_wait3A_400] : memref<4x128x16xf32, #tpu.memory_space<vmem>> -> memref<1x128x16xf32, #tpu.memory_space<vmem>>
    %dma_wait3A_402 = tpu.memref_squeeze %dma_wait3A_401 : memref<1x128x16xf32, #tpu.memory_space<vmem>> -> memref<128x16xf32, #tpu.memory_space<vmem>>
    %dma_wait3A_403 = arith.constant 0 : i32
    %dma_wait3A_404 = tpu.memref_slice %arg9[%dma_wait3A_398, %dma_wait3A_403] : memref<80x128xi32, #tpu.memory_space<vmem>> -> memref<1x128xi32, #tpu.memory_space<vmem>>
    %dma_wait3A_405 = tpu.memref_squeeze %dma_wait3A_404 : memref<1x128xi32, #tpu.memory_space<vmem>> -> memref<128xi32, #tpu.memory_space<vmem>>
    %dma_wait3A_406 = arith.constant 0 : i32
    %dma_wait3A_407 = arith.constant 0 : i32
    %dma_wait3A_408 = tpu.memref_slice %arg19[%dma_wait3A_406, %dma_wait3A_407] : memref<10112x16xf32, #tpu.memory_space<vmem_shared>> -> memref<10112x16xf32, #tpu.memory_space<vmem_shared>>
    tpu.wait_indirect_dma semaphore(%arg28 : memref<!tpu.dma_semaphore, #tpu.memory_space<semaphore_mem>>) src(%dma_wait3A_402 : memref<128x16xf32, #tpu.memory_space<vmem>>) dst(%dma_wait3A_408 : memref<10112x16xf32, #tpu.memory_space<vmem_shared>>)
    %barrier3A_409 = arith.constant 0 : index
    tpu.barrier barrier_id(%barrier3A_409)
    %eq3A_410 = arith.constant 0 : i32
    %eq3A_411 = arith.cmpi eq, %arg0, %eq3A_410 : i32
    %convert_element_type3A_412 = arith.extui %eq3A_411 : i1 to i32
    %cond3A_413 = arith.constant 0 : i32
    %cond3A_414 = arith.cmpi ne, %convert_element_type3A_412, %cond3A_413 : i32
    scf.if %cond3A_414 {
      "tpu.region"() ({
        %run_scoped3A_420 = tpu.sem_alloc : memref<!tpu.dma_semaphore, #tpu.memory_space<semaphore_mem>>
        %dma_start3A_421 = arith.constant 0 : i32
        %dma_start3A_422 = tpu.memref_slice %arg7[%mul3A_2, %dma_start3A_421] : memref<10112x128xf32, #tpu.memory_space<hbm>> -> memref<632x16xf32, #tpu.memory_space<hbm>>
        %dma_start3A_423 = arith.constant 0 : i32
        %dma_start3A_424 = tpu.memref_slice %arg19[%mul3A_2, %dma_start3A_423] : memref<10112x16xf32, #tpu.memory_space<vmem_shared>> -> memref<632x16xf32, #tpu.memory_space<vmem_shared>>
        tpu.enqueue_dma source(%dma_start3A_424 : memref<632x16xf32, #tpu.memory_space<vmem_shared>>) target(%dma_start3A_422 : memref<632x16xf32, #tpu.memory_space<hbm>>) target_semaphore(%run_scoped3A_420 : memref<!tpu.dma_semaphore, #tpu.memory_space<semaphore_mem>>)
        %dma_wait3A_425 = arith.constant 0 : i32
        %dma_wait3A_426 = tpu.memref_slice %arg7[%mul3A_2, %dma_wait3A_425] : memref<10112x128xf32, #tpu.memory_space<hbm>> -> memref<632x16xf32, #tpu.memory_space<hbm>>
        %dma_wait3A_427 = arith.constant 0 : i32
        %dma_wait3A_428 = tpu.memref_slice %arg19[%mul3A_2, %dma_wait3A_427] : memref<10112x16xf32, #tpu.memory_space<vmem_shared>> -> memref<632x16xf32, #tpu.memory_space<vmem_shared>>
        tpu.wait_dma2 semaphore(%run_scoped3A_420 : memref<!tpu.dma_semaphore, #tpu.memory_space<semaphore_mem>>) src(%dma_wait3A_428 : memref<632x16xf32, #tpu.memory_space<vmem_shared>>) dst(%dma_wait3A_426 : memref<632x16xf32, #tpu.memory_space<hbm>>)
        tpu.yield
      }) : () -> ()
    } else {
    }
    %eq3A_415 = arith.constant 1 : i32
    %eq3A_416 = arith.cmpi eq, %arg0, %eq3A_415 : i32
    %convert_element_type3A_417 = arith.extui %eq3A_416 : i1 to i32
    %cond3A_418 = arith.constant 0 : i32
    %cond3A_419 = arith.cmpi ne, %convert_element_type3A_417, %cond3A_418 : i32
    scf.if %cond3A_419 {
      "tpu.region"() ({
        %run_scoped3A_420 = tpu.sem_alloc : memref<!tpu.dma_semaphore, #tpu.memory_space<semaphore_mem>>
        %dma_start3A_421 = arith.constant 16 : i32
        %dma_start3A_422 = tpu.memref_slice %arg7[%mul3A_2, %dma_start3A_421] : memref<10112x128xf32, #tpu.memory_space<hbm>> -> memref<632x16xf32, #tpu.memory_space<hbm>>
        %dma_start3A_423 = arith.constant 0 : i32
        %dma_start3A_424 = tpu.memref_slice %arg19[%mul3A_2, %dma_start3A_423] : memref<10112x16xf32, #tpu.memory_space<vmem_shared>> -> memref<632x16xf32, #tpu.memory_space<vmem_shared>>
        tpu.enqueue_dma source(%dma_start3A_424 : memref<632x16xf32, #tpu.memory_space<vmem_shared>>) target(%dma_start3A_422 : memref<632x16xf32, #tpu.memory_space<hbm>>) target_semaphore(%run_scoped3A_420 : memref<!tpu.dma_semaphore, #tpu.memory_space<semaphore_mem>>)
        %dma_wait3A_425 = arith.constant 16 : i32
        %dma_wait3A_426 = tpu.memref_slice %arg7[%mul3A_2, %dma_wait3A_425] : memref<10112x128xf32, #tpu.memory_space<hbm>> -> memref<632x16xf32, #tpu.memory_space<hbm>>
        %dma_wait3A_427 = arith.constant 0 : i32
        %dma_wait3A_428 = tpu.memref_slice %arg19[%mul3A_2, %dma_wait3A_427] : memref<10112x16xf32, #tpu.memory_space<vmem_shared>> -> memref<632x16xf32, #tpu.memory_space<vmem_shared>>
        tpu.wait_dma2 semaphore(%run_scoped3A_420 : memref<!tpu.dma_semaphore, #tpu.memory_space<semaphore_mem>>) src(%dma_wait3A_428 : memref<632x16xf32, #tpu.memory_space<vmem_shared>>) dst(%dma_wait3A_426 : memref<632x16xf32, #tpu.memory_space<hbm>>)
        tpu.yield
      }) : () -> ()
    } else {
    }
    return
  }
}

#map = affine_map<(d0, d1) -> (0, 0)>
#map1 = affine_map<(d0, d1) -> (0, 0, 0)>
module attributes {stable_mosaic.version = 14 : i64} {
  func.func @_sc_count(%arg0: i32, %arg1: i32, %arg2: memref<2560x128xi32, #tpu.memory_space<hbm>>, %arg3: memref<2x10112x16xf32, #tpu.memory_space<hbm>>, %arg4: memref<80x128xi32, #tpu.memory_space<vmem>>, %arg5: memref<128x16xf32, #tpu.memory_space<vmem>>, %arg6: memref<632x16xf32, #tpu.memory_space<vmem>>, %arg7: memref<10112x16xf32, #tpu.memory_space<vmem_shared>>, %arg8: memref<!tpu.dma_semaphore, #tpu.memory_space<semaphore_mem>>, %arg9: memref<!tpu.dma_semaphore, #tpu.memory_space<semaphore_mem>>, %arg10: memref<!tpu.dma_semaphore, #tpu.memory_space<semaphore_mem>>, %arg11: memref<!tpu.dma_semaphore, #tpu.memory_space<semaphore_mem>>) attributes {dimension_semantics = [#tpu.dimension_semantics<core_parallel>, #tpu.dimension_semantics<subcore_parallel>], iteration_bounds = array<i64: 2, 16>, scalar_prefetch = 0 : i64, scratch_operands = 8 : i64, tpu.core_type = #tpu.core_type<sc_vector_subcore>, window_params = [{transform_indices = #map}, {transform_indices = #map1}]} {
    %mul3A = arith.constant 16 : i32
    %mul3A_0 = arith.muli %arg0, %mul3A : i32
    %add3A = arith.addi %mul3A_0, %arg1 : i32
    %mul3A_1 = arith.constant 632 : i32
    %mul3A_2 = arith.muli %arg1, %mul3A_1 : i32
    %mul3A_3 = arith.constant 80 : i32
    %mul3A_4 = arith.muli %add3A, %mul3A_3 : i32
    "tpu.region"() ({
      %run_scoped3A = tpu.sem_alloc : memref<!tpu.dma_semaphore, #tpu.memory_space<semaphore_mem>>
      %dma_start3A = arith.constant 0 : i32
      %dma_start3A_44 = tpu.memref_slice %arg2[%mul3A_4, %dma_start3A] : memref<2560x128xi32, #tpu.memory_space<hbm>> -> memref<80x128xi32, #tpu.memory_space<hbm>>
      %dma_start3A_45 = arith.constant 0 : i32
      %dma_start3A_46 = tpu.memref_slice %arg2[%mul3A_4, %dma_start3A_45] : memref<2560x128xi32, #tpu.memory_space<hbm>> -> memref<80x128xi32, #tpu.memory_space<hbm>>
      tpu.enqueue_dma source(%dma_start3A_46 : memref<80x128xi32, #tpu.memory_space<hbm>>) target(%arg4 : memref<80x128xi32, #tpu.memory_space<vmem>>) target_semaphore(%run_scoped3A : memref<!tpu.dma_semaphore, #tpu.memory_space<semaphore_mem>>)
      %dma_wait3A_47 = arith.constant 0 : i32
      %dma_wait3A_48 = tpu.memref_slice %arg2[%mul3A_4, %dma_wait3A_47] : memref<2560x128xi32, #tpu.memory_space<hbm>> -> memref<80x128xi32, #tpu.memory_space<hbm>>
      %dma_wait3A_49 = arith.constant 0 : i32
      %dma_wait3A_50 = tpu.memref_slice %arg2[%mul3A_4, %dma_wait3A_49] : memref<2560x128xi32, #tpu.memory_space<hbm>> -> memref<80x128xi32, #tpu.memory_space<hbm>>
      tpu.wait_dma2 semaphore(%run_scoped3A : memref<!tpu.dma_semaphore, #tpu.memory_space<semaphore_mem>>) src(%dma_wait3A_50 : memref<80x128xi32, #tpu.memory_space<hbm>>) dst(%arg4 : memref<80x128xi32, #tpu.memory_space<vmem>>)
      tpu.yield
    }) : () -> ()
    %parallel_loop3A = arith.constant 0 : i32
    %parallel_loop3A_5 = arith.constant 128 : i32
    %parallel_loop3A_6 = arith.constant 1 : i32
    scf.for %parallel_loop3A_44 = %parallel_loop3A to %parallel_loop3A_5 step %parallel_loop3A_6  : i32 {
      %parallel_loop3A_45 = arith.constant 1.000000e+00 : f32
      %parallel_loop3A_46 = vector.broadcast %parallel_loop3A_45 : f32 to vector<16xf32>
      %parallel_loop3A_47 = arith.index_cast %parallel_loop3A_44 : i32 to index
      %parallel_loop3A_48 = arith.constant 0 : index
      %parallel_loop3A_49 = tpu.vector_load %arg5[%parallel_loop3A_47, %parallel_loop3A_48] {strides = array<i32>} : memref<128x16xf32, #tpu.memory_space<vmem>>, vector<16xf32>,
      tpu.vector_store %arg5[%parallel_loop3A_47, %parallel_loop3A_48], %parallel_loop3A_46 {strides = array<i32>} : memref<128x16xf32, #tpu.memory_space<vmem>>, vector<16xf32>,
    } {sc.loop_unroll_factor = 8 : i64, sc.parallel_access}
    %parallel_loop3A_7 = arith.constant 0 : i32
    %parallel_loop3A_8 = arith.constant 632 : i32
    %parallel_loop3A_9 = arith.constant 1 : i32
    scf.for %parallel_loop3A_44 = %parallel_loop3A_7 to %parallel_loop3A_8 step %parallel_loop3A_9  : i32 {
      %parallel_loop3A_45 = arith.constant 0.000000e+00 : f32
      %parallel_loop3A_46 = vector.broadcast %parallel_loop3A_45 : f32 to vector<16xf32>
      %parallel_loop3A_47 = arith.index_cast %parallel_loop3A_44 : i32 to index
      %parallel_loop3A_48 = arith.constant 0 : index
      %parallel_loop3A_49 = tpu.vector_load %arg6[%parallel_loop3A_47, %parallel_loop3A_48] {strides = array<i32>} : memref<632x16xf32, #tpu.memory_space<vmem>>, vector<16xf32>,
      tpu.vector_store %arg6[%parallel_loop3A_47, %parallel_loop3A_48], %parallel_loop3A_46 {strides = array<i32>} : memref<632x16xf32, #tpu.memory_space<vmem>>, vector<16xf32>,
    } {sc.loop_unroll_factor = 8 : i64, sc.parallel_access}
    "tpu.region"() ({
      %run_scoped3A = tpu.sem_alloc : memref<!tpu.dma_semaphore, #tpu.memory_space<semaphore_mem>>
      %dma_start3A = arith.constant 0 : i32
      %dma_start3A_44 = tpu.memref_slice %arg7[%mul3A_2, %dma_start3A] : memref<10112x16xf32, #tpu.memory_space<vmem_shared>> -> memref<632x16xf32, #tpu.memory_space<vmem_shared>>
      %dma_start3A_45 = arith.constant 0 : i32
      %dma_start3A_46 = tpu.memref_slice %arg7[%mul3A_2, %dma_start3A_45] : memref<10112x16xf32, #tpu.memory_space<vmem_shared>> -> memref<632x16xf32, #tpu.memory_space<vmem_shared>>
      tpu.enqueue_dma source(%arg6 : memref<632x16xf32, #tpu.memory_space<vmem>>) target(%dma_start3A_46 : memref<632x16xf32, #tpu.memory_space<vmem_shared>>) target_semaphore(%run_scoped3A : memref<!tpu.dma_semaphore, #tpu.memory_space<semaphore_mem>>)
      %dma_wait3A_47 = arith.constant 0 : i32
      %dma_wait3A_48 = tpu.memref_slice %arg7[%mul3A_2, %dma_wait3A_47] : memref<10112x16xf32, #tpu.memory_space<vmem_shared>> -> memref<632x16xf32, #tpu.memory_space<vmem_shared>>
      %dma_wait3A_49 = arith.constant 0 : i32
      %dma_wait3A_50 = tpu.memref_slice %arg7[%mul3A_2, %dma_wait3A_49] : memref<10112x16xf32, #tpu.memory_space<vmem_shared>> -> memref<632x16xf32, #tpu.memory_space<vmem_shared>>
      tpu.wait_dma2 semaphore(%run_scoped3A : memref<!tpu.dma_semaphore, #tpu.memory_space<semaphore_mem>>) src(%arg6 : memref<632x16xf32, #tpu.memory_space<vmem>>) dst(%dma_wait3A_50 : memref<632x16xf32, #tpu.memory_space<vmem_shared>>)
      tpu.yield
    }) : () -> ()
    %barrier3A = arith.constant 0 : index
    tpu.barrier barrier_id(%barrier3A)
    %scan3A = arith.constant 0 : i32
    %scan3A_10 = arith.constant 0 : i32
    %scan3A_11 = arith.constant 20 : i32
    %scan3A_12 = arith.addi %scan3A_10, %scan3A_11 : i32
    %scan3A_13 = arith.constant 1 : i32
    %scan3A_14 = scf.for %scan3A_44 = %scan3A_10 to %scan3A_12 step %scan3A_13 iter_args(%scan3A_45 = %scan3A) -> (i32)  : i32 {
      %mul3A_46 = arith.constant 4 : i32
      %mul3A_47 = arith.muli %scan3A_44, %mul3A_46 : i32
      %add3A_48 = arith.constant 0 : i32
      %add3A_49 = arith.addi %mul3A_47, %add3A_48 : i32
      %ge3A = arith.constant 4 : i32
      %ge3A_50 = arith.cmpi sge, %add3A_49, %ge3A : i32
      %convert_element_type3A = arith.extui %ge3A_50 : i1 to i32
      %cond3A = arith.constant 0 : i32
      %cond3A_51 = arith.cmpi ne, %convert_element_type3A, %cond3A : i32
      scf.if %cond3A_51 {
        %dma_wait3A_97 = arith.constant 0 : i32
        %dma_wait3A_98 = tpu.memref_slice %arg4[%add3A_49, %dma_wait3A_97] : memref<80x128xi32, #tpu.memory_space<vmem>> -> memref<1x128xi32, #tpu.memory_space<vmem>>
        %dma_wait3A_99 = tpu.memref_squeeze %dma_wait3A_98 : memref<1x128xi32, #tpu.memory_space<vmem>> -> memref<128xi32, #tpu.memory_space<vmem>>
        %dma_wait3A_100 = arith.constant 0 : i32
        %dma_wait3A_101 = arith.constant 0 : i32
        %dma_wait3A_102 = tpu.memref_slice %arg7[%dma_wait3A_100, %dma_wait3A_101] : memref<10112x16xf32, #tpu.memory_space<vmem_shared>> -> memref<10112x16xf32, #tpu.memory_space<vmem_shared>>
        tpu.wait_indirect_dma semaphore(%arg8 : memref<!tpu.dma_semaphore, #tpu.memory_space<semaphore_mem>>) src(%arg5 : memref<128x16xf32, #tpu.memory_space<vmem>>) dst(%dma_wait3A_102 : memref<10112x16xf32, #tpu.memory_space<vmem_shared>>)
      } else {
      }
      %dma_start3A = arith.constant 0 : i32
      %dma_start3A_52 = tpu.memref_slice %arg4[%add3A_49, %dma_start3A] : memref<80x128xi32, #tpu.memory_space<vmem>> -> memref<1x128xi32, #tpu.memory_space<vmem>>
      %dma_start3A_53 = tpu.memref_squeeze %dma_start3A_52 : memref<1x128xi32, #tpu.memory_space<vmem>> -> memref<128xi32, #tpu.memory_space<vmem>>
      %dma_start3A_54 = arith.constant 0 : i32
      %dma_start3A_55 = arith.constant 0 : i32
      %dma_start3A_56 = tpu.memref_slice %arg7[%dma_start3A_54, %dma_start3A_55] : memref<10112x16xf32, #tpu.memory_space<vmem_shared>> -> memref<10112x16xf32, #tpu.memory_space<vmem_shared>>
      tpu.enqueue_indirect_dma source(%arg5 : memref<128x16xf32, #tpu.memory_space<vmem>>) target(%dma_start3A_56 : memref<10112x16xf32, #tpu.memory_space<vmem_shared>>) offsets(%dma_start3A_53 : memref<128xi32, #tpu.memory_space<vmem>>) semaphore(%arg8 : memref<!tpu.dma_semaphore, #tpu.memory_space<semaphore_mem>>) {add = true}
      %add3A_57 = arith.constant 1 : i32
      %add3A_58 = arith.addi %mul3A_47, %add3A_57 : i32
      %ge3A_59 = arith.constant 4 : i32
      %ge3A_60 = arith.cmpi sge, %add3A_58, %ge3A_59 : i32
      %convert_element_type3A_61 = arith.extui %ge3A_60 : i1 to i32
      %cond3A_62 = arith.constant 0 : i32
      %cond3A_63 = arith.cmpi ne, %convert_element_type3A_61, %cond3A_62 : i32
      scf.if %cond3A_63 {
        %dma_wait3A_97 = arith.constant 0 : i32
        %dma_wait3A_98 = tpu.memref_slice %arg4[%add3A_58, %dma_wait3A_97] : memref<80x128xi32, #tpu.memory_space<vmem>> -> memref<1x128xi32, #tpu.memory_space<vmem>>
        %dma_wait3A_99 = tpu.memref_squeeze %dma_wait3A_98 : memref<1x128xi32, #tpu.memory_space<vmem>> -> memref<128xi32, #tpu.memory_space<vmem>>
        %dma_wait3A_100 = arith.constant 0 : i32
        %dma_wait3A_101 = arith.constant 0 : i32
        %dma_wait3A_102 = tpu.memref_slice %arg7[%dma_wait3A_100, %dma_wait3A_101] : memref<10112x16xf32, #tpu.memory_space<vmem_shared>> -> memref<10112x16xf32, #tpu.memory_space<vmem_shared>>
        tpu.wait_indirect_dma semaphore(%arg9 : memref<!tpu.dma_semaphore, #tpu.memory_space<semaphore_mem>>) src(%arg5 : memref<128x16xf32, #tpu.memory_space<vmem>>) dst(%dma_wait3A_102 : memref<10112x16xf32, #tpu.memory_space<vmem_shared>>)
      } else {
      }
      %dma_start3A_64 = arith.constant 0 : i32
      %dma_start3A_65 = tpu.memref_slice %arg4[%add3A_58, %dma_start3A_64] : memref<80x128xi32, #tpu.memory_space<vmem>> -> memref<1x128xi32, #tpu.memory_space<vmem>>
      %dma_start3A_66 = tpu.memref_squeeze %dma_start3A_65 : memref<1x128xi32, #tpu.memory_space<vmem>> -> memref<128xi32, #tpu.memory_space<vmem>>
      %dma_start3A_67 = arith.constant 0 : i32
      %dma_start3A_68 = arith.constant 0 : i32
      %dma_start3A_69 = tpu.memref_slice %arg7[%dma_start3A_67, %dma_start3A_68] : memref<10112x16xf32, #tpu.memory_space<vmem_shared>> -> memref<10112x16xf32, #tpu.memory_space<vmem_shared>>
      tpu.enqueue_indirect_dma source(%arg5 : memref<128x16xf32, #tpu.memory_space<vmem>>) target(%dma_start3A_69 : memref<10112x16xf32, #tpu.memory_space<vmem_shared>>) offsets(%dma_start3A_66 : memref<128xi32, #tpu.memory_space<vmem>>) semaphore(%arg9 : memref<!tpu.dma_semaphore, #tpu.memory_space<semaphore_mem>>) {add = true}
      %add3A_70 = arith.constant 2 : i32
      %add3A_71 = arith.addi %mul3A_47, %add3A_70 : i32
      %ge3A_72 = arith.constant 4 : i32
      %ge3A_73 = arith.cmpi sge, %add3A_71, %ge3A_72 : i32
      %convert_element_type3A_74 = arith.extui %ge3A_73 : i1 to i32
      %cond3A_75 = arith.constant 0 : i32
      %cond3A_76 = arith.cmpi ne, %convert_element_type3A_74, %cond3A_75 : i32
      scf.if %cond3A_76 {
        %dma_wait3A_97 = arith.constant 0 : i32
        %dma_wait3A_98 = tpu.memref_slice %arg4[%add3A_71, %dma_wait3A_97] : memref<80x128xi32, #tpu.memory_space<vmem>> -> memref<1x128xi32, #tpu.memory_space<vmem>>
        %dma_wait3A_99 = tpu.memref_squeeze %dma_wait3A_98 : memref<1x128xi32, #tpu.memory_space<vmem>> -> memref<128xi32, #tpu.memory_space<vmem>>
        %dma_wait3A_100 = arith.constant 0 : i32
        %dma_wait3A_101 = arith.constant 0 : i32
        %dma_wait3A_102 = tpu.memref_slice %arg7[%dma_wait3A_100, %dma_wait3A_101] : memref<10112x16xf32, #tpu.memory_space<vmem_shared>> -> memref<10112x16xf32, #tpu.memory_space<vmem_shared>>
        tpu.wait_indirect_dma semaphore(%arg10 : memref<!tpu.dma_semaphore, #tpu.memory_space<semaphore_mem>>) src(%arg5 : memref<128x16xf32, #tpu.memory_space<vmem>>) dst(%dma_wait3A_102 : memref<10112x16xf32, #tpu.memory_space<vmem_shared>>)
      } else {
      }
      %dma_start3A_77 = arith.constant 0 : i32
      %dma_start3A_78 = tpu.memref_slice %arg4[%add3A_71, %dma_start3A_77] : memref<80x128xi32, #tpu.memory_space<vmem>> -> memref<1x128xi32, #tpu.memory_space<vmem>>
      %dma_start3A_79 = tpu.memref_squeeze %dma_start3A_78 : memref<1x128xi32, #tpu.memory_space<vmem>> -> memref<128xi32, #tpu.memory_space<vmem>>
      %dma_start3A_80 = arith.constant 0 : i32
      %dma_start3A_81 = arith.constant 0 : i32
      %dma_start3A_82 = tpu.memref_slice %arg7[%dma_start3A_80, %dma_start3A_81] : memref<10112x16xf32, #tpu.memory_space<vmem_shared>> -> memref<10112x16xf32, #tpu.memory_space<vmem_shared>>
      tpu.enqueue_indirect_dma source(%arg5 : memref<128x16xf32, #tpu.memory_space<vmem>>) target(%dma_start3A_82 : memref<10112x16xf32, #tpu.memory_space<vmem_shared>>) offsets(%dma_start3A_79 : memref<128xi32, #tpu.memory_space<vmem>>) semaphore(%arg10 : memref<!tpu.dma_semaphore, #tpu.memory_space<semaphore_mem>>) {add = true}
      %add3A_83 = arith.constant 3 : i32
      %add3A_84 = arith.addi %mul3A_47, %add3A_83 : i32
      %ge3A_85 = arith.constant 4 : i32
      %ge3A_86 = arith.cmpi sge, %add3A_84, %ge3A_85 : i32
      %convert_element_type3A_87 = arith.extui %ge3A_86 : i1 to i32
      %cond3A_88 = arith.constant 0 : i32
      %cond3A_89 = arith.cmpi ne, %convert_element_type3A_87, %cond3A_88 : i32
      scf.if %cond3A_89 {
        %dma_wait3A_97 = arith.constant 0 : i32
        %dma_wait3A_98 = tpu.memref_slice %arg4[%add3A_84, %dma_wait3A_97] : memref<80x128xi32, #tpu.memory_space<vmem>> -> memref<1x128xi32, #tpu.memory_space<vmem>>
        %dma_wait3A_99 = tpu.memref_squeeze %dma_wait3A_98 : memref<1x128xi32, #tpu.memory_space<vmem>> -> memref<128xi32, #tpu.memory_space<vmem>>
        %dma_wait3A_100 = arith.constant 0 : i32
        %dma_wait3A_101 = arith.constant 0 : i32
        %dma_wait3A_102 = tpu.memref_slice %arg7[%dma_wait3A_100, %dma_wait3A_101] : memref<10112x16xf32, #tpu.memory_space<vmem_shared>> -> memref<10112x16xf32, #tpu.memory_space<vmem_shared>>
        tpu.wait_indirect_dma semaphore(%arg11 : memref<!tpu.dma_semaphore, #tpu.memory_space<semaphore_mem>>) src(%arg5 : memref<128x16xf32, #tpu.memory_space<vmem>>) dst(%dma_wait3A_102 : memref<10112x16xf32, #tpu.memory_space<vmem_shared>>)
      } else {
      }
      %dma_start3A_90 = arith.constant 0 : i32
      %dma_start3A_91 = tpu.memref_slice %arg4[%add3A_84, %dma_start3A_90] : memref<80x128xi32, #tpu.memory_space<vmem>> -> memref<1x128xi32, #tpu.memory_space<vmem>>
      %dma_start3A_92 = tpu.memref_squeeze %dma_start3A_91 : memref<1x128xi32, #tpu.memory_space<vmem>> -> memref<128xi32, #tpu.memory_space<vmem>>
      %dma_start3A_93 = arith.constant 0 : i32
      %dma_start3A_94 = arith.constant 0 : i32
      %dma_start3A_95 = tpu.memref_slice %arg7[%dma_start3A_93, %dma_start3A_94] : memref<10112x16xf32, #tpu.memory_space<vmem_shared>> -> memref<10112x16xf32, #tpu.memory_space<vmem_shared>>
      tpu.enqueue_indirect_dma source(%arg5 : memref<128x16xf32, #tpu.memory_space<vmem>>) target(%dma_start3A_95 : memref<10112x16xf32, #tpu.memory_space<vmem_shared>>) offsets(%dma_start3A_92 : memref<128xi32, #tpu.memory_space<vmem>>) semaphore(%arg11 : memref<!tpu.dma_semaphore, #tpu.memory_space<semaphore_mem>>) {add = true}
      %scan3A_96 = arith.constant 0 : i32
      scf.yield %scan3A_96 : i32
    }
    %scan3A_15 = arith.constant 20 : i32
    %dma_wait3A = arith.constant 0 : i32
    %dma_wait3A_16 = arith.constant 0 : i32
    %dma_wait3A_17 = tpu.memref_slice %arg4[%dma_wait3A, %dma_wait3A_16] : memref<80x128xi32, #tpu.memory_space<vmem>> -> memref<1x128xi32, #tpu.memory_space<vmem>>
    %dma_wait3A_18 = tpu.memref_squeeze %dma_wait3A_17 : memref<1x128xi32, #tpu.memory_space<vmem>> -> memref<128xi32, #tpu.memory_space<vmem>>
    %dma_wait3A_19 = arith.constant 0 : i32
    %dma_wait3A_20 = arith.constant 0 : i32
    %dma_wait3A_21 = tpu.memref_slice %arg7[%dma_wait3A_19, %dma_wait3A_20] : memref<10112x16xf32, #tpu.memory_space<vmem_shared>> -> memref<10112x16xf32, #tpu.memory_space<vmem_shared>>
    tpu.wait_indirect_dma semaphore(%arg8 : memref<!tpu.dma_semaphore, #tpu.memory_space<semaphore_mem>>) src(%arg5 : memref<128x16xf32, #tpu.memory_space<vmem>>) dst(%dma_wait3A_21 : memref<10112x16xf32, #tpu.memory_space<vmem_shared>>)
    %dma_wait3A_22 = arith.constant 1 : i32
    %dma_wait3A_23 = arith.constant 0 : i32
    %dma_wait3A_24 = tpu.memref_slice %arg4[%dma_wait3A_22, %dma_wait3A_23] : memref<80x128xi32, #tpu.memory_space<vmem>> -> memref<1x128xi32, #tpu.memory_space<vmem>>
    %dma_wait3A_25 = tpu.memref_squeeze %dma_wait3A_24 : memref<1x128xi32, #tpu.memory_space<vmem>> -> memref<128xi32, #tpu.memory_space<vmem>>
    %dma_wait3A_26 = arith.constant 0 : i32
    %dma_wait3A_27 = arith.constant 0 : i32
    %dma_wait3A_28 = tpu.memref_slice %arg7[%dma_wait3A_26, %dma_wait3A_27] : memref<10112x16xf32, #tpu.memory_space<vmem_shared>> -> memref<10112x16xf32, #tpu.memory_space<vmem_shared>>
    tpu.wait_indirect_dma semaphore(%arg9 : memref<!tpu.dma_semaphore, #tpu.memory_space<semaphore_mem>>) src(%arg5 : memref<128x16xf32, #tpu.memory_space<vmem>>) dst(%dma_wait3A_28 : memref<10112x16xf32, #tpu.memory_space<vmem_shared>>)
    %dma_wait3A_29 = arith.constant 2 : i32
    %dma_wait3A_30 = arith.constant 0 : i32
    %dma_wait3A_31 = tpu.memref_slice %arg4[%dma_wait3A_29, %dma_wait3A_30] : memref<80x128xi32, #tpu.memory_space<vmem>> -> memref<1x128xi32, #tpu.memory_space<vmem>>
    %dma_wait3A_32 = tpu.memref_squeeze %dma_wait3A_31 : memref<1x128xi32, #tpu.memory_space<vmem>> -> memref<128xi32, #tpu.memory_space<vmem>>
    %dma_wait3A_33 = arith.constant 0 : i32
    %dma_wait3A_34 = arith.constant 0 : i32
    %dma_wait3A_35 = tpu.memref_slice %arg7[%dma_wait3A_33, %dma_wait3A_34] : memref<10112x16xf32, #tpu.memory_space<vmem_shared>> -> memref<10112x16xf32, #tpu.memory_space<vmem_shared>>
    tpu.wait_indirect_dma semaphore(%arg10 : memref<!tpu.dma_semaphore, #tpu.memory_space<semaphore_mem>>) src(%arg5 : memref<128x16xf32, #tpu.memory_space<vmem>>) dst(%dma_wait3A_35 : memref<10112x16xf32, #tpu.memory_space<vmem_shared>>)
    %dma_wait3A_36 = arith.constant 3 : i32
    %dma_wait3A_37 = arith.constant 0 : i32
    %dma_wait3A_38 = tpu.memref_slice %arg4[%dma_wait3A_36, %dma_wait3A_37] : memref<80x128xi32, #tpu.memory_space<vmem>> -> memref<1x128xi32, #tpu.memory_space<vmem>>
    %dma_wait3A_39 = tpu.memref_squeeze %dma_wait3A_38 : memref<1x128xi32, #tpu.memory_space<vmem>> -> memref<128xi32, #tpu.memory_space<vmem>>
    %dma_wait3A_40 = arith.constant 0 : i32
    %dma_wait3A_41 = arith.constant 0 : i32
    %dma_wait3A_42 = tpu.memref_slice %arg7[%dma_wait3A_40, %dma_wait3A_41] : memref<10112x16xf32, #tpu.memory_space<vmem_shared>> -> memref<10112x16xf32, #tpu.memory_space<vmem_shared>>
    tpu.wait_indirect_dma semaphore(%arg11 : memref<!tpu.dma_semaphore, #tpu.memory_space<semaphore_mem>>) src(%arg5 : memref<128x16xf32, #tpu.memory_space<vmem>>) dst(%dma_wait3A_42 : memref<10112x16xf32, #tpu.memory_space<vmem_shared>>)
    %barrier3A_43 = arith.constant 0 : index
    tpu.barrier barrier_id(%barrier3A_43)
    "tpu.region"() ({
      %run_scoped3A = tpu.sem_alloc : memref<!tpu.dma_semaphore, #tpu.memory_space<semaphore_mem>>
      %dma_start3A = arith.constant 0 : i32
      %dma_start3A_44 = arith.constant 0 : i32
      %dma_start3A_45 = tpu.memref_slice %arg3[%arg0, %dma_start3A, %dma_start3A_44] : memref<2x10112x16xf32, #tpu.memory_space<hbm>> -> memref<1x10112x16xf32, #tpu.memory_space<hbm>>
      %dma_start3A_46 = tpu.memref_squeeze %dma_start3A_45 : memref<1x10112x16xf32, #tpu.memory_space<hbm>> -> memref<10112x16xf32, #tpu.memory_space<hbm>>
      %dma_start3A_47 = arith.constant 0 : i32
      %dma_start3A_48 = tpu.memref_slice %dma_start3A_46[%mul3A_2, %dma_start3A_47] : memref<10112x16xf32, #tpu.memory_space<hbm>> -> memref<632x16xf32, #tpu.memory_space<hbm>>
      %dma_start3A_49 = arith.constant 0 : i32
      %dma_start3A_50 = tpu.memref_slice %arg7[%mul3A_2, %dma_start3A_49] : memref<10112x16xf32, #tpu.memory_space<vmem_shared>> -> memref<632x16xf32, #tpu.memory_space<vmem_shared>>
      tpu.enqueue_dma source(%dma_start3A_50 : memref<632x16xf32, #tpu.memory_space<vmem_shared>>) target(%dma_start3A_48 : memref<632x16xf32, #tpu.memory_space<hbm>>) target_semaphore(%run_scoped3A : memref<!tpu.dma_semaphore, #tpu.memory_space<semaphore_mem>>)
      %dma_wait3A_51 = arith.constant 0 : i32
      %dma_wait3A_52 = arith.constant 0 : i32
      %dma_wait3A_53 = tpu.memref_slice %arg3[%arg0, %dma_wait3A_51, %dma_wait3A_52] : memref<2x10112x16xf32, #tpu.memory_space<hbm>> -> memref<1x10112x16xf32, #tpu.memory_space<hbm>>
      %dma_wait3A_54 = tpu.memref_squeeze %dma_wait3A_53 : memref<1x10112x16xf32, #tpu.memory_space<hbm>> -> memref<10112x16xf32, #tpu.memory_space<hbm>>
      %dma_wait3A_55 = arith.constant 0 : i32
      %dma_wait3A_56 = tpu.memref_slice %dma_wait3A_54[%mul3A_2, %dma_wait3A_55] : memref<10112x16xf32, #tpu.memory_space<hbm>> -> memref<632x16xf32, #tpu.memory_space<hbm>>
      %dma_wait3A_57 = arith.constant 0 : i32
      %dma_wait3A_58 = tpu.memref_slice %arg7[%mul3A_2, %dma_wait3A_57] : memref<10112x16xf32, #tpu.memory_space<vmem_shared>> -> memref<632x16xf32, #tpu.memory_space<vmem_shared>>
      tpu.wait_dma2 semaphore(%run_scoped3A : memref<!tpu.dma_semaphore, #tpu.memory_space<semaphore_mem>>) src(%dma_wait3A_58 : memref<632x16xf32, #tpu.memory_space<vmem_shared>>) dst(%dma_wait3A_56 : memref<632x16xf32, #tpu.memory_space<hbm>>)
      tpu.yield
    }) : () -> ()
    return
  }
}

#map = affine_map<(d0, d1) -> (0, 0)>
#map1 = affine_map<(d0, d1) -> (0, 0, 0)>
module attributes {stable_mosaic.version = 14 : i64} {
  func.func @_sc_l23(%arg0: i32, %arg1: i32, %arg2: memref<2560x128xi32, #tpu.memory_space<hbm>>, %arg3: memref<2560x128xi32, #tpu.memory_space<hbm>>, %arg4: memref<4x10112x16xf32, #tpu.memory_space<hbm>>, %arg5: memref<16x16xf32, #tpu.memory_space<hbm>>, %arg6: memref<1x16xf32, #tpu.memory_space<hbm>>, %arg7: memref<4x10112x16xf32, #tpu.memory_space<hbm>>, %arg8: memref<80x128xi32, #tpu.memory_space<vmem>>, %arg9: memref<80x128xi32, #tpu.memory_space<vmem>>, %arg10: memref<4x128x16xf32, #tpu.memory_space<vmem>>, %arg11: memref<632x16xf32, #tpu.memory_space<vmem>>, %arg12: memref<632x16xf32, #tpu.memory_space<vmem>>, %arg13: memref<632x16xf32, #tpu.memory_space<vmem>>, %arg14: memref<632x16xf32, #tpu.memory_space<vmem>>, %arg15: memref<632x16xf32, #tpu.memory_space<vmem>>, %arg16: memref<632x16xf32, #tpu.memory_space<vmem>>, %arg17: memref<16x16xf32, #tpu.memory_space<vmem>>, %arg18: memref<1x16xf32, #tpu.memory_space<vmem>>, %arg19: memref<10112x16xf32, #tpu.memory_space<vmem_shared>>, %arg20: memref<10112x16xf32, #tpu.memory_space<vmem_shared>>, %arg21: memref<!tpu.dma_semaphore, #tpu.memory_space<semaphore_mem>>, %arg22: memref<!tpu.dma_semaphore, #tpu.memory_space<semaphore_mem>>, %arg23: memref<!tpu.dma_semaphore, #tpu.memory_space<semaphore_mem>>, %arg24: memref<!tpu.dma_semaphore, #tpu.memory_space<semaphore_mem>>, %arg25: memref<!tpu.dma_semaphore, #tpu.memory_space<semaphore_mem>>, %arg26: memref<!tpu.dma_semaphore, #tpu.memory_space<semaphore_mem>>, %arg27: memref<!tpu.dma_semaphore, #tpu.memory_space<semaphore_mem>>, %arg28: memref<!tpu.dma_semaphore, #tpu.memory_space<semaphore_mem>>) attributes {dimension_semantics = [#tpu.dimension_semantics<core_parallel>, #tpu.dimension_semantics<subcore_parallel>], iteration_bounds = array<i64: 2, 16>, scalar_prefetch = 0 : i64, scratch_operands = 21 : i64, tpu.core_type = #tpu.core_type<sc_vector_subcore>, window_params = [{transform_indices = #map}, {transform_indices = #map}, {transform_indices = #map1}, {transform_indices = #map}, {transform_indices = #map}, {transform_indices = #map1}]} {
    %mul3A = arith.constant 16 : i32
    %mul3A_0 = arith.muli %arg0, %mul3A : i32
    %add3A = arith.addi %mul3A_0, %arg1 : i32
    %mul3A_1 = arith.constant 632 : i32
    %mul3A_2 = arith.muli %arg1, %mul3A_1 : i32
    %mul3A_3 = arith.constant 80 : i32
    %mul3A_4 = arith.muli %add3A, %mul3A_3 : i32
    "tpu.region"() ({
      %run_scoped3A_410 = tpu.sem_alloc : memref<!tpu.dma_semaphore, #tpu.memory_space<semaphore_mem>>
      %dma_start3A_411 = arith.constant 0 : i32
      %dma_start3A_412 = tpu.memref_slice %arg2[%mul3A_4, %dma_start3A_411] : memref<2560x128xi32, #tpu.memory_space<hbm>> -> memref<80x128xi32, #tpu.memory_space<hbm>>
      %dma_start3A_413 = arith.constant 0 : i32
      %dma_start3A_414 = tpu.memref_slice %arg2[%mul3A_4, %dma_start3A_413] : memref<2560x128xi32, #tpu.memory_space<hbm>> -> memref<80x128xi32, #tpu.memory_space<hbm>>
      tpu.enqueue_dma source(%dma_start3A_414 : memref<80x128xi32, #tpu.memory_space<hbm>>) target(%arg8 : memref<80x128xi32, #tpu.memory_space<vmem>>) target_semaphore(%run_scoped3A_410 : memref<!tpu.dma_semaphore, #tpu.memory_space<semaphore_mem>>)
      %dma_wait3A_415 = arith.constant 0 : i32
      %dma_wait3A_416 = tpu.memref_slice %arg2[%mul3A_4, %dma_wait3A_415] : memref<2560x128xi32, #tpu.memory_space<hbm>> -> memref<80x128xi32, #tpu.memory_space<hbm>>
      %dma_wait3A_417 = arith.constant 0 : i32
      %dma_wait3A_418 = tpu.memref_slice %arg2[%mul3A_4, %dma_wait3A_417] : memref<2560x128xi32, #tpu.memory_space<hbm>> -> memref<80x128xi32, #tpu.memory_space<hbm>>
      tpu.wait_dma2 semaphore(%run_scoped3A_410 : memref<!tpu.dma_semaphore, #tpu.memory_space<semaphore_mem>>) src(%dma_wait3A_418 : memref<80x128xi32, #tpu.memory_space<hbm>>) dst(%arg8 : memref<80x128xi32, #tpu.memory_space<vmem>>)
      tpu.yield
    }) : () -> ()
    %mul3A_5 = arith.constant 80 : i32
    %mul3A_6 = arith.muli %add3A, %mul3A_5 : i32
    "tpu.region"() ({
      %run_scoped3A_410 = tpu.sem_alloc : memref<!tpu.dma_semaphore, #tpu.memory_space<semaphore_mem>>
      %dma_start3A_411 = arith.constant 0 : i32
      %dma_start3A_412 = tpu.memref_slice %arg3[%mul3A_6, %dma_start3A_411] : memref<2560x128xi32, #tpu.memory_space<hbm>> -> memref<80x128xi32, #tpu.memory_space<hbm>>
      %dma_start3A_413 = arith.constant 0 : i32
      %dma_start3A_414 = tpu.memref_slice %arg3[%mul3A_6, %dma_start3A_413] : memref<2560x128xi32, #tpu.memory_space<hbm>> -> memref<80x128xi32, #tpu.memory_space<hbm>>
      tpu.enqueue_dma source(%dma_start3A_414 : memref<80x128xi32, #tpu.memory_space<hbm>>) target(%arg9 : memref<80x128xi32, #tpu.memory_space<vmem>>) target_semaphore(%run_scoped3A_410 : memref<!tpu.dma_semaphore, #tpu.memory_space<semaphore_mem>>)
      %dma_wait3A_415 = arith.constant 0 : i32
      %dma_wait3A_416 = tpu.memref_slice %arg3[%mul3A_6, %dma_wait3A_415] : memref<2560x128xi32, #tpu.memory_space<hbm>> -> memref<80x128xi32, #tpu.memory_space<hbm>>
      %dma_wait3A_417 = arith.constant 0 : i32
      %dma_wait3A_418 = tpu.memref_slice %arg3[%mul3A_6, %dma_wait3A_417] : memref<2560x128xi32, #tpu.memory_space<hbm>> -> memref<80x128xi32, #tpu.memory_space<hbm>>
      tpu.wait_dma2 semaphore(%run_scoped3A_410 : memref<!tpu.dma_semaphore, #tpu.memory_space<semaphore_mem>>) src(%dma_wait3A_418 : memref<80x128xi32, #tpu.memory_space<hbm>>) dst(%arg9 : memref<80x128xi32, #tpu.memory_space<vmem>>)
      tpu.yield
    }) : () -> ()
    %run_scoped3A = arith.constant 0 : i32
    "tpu.region"() ({
      %run_scoped3A_410 = tpu.sem_alloc : memref<!tpu.dma_semaphore, #tpu.memory_space<semaphore_mem>>
      %dma_start3A_411 = arith.constant 0 : i32
      %dma_start3A_412 = arith.constant 0 : i32
      %dma_start3A_413 = tpu.memref_slice %arg4[%run_scoped3A, %dma_start3A_411, %dma_start3A_412] : memref<4x10112x16xf32, #tpu.memory_space<hbm>> -> memref<1x10112x16xf32, #tpu.memory_space<hbm>>
      %dma_start3A_414 = tpu.memref_squeeze %dma_start3A_413 : memref<1x10112x16xf32, #tpu.memory_space<hbm>> -> memref<10112x16xf32, #tpu.memory_space<hbm>>
      %dma_start3A_415 = arith.constant 0 : i32
      %dma_start3A_416 = tpu.memref_slice %dma_start3A_414[%mul3A_2, %dma_start3A_415] : memref<10112x16xf32, #tpu.memory_space<hbm>> -> memref<632x16xf32, #tpu.memory_space<hbm>>
      %dma_start3A_417 = arith.constant 0 : i32
      %dma_start3A_418 = arith.constant 0 : i32
      %dma_start3A_419 = tpu.memref_slice %arg4[%run_scoped3A, %dma_start3A_417, %dma_start3A_418] : memref<4x10112x16xf32, #tpu.memory_space<hbm>> -> memref<1x10112x16xf32, #tpu.memory_space<hbm>>
      %dma_start3A_420 = tpu.memref_squeeze %dma_start3A_419 : memref<1x10112x16xf32, #tpu.memory_space<hbm>> -> memref<10112x16xf32, #tpu.memory_space<hbm>>
      %dma_start3A_421 = arith.constant 0 : i32
      %dma_start3A_422 = tpu.memref_slice %dma_start3A_420[%mul3A_2, %dma_start3A_421] : memref<10112x16xf32, #tpu.memory_space<hbm>> -> memref<632x16xf32, #tpu.memory_space<hbm>>
      tpu.enqueue_dma source(%dma_start3A_422 : memref<632x16xf32, #tpu.memory_space<hbm>>) target(%arg12 : memref<632x16xf32, #tpu.memory_space<vmem>>) target_semaphore(%run_scoped3A_410 : memref<!tpu.dma_semaphore, #tpu.memory_space<semaphore_mem>>)
      %dma_wait3A_423 = arith.constant 0 : i32
      %dma_wait3A_424 = arith.constant 0 : i32
      %dma_wait3A_425 = tpu.memref_slice %arg4[%run_scoped3A, %dma_wait3A_423, %dma_wait3A_424] : memref<4x10112x16xf32, #tpu.memory_space<hbm>> -> memref<1x10112x16xf32, #tpu.memory_space<hbm>>
      %dma_wait3A_426 = tpu.memref_squeeze %dma_wait3A_425 : memref<1x10112x16xf32, #tpu.memory_space<hbm>> -> memref<10112x16xf32, #tpu.memory_space<hbm>>
      %dma_wait3A_427 = arith.constant 0 : i32
      %dma_wait3A_428 = tpu.memref_slice %dma_wait3A_426[%mul3A_2, %dma_wait3A_427] : memref<10112x16xf32, #tpu.memory_space<hbm>> -> memref<632x16xf32, #tpu.memory_space<hbm>>
      %dma_wait3A_429 = arith.constant 0 : i32
      %dma_wait3A_430 = arith.constant 0 : i32
      %dma_wait3A_431 = tpu.memref_slice %arg4[%run_scoped3A, %dma_wait3A_429, %dma_wait3A_430] : memref<4x10112x16xf32, #tpu.memory_space<hbm>> -> memref<1x10112x16xf32, #tpu.memory_space<hbm>>
      %dma_wait3A_432 = tpu.memref_squeeze %dma_wait3A_431 : memref<1x10112x16xf32, #tpu.memory_space<hbm>> -> memref<10112x16xf32, #tpu.memory_space<hbm>>
      %dma_wait3A_433 = arith.constant 0 : i32
      %dma_wait3A_434 = tpu.memref_slice %dma_wait3A_432[%mul3A_2, %dma_wait3A_433] : memref<10112x16xf32, #tpu.memory_space<hbm>> -> memref<632x16xf32, #tpu.memory_space<hbm>>
      tpu.wait_dma2 semaphore(%run_scoped3A_410 : memref<!tpu.dma_semaphore, #tpu.memory_space<semaphore_mem>>) src(%dma_wait3A_434 : memref<632x16xf32, #tpu.memory_space<hbm>>) dst(%arg12 : memref<632x16xf32, #tpu.memory_space<vmem>>)
      tpu.yield
    }) : () -> ()
    %run_scoped3A_7 = arith.constant 1 : i32
    "tpu.region"() ({
      %run_scoped3A_410 = tpu.sem_alloc : memref<!tpu.dma_semaphore, #tpu.memory_space<semaphore_mem>>
      %dma_start3A_411 = arith.constant 0 : i32
      %dma_start3A_412 = arith.constant 0 : i32
      %dma_start3A_413 = tpu.memref_slice %arg4[%run_scoped3A_7, %dma_start3A_411, %dma_start3A_412] : memref<4x10112x16xf32, #tpu.memory_space<hbm>> -> memref<1x10112x16xf32, #tpu.memory_space<hbm>>
      %dma_start3A_414 = tpu.memref_squeeze %dma_start3A_413 : memref<1x10112x16xf32, #tpu.memory_space<hbm>> -> memref<10112x16xf32, #tpu.memory_space<hbm>>
      %dma_start3A_415 = arith.constant 0 : i32
      %dma_start3A_416 = tpu.memref_slice %dma_start3A_414[%mul3A_2, %dma_start3A_415] : memref<10112x16xf32, #tpu.memory_space<hbm>> -> memref<632x16xf32, #tpu.memory_space<hbm>>
      %dma_start3A_417 = arith.constant 0 : i32
      %dma_start3A_418 = arith.constant 0 : i32
      %dma_start3A_419 = tpu.memref_slice %arg4[%run_scoped3A_7, %dma_start3A_417, %dma_start3A_418] : memref<4x10112x16xf32, #tpu.memory_space<hbm>> -> memref<1x10112x16xf32, #tpu.memory_space<hbm>>
      %dma_start3A_420 = tpu.memref_squeeze %dma_start3A_419 : memref<1x10112x16xf32, #tpu.memory_space<hbm>> -> memref<10112x16xf32, #tpu.memory_space<hbm>>
      %dma_start3A_421 = arith.constant 0 : i32
      %dma_start3A_422 = tpu.memref_slice %dma_start3A_420[%mul3A_2, %dma_start3A_421] : memref<10112x16xf32, #tpu.memory_space<hbm>> -> memref<632x16xf32, #tpu.memory_space<hbm>>
      tpu.enqueue_dma source(%dma_start3A_422 : memref<632x16xf32, #tpu.memory_space<hbm>>) target(%arg13 : memref<632x16xf32, #tpu.memory_space<vmem>>) target_semaphore(%run_scoped3A_410 : memref<!tpu.dma_semaphore, #tpu.memory_space<semaphore_mem>>)
      %dma_wait3A_423 = arith.constant 0 : i32
      %dma_wait3A_424 = arith.constant 0 : i32
      %dma_wait3A_425 = tpu.memref_slice %arg4[%run_scoped3A_7, %dma_wait3A_423, %dma_wait3A_424] : memref<4x10112x16xf32, #tpu.memory_space<hbm>> -> memref<1x10112x16xf32, #tpu.memory_space<hbm>>
      %dma_wait3A_426 = tpu.memref_squeeze %dma_wait3A_425 : memref<1x10112x16xf32, #tpu.memory_space<hbm>> -> memref<10112x16xf32, #tpu.memory_space<hbm>>
      %dma_wait3A_427 = arith.constant 0 : i32
      %dma_wait3A_428 = tpu.memref_slice %dma_wait3A_426[%mul3A_2, %dma_wait3A_427] : memref<10112x16xf32, #tpu.memory_space<hbm>> -> memref<632x16xf32, #tpu.memory_space<hbm>>
      %dma_wait3A_429 = arith.constant 0 : i32
      %dma_wait3A_430 = arith.constant 0 : i32
      %dma_wait3A_431 = tpu.memref_slice %arg4[%run_scoped3A_7, %dma_wait3A_429, %dma_wait3A_430] : memref<4x10112x16xf32, #tpu.memory_space<hbm>> -> memref<1x10112x16xf32, #tpu.memory_space<hbm>>
      %dma_wait3A_432 = tpu.memref_squeeze %dma_wait3A_431 : memref<1x10112x16xf32, #tpu.memory_space<hbm>> -> memref<10112x16xf32, #tpu.memory_space<hbm>>
      %dma_wait3A_433 = arith.constant 0 : i32
      %dma_wait3A_434 = tpu.memref_slice %dma_wait3A_432[%mul3A_2, %dma_wait3A_433] : memref<10112x16xf32, #tpu.memory_space<hbm>> -> memref<632x16xf32, #tpu.memory_space<hbm>>
      tpu.wait_dma2 semaphore(%run_scoped3A_410 : memref<!tpu.dma_semaphore, #tpu.memory_space<semaphore_mem>>) src(%dma_wait3A_434 : memref<632x16xf32, #tpu.memory_space<hbm>>) dst(%arg13 : memref<632x16xf32, #tpu.memory_space<vmem>>)
      tpu.yield
    }) : () -> ()
    %run_scoped3A_8 = arith.constant 2 : i32
    "tpu.region"() ({
      %run_scoped3A_410 = tpu.sem_alloc : memref<!tpu.dma_semaphore, #tpu.memory_space<semaphore_mem>>
      %dma_start3A_411 = arith.constant 0 : i32
      %dma_start3A_412 = arith.constant 0 : i32
      %dma_start3A_413 = tpu.memref_slice %arg4[%run_scoped3A_8, %dma_start3A_411, %dma_start3A_412] : memref<4x10112x16xf32, #tpu.memory_space<hbm>> -> memref<1x10112x16xf32, #tpu.memory_space<hbm>>
      %dma_start3A_414 = tpu.memref_squeeze %dma_start3A_413 : memref<1x10112x16xf32, #tpu.memory_space<hbm>> -> memref<10112x16xf32, #tpu.memory_space<hbm>>
      %dma_start3A_415 = arith.constant 0 : i32
      %dma_start3A_416 = tpu.memref_slice %dma_start3A_414[%mul3A_2, %dma_start3A_415] : memref<10112x16xf32, #tpu.memory_space<hbm>> -> memref<632x16xf32, #tpu.memory_space<hbm>>
      %dma_start3A_417 = arith.constant 0 : i32
      %dma_start3A_418 = arith.constant 0 : i32
      %dma_start3A_419 = tpu.memref_slice %arg4[%run_scoped3A_8, %dma_start3A_417, %dma_start3A_418] : memref<4x10112x16xf32, #tpu.memory_space<hbm>> -> memref<1x10112x16xf32, #tpu.memory_space<hbm>>
      %dma_start3A_420 = tpu.memref_squeeze %dma_start3A_419 : memref<1x10112x16xf32, #tpu.memory_space<hbm>> -> memref<10112x16xf32, #tpu.memory_space<hbm>>
      %dma_start3A_421 = arith.constant 0 : i32
      %dma_start3A_422 = tpu.memref_slice %dma_start3A_420[%mul3A_2, %dma_start3A_421] : memref<10112x16xf32, #tpu.memory_space<hbm>> -> memref<632x16xf32, #tpu.memory_space<hbm>>
      tpu.enqueue_dma source(%dma_start3A_422 : memref<632x16xf32, #tpu.memory_space<hbm>>) target(%arg14 : memref<632x16xf32, #tpu.memory_space<vmem>>) target_semaphore(%run_scoped3A_410 : memref<!tpu.dma_semaphore, #tpu.memory_space<semaphore_mem>>)
      %dma_wait3A_423 = arith.constant 0 : i32
      %dma_wait3A_424 = arith.constant 0 : i32
      %dma_wait3A_425 = tpu.memref_slice %arg4[%run_scoped3A_8, %dma_wait3A_423, %dma_wait3A_424] : memref<4x10112x16xf32, #tpu.memory_space<hbm>> -> memref<1x10112x16xf32, #tpu.memory_space<hbm>>
      %dma_wait3A_426 = tpu.memref_squeeze %dma_wait3A_425 : memref<1x10112x16xf32, #tpu.memory_space<hbm>> -> memref<10112x16xf32, #tpu.memory_space<hbm>>
      %dma_wait3A_427 = arith.constant 0 : i32
      %dma_wait3A_428 = tpu.memref_slice %dma_wait3A_426[%mul3A_2, %dma_wait3A_427] : memref<10112x16xf32, #tpu.memory_space<hbm>> -> memref<632x16xf32, #tpu.memory_space<hbm>>
      %dma_wait3A_429 = arith.constant 0 : i32
      %dma_wait3A_430 = arith.constant 0 : i32
      %dma_wait3A_431 = tpu.memref_slice %arg4[%run_scoped3A_8, %dma_wait3A_429, %dma_wait3A_430] : memref<4x10112x16xf32, #tpu.memory_space<hbm>> -> memref<1x10112x16xf32, #tpu.memory_space<hbm>>
      %dma_wait3A_432 = tpu.memref_squeeze %dma_wait3A_431 : memref<1x10112x16xf32, #tpu.memory_space<hbm>> -> memref<10112x16xf32, #tpu.memory_space<hbm>>
      %dma_wait3A_433 = arith.constant 0 : i32
      %dma_wait3A_434 = tpu.memref_slice %dma_wait3A_432[%mul3A_2, %dma_wait3A_433] : memref<10112x16xf32, #tpu.memory_space<hbm>> -> memref<632x16xf32, #tpu.memory_space<hbm>>
      tpu.wait_dma2 semaphore(%run_scoped3A_410 : memref<!tpu.dma_semaphore, #tpu.memory_space<semaphore_mem>>) src(%dma_wait3A_434 : memref<632x16xf32, #tpu.memory_space<hbm>>) dst(%arg14 : memref<632x16xf32, #tpu.memory_space<vmem>>)
      tpu.yield
    }) : () -> ()
    %run_scoped3A_9 = arith.constant 3 : i32
    "tpu.region"() ({
      %run_scoped3A_410 = tpu.sem_alloc : memref<!tpu.dma_semaphore, #tpu.memory_space<semaphore_mem>>
      %dma_start3A_411 = arith.constant 0 : i32
      %dma_start3A_412 = arith.constant 0 : i32
      %dma_start3A_413 = tpu.memref_slice %arg4[%run_scoped3A_9, %dma_start3A_411, %dma_start3A_412] : memref<4x10112x16xf32, #tpu.memory_space<hbm>> -> memref<1x10112x16xf32, #tpu.memory_space<hbm>>
      %dma_start3A_414 = tpu.memref_squeeze %dma_start3A_413 : memref<1x10112x16xf32, #tpu.memory_space<hbm>> -> memref<10112x16xf32, #tpu.memory_space<hbm>>
      %dma_start3A_415 = arith.constant 0 : i32
      %dma_start3A_416 = tpu.memref_slice %dma_start3A_414[%mul3A_2, %dma_start3A_415] : memref<10112x16xf32, #tpu.memory_space<hbm>> -> memref<632x16xf32, #tpu.memory_space<hbm>>
      %dma_start3A_417 = arith.constant 0 : i32
      %dma_start3A_418 = arith.constant 0 : i32
      %dma_start3A_419 = tpu.memref_slice %arg4[%run_scoped3A_9, %dma_start3A_417, %dma_start3A_418] : memref<4x10112x16xf32, #tpu.memory_space<hbm>> -> memref<1x10112x16xf32, #tpu.memory_space<hbm>>
      %dma_start3A_420 = tpu.memref_squeeze %dma_start3A_419 : memref<1x10112x16xf32, #tpu.memory_space<hbm>> -> memref<10112x16xf32, #tpu.memory_space<hbm>>
      %dma_start3A_421 = arith.constant 0 : i32
      %dma_start3A_422 = tpu.memref_slice %dma_start3A_420[%mul3A_2, %dma_start3A_421] : memref<10112x16xf32, #tpu.memory_space<hbm>> -> memref<632x16xf32, #tpu.memory_space<hbm>>
      tpu.enqueue_dma source(%dma_start3A_422 : memref<632x16xf32, #tpu.memory_space<hbm>>) target(%arg15 : memref<632x16xf32, #tpu.memory_space<vmem>>) target_semaphore(%run_scoped3A_410 : memref<!tpu.dma_semaphore, #tpu.memory_space<semaphore_mem>>)
      %dma_wait3A_423 = arith.constant 0 : i32
      %dma_wait3A_424 = arith.constant 0 : i32
      %dma_wait3A_425 = tpu.memref_slice %arg4[%run_scoped3A_9, %dma_wait3A_423, %dma_wait3A_424] : memref<4x10112x16xf32, #tpu.memory_space<hbm>> -> memref<1x10112x16xf32, #tpu.memory_space<hbm>>
      %dma_wait3A_426 = tpu.memref_squeeze %dma_wait3A_425 : memref<1x10112x16xf32, #tpu.memory_space<hbm>> -> memref<10112x16xf32, #tpu.memory_space<hbm>>
      %dma_wait3A_427 = arith.constant 0 : i32
      %dma_wait3A_428 = tpu.memref_slice %dma_wait3A_426[%mul3A_2, %dma_wait3A_427] : memref<10112x16xf32, #tpu.memory_space<hbm>> -> memref<632x16xf32, #tpu.memory_space<hbm>>
      %dma_wait3A_429 = arith.constant 0 : i32
      %dma_wait3A_430 = arith.constant 0 : i32
      %dma_wait3A_431 = tpu.memref_slice %arg4[%run_scoped3A_9, %dma_wait3A_429, %dma_wait3A_430] : memref<4x10112x16xf32, #tpu.memory_space<hbm>> -> memref<1x10112x16xf32, #tpu.memory_space<hbm>>
      %dma_wait3A_432 = tpu.memref_squeeze %dma_wait3A_431 : memref<1x10112x16xf32, #tpu.memory_space<hbm>> -> memref<10112x16xf32, #tpu.memory_space<hbm>>
      %dma_wait3A_433 = arith.constant 0 : i32
      %dma_wait3A_434 = tpu.memref_slice %dma_wait3A_432[%mul3A_2, %dma_wait3A_433] : memref<10112x16xf32, #tpu.memory_space<hbm>> -> memref<632x16xf32, #tpu.memory_space<hbm>>
      tpu.wait_dma2 semaphore(%run_scoped3A_410 : memref<!tpu.dma_semaphore, #tpu.memory_space<semaphore_mem>>) src(%dma_wait3A_434 : memref<632x16xf32, #tpu.memory_space<hbm>>) dst(%arg15 : memref<632x16xf32, #tpu.memory_space<vmem>>)
      tpu.yield
    }) : () -> ()
    "tpu.region"() ({
      %run_scoped3A_410 = tpu.sem_alloc : memref<!tpu.dma_semaphore, #tpu.memory_space<semaphore_mem>>
      tpu.enqueue_dma source(%arg5 : memref<16x16xf32, #tpu.memory_space<hbm>>) target(%arg17 : memref<16x16xf32, #tpu.memory_space<vmem>>) target_semaphore(%run_scoped3A_410 : memref<!tpu.dma_semaphore, #tpu.memory_space<semaphore_mem>>)
      tpu.wait_dma2 semaphore(%run_scoped3A_410 : memref<!tpu.dma_semaphore, #tpu.memory_space<semaphore_mem>>) src(%arg5 : memref<16x16xf32, #tpu.memory_space<hbm>>) dst(%arg17 : memref<16x16xf32, #tpu.memory_space<vmem>>)
      tpu.yield
    }) : () -> ()
    "tpu.region"() ({
      %run_scoped3A_410 = tpu.sem_alloc : memref<!tpu.dma_semaphore, #tpu.memory_space<semaphore_mem>>
      tpu.enqueue_dma source(%arg6 : memref<1x16xf32, #tpu.memory_space<hbm>>) target(%arg18 : memref<1x16xf32, #tpu.memory_space<vmem>>) target_semaphore(%run_scoped3A_410 : memref<!tpu.dma_semaphore, #tpu.memory_space<semaphore_mem>>)
      tpu.wait_dma2 semaphore(%run_scoped3A_410 : memref<!tpu.dma_semaphore, #tpu.memory_space<semaphore_mem>>) src(%arg6 : memref<1x16xf32, #tpu.memory_space<hbm>>) dst(%arg18 : memref<1x16xf32, #tpu.memory_space<vmem>>)
      tpu.yield
    }) : () -> ()
    %parallel_loop3A = arith.constant 0 : i32
    %parallel_loop3A_10 = arith.constant 632 : i32
    %parallel_loop3A_11 = arith.constant 1 : i32
    scf.for %parallel_loop3A_410 = %parallel_loop3A to %parallel_loop3A_10 step %parallel_loop3A_11  : i32 {
      %parallel_loop3A_411 = arith.constant 0.000000e+00 : f32
      %parallel_loop3A_412 = vector.broadcast %parallel_loop3A_411 : f32 to vector<16xf32>
      %parallel_loop3A_413 = arith.index_cast %parallel_loop3A_410 : i32 to index
      %parallel_loop3A_414 = arith.constant 0 : index
      %parallel_loop3A_415 = tpu.vector_load %arg11[%parallel_loop3A_413, %parallel_loop3A_414] {strides = array<i32>} : memref<632x16xf32, #tpu.memory_space<vmem>>, vector<16xf32>,
      tpu.vector_store %arg11[%parallel_loop3A_413, %parallel_loop3A_414], %parallel_loop3A_412 {strides = array<i32>} : memref<632x16xf32, #tpu.memory_space<vmem>>, vector<16xf32>,
    } {sc.loop_unroll_factor = 8 : i64, sc.parallel_access}
    %get3A = arith.constant 0 : i32
    %get3A_12 = arith.index_cast %get3A : i32 to index
    %get3A_13 = arith.constant 0 : index
    %get3A_14 = tpu.vector_load %arg18[%get3A_12, %get3A_13] {strides = array<i32>} : memref<1x16xf32, #tpu.memory_space<vmem>>, vector<16xf32>,
    %get3A_15 = arith.constant 0 : i32
    %get3A_16 = arith.index_cast %get3A_15 : i32 to index
    %get3A_17 = arith.constant 0 : index
    %get3A_18 = tpu.vector_load %arg17[%get3A_16, %get3A_17] {strides = array<i32>} : memref<16x16xf32, #tpu.memory_space<vmem>>, vector<16xf32>,
    %bitcast3A = vector.bitcast %get3A_18 : vector<16xf32> to vector<16xi32>
    %add3A_19 = arith.constant 32767 : i32
    %add3A_20 = vector.broadcast %add3A_19 : i32 to vector<16xi32>
    %add3A_21 = arith.addi %bitcast3A, %add3A_20 : vector<16xi32>
    %shift_right_arithmetic3A = arith.constant 16 : i32
    %shift_right_arithmetic3A_22 = vector.broadcast %shift_right_arithmetic3A : i32 to vector<16xi32>
    %shift_right_arithmetic3A_23 = arith.shrsi %bitcast3A, %shift_right_arithmetic3A_22 : vector<16xi32>
    %and3A = arith.constant 1 : i32
    %and3A_24 = vector.broadcast %and3A : i32 to vector<16xi32>
    %and3A_25 = arith.andi %shift_right_arithmetic3A_23, %and3A_24 : vector<16xi32>
    %add3A_26 = arith.addi %add3A_21, %and3A_25 : vector<16xi32>
    %and3A_27 = arith.constant -65536 : i32
    %and3A_28 = vector.broadcast %and3A_27 : i32 to vector<16xi32>
    %and3A_29 = arith.andi %add3A_26, %and3A_28 : vector<16xi32>
    %bitcast3A_30 = vector.bitcast %and3A_29 : vector<16xi32> to vector<16xf32>
    %get3A_31 = arith.constant 1 : i32
    %get3A_32 = arith.index_cast %get3A_31 : i32 to index
    %get3A_33 = arith.constant 0 : index
    %get3A_34 = tpu.vector_load %arg17[%get3A_32, %get3A_33] {strides = array<i32>} : memref<16x16xf32, #tpu.memory_space<vmem>>, vector<16xf32>,
    %bitcast3A_35 = vector.bitcast %get3A_34 : vector<16xf32> to vector<16xi32>
    %add3A_36 = arith.constant 32767 : i32
    %add3A_37 = vector.broadcast %add3A_36 : i32 to vector<16xi32>
    %add3A_38 = arith.addi %bitcast3A_35, %add3A_37 : vector<16xi32>
    %shift_right_arithmetic3A_39 = arith.constant 16 : i32
    %shift_right_arithmetic3A_40 = vector.broadcast %shift_right_arithmetic3A_39 : i32 to vector<16xi32>
    %shift_right_arithmetic3A_41 = arith.shrsi %bitcast3A_35, %shift_right_arithmetic3A_40 : vector<16xi32>
    %and3A_42 = arith.constant 1 : i32
    %and3A_43 = vector.broadcast %and3A_42 : i32 to vector<16xi32>
    %and3A_44 = arith.andi %shift_right_arithmetic3A_41, %and3A_43 : vector<16xi32>
    %add3A_45 = arith.addi %add3A_38, %and3A_44 : vector<16xi32>
    %and3A_46 = arith.constant -65536 : i32
    %and3A_47 = vector.broadcast %and3A_46 : i32 to vector<16xi32>
    %and3A_48 = arith.andi %add3A_45, %and3A_47 : vector<16xi32>
    %bitcast3A_49 = vector.bitcast %and3A_48 : vector<16xi32> to vector<16xf32>
    %get3A_50 = arith.constant 2 : i32
    %get3A_51 = arith.index_cast %get3A_50 : i32 to index
    %get3A_52 = arith.constant 0 : index
    %get3A_53 = tpu.vector_load %arg17[%get3A_51, %get3A_52] {strides = array<i32>} : memref<16x16xf32, #tpu.memory_space<vmem>>, vector<16xf32>,
    %bitcast3A_54 = vector.bitcast %get3A_53 : vector<16xf32> to vector<16xi32>
    %add3A_55 = arith.constant 32767 : i32
    %add3A_56 = vector.broadcast %add3A_55 : i32 to vector<16xi32>
    %add3A_57 = arith.addi %bitcast3A_54, %add3A_56 : vector<16xi32>
    %shift_right_arithmetic3A_58 = arith.constant 16 : i32
    %shift_right_arithmetic3A_59 = vector.broadcast %shift_right_arithmetic3A_58 : i32 to vector<16xi32>
    %shift_right_arithmetic3A_60 = arith.shrsi %bitcast3A_54, %shift_right_arithmetic3A_59 : vector<16xi32>
    %and3A_61 = arith.constant 1 : i32
    %and3A_62 = vector.broadcast %and3A_61 : i32 to vector<16xi32>
    %and3A_63 = arith.andi %shift_right_arithmetic3A_60, %and3A_62 : vector<16xi32>
    %add3A_64 = arith.addi %add3A_57, %and3A_63 : vector<16xi32>
    %and3A_65 = arith.constant -65536 : i32
    %and3A_66 = vector.broadcast %and3A_65 : i32 to vector<16xi32>
    %and3A_67 = arith.andi %add3A_64, %and3A_66 : vector<16xi32>
    %bitcast3A_68 = vector.bitcast %and3A_67 : vector<16xi32> to vector<16xf32>
    %get3A_69 = arith.constant 3 : i32
    %get3A_70 = arith.index_cast %get3A_69 : i32 to index
    %get3A_71 = arith.constant 0 : index
    %get3A_72 = tpu.vector_load %arg17[%get3A_70, %get3A_71] {strides = array<i32>} : memref<16x16xf32, #tpu.memory_space<vmem>>, vector<16xf32>,
    %bitcast3A_73 = vector.bitcast %get3A_72 : vector<16xf32> to vector<16xi32>
    %add3A_74 = arith.constant 32767 : i32
    %add3A_75 = vector.broadcast %add3A_74 : i32 to vector<16xi32>
    %add3A_76 = arith.addi %bitcast3A_73, %add3A_75 : vector<16xi32>
    %shift_right_arithmetic3A_77 = arith.constant 16 : i32
    %shift_right_arithmetic3A_78 = vector.broadcast %shift_right_arithmetic3A_77 : i32 to vector<16xi32>
    %shift_right_arithmetic3A_79 = arith.shrsi %bitcast3A_73, %shift_right_arithmetic3A_78 : vector<16xi32>
    %and3A_80 = arith.constant 1 : i32
    %and3A_81 = vector.broadcast %and3A_80 : i32 to vector<16xi32>
    %and3A_82 = arith.andi %shift_right_arithmetic3A_79, %and3A_81 : vector<16xi32>
    %add3A_83 = arith.addi %add3A_76, %and3A_82 : vector<16xi32>
    %and3A_84 = arith.constant -65536 : i32
    %and3A_85 = vector.broadcast %and3A_84 : i32 to vector<16xi32>
    %and3A_86 = arith.andi %add3A_83, %and3A_85 : vector<16xi32>
    %bitcast3A_87 = vector.bitcast %and3A_86 : vector<16xi32> to vector<16xf32>
    %get3A_88 = arith.constant 4 : i32
    %get3A_89 = arith.index_cast %get3A_88 : i32 to index
    %get3A_90 = arith.constant 0 : index
    %get3A_91 = tpu.vector_load %arg17[%get3A_89, %get3A_90] {strides = array<i32>} : memref<16x16xf32, #tpu.memory_space<vmem>>, vector<16xf32>,
    %bitcast3A_92 = vector.bitcast %get3A_91 : vector<16xf32> to vector<16xi32>
    %add3A_93 = arith.constant 32767 : i32
    %add3A_94 = vector.broadcast %add3A_93 : i32 to vector<16xi32>
    %add3A_95 = arith.addi %bitcast3A_92, %add3A_94 : vector<16xi32>
    %shift_right_arithmetic3A_96 = arith.constant 16 : i32
    %shift_right_arithmetic3A_97 = vector.broadcast %shift_right_arithmetic3A_96 : i32 to vector<16xi32>
    %shift_right_arithmetic3A_98 = arith.shrsi %bitcast3A_92, %shift_right_arithmetic3A_97 : vector<16xi32>
    %and3A_99 = arith.constant 1 : i32
    %and3A_100 = vector.broadcast %and3A_99 : i32 to vector<16xi32>
    %and3A_101 = arith.andi %shift_right_arithmetic3A_98, %and3A_100 : vector<16xi32>
    %add3A_102 = arith.addi %add3A_95, %and3A_101 : vector<16xi32>
    %and3A_103 = arith.constant -65536 : i32
    %and3A_104 = vector.broadcast %and3A_103 : i32 to vector<16xi32>
    %and3A_105 = arith.andi %add3A_102, %and3A_104 : vector<16xi32>
    %bitcast3A_106 = vector.bitcast %and3A_105 : vector<16xi32> to vector<16xf32>
    %get3A_107 = arith.constant 5 : i32
    %get3A_108 = arith.index_cast %get3A_107 : i32 to index
    %get3A_109 = arith.constant 0 : index
    %get3A_110 = tpu.vector_load %arg17[%get3A_108, %get3A_109] {strides = array<i32>} : memref<16x16xf32, #tpu.memory_space<vmem>>, vector<16xf32>,
    %bitcast3A_111 = vector.bitcast %get3A_110 : vector<16xf32> to vector<16xi32>
    %add3A_112 = arith.constant 32767 : i32
    %add3A_113 = vector.broadcast %add3A_112 : i32 to vector<16xi32>
    %add3A_114 = arith.addi %bitcast3A_111, %add3A_113 : vector<16xi32>
    %shift_right_arithmetic3A_115 = arith.constant 16 : i32
    %shift_right_arithmetic3A_116 = vector.broadcast %shift_right_arithmetic3A_115 : i32 to vector<16xi32>
    %shift_right_arithmetic3A_117 = arith.shrsi %bitcast3A_111, %shift_right_arithmetic3A_116 : vector<16xi32>
    %and3A_118 = arith.constant 1 : i32
    %and3A_119 = vector.broadcast %and3A_118 : i32 to vector<16xi32>
    %and3A_120 = arith.andi %shift_right_arithmetic3A_117, %and3A_119 : vector<16xi32>
    %add3A_121 = arith.addi %add3A_114, %and3A_120 : vector<16xi32>
    %and3A_122 = arith.constant -65536 : i32
    %and3A_123 = vector.broadcast %and3A_122 : i32 to vector<16xi32>
    %and3A_124 = arith.andi %add3A_121, %and3A_123 : vector<16xi32>
    %bitcast3A_125 = vector.bitcast %and3A_124 : vector<16xi32> to vector<16xf32>
    %get3A_126 = arith.constant 6 : i32
    %get3A_127 = arith.index_cast %get3A_126 : i32 to index
    %get3A_128 = arith.constant 0 : index
    %get3A_129 = tpu.vector_load %arg17[%get3A_127, %get3A_128] {strides = array<i32>} : memref<16x16xf32, #tpu.memory_space<vmem>>, vector<16xf32>,
    %bitcast3A_130 = vector.bitcast %get3A_129 : vector<16xf32> to vector<16xi32>
    %add3A_131 = arith.constant 32767 : i32
    %add3A_132 = vector.broadcast %add3A_131 : i32 to vector<16xi32>
    %add3A_133 = arith.addi %bitcast3A_130, %add3A_132 : vector<16xi32>
    %shift_right_arithmetic3A_134 = arith.constant 16 : i32
    %shift_right_arithmetic3A_135 = vector.broadcast %shift_right_arithmetic3A_134 : i32 to vector<16xi32>
    %shift_right_arithmetic3A_136 = arith.shrsi %bitcast3A_130, %shift_right_arithmetic3A_135 : vector<16xi32>
    %and3A_137 = arith.constant 1 : i32
    %and3A_138 = vector.broadcast %and3A_137 : i32 to vector<16xi32>
    %and3A_139 = arith.andi %shift_right_arithmetic3A_136, %and3A_138 : vector<16xi32>
    %add3A_140 = arith.addi %add3A_133, %and3A_139 : vector<16xi32>
    %and3A_141 = arith.constant -65536 : i32
    %and3A_142 = vector.broadcast %and3A_141 : i32 to vector<16xi32>
    %and3A_143 = arith.andi %add3A_140, %and3A_142 : vector<16xi32>
    %bitcast3A_144 = vector.bitcast %and3A_143 : vector<16xi32> to vector<16xf32>
    %get3A_145 = arith.constant 7 : i32
    %get3A_146 = arith.index_cast %get3A_145 : i32 to index
    %get3A_147 = arith.constant 0 : index
    %get3A_148 = tpu.vector_load %arg17[%get3A_146, %get3A_147] {strides = array<i32>} : memref<16x16xf32, #tpu.memory_space<vmem>>, vector<16xf32>,
    %bitcast3A_149 = vector.bitcast %get3A_148 : vector<16xf32> to vector<16xi32>
    %add3A_150 = arith.constant 32767 : i32
    %add3A_151 = vector.broadcast %add3A_150 : i32 to vector<16xi32>
    %add3A_152 = arith.addi %bitcast3A_149, %add3A_151 : vector<16xi32>
    %shift_right_arithmetic3A_153 = arith.constant 16 : i32
    %shift_right_arithmetic3A_154 = vector.broadcast %shift_right_arithmetic3A_153 : i32 to vector<16xi32>
    %shift_right_arithmetic3A_155 = arith.shrsi %bitcast3A_149, %shift_right_arithmetic3A_154 : vector<16xi32>
    %and3A_156 = arith.constant 1 : i32
    %and3A_157 = vector.broadcast %and3A_156 : i32 to vector<16xi32>
    %and3A_158 = arith.andi %shift_right_arithmetic3A_155, %and3A_157 : vector<16xi32>
    %add3A_159 = arith.addi %add3A_152, %and3A_158 : vector<16xi32>
    %and3A_160 = arith.constant -65536 : i32
    %and3A_161 = vector.broadcast %and3A_160 : i32 to vector<16xi32>
    %and3A_162 = arith.andi %add3A_159, %and3A_161 : vector<16xi32>
    %bitcast3A_163 = vector.bitcast %and3A_162 : vector<16xi32> to vector<16xf32>
    %get3A_164 = arith.constant 8 : i32
    %get3A_165 = arith.index_cast %get3A_164 : i32 to index
    %get3A_166 = arith.constant 0 : index
    %get3A_167 = tpu.vector_load %arg17[%get3A_165, %get3A_166] {strides = array<i32>} : memref<16x16xf32, #tpu.memory_space<vmem>>, vector<16xf32>,
    %bitcast3A_168 = vector.bitcast %get3A_167 : vector<16xf32> to vector<16xi32>
    %add3A_169 = arith.constant 32767 : i32
    %add3A_170 = vector.broadcast %add3A_169 : i32 to vector<16xi32>
    %add3A_171 = arith.addi %bitcast3A_168, %add3A_170 : vector<16xi32>
    %shift_right_arithmetic3A_172 = arith.constant 16 : i32
    %shift_right_arithmetic3A_173 = vector.broadcast %shift_right_arithmetic3A_172 : i32 to vector<16xi32>
    %shift_right_arithmetic3A_174 = arith.shrsi %bitcast3A_168, %shift_right_arithmetic3A_173 : vector<16xi32>
    %and3A_175 = arith.constant 1 : i32
    %and3A_176 = vector.broadcast %and3A_175 : i32 to vector<16xi32>
    %and3A_177 = arith.andi %shift_right_arithmetic3A_174, %and3A_176 : vector<16xi32>
    %add3A_178 = arith.addi %add3A_171, %and3A_177 : vector<16xi32>
    %and3A_179 = arith.constant -65536 : i32
    %and3A_180 = vector.broadcast %and3A_179 : i32 to vector<16xi32>
    %and3A_181 = arith.andi %add3A_178, %and3A_180 : vector<16xi32>
    %bitcast3A_182 = vector.bitcast %and3A_181 : vector<16xi32> to vector<16xf32>
    %get3A_183 = arith.constant 9 : i32
    %get3A_184 = arith.index_cast %get3A_183 : i32 to index
    %get3A_185 = arith.constant 0 : index
    %get3A_186 = tpu.vector_load %arg17[%get3A_184, %get3A_185] {strides = array<i32>} : memref<16x16xf32, #tpu.memory_space<vmem>>, vector<16xf32>,
    %bitcast3A_187 = vector.bitcast %get3A_186 : vector<16xf32> to vector<16xi32>
    %add3A_188 = arith.constant 32767 : i32
    %add3A_189 = vector.broadcast %add3A_188 : i32 to vector<16xi32>
    %add3A_190 = arith.addi %bitcast3A_187, %add3A_189 : vector<16xi32>
    %shift_right_arithmetic3A_191 = arith.constant 16 : i32
    %shift_right_arithmetic3A_192 = vector.broadcast %shift_right_arithmetic3A_191 : i32 to vector<16xi32>
    %shift_right_arithmetic3A_193 = arith.shrsi %bitcast3A_187, %shift_right_arithmetic3A_192 : vector<16xi32>
    %and3A_194 = arith.constant 1 : i32
    %and3A_195 = vector.broadcast %and3A_194 : i32 to vector<16xi32>
    %and3A_196 = arith.andi %shift_right_arithmetic3A_193, %and3A_195 : vector<16xi32>
    %add3A_197 = arith.addi %add3A_190, %and3A_196 : vector<16xi32>
    %and3A_198 = arith.constant -65536 : i32
    %and3A_199 = vector.broadcast %and3A_198 : i32 to vector<16xi32>
    %and3A_200 = arith.andi %add3A_197, %and3A_199 : vector<16xi32>
    %bitcast3A_201 = vector.bitcast %and3A_200 : vector<16xi32> to vector<16xf32>
    %get3A_202 = arith.constant 10 : i32
    %get3A_203 = arith.index_cast %get3A_202 : i32 to index
    %get3A_204 = arith.constant 0 : index
    %get3A_205 = tpu.vector_load %arg17[%get3A_203, %get3A_204] {strides = array<i32>} : memref<16x16xf32, #tpu.memory_space<vmem>>, vector<16xf32>,
    %bitcast3A_206 = vector.bitcast %get3A_205 : vector<16xf32> to vector<16xi32>
    %add3A_207 = arith.constant 32767 : i32
    %add3A_208 = vector.broadcast %add3A_207 : i32 to vector<16xi32>
    %add3A_209 = arith.addi %bitcast3A_206, %add3A_208 : vector<16xi32>
    %shift_right_arithmetic3A_210 = arith.constant 16 : i32
    %shift_right_arithmetic3A_211 = vector.broadcast %shift_right_arithmetic3A_210 : i32 to vector<16xi32>
    %shift_right_arithmetic3A_212 = arith.shrsi %bitcast3A_206, %shift_right_arithmetic3A_211 : vector<16xi32>
    %and3A_213 = arith.constant 1 : i32
    %and3A_214 = vector.broadcast %and3A_213 : i32 to vector<16xi32>
    %and3A_215 = arith.andi %shift_right_arithmetic3A_212, %and3A_214 : vector<16xi32>
    %add3A_216 = arith.addi %add3A_209, %and3A_215 : vector<16xi32>
    %and3A_217 = arith.constant -65536 : i32
    %and3A_218 = vector.broadcast %and3A_217 : i32 to vector<16xi32>
    %and3A_219 = arith.andi %add3A_216, %and3A_218 : vector<16xi32>
    %bitcast3A_220 = vector.bitcast %and3A_219 : vector<16xi32> to vector<16xf32>
    %get3A_221 = arith.constant 11 : i32
    %get3A_222 = arith.index_cast %get3A_221 : i32 to index
    %get3A_223 = arith.constant 0 : index
    %get3A_224 = tpu.vector_load %arg17[%get3A_222, %get3A_223] {strides = array<i32>} : memref<16x16xf32, #tpu.memory_space<vmem>>, vector<16xf32>,
    %bitcast3A_225 = vector.bitcast %get3A_224 : vector<16xf32> to vector<16xi32>
    %add3A_226 = arith.constant 32767 : i32
    %add3A_227 = vector.broadcast %add3A_226 : i32 to vector<16xi32>
    %add3A_228 = arith.addi %bitcast3A_225, %add3A_227 : vector<16xi32>
    %shift_right_arithmetic3A_229 = arith.constant 16 : i32
    %shift_right_arithmetic3A_230 = vector.broadcast %shift_right_arithmetic3A_229 : i32 to vector<16xi32>
    %shift_right_arithmetic3A_231 = arith.shrsi %bitcast3A_225, %shift_right_arithmetic3A_230 : vector<16xi32>
    %and3A_232 = arith.constant 1 : i32
    %and3A_233 = vector.broadcast %and3A_232 : i32 to vector<16xi32>
    %and3A_234 = arith.andi %shift_right_arithmetic3A_231, %and3A_233 : vector<16xi32>
    %add3A_235 = arith.addi %add3A_228, %and3A_234 : vector<16xi32>
    %and3A_236 = arith.constant -65536 : i32
    %and3A_237 = vector.broadcast %and3A_236 : i32 to vector<16xi32>
    %and3A_238 = arith.andi %add3A_235, %and3A_237 : vector<16xi32>
    %bitcast3A_239 = vector.bitcast %and3A_238 : vector<16xi32> to vector<16xf32>
    %get3A_240 = arith.constant 12 : i32
    %get3A_241 = arith.index_cast %get3A_240 : i32 to index
    %get3A_242 = arith.constant 0 : index
    %get3A_243 = tpu.vector_load %arg17[%get3A_241, %get3A_242] {strides = array<i32>} : memref<16x16xf32, #tpu.memory_space<vmem>>, vector<16xf32>,
    %bitcast3A_244 = vector.bitcast %get3A_243 : vector<16xf32> to vector<16xi32>
    %add3A_245 = arith.constant 32767 : i32
    %add3A_246 = vector.broadcast %add3A_245 : i32 to vector<16xi32>
    %add3A_247 = arith.addi %bitcast3A_244, %add3A_246 : vector<16xi32>
    %shift_right_arithmetic3A_248 = arith.constant 16 : i32
    %shift_right_arithmetic3A_249 = vector.broadcast %shift_right_arithmetic3A_248 : i32 to vector<16xi32>
    %shift_right_arithmetic3A_250 = arith.shrsi %bitcast3A_244, %shift_right_arithmetic3A_249 : vector<16xi32>
    %and3A_251 = arith.constant 1 : i32
    %and3A_252 = vector.broadcast %and3A_251 : i32 to vector<16xi32>
    %and3A_253 = arith.andi %shift_right_arithmetic3A_250, %and3A_252 : vector<16xi32>
    %add3A_254 = arith.addi %add3A_247, %and3A_253 : vector<16xi32>
    %and3A_255 = arith.constant -65536 : i32
    %and3A_256 = vector.broadcast %and3A_255 : i32 to vector<16xi32>
    %and3A_257 = arith.andi %add3A_254, %and3A_256 : vector<16xi32>
    %bitcast3A_258 = vector.bitcast %and3A_257 : vector<16xi32> to vector<16xf32>
    %get3A_259 = arith.constant 13 : i32
    %get3A_260 = arith.index_cast %get3A_259 : i32 to index
    %get3A_261 = arith.constant 0 : index
    %get3A_262 = tpu.vector_load %arg17[%get3A_260, %get3A_261] {strides = array<i32>} : memref<16x16xf32, #tpu.memory_space<vmem>>, vector<16xf32>,
    %bitcast3A_263 = vector.bitcast %get3A_262 : vector<16xf32> to vector<16xi32>
    %add3A_264 = arith.constant 32767 : i32
    %add3A_265 = vector.broadcast %add3A_264 : i32 to vector<16xi32>
    %add3A_266 = arith.addi %bitcast3A_263, %add3A_265 : vector<16xi32>
    %shift_right_arithmetic3A_267 = arith.constant 16 : i32
    %shift_right_arithmetic3A_268 = vector.broadcast %shift_right_arithmetic3A_267 : i32 to vector<16xi32>
    %shift_right_arithmetic3A_269 = arith.shrsi %bitcast3A_263, %shift_right_arithmetic3A_268 : vector<16xi32>
    %and3A_270 = arith.constant 1 : i32
    %and3A_271 = vector.broadcast %and3A_270 : i32 to vector<16xi32>
    %and3A_272 = arith.andi %shift_right_arithmetic3A_269, %and3A_271 : vector<16xi32>
    %add3A_273 = arith.addi %add3A_266, %and3A_272 : vector<16xi32>
    %and3A_274 = arith.constant -65536 : i32
    %and3A_275 = vector.broadcast %and3A_274 : i32 to vector<16xi32>
    %and3A_276 = arith.andi %add3A_273, %and3A_275 : vector<16xi32>
    %bitcast3A_277 = vector.bitcast %and3A_276 : vector<16xi32> to vector<16xf32>
    %get3A_278 = arith.constant 14 : i32
    %get3A_279 = arith.index_cast %get3A_278 : i32 to index
    %get3A_280 = arith.constant 0 : index
    %get3A_281 = tpu.vector_load %arg17[%get3A_279, %get3A_280] {strides = array<i32>} : memref<16x16xf32, #tpu.memory_space<vmem>>, vector<16xf32>,
    %bitcast3A_282 = vector.bitcast %get3A_281 : vector<16xf32> to vector<16xi32>
    %add3A_283 = arith.constant 32767 : i32
    %add3A_284 = vector.broadcast %add3A_283 : i32 to vector<16xi32>
    %add3A_285 = arith.addi %bitcast3A_282, %add3A_284 : vector<16xi32>
    %shift_right_arithmetic3A_286 = arith.constant 16 : i32
    %shift_right_arithmetic3A_287 = vector.broadcast %shift_right_arithmetic3A_286 : i32 to vector<16xi32>
    %shift_right_arithmetic3A_288 = arith.shrsi %bitcast3A_282, %shift_right_arithmetic3A_287 : vector<16xi32>
    %and3A_289 = arith.constant 1 : i32
    %and3A_290 = vector.broadcast %and3A_289 : i32 to vector<16xi32>
    %and3A_291 = arith.andi %shift_right_arithmetic3A_288, %and3A_290 : vector<16xi32>
    %add3A_292 = arith.addi %add3A_285, %and3A_291 : vector<16xi32>
    %and3A_293 = arith.constant -65536 : i32
    %and3A_294 = vector.broadcast %and3A_293 : i32 to vector<16xi32>
    %and3A_295 = arith.andi %add3A_292, %and3A_294 : vector<16xi32>
    %bitcast3A_296 = vector.bitcast %and3A_295 : vector<16xi32> to vector<16xf32>
    %get3A_297 = arith.constant 15 : i32
    %get3A_298 = arith.index_cast %get3A_297 : i32 to index
    %get3A_299 = arith.constant 0 : index
    %get3A_300 = tpu.vector_load %arg17[%get3A_298, %get3A_299] {strides = array<i32>} : memref<16x16xf32, #tpu.memory_space<vmem>>, vector<16xf32>,
    %bitcast3A_301 = vector.bitcast %get3A_300 : vector<16xf32> to vector<16xi32>
    %add3A_302 = arith.constant 32767 : i32
    %add3A_303 = vector.broadcast %add3A_302 : i32 to vector<16xi32>
    %add3A_304 = arith.addi %bitcast3A_301, %add3A_303 : vector<16xi32>
    %shift_right_arithmetic3A_305 = arith.constant 16 : i32
    %shift_right_arithmetic3A_306 = vector.broadcast %shift_right_arithmetic3A_305 : i32 to vector<16xi32>
    %shift_right_arithmetic3A_307 = arith.shrsi %bitcast3A_301, %shift_right_arithmetic3A_306 : vector<16xi32>
    %and3A_308 = arith.constant 1 : i32
    %and3A_309 = vector.broadcast %and3A_308 : i32 to vector<16xi32>
    %and3A_310 = arith.andi %shift_right_arithmetic3A_307, %and3A_309 : vector<16xi32>
    %add3A_311 = arith.addi %add3A_304, %and3A_310 : vector<16xi32>
    %and3A_312 = arith.constant -65536 : i32
    %and3A_313 = vector.broadcast %and3A_312 : i32 to vector<16xi32>
    %and3A_314 = arith.andi %add3A_311, %and3A_313 : vector<16xi32>
    %bitcast3A_315 = vector.bitcast %and3A_314 : vector<16xi32> to vector<16xf32>
    %parallel_loop3A_316 = arith.constant 0 : i32
    %parallel_loop3A_317 = arith.constant 632 : i32
    %parallel_loop3A_318 = arith.constant 1 : i32
    scf.for %parallel_loop3A_410 = %parallel_loop3A_316 to %parallel_loop3A_317 step %parallel_loop3A_318  : i32 {
      %parallel_loop3A_411 = arith.index_cast %parallel_loop3A_410 : i32 to index
      %parallel_loop3A_412 = arith.constant 0 : index
      %parallel_loop3A_413 = tpu.vector_load %arg15[%parallel_loop3A_411, %parallel_loop3A_412] {strides = array<i32>} : memref<632x16xf32, #tpu.memory_space<vmem>>, vector<16xf32>,
      %parallel_loop3A_414 = arith.index_cast %parallel_loop3A_410 : i32 to index
      %parallel_loop3A_415 = arith.constant 0 : index
      %parallel_loop3A_416 = tpu.vector_load %arg12[%parallel_loop3A_414, %parallel_loop3A_415] {strides = array<i32>} : memref<632x16xf32, #tpu.memory_space<vmem>>, vector<16xf32>,
      %parallel_loop3A_417 = arith.index_cast %parallel_loop3A_410 : i32 to index
      %parallel_loop3A_418 = arith.constant 0 : index
      %parallel_loop3A_419 = tpu.vector_load %arg13[%parallel_loop3A_417, %parallel_loop3A_418] {strides = array<i32>} : memref<632x16xf32, #tpu.memory_space<vmem>>, vector<16xf32>,
      %parallel_loop3A_420 = arith.addf %parallel_loop3A_416, %parallel_loop3A_419 : vector<16xf32>
      %parallel_loop3A_421 = arith.index_cast %parallel_loop3A_410 : i32 to index
      %parallel_loop3A_422 = arith.constant 0 : index
      %parallel_loop3A_423 = tpu.vector_load %arg14[%parallel_loop3A_421, %parallel_loop3A_422] {strides = array<i32>} : memref<632x16xf32, #tpu.memory_space<vmem>>, vector<16xf32>,
      %parallel_loop3A_424 = arith.addf %parallel_loop3A_420, %parallel_loop3A_423 : vector<16xf32>
      %parallel_loop3A_425 = arith.mulf %parallel_loop3A_413, %parallel_loop3A_424 : vector<16xf32>
      %parallel_loop3A_426 = arith.addf %parallel_loop3A_425, %get3A_14 : vector<16xf32>
      %parallel_loop3A_427 = arith.constant 0.000000e+00 : f32
      %parallel_loop3A_428 = vector.broadcast %parallel_loop3A_427 : f32 to vector<16xf32>
      %parallel_loop3A_429 = arith.maximumf %parallel_loop3A_426, %parallel_loop3A_428 : vector<16xf32>
      %parallel_loop3A_430 = vector.bitcast %parallel_loop3A_429 : vector<16xf32> to vector<16xi32>
      %parallel_loop3A_431 = arith.constant 32767 : i32
      %parallel_loop3A_432 = vector.broadcast %parallel_loop3A_431 : i32 to vector<16xi32>
      %parallel_loop3A_433 = arith.addi %parallel_loop3A_430, %parallel_loop3A_432 : vector<16xi32>
      %parallel_loop3A_434 = arith.constant 16 : i32
      %parallel_loop3A_435 = vector.broadcast %parallel_loop3A_434 : i32 to vector<16xi32>
      %parallel_loop3A_436 = arith.shrsi %parallel_loop3A_430, %parallel_loop3A_435 : vector<16xi32>
      %parallel_loop3A_437 = arith.constant 1 : i32
      %parallel_loop3A_438 = vector.broadcast %parallel_loop3A_437 : i32 to vector<16xi32>
      %parallel_loop3A_439 = arith.andi %parallel_loop3A_436, %parallel_loop3A_438 : vector<16xi32>
      %parallel_loop3A_440 = arith.addi %parallel_loop3A_433, %parallel_loop3A_439 : vector<16xi32>
      %parallel_loop3A_441 = arith.constant -65536 : i32
      %parallel_loop3A_442 = vector.broadcast %parallel_loop3A_441 : i32 to vector<16xi32>
      %parallel_loop3A_443 = arith.andi %parallel_loop3A_440, %parallel_loop3A_442 : vector<16xi32>
      %parallel_loop3A_444 = vector.bitcast %parallel_loop3A_443 : vector<16xi32> to vector<16xf32>
      %parallel_loop3A_445 = vector.extract_strided_slice %parallel_loop3A_444 {offsets = [0], sizes = [1], strides = [1]} : vector<16xf32> to vector<1xf32>
      %parallel_loop3A_446 = vector.extract %parallel_loop3A_445[0] : f32 from vector<1xf32>
      %parallel_loop3A_447 = vector.broadcast %parallel_loop3A_446 : f32 to vector<16xf32>
      %parallel_loop3A_448 = arith.mulf %parallel_loop3A_447, %bitcast3A_30 : vector<16xf32>
      %parallel_loop3A_449 = vector.extract_strided_slice %parallel_loop3A_444 {offsets = [1], sizes = [1], strides = [1]} : vector<16xf32> to vector<1xf32>
      %parallel_loop3A_450 = vector.extract %parallel_loop3A_449[0] : f32 from vector<1xf32>
      %parallel_loop3A_451 = vector.broadcast %parallel_loop3A_450 : f32 to vector<16xf32>
      %parallel_loop3A_452 = arith.mulf %parallel_loop3A_451, %bitcast3A_49 : vector<16xf32>
      %parallel_loop3A_453 = arith.addf %parallel_loop3A_448, %parallel_loop3A_452 : vector<16xf32>
      %parallel_loop3A_454 = vector.extract_strided_slice %parallel_loop3A_444 {offsets = [2], sizes = [1], strides = [1]} : vector<16xf32> to vector<1xf32>
      %parallel_loop3A_455 = vector.extract %parallel_loop3A_454[0] : f32 from vector<1xf32>
      %parallel_loop3A_456 = vector.broadcast %parallel_loop3A_455 : f32 to vector<16xf32>
      %parallel_loop3A_457 = arith.mulf %parallel_loop3A_456, %bitcast3A_68 : vector<16xf32>
      %parallel_loop3A_458 = arith.addf %parallel_loop3A_453, %parallel_loop3A_457 : vector<16xf32>
      %parallel_loop3A_459 = vector.extract_strided_slice %parallel_loop3A_444 {offsets = [3], sizes = [1], strides = [1]} : vector<16xf32> to vector<1xf32>
      %parallel_loop3A_460 = vector.extract %parallel_loop3A_459[0] : f32 from vector<1xf32>
      %parallel_loop3A_461 = vector.broadcast %parallel_loop3A_460 : f32 to vector<16xf32>
      %parallel_loop3A_462 = arith.mulf %parallel_loop3A_461, %bitcast3A_87 : vector<16xf32>
      %parallel_loop3A_463 = arith.addf %parallel_loop3A_458, %parallel_loop3A_462 : vector<16xf32>
      %parallel_loop3A_464 = vector.extract_strided_slice %parallel_loop3A_444 {offsets = [4], sizes = [1], strides = [1]} : vector<16xf32> to vector<1xf32>
      %parallel_loop3A_465 = vector.extract %parallel_loop3A_464[0] : f32 from vector<1xf32>
      %parallel_loop3A_466 = vector.broadcast %parallel_loop3A_465 : f32 to vector<16xf32>
      %parallel_loop3A_467 = arith.mulf %parallel_loop3A_466, %bitcast3A_106 : vector<16xf32>
      %parallel_loop3A_468 = arith.addf %parallel_loop3A_463, %parallel_loop3A_467 : vector<16xf32>
      %parallel_loop3A_469 = vector.extract_strided_slice %parallel_loop3A_444 {offsets = [5], sizes = [1], strides = [1]} : vector<16xf32> to vector<1xf32>
      %parallel_loop3A_470 = vector.extract %parallel_loop3A_469[0] : f32 from vector<1xf32>
      %parallel_loop3A_471 = vector.broadcast %parallel_loop3A_470 : f32 to vector<16xf32>
      %parallel_loop3A_472 = arith.mulf %parallel_loop3A_471, %bitcast3A_125 : vector<16xf32>
      %parallel_loop3A_473 = arith.addf %parallel_loop3A_468, %parallel_loop3A_472 : vector<16xf32>
      %parallel_loop3A_474 = vector.extract_strided_slice %parallel_loop3A_444 {offsets = [6], sizes = [1], strides = [1]} : vector<16xf32> to vector<1xf32>
      %parallel_loop3A_475 = vector.extract %parallel_loop3A_474[0] : f32 from vector<1xf32>
      %parallel_loop3A_476 = vector.broadcast %parallel_loop3A_475 : f32 to vector<16xf32>
      %parallel_loop3A_477 = arith.mulf %parallel_loop3A_476, %bitcast3A_144 : vector<16xf32>
      %parallel_loop3A_478 = arith.addf %parallel_loop3A_473, %parallel_loop3A_477 : vector<16xf32>
      %parallel_loop3A_479 = vector.extract_strided_slice %parallel_loop3A_444 {offsets = [7], sizes = [1], strides = [1]} : vector<16xf32> to vector<1xf32>
      %parallel_loop3A_480 = vector.extract %parallel_loop3A_479[0] : f32 from vector<1xf32>
      %parallel_loop3A_481 = vector.broadcast %parallel_loop3A_480 : f32 to vector<16xf32>
      %parallel_loop3A_482 = arith.mulf %parallel_loop3A_481, %bitcast3A_163 : vector<16xf32>
      %parallel_loop3A_483 = arith.addf %parallel_loop3A_478, %parallel_loop3A_482 : vector<16xf32>
      %parallel_loop3A_484 = vector.extract_strided_slice %parallel_loop3A_444 {offsets = [8], sizes = [1], strides = [1]} : vector<16xf32> to vector<1xf32>
      %parallel_loop3A_485 = vector.extract %parallel_loop3A_484[0] : f32 from vector<1xf32>
      %parallel_loop3A_486 = vector.broadcast %parallel_loop3A_485 : f32 to vector<16xf32>
      %parallel_loop3A_487 = arith.mulf %parallel_loop3A_486, %bitcast3A_182 : vector<16xf32>
      %parallel_loop3A_488 = arith.addf %parallel_loop3A_483, %parallel_loop3A_487 : vector<16xf32>
      %parallel_loop3A_489 = vector.extract_strided_slice %parallel_loop3A_444 {offsets = [9], sizes = [1], strides = [1]} : vector<16xf32> to vector<1xf32>
      %parallel_loop3A_490 = vector.extract %parallel_loop3A_489[0] : f32 from vector<1xf32>
      %parallel_loop3A_491 = vector.broadcast %parallel_loop3A_490 : f32 to vector<16xf32>
      %parallel_loop3A_492 = arith.mulf %parallel_loop3A_491, %bitcast3A_201 : vector<16xf32>
      %parallel_loop3A_493 = arith.addf %parallel_loop3A_488, %parallel_loop3A_492 : vector<16xf32>
      %parallel_loop3A_494 = vector.extract_strided_slice %parallel_loop3A_444 {offsets = [10], sizes = [1], strides = [1]} : vector<16xf32> to vector<1xf32>
      %parallel_loop3A_495 = vector.extract %parallel_loop3A_494[0] : f32 from vector<1xf32>
      %parallel_loop3A_496 = vector.broadcast %parallel_loop3A_495 : f32 to vector<16xf32>
      %parallel_loop3A_497 = arith.mulf %parallel_loop3A_496, %bitcast3A_220 : vector<16xf32>
      %parallel_loop3A_498 = arith.addf %parallel_loop3A_493, %parallel_loop3A_497 : vector<16xf32>
      %parallel_loop3A_499 = vector.extract_strided_slice %parallel_loop3A_444 {offsets = [11], sizes = [1], strides = [1]} : vector<16xf32> to vector<1xf32>
      %parallel_loop3A_500 = vector.extract %parallel_loop3A_499[0] : f32 from vector<1xf32>
      %parallel_loop3A_501 = vector.broadcast %parallel_loop3A_500 : f32 to vector<16xf32>
      %parallel_loop3A_502 = arith.mulf %parallel_loop3A_501, %bitcast3A_239 : vector<16xf32>
      %parallel_loop3A_503 = arith.addf %parallel_loop3A_498, %parallel_loop3A_502 : vector<16xf32>
      %parallel_loop3A_504 = vector.extract_strided_slice %parallel_loop3A_444 {offsets = [12], sizes = [1], strides = [1]} : vector<16xf32> to vector<1xf32>
      %parallel_loop3A_505 = vector.extract %parallel_loop3A_504[0] : f32 from vector<1xf32>
      %parallel_loop3A_506 = vector.broadcast %parallel_loop3A_505 : f32 to vector<16xf32>
      %parallel_loop3A_507 = arith.mulf %parallel_loop3A_506, %bitcast3A_258 : vector<16xf32>
      %parallel_loop3A_508 = arith.addf %parallel_loop3A_503, %parallel_loop3A_507 : vector<16xf32>
      %parallel_loop3A_509 = vector.extract_strided_slice %parallel_loop3A_444 {offsets = [13], sizes = [1], strides = [1]} : vector<16xf32> to vector<1xf32>
      %parallel_loop3A_510 = vector.extract %parallel_loop3A_509[0] : f32 from vector<1xf32>
      %parallel_loop3A_511 = vector.broadcast %parallel_loop3A_510 : f32 to vector<16xf32>
      %parallel_loop3A_512 = arith.mulf %parallel_loop3A_511, %bitcast3A_277 : vector<16xf32>
      %parallel_loop3A_513 = arith.addf %parallel_loop3A_508, %parallel_loop3A_512 : vector<16xf32>
      %parallel_loop3A_514 = vector.extract_strided_slice %parallel_loop3A_444 {offsets = [14], sizes = [1], strides = [1]} : vector<16xf32> to vector<1xf32>
      %parallel_loop3A_515 = vector.extract %parallel_loop3A_514[0] : f32 from vector<1xf32>
      %parallel_loop3A_516 = vector.broadcast %parallel_loop3A_515 : f32 to vector<16xf32>
      %parallel_loop3A_517 = arith.mulf %parallel_loop3A_516, %bitcast3A_296 : vector<16xf32>
      %parallel_loop3A_518 = arith.addf %parallel_loop3A_513, %parallel_loop3A_517 : vector<16xf32>
      %parallel_loop3A_519 = vector.extract_strided_slice %parallel_loop3A_444 {offsets = [15], sizes = [1], strides = [1]} : vector<16xf32> to vector<1xf32>
      %parallel_loop3A_520 = vector.extract %parallel_loop3A_519[0] : f32 from vector<1xf32>
      %parallel_loop3A_521 = vector.broadcast %parallel_loop3A_520 : f32 to vector<16xf32>
      %parallel_loop3A_522 = arith.mulf %parallel_loop3A_521, %bitcast3A_315 : vector<16xf32>
      %parallel_loop3A_523 = arith.addf %parallel_loop3A_518, %parallel_loop3A_522 : vector<16xf32>
      %parallel_loop3A_524 = arith.mulf %parallel_loop3A_413, %parallel_loop3A_523 : vector<16xf32>
      %parallel_loop3A_525 = arith.index_cast %parallel_loop3A_410 : i32 to index
      %parallel_loop3A_526 = arith.constant 0 : index
      %parallel_loop3A_527 = tpu.vector_load %arg16[%parallel_loop3A_525, %parallel_loop3A_526] {strides = array<i32>} : memref<632x16xf32, #tpu.memory_space<vmem>>, vector<16xf32>,
      tpu.vector_store %arg16[%parallel_loop3A_525, %parallel_loop3A_526], %parallel_loop3A_524 {strides = array<i32>} : memref<632x16xf32, #tpu.memory_space<vmem>>, vector<16xf32>,
    } {sc.loop_unroll_factor = 2 : i64, sc.parallel_access}
    "tpu.region"() ({
      %run_scoped3A_410 = tpu.sem_alloc : memref<!tpu.dma_semaphore, #tpu.memory_space<semaphore_mem>>
      %dma_start3A_411 = arith.constant 0 : i32
      %dma_start3A_412 = tpu.memref_slice %arg19[%mul3A_2, %dma_start3A_411] : memref<10112x16xf32, #tpu.memory_space<vmem_shared>> -> memref<632x16xf32, #tpu.memory_space<vmem_shared>>
      %dma_start3A_413 = arith.constant 0 : i32
      %dma_start3A_414 = tpu.memref_slice %arg19[%mul3A_2, %dma_start3A_413] : memref<10112x16xf32, #tpu.memory_space<vmem_shared>> -> memref<632x16xf32, #tpu.memory_space<vmem_shared>>
      tpu.enqueue_dma source(%arg11 : memref<632x16xf32, #tpu.memory_space<vmem>>) target(%dma_start3A_414 : memref<632x16xf32, #tpu.memory_space<vmem_shared>>) target_semaphore(%run_scoped3A_410 : memref<!tpu.dma_semaphore, #tpu.memory_space<semaphore_mem>>)
      %dma_wait3A_415 = arith.constant 0 : i32
      %dma_wait3A_416 = tpu.memref_slice %arg19[%mul3A_2, %dma_wait3A_415] : memref<10112x16xf32, #tpu.memory_space<vmem_shared>> -> memref<632x16xf32, #tpu.memory_space<vmem_shared>>
      %dma_wait3A_417 = arith.constant 0 : i32
      %dma_wait3A_418 = tpu.memref_slice %arg19[%mul3A_2, %dma_wait3A_417] : memref<10112x16xf32, #tpu.memory_space<vmem_shared>> -> memref<632x16xf32, #tpu.memory_space<vmem_shared>>
      tpu.wait_dma2 semaphore(%run_scoped3A_410 : memref<!tpu.dma_semaphore, #tpu.memory_space<semaphore_mem>>) src(%arg11 : memref<632x16xf32, #tpu.memory_space<vmem>>) dst(%dma_wait3A_418 : memref<632x16xf32, #tpu.memory_space<vmem_shared>>)
      tpu.yield
    }) : () -> ()
    "tpu.region"() ({
      %run_scoped3A_410 = tpu.sem_alloc : memref<!tpu.dma_semaphore, #tpu.memory_space<semaphore_mem>>
      %dma_start3A_411 = arith.constant 0 : i32
      %dma_start3A_412 = tpu.memref_slice %arg20[%mul3A_2, %dma_start3A_411] : memref<10112x16xf32, #tpu.memory_space<vmem_shared>> -> memref<632x16xf32, #tpu.memory_space<vmem_shared>>
      %dma_start3A_413 = arith.constant 0 : i32
      %dma_start3A_414 = tpu.memref_slice %arg20[%mul3A_2, %dma_start3A_413] : memref<10112x16xf32, #tpu.memory_space<vmem_shared>> -> memref<632x16xf32, #tpu.memory_space<vmem_shared>>
      tpu.enqueue_dma source(%arg16 : memref<632x16xf32, #tpu.memory_space<vmem>>) target(%dma_start3A_414 : memref<632x16xf32, #tpu.memory_space<vmem_shared>>) target_semaphore(%run_scoped3A_410 : memref<!tpu.dma_semaphore, #tpu.memory_space<semaphore_mem>>)
      %dma_wait3A_415 = arith.constant 0 : i32
      %dma_wait3A_416 = tpu.memref_slice %arg20[%mul3A_2, %dma_wait3A_415] : memref<10112x16xf32, #tpu.memory_space<vmem_shared>> -> memref<632x16xf32, #tpu.memory_space<vmem_shared>>
      %dma_wait3A_417 = arith.constant 0 : i32
      %dma_wait3A_418 = tpu.memref_slice %arg20[%mul3A_2, %dma_wait3A_417] : memref<10112x16xf32, #tpu.memory_space<vmem_shared>> -> memref<632x16xf32, #tpu.memory_space<vmem_shared>>
      tpu.wait_dma2 semaphore(%run_scoped3A_410 : memref<!tpu.dma_semaphore, #tpu.memory_space<semaphore_mem>>) src(%arg16 : memref<632x16xf32, #tpu.memory_space<vmem>>) dst(%dma_wait3A_418 : memref<632x16xf32, #tpu.memory_space<vmem_shared>>)
      tpu.yield
    }) : () -> ()
    %eq3A = arith.constant 0 : i32
    %eq3A_319 = arith.cmpi eq, %arg0, %eq3A : i32
    %convert_element_type3A = arith.extui %eq3A_319 : i1 to i32
    %cond3A = arith.constant 0 : i32
    %cond3A_320 = arith.cmpi ne, %convert_element_type3A, %cond3A : i32
    scf.if %cond3A_320 {
      %run_scoped3A_410 = arith.constant 2 : i32
      "tpu.region"() ({
        %run_scoped3A_412 = tpu.sem_alloc : memref<!tpu.dma_semaphore, #tpu.memory_space<semaphore_mem>>
        %dma_start3A_413 = arith.constant 0 : i32
        %dma_start3A_414 = arith.constant 0 : i32
        %dma_start3A_415 = tpu.memref_slice %arg7[%run_scoped3A_410, %dma_start3A_413, %dma_start3A_414] : memref<4x10112x16xf32, #tpu.memory_space<hbm>> -> memref<1x10112x16xf32, #tpu.memory_space<hbm>>
        %dma_start3A_416 = tpu.memref_squeeze %dma_start3A_415 : memref<1x10112x16xf32, #tpu.memory_space<hbm>> -> memref<10112x16xf32, #tpu.memory_space<hbm>>
        %dma_start3A_417 = arith.constant 0 : i32
        %dma_start3A_418 = tpu.memref_slice %dma_start3A_416[%mul3A_2, %dma_start3A_417] : memref<10112x16xf32, #tpu.memory_space<hbm>> -> memref<632x16xf32, #tpu.memory_space<hbm>>
        %dma_start3A_419 = arith.constant 0 : i32
        %dma_start3A_420 = arith.constant 0 : i32
        %dma_start3A_421 = tpu.memref_slice %arg7[%run_scoped3A_410, %dma_start3A_419, %dma_start3A_420] : memref<4x10112x16xf32, #tpu.memory_space<hbm>> -> memref<1x10112x16xf32, #tpu.memory_space<hbm>>
        %dma_start3A_422 = tpu.memref_squeeze %dma_start3A_421 : memref<1x10112x16xf32, #tpu.memory_space<hbm>> -> memref<10112x16xf32, #tpu.memory_space<hbm>>
        %dma_start3A_423 = arith.constant 0 : i32
        %dma_start3A_424 = tpu.memref_slice %dma_start3A_422[%mul3A_2, %dma_start3A_423] : memref<10112x16xf32, #tpu.memory_space<hbm>> -> memref<632x16xf32, #tpu.memory_space<hbm>>
        tpu.enqueue_dma source(%arg16 : memref<632x16xf32, #tpu.memory_space<vmem>>) target(%dma_start3A_424 : memref<632x16xf32, #tpu.memory_space<hbm>>) target_semaphore(%run_scoped3A_412 : memref<!tpu.dma_semaphore, #tpu.memory_space<semaphore_mem>>)
        %dma_wait3A_425 = arith.constant 0 : i32
        %dma_wait3A_426 = arith.constant 0 : i32
        %dma_wait3A_427 = tpu.memref_slice %arg7[%run_scoped3A_410, %dma_wait3A_425, %dma_wait3A_426] : memref<4x10112x16xf32, #tpu.memory_space<hbm>> -> memref<1x10112x16xf32, #tpu.memory_space<hbm>>
        %dma_wait3A_428 = tpu.memref_squeeze %dma_wait3A_427 : memref<1x10112x16xf32, #tpu.memory_space<hbm>> -> memref<10112x16xf32, #tpu.memory_space<hbm>>
        %dma_wait3A_429 = arith.constant 0 : i32
        %dma_wait3A_430 = tpu.memref_slice %dma_wait3A_428[%mul3A_2, %dma_wait3A_429] : memref<10112x16xf32, #tpu.memory_space<hbm>> -> memref<632x16xf32, #tpu.memory_space<hbm>>
        %dma_wait3A_431 = arith.constant 0 : i32
        %dma_wait3A_432 = arith.constant 0 : i32
        %dma_wait3A_433 = tpu.memref_slice %arg7[%run_scoped3A_410, %dma_wait3A_431, %dma_wait3A_432] : memref<4x10112x16xf32, #tpu.memory_space<hbm>> -> memref<1x10112x16xf32, #tpu.memory_space<hbm>>
        %dma_wait3A_434 = tpu.memref_squeeze %dma_wait3A_433 : memref<1x10112x16xf32, #tpu.memory_space<hbm>> -> memref<10112x16xf32, #tpu.memory_space<hbm>>
        %dma_wait3A_435 = arith.constant 0 : i32
        %dma_wait3A_436 = tpu.memref_slice %dma_wait3A_434[%mul3A_2, %dma_wait3A_435] : memref<10112x16xf32, #tpu.memory_space<hbm>> -> memref<632x16xf32, #tpu.memory_space<hbm>>
        tpu.wait_dma2 semaphore(%run_scoped3A_412 : memref<!tpu.dma_semaphore, #tpu.memory_space<semaphore_mem>>) src(%arg16 : memref<632x16xf32, #tpu.memory_space<vmem>>) dst(%dma_wait3A_436 : memref<632x16xf32, #tpu.memory_space<hbm>>)
        tpu.yield
      }) : () -> ()
      %run_scoped3A_411 = arith.constant 3 : i32
      "tpu.region"() ({
        %run_scoped3A_412 = tpu.sem_alloc : memref<!tpu.dma_semaphore, #tpu.memory_space<semaphore_mem>>
        %dma_start3A_413 = arith.constant 0 : i32
        %dma_start3A_414 = arith.constant 0 : i32
        %dma_start3A_415 = tpu.memref_slice %arg7[%run_scoped3A_411, %dma_start3A_413, %dma_start3A_414] : memref<4x10112x16xf32, #tpu.memory_space<hbm>> -> memref<1x10112x16xf32, #tpu.memory_space<hbm>>
        %dma_start3A_416 = tpu.memref_squeeze %dma_start3A_415 : memref<1x10112x16xf32, #tpu.memory_space<hbm>> -> memref<10112x16xf32, #tpu.memory_space<hbm>>
        %dma_start3A_417 = arith.constant 0 : i32
        %dma_start3A_418 = tpu.memref_slice %dma_start3A_416[%mul3A_2, %dma_start3A_417] : memref<10112x16xf32, #tpu.memory_space<hbm>> -> memref<632x16xf32, #tpu.memory_space<hbm>>
        %dma_start3A_419 = arith.constant 0 : i32
        %dma_start3A_420 = arith.constant 0 : i32
        %dma_start3A_421 = tpu.memref_slice %arg7[%run_scoped3A_411, %dma_start3A_419, %dma_start3A_420] : memref<4x10112x16xf32, #tpu.memory_space<hbm>> -> memref<1x10112x16xf32, #tpu.memory_space<hbm>>
        %dma_start3A_422 = tpu.memref_squeeze %dma_start3A_421 : memref<1x10112x16xf32, #tpu.memory_space<hbm>> -> memref<10112x16xf32, #tpu.memory_space<hbm>>
        %dma_start3A_423 = arith.constant 0 : i32
        %dma_start3A_424 = tpu.memref_slice %dma_start3A_422[%mul3A_2, %dma_start3A_423] : memref<10112x16xf32, #tpu.memory_space<hbm>> -> memref<632x16xf32, #tpu.memory_space<hbm>>
        tpu.enqueue_dma source(%arg15 : memref<632x16xf32, #tpu.memory_space<vmem>>) target(%dma_start3A_424 : memref<632x16xf32, #tpu.memory_space<hbm>>) target_semaphore(%run_scoped3A_412 : memref<!tpu.dma_semaphore, #tpu.memory_space<semaphore_mem>>)
        %dma_wait3A_425 = arith.constant 0 : i32
        %dma_wait3A_426 = arith.constant 0 : i32
        %dma_wait3A_427 = tpu.memref_slice %arg7[%run_scoped3A_411, %dma_wait3A_425, %dma_wait3A_426] : memref<4x10112x16xf32, #tpu.memory_space<hbm>> -> memref<1x10112x16xf32, #tpu.memory_space<hbm>>
        %dma_wait3A_428 = tpu.memref_squeeze %dma_wait3A_427 : memref<1x10112x16xf32, #tpu.memory_space<hbm>> -> memref<10112x16xf32, #tpu.memory_space<hbm>>
        %dma_wait3A_429 = arith.constant 0 : i32
        %dma_wait3A_430 = tpu.memref_slice %dma_wait3A_428[%mul3A_2, %dma_wait3A_429] : memref<10112x16xf32, #tpu.memory_space<hbm>> -> memref<632x16xf32, #tpu.memory_space<hbm>>
        %dma_wait3A_431 = arith.constant 0 : i32
        %dma_wait3A_432 = arith.constant 0 : i32
        %dma_wait3A_433 = tpu.memref_slice %arg7[%run_scoped3A_411, %dma_wait3A_431, %dma_wait3A_432] : memref<4x10112x16xf32, #tpu.memory_space<hbm>> -> memref<1x10112x16xf32, #tpu.memory_space<hbm>>
        %dma_wait3A_434 = tpu.memref_squeeze %dma_wait3A_433 : memref<1x10112x16xf32, #tpu.memory_space<hbm>> -> memref<10112x16xf32, #tpu.memory_space<hbm>>
        %dma_wait3A_435 = arith.constant 0 : i32
        %dma_wait3A_436 = tpu.memref_slice %dma_wait3A_434[%mul3A_2, %dma_wait3A_435] : memref<10112x16xf32, #tpu.memory_space<hbm>> -> memref<632x16xf32, #tpu.memory_space<hbm>>
        tpu.wait_dma2 semaphore(%run_scoped3A_412 : memref<!tpu.dma_semaphore, #tpu.memory_space<semaphore_mem>>) src(%arg15 : memref<632x16xf32, #tpu.memory_space<vmem>>) dst(%dma_wait3A_436 : memref<632x16xf32, #tpu.memory_space<hbm>>)
        tpu.yield
      }) : () -> ()
    } else {
    }
    %barrier3A = arith.constant 0 : index
    tpu.barrier barrier_id(%barrier3A)
    %dma_start3A = arith.constant 0 : i32
    %dma_start3A_321 = arith.constant 0 : i32
    %dma_start3A_322 = arith.constant 0 : i32
    %dma_start3A_323 = arith.constant 0 : i32
    %dma_start3A_324 = tpu.memref_slice %arg10[%dma_start3A_321, %dma_start3A_322, %dma_start3A_323] : memref<4x128x16xf32, #tpu.memory_space<vmem>> -> memref<1x128x16xf32, #tpu.memory_space<vmem>>
    %dma_start3A_325 = tpu.memref_squeeze %dma_start3A_324 : memref<1x128x16xf32, #tpu.memory_space<vmem>> -> memref<128x16xf32, #tpu.memory_space<vmem>>
    %dma_start3A_326 = arith.constant 0 : i32
    %dma_start3A_327 = tpu.memref_slice %arg8[%dma_start3A, %dma_start3A_326] : memref<80x128xi32, #tpu.memory_space<vmem>> -> memref<1x128xi32, #tpu.memory_space<vmem>>
    %dma_start3A_328 = tpu.memref_squeeze %dma_start3A_327 : memref<1x128xi32, #tpu.memory_space<vmem>> -> memref<128xi32, #tpu.memory_space<vmem>>
    %dma_start3A_329 = arith.constant 0 : i32
    %dma_start3A_330 = arith.constant 0 : i32
    %dma_start3A_331 = tpu.memref_slice %arg20[%dma_start3A_329, %dma_start3A_330] : memref<10112x16xf32, #tpu.memory_space<vmem_shared>> -> memref<10112x16xf32, #tpu.memory_space<vmem_shared>>
    tpu.enqueue_indirect_dma source(%dma_start3A_331 : memref<10112x16xf32, #tpu.memory_space<vmem_shared>>) target(%dma_start3A_325 : memref<128x16xf32, #tpu.memory_space<vmem>>) offsets(%dma_start3A_328 : memref<128xi32, #tpu.memory_space<vmem>>) semaphore(%arg21 : memref<!tpu.dma_semaphore, #tpu.memory_space<semaphore_mem>>)
    %dma_start3A_332 = arith.constant 1 : i32
    %dma_start3A_333 = arith.constant 1 : i32
    %dma_start3A_334 = arith.constant 0 : i32
    %dma_start3A_335 = arith.constant 0 : i32
    %dma_start3A_336 = tpu.memref_slice %arg10[%dma_start3A_333, %dma_start3A_334, %dma_start3A_335] : memref<4x128x16xf32, #tpu.memory_space<vmem>> -> memref<1x128x16xf32, #tpu.memory_space<vmem>>
    %dma_start3A_337 = tpu.memref_squeeze %dma_start3A_336 : memref<1x128x16xf32, #tpu.memory_space<vmem>> -> memref<128x16xf32, #tpu.memory_space<vmem>>
    %dma_start3A_338 = arith.constant 0 : i32
    %dma_start3A_339 = tpu.memref_slice %arg8[%dma_start3A_332, %dma_start3A_338] : memref<80x128xi32, #tpu.memory_space<vmem>> -> memref<1x128xi32, #tpu.memory_space<vmem>>
    %dma_start3A_340 = tpu.memref_squeeze %dma_start3A_339 : memref<1x128xi32, #tpu.memory_space<vmem>> -> memref<128xi32, #tpu.memory_space<vmem>>
    %dma_start3A_341 = arith.constant 0 : i32
    %dma_start3A_342 = arith.constant 0 : i32
    %dma_start3A_343 = tpu.memref_slice %arg20[%dma_start3A_341, %dma_start3A_342] : memref<10112x16xf32, #tpu.memory_space<vmem_shared>> -> memref<10112x16xf32, #tpu.memory_space<vmem_shared>>
    tpu.enqueue_indirect_dma source(%dma_start3A_343 : memref<10112x16xf32, #tpu.memory_space<vmem_shared>>) target(%dma_start3A_337 : memref<128x16xf32, #tpu.memory_space<vmem>>) offsets(%dma_start3A_340 : memref<128xi32, #tpu.memory_space<vmem>>) semaphore(%arg22 : memref<!tpu.dma_semaphore, #tpu.memory_space<semaphore_mem>>)
    %dma_start3A_344 = arith.constant 2 : i32
    %dma_start3A_345 = arith.constant 2 : i32
    %dma_start3A_346 = arith.constant 0 : i32
    %dma_start3A_347 = arith.constant 0 : i32
    %dma_start3A_348 = tpu.memref_slice %arg10[%dma_start3A_345, %dma_start3A_346, %dma_start3A_347] : memref<4x128x16xf32, #tpu.memory_space<vmem>> -> memref<1x128x16xf32, #tpu.memory_space<vmem>>
    %dma_start3A_349 = tpu.memref_squeeze %dma_start3A_348 : memref<1x128x16xf32, #tpu.memory_space<vmem>> -> memref<128x16xf32, #tpu.memory_space<vmem>>
    %dma_start3A_350 = arith.constant 0 : i32
    %dma_start3A_351 = tpu.memref_slice %arg8[%dma_start3A_344, %dma_start3A_350] : memref<80x128xi32, #tpu.memory_space<vmem>> -> memref<1x128xi32, #tpu.memory_space<vmem>>
    %dma_start3A_352 = tpu.memref_squeeze %dma_start3A_351 : memref<1x128xi32, #tpu.memory_space<vmem>> -> memref<128xi32, #tpu.memory_space<vmem>>
    %dma_start3A_353 = arith.constant 0 : i32
    %dma_start3A_354 = arith.constant 0 : i32
    %dma_start3A_355 = tpu.memref_slice %arg20[%dma_start3A_353, %dma_start3A_354] : memref<10112x16xf32, #tpu.memory_space<vmem_shared>> -> memref<10112x16xf32, #tpu.memory_space<vmem_shared>>
    tpu.enqueue_indirect_dma source(%dma_start3A_355 : memref<10112x16xf32, #tpu.memory_space<vmem_shared>>) target(%dma_start3A_349 : memref<128x16xf32, #tpu.memory_space<vmem>>) offsets(%dma_start3A_352 : memref<128xi32, #tpu.memory_space<vmem>>) semaphore(%arg23 : memref<!tpu.dma_semaphore, #tpu.memory_space<semaphore_mem>>)
    %scan3A = arith.constant 0 : i32
    %scan3A_356 = arith.constant 0 : i32
    %scan3A_357 = arith.constant 20 : i32
    %scan3A_358 = arith.addi %scan3A_356, %scan3A_357 : i32
    %scan3A_359 = arith.constant 1 : i32
    %scan3A_360 = scf.for %scan3A_410 = %scan3A_356 to %scan3A_358 step %scan3A_359 iter_args(%scan3A_411 = %scan3A) -> (i32)  : i32 {
      %mul3A_412 = arith.constant 4 : i32
      %mul3A_413 = arith.muli %scan3A_410, %mul3A_412 : i32
      %add3A_414 = arith.constant 0 : i32
      %add3A_415 = arith.addi %mul3A_413, %add3A_414 : i32
      %add3A_416 = arith.constant 4 : i32
      %add3A_417 = arith.addi %add3A_415, %add3A_416 : i32
      %sub3A = arith.constant 1 : i32
      %sub3A_418 = arith.subi %add3A_417, %sub3A : i32
      %lt3A = arith.constant 80 : i32
      %lt3A_419 = arith.cmpi slt, %sub3A_418, %lt3A : i32
      %ge3A = arith.constant 1 : i32
      %ge3A_420 = arith.cmpi sge, %add3A_415, %ge3A : i32
      %and3A_421 = arith.andi %lt3A_419, %ge3A_420 : i1
      %convert_element_type3A_422 = arith.extui %and3A_421 : i1 to i32
      %cond3A_423 = arith.constant 0 : i32
      %cond3A_424 = arith.cmpi ne, %convert_element_type3A_422, %cond3A_423 : i32
      scf.if %cond3A_424 {
        %sub3A_592 = arith.constant 1 : i32
        %sub3A_593 = arith.subi %add3A_415, %sub3A_592 : i32
        %dma_wait3A_594 = arith.constant 3 : i32
        %dma_wait3A_595 = arith.constant 0 : i32
        %dma_wait3A_596 = arith.constant 0 : i32
        %dma_wait3A_597 = tpu.memref_slice %arg10[%dma_wait3A_594, %dma_wait3A_595, %dma_wait3A_596] : memref<4x128x16xf32, #tpu.memory_space<vmem>> -> memref<1x128x16xf32, #tpu.memory_space<vmem>>
        %dma_wait3A_598 = tpu.memref_squeeze %dma_wait3A_597 : memref<1x128x16xf32, #tpu.memory_space<vmem>> -> memref<128x16xf32, #tpu.memory_space<vmem>>
        %dma_wait3A_599 = arith.constant 0 : i32
        %dma_wait3A_600 = tpu.memref_slice %arg9[%sub3A_593, %dma_wait3A_599] : memref<80x128xi32, #tpu.memory_space<vmem>> -> memref<1x128xi32, #tpu.memory_space<vmem>>
        %dma_wait3A_601 = tpu.memref_squeeze %dma_wait3A_600 : memref<1x128xi32, #tpu.memory_space<vmem>> -> memref<128xi32, #tpu.memory_space<vmem>>
        %dma_wait3A_602 = arith.constant 0 : i32
        %dma_wait3A_603 = arith.constant 0 : i32
        %dma_wait3A_604 = tpu.memref_slice %arg19[%dma_wait3A_602, %dma_wait3A_603] : memref<10112x16xf32, #tpu.memory_space<vmem_shared>> -> memref<10112x16xf32, #tpu.memory_space<vmem_shared>>
        tpu.wait_indirect_dma semaphore(%arg28 : memref<!tpu.dma_semaphore, #tpu.memory_space<semaphore_mem>>) src(%dma_wait3A_598 : memref<128x16xf32, #tpu.memory_space<vmem>>) dst(%dma_wait3A_604 : memref<10112x16xf32, #tpu.memory_space<vmem_shared>>)
      } else {
      }
      %add3A_425 = arith.constant 4 : i32
      %add3A_426 = arith.addi %add3A_415, %add3A_425 : i32
      %sub3A_427 = arith.constant 1 : i32
      %sub3A_428 = arith.subi %add3A_426, %sub3A_427 : i32
      %lt3A_429 = arith.constant 80 : i32
      %lt3A_430 = arith.cmpi slt, %sub3A_428, %lt3A_429 : i32
      %convert_element_type3A_431 = arith.extui %lt3A_430 : i1 to i32
      %cond3A_432 = arith.constant 0 : i32
      %cond3A_433 = arith.cmpi ne, %convert_element_type3A_431, %cond3A_432 : i32
      scf.if %cond3A_433 {
        %add3A_592 = arith.constant 4 : i32
        %add3A_593 = arith.addi %add3A_415, %add3A_592 : i32
        %sub3A_594 = arith.constant 1 : i32
        %sub3A_595 = arith.subi %add3A_593, %sub3A_594 : i32
        %dma_start3A_596 = arith.constant 3 : i32
        %dma_start3A_597 = arith.constant 0 : i32
        %dma_start3A_598 = arith.constant 0 : i32
        %dma_start3A_599 = tpu.memref_slice %arg10[%dma_start3A_596, %dma_start3A_597, %dma_start3A_598] : memref<4x128x16xf32, #tpu.memory_space<vmem>> -> memref<1x128x16xf32, #tpu.memory_space<vmem>>
        %dma_start3A_600 = tpu.memref_squeeze %dma_start3A_599 : memref<1x128x16xf32, #tpu.memory_space<vmem>> -> memref<128x16xf32, #tpu.memory_space<vmem>>
        %dma_start3A_601 = arith.constant 0 : i32
        %dma_start3A_602 = tpu.memref_slice %arg8[%sub3A_595, %dma_start3A_601] : memref<80x128xi32, #tpu.memory_space<vmem>> -> memref<1x128xi32, #tpu.memory_space<vmem>>
        %dma_start3A_603 = tpu.memref_squeeze %dma_start3A_602 : memref<1x128xi32, #tpu.memory_space<vmem>> -> memref<128xi32, #tpu.memory_space<vmem>>
        %dma_start3A_604 = arith.constant 0 : i32
        %dma_start3A_605 = arith.constant 0 : i32
        %dma_start3A_606 = tpu.memref_slice %arg20[%dma_start3A_604, %dma_start3A_605] : memref<10112x16xf32, #tpu.memory_space<vmem_shared>> -> memref<10112x16xf32, #tpu.memory_space<vmem_shared>>
        tpu.enqueue_indirect_dma source(%dma_start3A_606 : memref<10112x16xf32, #tpu.memory_space<vmem_shared>>) target(%dma_start3A_600 : memref<128x16xf32, #tpu.memory_space<vmem>>) offsets(%dma_start3A_603 : memref<128xi32, #tpu.memory_space<vmem>>) semaphore(%arg24 : memref<!tpu.dma_semaphore, #tpu.memory_space<semaphore_mem>>)
      } else {
      }
      %dma_wait3A_434 = arith.constant 0 : i32
      %dma_wait3A_435 = arith.constant 0 : i32
      %dma_wait3A_436 = arith.constant 0 : i32
      %dma_wait3A_437 = tpu.memref_slice %arg10[%dma_wait3A_434, %dma_wait3A_435, %dma_wait3A_436] : memref<4x128x16xf32, #tpu.memory_space<vmem>> -> memref<1x128x16xf32, #tpu.memory_space<vmem>>
      %dma_wait3A_438 = tpu.memref_squeeze %dma_wait3A_437 : memref<1x128x16xf32, #tpu.memory_space<vmem>> -> memref<128x16xf32, #tpu.memory_space<vmem>>
      %dma_wait3A_439 = arith.constant 0 : i32
      %dma_wait3A_440 = tpu.memref_slice %arg8[%add3A_415, %dma_wait3A_439] : memref<80x128xi32, #tpu.memory_space<vmem>> -> memref<1x128xi32, #tpu.memory_space<vmem>>
      %dma_wait3A_441 = tpu.memref_squeeze %dma_wait3A_440 : memref<1x128xi32, #tpu.memory_space<vmem>> -> memref<128xi32, #tpu.memory_space<vmem>>
      %dma_wait3A_442 = arith.constant 0 : i32
      %dma_wait3A_443 = arith.constant 0 : i32
      %dma_wait3A_444 = tpu.memref_slice %arg20[%dma_wait3A_442, %dma_wait3A_443] : memref<10112x16xf32, #tpu.memory_space<vmem_shared>> -> memref<10112x16xf32, #tpu.memory_space<vmem_shared>>
      tpu.wait_indirect_dma semaphore(%arg21 : memref<!tpu.dma_semaphore, #tpu.memory_space<semaphore_mem>>) src(%dma_wait3A_444 : memref<10112x16xf32, #tpu.memory_space<vmem_shared>>) dst(%dma_wait3A_438 : memref<128x16xf32, #tpu.memory_space<vmem>>)
      %dma_start3A_445 = arith.constant 0 : i32
      %dma_start3A_446 = arith.constant 0 : i32
      %dma_start3A_447 = arith.constant 0 : i32
      %dma_start3A_448 = tpu.memref_slice %arg10[%dma_start3A_445, %dma_start3A_446, %dma_start3A_447] : memref<4x128x16xf32, #tpu.memory_space<vmem>> -> memref<1x128x16xf32, #tpu.memory_space<vmem>>
      %dma_start3A_449 = tpu.memref_squeeze %dma_start3A_448 : memref<1x128x16xf32, #tpu.memory_space<vmem>> -> memref<128x16xf32, #tpu.memory_space<vmem>>
      %dma_start3A_450 = arith.constant 0 : i32
      %dma_start3A_451 = tpu.memref_slice %arg9[%add3A_415, %dma_start3A_450] : memref<80x128xi32, #tpu.memory_space<vmem>> -> memref<1x128xi32, #tpu.memory_space<vmem>>
      %dma_start3A_452 = tpu.memref_squeeze %dma_start3A_451 : memref<1x128xi32, #tpu.memory_space<vmem>> -> memref<128xi32, #tpu.memory_space<vmem>>
      %dma_start3A_453 = arith.constant 0 : i32
      %dma_start3A_454 = arith.constant 0 : i32
      %dma_start3A_455 = tpu.memref_slice %arg19[%dma_start3A_453, %dma_start3A_454] : memref<10112x16xf32, #tpu.memory_space<vmem_shared>> -> memref<10112x16xf32, #tpu.memory_space<vmem_shared>>
      tpu.enqueue_indirect_dma source(%dma_start3A_449 : memref<128x16xf32, #tpu.memory_space<vmem>>) target(%dma_start3A_455 : memref<10112x16xf32, #tpu.memory_space<vmem_shared>>) offsets(%dma_start3A_452 : memref<128xi32, #tpu.memory_space<vmem>>) semaphore(%arg25 : memref<!tpu.dma_semaphore, #tpu.memory_space<semaphore_mem>>) {add = true}
      %add3A_456 = arith.constant 1 : i32
      %add3A_457 = arith.addi %mul3A_413, %add3A_456 : i32
      %add3A_458 = arith.constant 4 : i32
      %add3A_459 = arith.addi %add3A_457, %add3A_458 : i32
      %sub3A_460 = arith.constant 1 : i32
      %sub3A_461 = arith.subi %add3A_459, %sub3A_460 : i32
      %lt3A_462 = arith.constant 80 : i32
      %lt3A_463 = arith.cmpi slt, %sub3A_461, %lt3A_462 : i32
      %ge3A_464 = arith.constant 1 : i32
      %ge3A_465 = arith.cmpi sge, %add3A_457, %ge3A_464 : i32
      %and3A_466 = arith.andi %lt3A_463, %ge3A_465 : i1
      %convert_element_type3A_467 = arith.extui %and3A_466 : i1 to i32
      %cond3A_468 = arith.constant 0 : i32
      %cond3A_469 = arith.cmpi ne, %convert_element_type3A_467, %cond3A_468 : i32
      scf.if %cond3A_469 {
        %sub3A_592 = arith.constant 1 : i32
        %sub3A_593 = arith.subi %add3A_457, %sub3A_592 : i32
        %dma_wait3A_594 = arith.constant 0 : i32
        %dma_wait3A_595 = arith.constant 0 : i32
        %dma_wait3A_596 = arith.constant 0 : i32
        %dma_wait3A_597 = tpu.memref_slice %arg10[%dma_wait3A_594, %dma_wait3A_595, %dma_wait3A_596] : memref<4x128x16xf32, #tpu.memory_space<vmem>> -> memref<1x128x16xf32, #tpu.memory_space<vmem>>
        %dma_wait3A_598 = tpu.memref_squeeze %dma_wait3A_597 : memref<1x128x16xf32, #tpu.memory_space<vmem>> -> memref<128x16xf32, #tpu.memory_space<vmem>>
        %dma_wait3A_599 = arith.constant 0 : i32
        %dma_wait3A_600 = tpu.memref_slice %arg9[%sub3A_593, %dma_wait3A_599] : memref<80x128xi32, #tpu.memory_space<vmem>> -> memref<1x128xi32, #tpu.memory_space<vmem>>
        %dma_wait3A_601 = tpu.memref_squeeze %dma_wait3A_600 : memref<1x128xi32, #tpu.memory_space<vmem>> -> memref<128xi32, #tpu.memory_space<vmem>>
        %dma_wait3A_602 = arith.constant 0 : i32
        %dma_wait3A_603 = arith.constant 0 : i32
        %dma_wait3A_604 = tpu.memref_slice %arg19[%dma_wait3A_602, %dma_wait3A_603] : memref<10112x16xf32, #tpu.memory_space<vmem_shared>> -> memref<10112x16xf32, #tpu.memory_space<vmem_shared>>
        tpu.wait_indirect_dma semaphore(%arg25 : memref<!tpu.dma_semaphore, #tpu.memory_space<semaphore_mem>>) src(%dma_wait3A_598 : memref<128x16xf32, #tpu.memory_space<vmem>>) dst(%dma_wait3A_604 : memref<10112x16xf32, #tpu.memory_space<vmem_shared>>)
      } else {
      }
      %add3A_470 = arith.constant 4 : i32
      %add3A_471 = arith.addi %add3A_457, %add3A_470 : i32
      %sub3A_472 = arith.constant 1 : i32
      %sub3A_473 = arith.subi %add3A_471, %sub3A_472 : i32
      %lt3A_474 = arith.constant 80 : i32
      %lt3A_475 = arith.cmpi slt, %sub3A_473, %lt3A_474 : i32
      %convert_element_type3A_476 = arith.extui %lt3A_475 : i1 to i32
      %cond3A_477 = arith.constant 0 : i32
      %cond3A_478 = arith.cmpi ne, %convert_element_type3A_476, %cond3A_477 : i32
      scf.if %cond3A_478 {
        %add3A_592 = arith.constant 4 : i32
        %add3A_593 = arith.addi %add3A_457, %add3A_592 : i32
        %sub3A_594 = arith.constant 1 : i32
        %sub3A_595 = arith.subi %add3A_593, %sub3A_594 : i32
        %dma_start3A_596 = arith.constant 0 : i32
        %dma_start3A_597 = arith.constant 0 : i32
        %dma_start3A_598 = arith.constant 0 : i32
        %dma_start3A_599 = tpu.memref_slice %arg10[%dma_start3A_596, %dma_start3A_597, %dma_start3A_598] : memref<4x128x16xf32, #tpu.memory_space<vmem>> -> memref<1x128x16xf32, #tpu.memory_space<vmem>>
        %dma_start3A_600 = tpu.memref_squeeze %dma_start3A_599 : memref<1x128x16xf32, #tpu.memory_space<vmem>> -> memref<128x16xf32, #tpu.memory_space<vmem>>
        %dma_start3A_601 = arith.constant 0 : i32
        %dma_start3A_602 = tpu.memref_slice %arg8[%sub3A_595, %dma_start3A_601] : memref<80x128xi32, #tpu.memory_space<vmem>> -> memref<1x128xi32, #tpu.memory_space<vmem>>
        %dma_start3A_603 = tpu.memref_squeeze %dma_start3A_602 : memref<1x128xi32, #tpu.memory_space<vmem>> -> memref<128xi32, #tpu.memory_space<vmem>>
        %dma_start3A_604 = arith.constant 0 : i32
        %dma_start3A_605 = arith.constant 0 : i32
        %dma_start3A_606 = tpu.memref_slice %arg20[%dma_start3A_604, %dma_start3A_605] : memref<10112x16xf32, #tpu.memory_space<vmem_shared>> -> memref<10112x16xf32, #tpu.memory_space<vmem_shared>>
        tpu.enqueue_indirect_dma source(%dma_start3A_606 : memref<10112x16xf32, #tpu.memory_space<vmem_shared>>) target(%dma_start3A_600 : memref<128x16xf32, #tpu.memory_space<vmem>>) offsets(%dma_start3A_603 : memref<128xi32, #tpu.memory_space<vmem>>) semaphore(%arg21 : memref<!tpu.dma_semaphore, #tpu.memory_space<semaphore_mem>>)
      } else {
      }
      %dma_wait3A_479 = arith.constant 1 : i32
      %dma_wait3A_480 = arith.constant 0 : i32
      %dma_wait3A_481 = arith.constant 0 : i32
      %dma_wait3A_482 = tpu.memref_slice %arg10[%dma_wait3A_479, %dma_wait3A_480, %dma_wait3A_481] : memref<4x128x16xf32, #tpu.memory_space<vmem>> -> memref<1x128x16xf32, #tpu.memory_space<vmem>>
      %dma_wait3A_483 = tpu.memref_squeeze %dma_wait3A_482 : memref<1x128x16xf32, #tpu.memory_space<vmem>> -> memref<128x16xf32, #tpu.memory_space<vmem>>
      %dma_wait3A_484 = arith.constant 0 : i32
      %dma_wait3A_485 = tpu.memref_slice %arg8[%add3A_457, %dma_wait3A_484] : memref<80x128xi32, #tpu.memory_space<vmem>> -> memref<1x128xi32, #tpu.memory_space<vmem>>
      %dma_wait3A_486 = tpu.memref_squeeze %dma_wait3A_485 : memref<1x128xi32, #tpu.memory_space<vmem>> -> memref<128xi32, #tpu.memory_space<vmem>>
      %dma_wait3A_487 = arith.constant 0 : i32
      %dma_wait3A_488 = arith.constant 0 : i32
      %dma_wait3A_489 = tpu.memref_slice %arg20[%dma_wait3A_487, %dma_wait3A_488] : memref<10112x16xf32, #tpu.memory_space<vmem_shared>> -> memref<10112x16xf32, #tpu.memory_space<vmem_shared>>
      tpu.wait_indirect_dma semaphore(%arg22 : memref<!tpu.dma_semaphore, #tpu.memory_space<semaphore_mem>>) src(%dma_wait3A_489 : memref<10112x16xf32, #tpu.memory_space<vmem_shared>>) dst(%dma_wait3A_483 : memref<128x16xf32, #tpu.memory_space<vmem>>)
      %dma_start3A_490 = arith.constant 1 : i32
      %dma_start3A_491 = arith.constant 0 : i32
      %dma_start3A_492 = arith.constant 0 : i32
      %dma_start3A_493 = tpu.memref_slice %arg10[%dma_start3A_490, %dma_start3A_491, %dma_start3A_492] : memref<4x128x16xf32, #tpu.memory_space<vmem>> -> memref<1x128x16xf32, #tpu.memory_space<vmem>>
      %dma_start3A_494 = tpu.memref_squeeze %dma_start3A_493 : memref<1x128x16xf32, #tpu.memory_space<vmem>> -> memref<128x16xf32, #tpu.memory_space<vmem>>
      %dma_start3A_495 = arith.constant 0 : i32
      %dma_start3A_496 = tpu.memref_slice %arg9[%add3A_457, %dma_start3A_495] : memref<80x128xi32, #tpu.memory_space<vmem>> -> memref<1x128xi32, #tpu.memory_space<vmem>>
      %dma_start3A_497 = tpu.memref_squeeze %dma_start3A_496 : memref<1x128xi32, #tpu.memory_space<vmem>> -> memref<128xi32, #tpu.memory_space<vmem>>
      %dma_start3A_498 = arith.constant 0 : i32
      %dma_start3A_499 = arith.constant 0 : i32
      %dma_start3A_500 = tpu.memref_slice %arg19[%dma_start3A_498, %dma_start3A_499] : memref<10112x16xf32, #tpu.memory_space<vmem_shared>> -> memref<10112x16xf32, #tpu.memory_space<vmem_shared>>
      tpu.enqueue_indirect_dma source(%dma_start3A_494 : memref<128x16xf32, #tpu.memory_space<vmem>>) target(%dma_start3A_500 : memref<10112x16xf32, #tpu.memory_space<vmem_shared>>) offsets(%dma_start3A_497 : memref<128xi32, #tpu.memory_space<vmem>>) semaphore(%arg26 : memref<!tpu.dma_semaphore, #tpu.memory_space<semaphore_mem>>) {add = true}
      %add3A_501 = arith.constant 2 : i32
      %add3A_502 = arith.addi %mul3A_413, %add3A_501 : i32
      %add3A_503 = arith.constant 4 : i32
      %add3A_504 = arith.addi %add3A_502, %add3A_503 : i32
      %sub3A_505 = arith.constant 1 : i32
      %sub3A_506 = arith.subi %add3A_504, %sub3A_505 : i32
      %lt3A_507 = arith.constant 80 : i32
      %lt3A_508 = arith.cmpi slt, %sub3A_506, %lt3A_507 : i32
      %ge3A_509 = arith.constant 1 : i32
      %ge3A_510 = arith.cmpi sge, %add3A_502, %ge3A_509 : i32
      %and3A_511 = arith.andi %lt3A_508, %ge3A_510 : i1
      %convert_element_type3A_512 = arith.extui %and3A_511 : i1 to i32
      %cond3A_513 = arith.constant 0 : i32
      %cond3A_514 = arith.cmpi ne, %convert_element_type3A_512, %cond3A_513 : i32
      scf.if %cond3A_514 {
        %sub3A_592 = arith.constant 1 : i32
        %sub3A_593 = arith.subi %add3A_502, %sub3A_592 : i32
        %dma_wait3A_594 = arith.constant 1 : i32
        %dma_wait3A_595 = arith.constant 0 : i32
        %dma_wait3A_596 = arith.constant 0 : i32
        %dma_wait3A_597 = tpu.memref_slice %arg10[%dma_wait3A_594, %dma_wait3A_595, %dma_wait3A_596] : memref<4x128x16xf32, #tpu.memory_space<vmem>> -> memref<1x128x16xf32, #tpu.memory_space<vmem>>
        %dma_wait3A_598 = tpu.memref_squeeze %dma_wait3A_597 : memref<1x128x16xf32, #tpu.memory_space<vmem>> -> memref<128x16xf32, #tpu.memory_space<vmem>>
        %dma_wait3A_599 = arith.constant 0 : i32
        %dma_wait3A_600 = tpu.memref_slice %arg9[%sub3A_593, %dma_wait3A_599] : memref<80x128xi32, #tpu.memory_space<vmem>> -> memref<1x128xi32, #tpu.memory_space<vmem>>
        %dma_wait3A_601 = tpu.memref_squeeze %dma_wait3A_600 : memref<1x128xi32, #tpu.memory_space<vmem>> -> memref<128xi32, #tpu.memory_space<vmem>>
        %dma_wait3A_602 = arith.constant 0 : i32
        %dma_wait3A_603 = arith.constant 0 : i32
        %dma_wait3A_604 = tpu.memref_slice %arg19[%dma_wait3A_602, %dma_wait3A_603] : memref<10112x16xf32, #tpu.memory_space<vmem_shared>> -> memref<10112x16xf32, #tpu.memory_space<vmem_shared>>
        tpu.wait_indirect_dma semaphore(%arg26 : memref<!tpu.dma_semaphore, #tpu.memory_space<semaphore_mem>>) src(%dma_wait3A_598 : memref<128x16xf32, #tpu.memory_space<vmem>>) dst(%dma_wait3A_604 : memref<10112x16xf32, #tpu.memory_space<vmem_shared>>)
      } else {
      }
      %add3A_515 = arith.constant 4 : i32
      %add3A_516 = arith.addi %add3A_502, %add3A_515 : i32
      %sub3A_517 = arith.constant 1 : i32
      %sub3A_518 = arith.subi %add3A_516, %sub3A_517 : i32
      %lt3A_519 = arith.constant 80 : i32
      %lt3A_520 = arith.cmpi slt, %sub3A_518, %lt3A_519 : i32
      %convert_element_type3A_521 = arith.extui %lt3A_520 : i1 to i32
      %cond3A_522 = arith.constant 0 : i32
      %cond3A_523 = arith.cmpi ne, %convert_element_type3A_521, %cond3A_522 : i32
      scf.if %cond3A_523 {
        %add3A_592 = arith.constant 4 : i32
        %add3A_593 = arith.addi %add3A_502, %add3A_592 : i32
        %sub3A_594 = arith.constant 1 : i32
        %sub3A_595 = arith.subi %add3A_593, %sub3A_594 : i32
        %dma_start3A_596 = arith.constant 1 : i32
        %dma_start3A_597 = arith.constant 0 : i32
        %dma_start3A_598 = arith.constant 0 : i32
        %dma_start3A_599 = tpu.memref_slice %arg10[%dma_start3A_596, %dma_start3A_597, %dma_start3A_598] : memref<4x128x16xf32, #tpu.memory_space<vmem>> -> memref<1x128x16xf32, #tpu.memory_space<vmem>>
        %dma_start3A_600 = tpu.memref_squeeze %dma_start3A_599 : memref<1x128x16xf32, #tpu.memory_space<vmem>> -> memref<128x16xf32, #tpu.memory_space<vmem>>
        %dma_start3A_601 = arith.constant 0 : i32
        %dma_start3A_602 = tpu.memref_slice %arg8[%sub3A_595, %dma_start3A_601] : memref<80x128xi32, #tpu.memory_space<vmem>> -> memref<1x128xi32, #tpu.memory_space<vmem>>
        %dma_start3A_603 = tpu.memref_squeeze %dma_start3A_602 : memref<1x128xi32, #tpu.memory_space<vmem>> -> memref<128xi32, #tpu.memory_space<vmem>>
        %dma_start3A_604 = arith.constant 0 : i32
        %dma_start3A_605 = arith.constant 0 : i32
        %dma_start3A_606 = tpu.memref_slice %arg20[%dma_start3A_604, %dma_start3A_605] : memref<10112x16xf32, #tpu.memory_space<vmem_shared>> -> memref<10112x16xf32, #tpu.memory_space<vmem_shared>>
        tpu.enqueue_indirect_dma source(%dma_start3A_606 : memref<10112x16xf32, #tpu.memory_space<vmem_shared>>) target(%dma_start3A_600 : memref<128x16xf32, #tpu.memory_space<vmem>>) offsets(%dma_start3A_603 : memref<128xi32, #tpu.memory_space<vmem>>) semaphore(%arg22 : memref<!tpu.dma_semaphore, #tpu.memory_space<semaphore_mem>>)
      } else {
      }
      %dma_wait3A_524 = arith.constant 2 : i32
      %dma_wait3A_525 = arith.constant 0 : i32
      %dma_wait3A_526 = arith.constant 0 : i32
      %dma_wait3A_527 = tpu.memref_slice %arg10[%dma_wait3A_524, %dma_wait3A_525, %dma_wait3A_526] : memref<4x128x16xf32, #tpu.memory_space<vmem>> -> memref<1x128x16xf32, #tpu.memory_space<vmem>>
      %dma_wait3A_528 = tpu.memref_squeeze %dma_wait3A_527 : memref<1x128x16xf32, #tpu.memory_space<vmem>> -> memref<128x16xf32, #tpu.memory_space<vmem>>
      %dma_wait3A_529 = arith.constant 0 : i32
      %dma_wait3A_530 = tpu.memref_slice %arg8[%add3A_502, %dma_wait3A_529] : memref<80x128xi32, #tpu.memory_space<vmem>> -> memref<1x128xi32, #tpu.memory_space<vmem>>
      %dma_wait3A_531 = tpu.memref_squeeze %dma_wait3A_530 : memref<1x128xi32, #tpu.memory_space<vmem>> -> memref<128xi32, #tpu.memory_space<vmem>>
      %dma_wait3A_532 = arith.constant 0 : i32
      %dma_wait3A_533 = arith.constant 0 : i32
      %dma_wait3A_534 = tpu.memref_slice %arg20[%dma_wait3A_532, %dma_wait3A_533] : memref<10112x16xf32, #tpu.memory_space<vmem_shared>> -> memref<10112x16xf32, #tpu.memory_space<vmem_shared>>
      tpu.wait_indirect_dma semaphore(%arg23 : memref<!tpu.dma_semaphore, #tpu.memory_space<semaphore_mem>>) src(%dma_wait3A_534 : memref<10112x16xf32, #tpu.memory_space<vmem_shared>>) dst(%dma_wait3A_528 : memref<128x16xf32, #tpu.memory_space<vmem>>)
      %dma_start3A_535 = arith.constant 2 : i32
      %dma_start3A_536 = arith.constant 0 : i32
      %dma_start3A_537 = arith.constant 0 : i32
      %dma_start3A_538 = tpu.memref_slice %arg10[%dma_start3A_535, %dma_start3A_536, %dma_start3A_537] : memref<4x128x16xf32, #tpu.memory_space<vmem>> -> memref<1x128x16xf32, #tpu.memory_space<vmem>>
      %dma_start3A_539 = tpu.memref_squeeze %dma_start3A_538 : memref<1x128x16xf32, #tpu.memory_space<vmem>> -> memref<128x16xf32, #tpu.memory_space<vmem>>
      %dma_start3A_540 = arith.constant 0 : i32
      %dma_start3A_541 = tpu.memref_slice %arg9[%add3A_502, %dma_start3A_540] : memref<80x128xi32, #tpu.memory_space<vmem>> -> memref<1x128xi32, #tpu.memory_space<vmem>>
      %dma_start3A_542 = tpu.memref_squeeze %dma_start3A_541 : memref<1x128xi32, #tpu.memory_space<vmem>> -> memref<128xi32, #tpu.memory_space<vmem>>
      %dma_start3A_543 = arith.constant 0 : i32
      %dma_start3A_544 = arith.constant 0 : i32
      %dma_start3A_545 = tpu.memref_slice %arg19[%dma_start3A_543, %dma_start3A_544] : memref<10112x16xf32, #tpu.memory_space<vmem_shared>> -> memref<10112x16xf32, #tpu.memory_space<vmem_shared>>
      tpu.enqueue_indirect_dma source(%dma_start3A_539 : memref<128x16xf32, #tpu.memory_space<vmem>>) target(%dma_start3A_545 : memref<10112x16xf32, #tpu.memory_space<vmem_shared>>) offsets(%dma_start3A_542 : memref<128xi32, #tpu.memory_space<vmem>>) semaphore(%arg27 : memref<!tpu.dma_semaphore, #tpu.memory_space<semaphore_mem>>) {add = true}
      %add3A_546 = arith.constant 3 : i32
      %add3A_547 = arith.addi %mul3A_413, %add3A_546 : i32
      %add3A_548 = arith.constant 4 : i32
      %add3A_549 = arith.addi %add3A_547, %add3A_548 : i32
      %sub3A_550 = arith.constant 1 : i32
      %sub3A_551 = arith.subi %add3A_549, %sub3A_550 : i32
      %lt3A_552 = arith.constant 80 : i32
      %lt3A_553 = arith.cmpi slt, %sub3A_551, %lt3A_552 : i32
      %ge3A_554 = arith.constant 1 : i32
      %ge3A_555 = arith.cmpi sge, %add3A_547, %ge3A_554 : i32
      %and3A_556 = arith.andi %lt3A_553, %ge3A_555 : i1
      %convert_element_type3A_557 = arith.extui %and3A_556 : i1 to i32
      %cond3A_558 = arith.constant 0 : i32
      %cond3A_559 = arith.cmpi ne, %convert_element_type3A_557, %cond3A_558 : i32
      scf.if %cond3A_559 {
        %sub3A_592 = arith.constant 1 : i32
        %sub3A_593 = arith.subi %add3A_547, %sub3A_592 : i32
        %dma_wait3A_594 = arith.constant 2 : i32
        %dma_wait3A_595 = arith.constant 0 : i32
        %dma_wait3A_596 = arith.constant 0 : i32
        %dma_wait3A_597 = tpu.memref_slice %arg10[%dma_wait3A_594, %dma_wait3A_595, %dma_wait3A_596] : memref<4x128x16xf32, #tpu.memory_space<vmem>> -> memref<1x128x16xf32, #tpu.memory_space<vmem>>
        %dma_wait3A_598 = tpu.memref_squeeze %dma_wait3A_597 : memref<1x128x16xf32, #tpu.memory_space<vmem>> -> memref<128x16xf32, #tpu.memory_space<vmem>>
        %dma_wait3A_599 = arith.constant 0 : i32
        %dma_wait3A_600 = tpu.memref_slice %arg9[%sub3A_593, %dma_wait3A_599] : memref<80x128xi32, #tpu.memory_space<vmem>> -> memref<1x128xi32, #tpu.memory_space<vmem>>
        %dma_wait3A_601 = tpu.memref_squeeze %dma_wait3A_600 : memref<1x128xi32, #tpu.memory_space<vmem>> -> memref<128xi32, #tpu.memory_space<vmem>>
        %dma_wait3A_602 = arith.constant 0 : i32
        %dma_wait3A_603 = arith.constant 0 : i32
        %dma_wait3A_604 = tpu.memref_slice %arg19[%dma_wait3A_602, %dma_wait3A_603] : memref<10112x16xf32, #tpu.memory_space<vmem_shared>> -> memref<10112x16xf32, #tpu.memory_space<vmem_shared>>
        tpu.wait_indirect_dma semaphore(%arg27 : memref<!tpu.dma_semaphore, #tpu.memory_space<semaphore_mem>>) src(%dma_wait3A_598 : memref<128x16xf32, #tpu.memory_space<vmem>>) dst(%dma_wait3A_604 : memref<10112x16xf32, #tpu.memory_space<vmem_shared>>)
      } else {
      }
      %add3A_560 = arith.constant 4 : i32
      %add3A_561 = arith.addi %add3A_547, %add3A_560 : i32
      %sub3A_562 = arith.constant 1 : i32
      %sub3A_563 = arith.subi %add3A_561, %sub3A_562 : i32
      %lt3A_564 = arith.constant 80 : i32
      %lt3A_565 = arith.cmpi slt, %sub3A_563, %lt3A_564 : i32
      %convert_element_type3A_566 = arith.extui %lt3A_565 : i1 to i32
      %cond3A_567 = arith.constant 0 : i32
      %cond3A_568 = arith.cmpi ne, %convert_element_type3A_566, %cond3A_567 : i32
      scf.if %cond3A_568 {
        %add3A_592 = arith.constant 4 : i32
        %add3A_593 = arith.addi %add3A_547, %add3A_592 : i32
        %sub3A_594 = arith.constant 1 : i32
        %sub3A_595 = arith.subi %add3A_593, %sub3A_594 : i32
        %dma_start3A_596 = arith.constant 2 : i32
        %dma_start3A_597 = arith.constant 0 : i32
        %dma_start3A_598 = arith.constant 0 : i32
        %dma_start3A_599 = tpu.memref_slice %arg10[%dma_start3A_596, %dma_start3A_597, %dma_start3A_598] : memref<4x128x16xf32, #tpu.memory_space<vmem>> -> memref<1x128x16xf32, #tpu.memory_space<vmem>>
        %dma_start3A_600 = tpu.memref_squeeze %dma_start3A_599 : memref<1x128x16xf32, #tpu.memory_space<vmem>> -> memref<128x16xf32, #tpu.memory_space<vmem>>
        %dma_start3A_601 = arith.constant 0 : i32
        %dma_start3A_602 = tpu.memref_slice %arg8[%sub3A_595, %dma_start3A_601] : memref<80x128xi32, #tpu.memory_space<vmem>> -> memref<1x128xi32, #tpu.memory_space<vmem>>
        %dma_start3A_603 = tpu.memref_squeeze %dma_start3A_602 : memref<1x128xi32, #tpu.memory_space<vmem>> -> memref<128xi32, #tpu.memory_space<vmem>>
        %dma_start3A_604 = arith.constant 0 : i32
        %dma_start3A_605 = arith.constant 0 : i32
        %dma_start3A_606 = tpu.memref_slice %arg20[%dma_start3A_604, %dma_start3A_605] : memref<10112x16xf32, #tpu.memory_space<vmem_shared>> -> memref<10112x16xf32, #tpu.memory_space<vmem_shared>>
        tpu.enqueue_indirect_dma source(%dma_start3A_606 : memref<10112x16xf32, #tpu.memory_space<vmem_shared>>) target(%dma_start3A_600 : memref<128x16xf32, #tpu.memory_space<vmem>>) offsets(%dma_start3A_603 : memref<128xi32, #tpu.memory_space<vmem>>) semaphore(%arg23 : memref<!tpu.dma_semaphore, #tpu.memory_space<semaphore_mem>>)
      } else {
      }
      %dma_wait3A_569 = arith.constant 3 : i32
      %dma_wait3A_570 = arith.constant 0 : i32
      %dma_wait3A_571 = arith.constant 0 : i32
      %dma_wait3A_572 = tpu.memref_slice %arg10[%dma_wait3A_569, %dma_wait3A_570, %dma_wait3A_571] : memref<4x128x16xf32, #tpu.memory_space<vmem>> -> memref<1x128x16xf32, #tpu.memory_space<vmem>>
      %dma_wait3A_573 = tpu.memref_squeeze %dma_wait3A_572 : memref<1x128x16xf32, #tpu.memory_space<vmem>> -> memref<128x16xf32, #tpu.memory_space<vmem>>
      %dma_wait3A_574 = arith.constant 0 : i32
      %dma_wait3A_575 = tpu.memref_slice %arg8[%add3A_547, %dma_wait3A_574] : memref<80x128xi32, #tpu.memory_space<vmem>> -> memref<1x128xi32, #tpu.memory_space<vmem>>
      %dma_wait3A_576 = tpu.memref_squeeze %dma_wait3A_575 : memref<1x128xi32, #tpu.memory_space<vmem>> -> memref<128xi32, #tpu.memory_space<vmem>>
      %dma_wait3A_577 = arith.constant 0 : i32
      %dma_wait3A_578 = arith.constant 0 : i32
      %dma_wait3A_579 = tpu.memref_slice %arg20[%dma_wait3A_577, %dma_wait3A_578] : memref<10112x16xf32, #tpu.memory_space<vmem_shared>> -> memref<10112x16xf32, #tpu.memory_space<vmem_shared>>
      tpu.wait_indirect_dma semaphore(%arg24 : memref<!tpu.dma_semaphore, #tpu.memory_space<semaphore_mem>>) src(%dma_wait3A_579 : memref<10112x16xf32, #tpu.memory_space<vmem_shared>>) dst(%dma_wait3A_573 : memref<128x16xf32, #tpu.memory_space<vmem>>)
      %dma_start3A_580 = arith.constant 3 : i32
      %dma_start3A_581 = arith.constant 0 : i32
      %dma_start3A_582 = arith.constant 0 : i32
      %dma_start3A_583 = tpu.memref_slice %arg10[%dma_start3A_580, %dma_start3A_581, %dma_start3A_582] : memref<4x128x16xf32, #tpu.memory_space<vmem>> -> memref<1x128x16xf32, #tpu.memory_space<vmem>>
      %dma_start3A_584 = tpu.memref_squeeze %dma_start3A_583 : memref<1x128x16xf32, #tpu.memory_space<vmem>> -> memref<128x16xf32, #tpu.memory_space<vmem>>
      %dma_start3A_585 = arith.constant 0 : i32
      %dma_start3A_586 = tpu.memref_slice %arg9[%add3A_547, %dma_start3A_585] : memref<80x128xi32, #tpu.memory_space<vmem>> -> memref<1x128xi32, #tpu.memory_space<vmem>>
      %dma_start3A_587 = tpu.memref_squeeze %dma_start3A_586 : memref<1x128xi32, #tpu.memory_space<vmem>> -> memref<128xi32, #tpu.memory_space<vmem>>
      %dma_start3A_588 = arith.constant 0 : i32
      %dma_start3A_589 = arith.constant 0 : i32
      %dma_start3A_590 = tpu.memref_slice %arg19[%dma_start3A_588, %dma_start3A_589] : memref<10112x16xf32, #tpu.memory_space<vmem_shared>> -> memref<10112x16xf32, #tpu.memory_space<vmem_shared>>
      tpu.enqueue_indirect_dma source(%dma_start3A_584 : memref<128x16xf32, #tpu.memory_space<vmem>>) target(%dma_start3A_590 : memref<10112x16xf32, #tpu.memory_space<vmem_shared>>) offsets(%dma_start3A_587 : memref<128xi32, #tpu.memory_space<vmem>>) semaphore(%arg28 : memref<!tpu.dma_semaphore, #tpu.memory_space<semaphore_mem>>) {add = true}
      %scan3A_591 = arith.constant 0 : i32
      scf.yield %scan3A_591 : i32
    }
    %scan3A_361 = arith.constant 20 : i32
    %dma_wait3A = arith.constant 0 : i32
    %dma_wait3A_362 = arith.constant 76 : i32
    %dma_wait3A_363 = arith.constant 0 : i32
    %dma_wait3A_364 = arith.constant 0 : i32
    %dma_wait3A_365 = tpu.memref_slice %arg10[%dma_wait3A, %dma_wait3A_363, %dma_wait3A_364] : memref<4x128x16xf32, #tpu.memory_space<vmem>> -> memref<1x128x16xf32, #tpu.memory_space<vmem>>
    %dma_wait3A_366 = tpu.memref_squeeze %dma_wait3A_365 : memref<1x128x16xf32, #tpu.memory_space<vmem>> -> memref<128x16xf32, #tpu.memory_space<vmem>>
    %dma_wait3A_367 = arith.constant 0 : i32
    %dma_wait3A_368 = tpu.memref_slice %arg9[%dma_wait3A_362, %dma_wait3A_367] : memref<80x128xi32, #tpu.memory_space<vmem>> -> memref<1x128xi32, #tpu.memory_space<vmem>>
    %dma_wait3A_369 = tpu.memref_squeeze %dma_wait3A_368 : memref<1x128xi32, #tpu.memory_space<vmem>> -> memref<128xi32, #tpu.memory_space<vmem>>
    %dma_wait3A_370 = arith.constant 0 : i32
    %dma_wait3A_371 = arith.constant 0 : i32
    %dma_wait3A_372 = tpu.memref_slice %arg19[%dma_wait3A_370, %dma_wait3A_371] : memref<10112x16xf32, #tpu.memory_space<vmem_shared>> -> memref<10112x16xf32, #tpu.memory_space<vmem_shared>>
    tpu.wait_indirect_dma semaphore(%arg25 : memref<!tpu.dma_semaphore, #tpu.memory_space<semaphore_mem>>) src(%dma_wait3A_366 : memref<128x16xf32, #tpu.memory_space<vmem>>) dst(%dma_wait3A_372 : memref<10112x16xf32, #tpu.memory_space<vmem_shared>>)
    %dma_wait3A_373 = arith.constant 1 : i32
    %dma_wait3A_374 = arith.constant 77 : i32
    %dma_wait3A_375 = arith.constant 0 : i32
    %dma_wait3A_376 = arith.constant 0 : i32
    %dma_wait3A_377 = tpu.memref_slice %arg10[%dma_wait3A_373, %dma_wait3A_375, %dma_wait3A_376] : memref<4x128x16xf32, #tpu.memory_space<vmem>> -> memref<1x128x16xf32, #tpu.memory_space<vmem>>
    %dma_wait3A_378 = tpu.memref_squeeze %dma_wait3A_377 : memref<1x128x16xf32, #tpu.memory_space<vmem>> -> memref<128x16xf32, #tpu.memory_space<vmem>>
    %dma_wait3A_379 = arith.constant 0 : i32
    %dma_wait3A_380 = tpu.memref_slice %arg9[%dma_wait3A_374, %dma_wait3A_379] : memref<80x128xi32, #tpu.memory_space<vmem>> -> memref<1x128xi32, #tpu.memory_space<vmem>>
    %dma_wait3A_381 = tpu.memref_squeeze %dma_wait3A_380 : memref<1x128xi32, #tpu.memory_space<vmem>> -> memref<128xi32, #tpu.memory_space<vmem>>
    %dma_wait3A_382 = arith.constant 0 : i32
    %dma_wait3A_383 = arith.constant 0 : i32
    %dma_wait3A_384 = tpu.memref_slice %arg19[%dma_wait3A_382, %dma_wait3A_383] : memref<10112x16xf32, #tpu.memory_space<vmem_shared>> -> memref<10112x16xf32, #tpu.memory_space<vmem_shared>>
    tpu.wait_indirect_dma semaphore(%arg26 : memref<!tpu.dma_semaphore, #tpu.memory_space<semaphore_mem>>) src(%dma_wait3A_378 : memref<128x16xf32, #tpu.memory_space<vmem>>) dst(%dma_wait3A_384 : memref<10112x16xf32, #tpu.memory_space<vmem_shared>>)
    %dma_wait3A_385 = arith.constant 2 : i32
    %dma_wait3A_386 = arith.constant 78 : i32
    %dma_wait3A_387 = arith.constant 0 : i32
    %dma_wait3A_388 = arith.constant 0 : i32
    %dma_wait3A_389 = tpu.memref_slice %arg10[%dma_wait3A_385, %dma_wait3A_387, %dma_wait3A_388] : memref<4x128x16xf32, #tpu.memory_space<vmem>> -> memref<1x128x16xf32, #tpu.memory_space<vmem>>
    %dma_wait3A_390 = tpu.memref_squeeze %dma_wait3A_389 : memref<1x128x16xf32, #tpu.memory_space<vmem>> -> memref<128x16xf32, #tpu.memory_space<vmem>>
    %dma_wait3A_391 = arith.constant 0 : i32
    %dma_wait3A_392 = tpu.memref_slice %arg9[%dma_wait3A_386, %dma_wait3A_391] : memref<80x128xi32, #tpu.memory_space<vmem>> -> memref<1x128xi32, #tpu.memory_space<vmem>>
    %dma_wait3A_393 = tpu.memref_squeeze %dma_wait3A_392 : memref<1x128xi32, #tpu.memory_space<vmem>> -> memref<128xi32, #tpu.memory_space<vmem>>
    %dma_wait3A_394 = arith.constant 0 : i32
    %dma_wait3A_395 = arith.constant 0 : i32
    %dma_wait3A_396 = tpu.memref_slice %arg19[%dma_wait3A_394, %dma_wait3A_395] : memref<10112x16xf32, #tpu.memory_space<vmem_shared>> -> memref<10112x16xf32, #tpu.memory_space<vmem_shared>>
    tpu.wait_indirect_dma semaphore(%arg27 : memref<!tpu.dma_semaphore, #tpu.memory_space<semaphore_mem>>) src(%dma_wait3A_390 : memref<128x16xf32, #tpu.memory_space<vmem>>) dst(%dma_wait3A_396 : memref<10112x16xf32, #tpu.memory_space<vmem_shared>>)
    %dma_wait3A_397 = arith.constant 3 : i32
    %dma_wait3A_398 = arith.constant 79 : i32
    %dma_wait3A_399 = arith.constant 0 : i32
    %dma_wait3A_400 = arith.constant 0 : i32
    %dma_wait3A_401 = tpu.memref_slice %arg10[%dma_wait3A_397, %dma_wait3A_399, %dma_wait3A_400] : memref<4x128x16xf32, #tpu.memory_space<vmem>> -> memref<1x128x16xf32, #tpu.memory_space<vmem>>
    %dma_wait3A_402 = tpu.memref_squeeze %dma_wait3A_401 : memref<1x128x16xf32, #tpu.memory_space<vmem>> -> memref<128x16xf32, #tpu.memory_space<vmem>>
    %dma_wait3A_403 = arith.constant 0 : i32
    %dma_wait3A_404 = tpu.memref_slice %arg9[%dma_wait3A_398, %dma_wait3A_403] : memref<80x128xi32, #tpu.memory_space<vmem>> -> memref<1x128xi32, #tpu.memory_space<vmem>>
    %dma_wait3A_405 = tpu.memref_squeeze %dma_wait3A_404 : memref<1x128xi32, #tpu.memory_space<vmem>> -> memref<128xi32, #tpu.memory_space<vmem>>
    %dma_wait3A_406 = arith.constant 0 : i32
    %dma_wait3A_407 = arith.constant 0 : i32
    %dma_wait3A_408 = tpu.memref_slice %arg19[%dma_wait3A_406, %dma_wait3A_407] : memref<10112x16xf32, #tpu.memory_space<vmem_shared>> -> memref<10112x16xf32, #tpu.memory_space<vmem_shared>>
    tpu.wait_indirect_dma semaphore(%arg28 : memref<!tpu.dma_semaphore, #tpu.memory_space<semaphore_mem>>) src(%dma_wait3A_402 : memref<128x16xf32, #tpu.memory_space<vmem>>) dst(%dma_wait3A_408 : memref<10112x16xf32, #tpu.memory_space<vmem_shared>>)
    %barrier3A_409 = arith.constant 0 : index
    tpu.barrier barrier_id(%barrier3A_409)
    "tpu.region"() ({
      %run_scoped3A_410 = tpu.sem_alloc : memref<!tpu.dma_semaphore, #tpu.memory_space<semaphore_mem>>
      %dma_start3A_411 = arith.constant 0 : i32
      %dma_start3A_412 = arith.constant 0 : i32
      %dma_start3A_413 = tpu.memref_slice %arg7[%arg0, %dma_start3A_411, %dma_start3A_412] : memref<4x10112x16xf32, #tpu.memory_space<hbm>> -> memref<1x10112x16xf32, #tpu.memory_space<hbm>>
      %dma_start3A_414 = tpu.memref_squeeze %dma_start3A_413 : memref<1x10112x16xf32, #tpu.memory_space<hbm>> -> memref<10112x16xf32, #tpu.memory_space<hbm>>
      %dma_start3A_415 = arith.constant 0 : i32
      %dma_start3A_416 = tpu.memref_slice %dma_start3A_414[%mul3A_2, %dma_start3A_415] : memref<10112x16xf32, #tpu.memory_space<hbm>> -> memref<632x16xf32, #tpu.memory_space<hbm>>
      %dma_start3A_417 = arith.constant 0 : i32
      %dma_start3A_418 = tpu.memref_slice %arg19[%mul3A_2, %dma_start3A_417] : memref<10112x16xf32, #tpu.memory_space<vmem_shared>> -> memref<632x16xf32, #tpu.memory_space<vmem_shared>>
      tpu.enqueue_dma source(%dma_start3A_418 : memref<632x16xf32, #tpu.memory_space<vmem_shared>>) target(%dma_start3A_416 : memref<632x16xf32, #tpu.memory_space<hbm>>) target_semaphore(%run_scoped3A_410 : memref<!tpu.dma_semaphore, #tpu.memory_space<semaphore_mem>>)
      %dma_wait3A_419 = arith.constant 0 : i32
      %dma_wait3A_420 = arith.constant 0 : i32
      %dma_wait3A_421 = tpu.memref_slice %arg7[%arg0, %dma_wait3A_419, %dma_wait3A_420] : memref<4x10112x16xf32, #tpu.memory_space<hbm>> -> memref<1x10112x16xf32, #tpu.memory_space<hbm>>
      %dma_wait3A_422 = tpu.memref_squeeze %dma_wait3A_421 : memref<1x10112x16xf32, #tpu.memory_space<hbm>> -> memref<10112x16xf32, #tpu.memory_space<hbm>>
      %dma_wait3A_423 = arith.constant 0 : i32
      %dma_wait3A_424 = tpu.memref_slice %dma_wait3A_422[%mul3A_2, %dma_wait3A_423] : memref<10112x16xf32, #tpu.memory_space<hbm>> -> memref<632x16xf32, #tpu.memory_space<hbm>>
      %dma_wait3A_425 = arith.constant 0 : i32
      %dma_wait3A_426 = tpu.memref_slice %arg19[%mul3A_2, %dma_wait3A_425] : memref<10112x16xf32, #tpu.memory_space<vmem_shared>> -> memref<632x16xf32, #tpu.memory_space<vmem_shared>>
      tpu.wait_dma2 semaphore(%run_scoped3A_410 : memref<!tpu.dma_semaphore, #tpu.memory_space<semaphore_mem>>) src(%dma_wait3A_426 : memref<632x16xf32, #tpu.memory_space<vmem_shared>>) dst(%dma_wait3A_424 : memref<632x16xf32, #tpu.memory_space<hbm>>)
      tpu.yield
    }) : () -> ()
    return
  }
}

#map = affine_map<(d0, d1) -> (0, 0)>
#map1 = affine_map<(d0, d1) -> (0, 0, 0)>
module attributes {stable_mosaic.version = 14 : i64} {
  func.func @_sc_l1(%arg0: i32, %arg1: i32, %arg2: memref<2560x128xi32, #tpu.memory_space<hbm>>, %arg3: memref<2560x128xi32, #tpu.memory_space<hbm>>, %arg4: memref<2x10112x16xf32, #tpu.memory_space<hbm>>, %arg5: memref<10112x16xf32, #tpu.memory_space<hbm>>, %arg6: memref<4x10112x16xf32, #tpu.memory_space<hbm>>, %arg7: memref<80x128xi32, #tpu.memory_space<vmem>>, %arg8: memref<80x128xi32, #tpu.memory_space<vmem>>, %arg9: memref<4x128x16xf32, #tpu.memory_space<vmem>>, %arg10: memref<632x16xf32, #tpu.memory_space<vmem>>, %arg11: memref<632x16xf32, #tpu.memory_space<vmem>>, %arg12: memref<632x16xf32, #tpu.memory_space<vmem>>, %arg13: memref<632x16xf32, #tpu.memory_space<vmem>>, %arg14: memref<632x16xf32, #tpu.memory_space<vmem>>, %arg15: memref<632x16xf32, #tpu.memory_space<vmem>>, %arg16: memref<10112x16xf32, #tpu.memory_space<vmem_shared>>, %arg17: memref<10112x16xf32, #tpu.memory_space<vmem_shared>>, %arg18: memref<!tpu.dma_semaphore, #tpu.memory_space<semaphore_mem>>, %arg19: memref<!tpu.dma_semaphore, #tpu.memory_space<semaphore_mem>>, %arg20: memref<!tpu.dma_semaphore, #tpu.memory_space<semaphore_mem>>, %arg21: memref<!tpu.dma_semaphore, #tpu.memory_space<semaphore_mem>>, %arg22: memref<!tpu.dma_semaphore, #tpu.memory_space<semaphore_mem>>, %arg23: memref<!tpu.dma_semaphore, #tpu.memory_space<semaphore_mem>>, %arg24: memref<!tpu.dma_semaphore, #tpu.memory_space<semaphore_mem>>, %arg25: memref<!tpu.dma_semaphore, #tpu.memory_space<semaphore_mem>>) attributes {dimension_semantics = [#tpu.dimension_semantics<core_parallel>, #tpu.dimension_semantics<subcore_parallel>], iteration_bounds = array<i64: 2, 16>, scalar_prefetch = 0 : i64, scratch_operands = 19 : i64, tpu.core_type = #tpu.core_type<sc_vector_subcore>, window_params = [{transform_indices = #map}, {transform_indices = #map}, {transform_indices = #map1}, {transform_indices = #map}, {transform_indices = #map1}]} {
    %mul3A = arith.constant 16 : i32
    %mul3A_0 = arith.muli %arg0, %mul3A : i32
    %add3A = arith.addi %mul3A_0, %arg1 : i32
    %mul3A_1 = arith.constant 632 : i32
    %mul3A_2 = arith.muli %arg1, %mul3A_1 : i32
    %mul3A_3 = arith.constant 80 : i32
    %mul3A_4 = arith.muli %add3A, %mul3A_3 : i32
    "tpu.region"() ({
      %run_scoped3A_104 = tpu.sem_alloc : memref<!tpu.dma_semaphore, #tpu.memory_space<semaphore_mem>>
      %dma_start3A_105 = arith.constant 0 : i32
      %dma_start3A_106 = tpu.memref_slice %arg2[%mul3A_4, %dma_start3A_105] : memref<2560x128xi32, #tpu.memory_space<hbm>> -> memref<80x128xi32, #tpu.memory_space<hbm>>
      %dma_start3A_107 = arith.constant 0 : i32
      %dma_start3A_108 = tpu.memref_slice %arg2[%mul3A_4, %dma_start3A_107] : memref<2560x128xi32, #tpu.memory_space<hbm>> -> memref<80x128xi32, #tpu.memory_space<hbm>>
      tpu.enqueue_dma source(%dma_start3A_108 : memref<80x128xi32, #tpu.memory_space<hbm>>) target(%arg7 : memref<80x128xi32, #tpu.memory_space<vmem>>) target_semaphore(%run_scoped3A_104 : memref<!tpu.dma_semaphore, #tpu.memory_space<semaphore_mem>>)
      %dma_wait3A_109 = arith.constant 0 : i32
      %dma_wait3A_110 = tpu.memref_slice %arg2[%mul3A_4, %dma_wait3A_109] : memref<2560x128xi32, #tpu.memory_space<hbm>> -> memref<80x128xi32, #tpu.memory_space<hbm>>
      %dma_wait3A_111 = arith.constant 0 : i32
      %dma_wait3A_112 = tpu.memref_slice %arg2[%mul3A_4, %dma_wait3A_111] : memref<2560x128xi32, #tpu.memory_space<hbm>> -> memref<80x128xi32, #tpu.memory_space<hbm>>
      tpu.wait_dma2 semaphore(%run_scoped3A_104 : memref<!tpu.dma_semaphore, #tpu.memory_space<semaphore_mem>>) src(%dma_wait3A_112 : memref<80x128xi32, #tpu.memory_space<hbm>>) dst(%arg7 : memref<80x128xi32, #tpu.memory_space<vmem>>)
      tpu.yield
    }) : () -> ()
    %mul3A_5 = arith.constant 80 : i32
    %mul3A_6 = arith.muli %add3A, %mul3A_5 : i32
    "tpu.region"() ({
      %run_scoped3A_104 = tpu.sem_alloc : memref<!tpu.dma_semaphore, #tpu.memory_space<semaphore_mem>>
      %dma_start3A_105 = arith.constant 0 : i32
      %dma_start3A_106 = tpu.memref_slice %arg3[%mul3A_6, %dma_start3A_105] : memref<2560x128xi32, #tpu.memory_space<hbm>> -> memref<80x128xi32, #tpu.memory_space<hbm>>
      %dma_start3A_107 = arith.constant 0 : i32
      %dma_start3A_108 = tpu.memref_slice %arg3[%mul3A_6, %dma_start3A_107] : memref<2560x128xi32, #tpu.memory_space<hbm>> -> memref<80x128xi32, #tpu.memory_space<hbm>>
      tpu.enqueue_dma source(%dma_start3A_108 : memref<80x128xi32, #tpu.memory_space<hbm>>) target(%arg8 : memref<80x128xi32, #tpu.memory_space<vmem>>) target_semaphore(%run_scoped3A_104 : memref<!tpu.dma_semaphore, #tpu.memory_space<semaphore_mem>>)
      %dma_wait3A_109 = arith.constant 0 : i32
      %dma_wait3A_110 = tpu.memref_slice %arg3[%mul3A_6, %dma_wait3A_109] : memref<2560x128xi32, #tpu.memory_space<hbm>> -> memref<80x128xi32, #tpu.memory_space<hbm>>
      %dma_wait3A_111 = arith.constant 0 : i32
      %dma_wait3A_112 = tpu.memref_slice %arg3[%mul3A_6, %dma_wait3A_111] : memref<2560x128xi32, #tpu.memory_space<hbm>> -> memref<80x128xi32, #tpu.memory_space<hbm>>
      tpu.wait_dma2 semaphore(%run_scoped3A_104 : memref<!tpu.dma_semaphore, #tpu.memory_space<semaphore_mem>>) src(%dma_wait3A_112 : memref<80x128xi32, #tpu.memory_space<hbm>>) dst(%arg8 : memref<80x128xi32, #tpu.memory_space<vmem>>)
      tpu.yield
    }) : () -> ()
    %run_scoped3A = arith.constant 0 : i32
    "tpu.region"() ({
      %run_scoped3A_104 = tpu.sem_alloc : memref<!tpu.dma_semaphore, #tpu.memory_space<semaphore_mem>>
      %dma_start3A_105 = arith.constant 0 : i32
      %dma_start3A_106 = arith.constant 0 : i32
      %dma_start3A_107 = tpu.memref_slice %arg4[%run_scoped3A, %dma_start3A_105, %dma_start3A_106] : memref<2x10112x16xf32, #tpu.memory_space<hbm>> -> memref<1x10112x16xf32, #tpu.memory_space<hbm>>
      %dma_start3A_108 = tpu.memref_squeeze %dma_start3A_107 : memref<1x10112x16xf32, #tpu.memory_space<hbm>> -> memref<10112x16xf32, #tpu.memory_space<hbm>>
      %dma_start3A_109 = arith.constant 0 : i32
      %dma_start3A_110 = tpu.memref_slice %dma_start3A_108[%mul3A_2, %dma_start3A_109] : memref<10112x16xf32, #tpu.memory_space<hbm>> -> memref<632x16xf32, #tpu.memory_space<hbm>>
      %dma_start3A_111 = arith.constant 0 : i32
      %dma_start3A_112 = arith.constant 0 : i32
      %dma_start3A_113 = tpu.memref_slice %arg4[%run_scoped3A, %dma_start3A_111, %dma_start3A_112] : memref<2x10112x16xf32, #tpu.memory_space<hbm>> -> memref<1x10112x16xf32, #tpu.memory_space<hbm>>
      %dma_start3A_114 = tpu.memref_squeeze %dma_start3A_113 : memref<1x10112x16xf32, #tpu.memory_space<hbm>> -> memref<10112x16xf32, #tpu.memory_space<hbm>>
      %dma_start3A_115 = arith.constant 0 : i32
      %dma_start3A_116 = tpu.memref_slice %dma_start3A_114[%mul3A_2, %dma_start3A_115] : memref<10112x16xf32, #tpu.memory_space<hbm>> -> memref<632x16xf32, #tpu.memory_space<hbm>>
      tpu.enqueue_dma source(%dma_start3A_116 : memref<632x16xf32, #tpu.memory_space<hbm>>) target(%arg11 : memref<632x16xf32, #tpu.memory_space<vmem>>) target_semaphore(%run_scoped3A_104 : memref<!tpu.dma_semaphore, #tpu.memory_space<semaphore_mem>>)
      %dma_wait3A_117 = arith.constant 0 : i32
      %dma_wait3A_118 = arith.constant 0 : i32
      %dma_wait3A_119 = tpu.memref_slice %arg4[%run_scoped3A, %dma_wait3A_117, %dma_wait3A_118] : memref<2x10112x16xf32, #tpu.memory_space<hbm>> -> memref<1x10112x16xf32, #tpu.memory_space<hbm>>
      %dma_wait3A_120 = tpu.memref_squeeze %dma_wait3A_119 : memref<1x10112x16xf32, #tpu.memory_space<hbm>> -> memref<10112x16xf32, #tpu.memory_space<hbm>>
      %dma_wait3A_121 = arith.constant 0 : i32
      %dma_wait3A_122 = tpu.memref_slice %dma_wait3A_120[%mul3A_2, %dma_wait3A_121] : memref<10112x16xf32, #tpu.memory_space<hbm>> -> memref<632x16xf32, #tpu.memory_space<hbm>>
      %dma_wait3A_123 = arith.constant 0 : i32
      %dma_wait3A_124 = arith.constant 0 : i32
      %dma_wait3A_125 = tpu.memref_slice %arg4[%run_scoped3A, %dma_wait3A_123, %dma_wait3A_124] : memref<2x10112x16xf32, #tpu.memory_space<hbm>> -> memref<1x10112x16xf32, #tpu.memory_space<hbm>>
      %dma_wait3A_126 = tpu.memref_squeeze %dma_wait3A_125 : memref<1x10112x16xf32, #tpu.memory_space<hbm>> -> memref<10112x16xf32, #tpu.memory_space<hbm>>
      %dma_wait3A_127 = arith.constant 0 : i32
      %dma_wait3A_128 = tpu.memref_slice %dma_wait3A_126[%mul3A_2, %dma_wait3A_127] : memref<10112x16xf32, #tpu.memory_space<hbm>> -> memref<632x16xf32, #tpu.memory_space<hbm>>
      tpu.wait_dma2 semaphore(%run_scoped3A_104 : memref<!tpu.dma_semaphore, #tpu.memory_space<semaphore_mem>>) src(%dma_wait3A_128 : memref<632x16xf32, #tpu.memory_space<hbm>>) dst(%arg11 : memref<632x16xf32, #tpu.memory_space<vmem>>)
      tpu.yield
    }) : () -> ()
    %run_scoped3A_7 = arith.constant 1 : i32
    "tpu.region"() ({
      %run_scoped3A_104 = tpu.sem_alloc : memref<!tpu.dma_semaphore, #tpu.memory_space<semaphore_mem>>
      %dma_start3A_105 = arith.constant 0 : i32
      %dma_start3A_106 = arith.constant 0 : i32
      %dma_start3A_107 = tpu.memref_slice %arg4[%run_scoped3A_7, %dma_start3A_105, %dma_start3A_106] : memref<2x10112x16xf32, #tpu.memory_space<hbm>> -> memref<1x10112x16xf32, #tpu.memory_space<hbm>>
      %dma_start3A_108 = tpu.memref_squeeze %dma_start3A_107 : memref<1x10112x16xf32, #tpu.memory_space<hbm>> -> memref<10112x16xf32, #tpu.memory_space<hbm>>
      %dma_start3A_109 = arith.constant 0 : i32
      %dma_start3A_110 = tpu.memref_slice %dma_start3A_108[%mul3A_2, %dma_start3A_109] : memref<10112x16xf32, #tpu.memory_space<hbm>> -> memref<632x16xf32, #tpu.memory_space<hbm>>
      %dma_start3A_111 = arith.constant 0 : i32
      %dma_start3A_112 = arith.constant 0 : i32
      %dma_start3A_113 = tpu.memref_slice %arg4[%run_scoped3A_7, %dma_start3A_111, %dma_start3A_112] : memref<2x10112x16xf32, #tpu.memory_space<hbm>> -> memref<1x10112x16xf32, #tpu.memory_space<hbm>>
      %dma_start3A_114 = tpu.memref_squeeze %dma_start3A_113 : memref<1x10112x16xf32, #tpu.memory_space<hbm>> -> memref<10112x16xf32, #tpu.memory_space<hbm>>
      %dma_start3A_115 = arith.constant 0 : i32
      %dma_start3A_116 = tpu.memref_slice %dma_start3A_114[%mul3A_2, %dma_start3A_115] : memref<10112x16xf32, #tpu.memory_space<hbm>> -> memref<632x16xf32, #tpu.memory_space<hbm>>
      tpu.enqueue_dma source(%dma_start3A_116 : memref<632x16xf32, #tpu.memory_space<hbm>>) target(%arg12 : memref<632x16xf32, #tpu.memory_space<vmem>>) target_semaphore(%run_scoped3A_104 : memref<!tpu.dma_semaphore, #tpu.memory_space<semaphore_mem>>)
      %dma_wait3A_117 = arith.constant 0 : i32
      %dma_wait3A_118 = arith.constant 0 : i32
      %dma_wait3A_119 = tpu.memref_slice %arg4[%run_scoped3A_7, %dma_wait3A_117, %dma_wait3A_118] : memref<2x10112x16xf32, #tpu.memory_space<hbm>> -> memref<1x10112x16xf32, #tpu.memory_space<hbm>>
      %dma_wait3A_120 = tpu.memref_squeeze %dma_wait3A_119 : memref<1x10112x16xf32, #tpu.memory_space<hbm>> -> memref<10112x16xf32, #tpu.memory_space<hbm>>
      %dma_wait3A_121 = arith.constant 0 : i32
      %dma_wait3A_122 = tpu.memref_slice %dma_wait3A_120[%mul3A_2, %dma_wait3A_121] : memref<10112x16xf32, #tpu.memory_space<hbm>> -> memref<632x16xf32, #tpu.memory_space<hbm>>
      %dma_wait3A_123 = arith.constant 0 : i32
      %dma_wait3A_124 = arith.constant 0 : i32
      %dma_wait3A_125 = tpu.memref_slice %arg4[%run_scoped3A_7, %dma_wait3A_123, %dma_wait3A_124] : memref<2x10112x16xf32, #tpu.memory_space<hbm>> -> memref<1x10112x16xf32, #tpu.memory_space<hbm>>
      %dma_wait3A_126 = tpu.memref_squeeze %dma_wait3A_125 : memref<1x10112x16xf32, #tpu.memory_space<hbm>> -> memref<10112x16xf32, #tpu.memory_space<hbm>>
      %dma_wait3A_127 = arith.constant 0 : i32
      %dma_wait3A_128 = tpu.memref_slice %dma_wait3A_126[%mul3A_2, %dma_wait3A_127] : memref<10112x16xf32, #tpu.memory_space<hbm>> -> memref<632x16xf32, #tpu.memory_space<hbm>>
      tpu.wait_dma2 semaphore(%run_scoped3A_104 : memref<!tpu.dma_semaphore, #tpu.memory_space<semaphore_mem>>) src(%dma_wait3A_128 : memref<632x16xf32, #tpu.memory_space<hbm>>) dst(%arg12 : memref<632x16xf32, #tpu.memory_space<vmem>>)
      tpu.yield
    }) : () -> ()
    "tpu.region"() ({
      %run_scoped3A_104 = tpu.sem_alloc : memref<!tpu.dma_semaphore, #tpu.memory_space<semaphore_mem>>
      %dma_start3A_105 = arith.constant 0 : i32
      %dma_start3A_106 = tpu.memref_slice %arg5[%mul3A_2, %dma_start3A_105] : memref<10112x16xf32, #tpu.memory_space<hbm>> -> memref<632x16xf32, #tpu.memory_space<hbm>>
      %dma_start3A_107 = arith.constant 0 : i32
      %dma_start3A_108 = tpu.memref_slice %arg5[%mul3A_2, %dma_start3A_107] : memref<10112x16xf32, #tpu.memory_space<hbm>> -> memref<632x16xf32, #tpu.memory_space<hbm>>
      tpu.enqueue_dma source(%dma_start3A_108 : memref<632x16xf32, #tpu.memory_space<hbm>>) target(%arg13 : memref<632x16xf32, #tpu.memory_space<vmem>>) target_semaphore(%run_scoped3A_104 : memref<!tpu.dma_semaphore, #tpu.memory_space<semaphore_mem>>)
      %dma_wait3A_109 = arith.constant 0 : i32
      %dma_wait3A_110 = tpu.memref_slice %arg5[%mul3A_2, %dma_wait3A_109] : memref<10112x16xf32, #tpu.memory_space<hbm>> -> memref<632x16xf32, #tpu.memory_space<hbm>>
      %dma_wait3A_111 = arith.constant 0 : i32
      %dma_wait3A_112 = tpu.memref_slice %arg5[%mul3A_2, %dma_wait3A_111] : memref<10112x16xf32, #tpu.memory_space<hbm>> -> memref<632x16xf32, #tpu.memory_space<hbm>>
      tpu.wait_dma2 semaphore(%run_scoped3A_104 : memref<!tpu.dma_semaphore, #tpu.memory_space<semaphore_mem>>) src(%dma_wait3A_112 : memref<632x16xf32, #tpu.memory_space<hbm>>) dst(%arg13 : memref<632x16xf32, #tpu.memory_space<vmem>>)
      tpu.yield
    }) : () -> ()
    %parallel_loop3A = arith.constant 0 : i32
    %parallel_loop3A_8 = arith.constant 632 : i32
    %parallel_loop3A_9 = arith.constant 1 : i32
    scf.for %parallel_loop3A_104 = %parallel_loop3A to %parallel_loop3A_8 step %parallel_loop3A_9  : i32 {
      %parallel_loop3A_105 = arith.constant 0.000000e+00 : f32
      %parallel_loop3A_106 = vector.broadcast %parallel_loop3A_105 : f32 to vector<16xf32>
      %parallel_loop3A_107 = arith.index_cast %parallel_loop3A_104 : i32 to index
      %parallel_loop3A_108 = arith.constant 0 : index
      %parallel_loop3A_109 = tpu.vector_load %arg10[%parallel_loop3A_107, %parallel_loop3A_108] {strides = array<i32>} : memref<632x16xf32, #tpu.memory_space<vmem>>, vector<16xf32>,
      tpu.vector_store %arg10[%parallel_loop3A_107, %parallel_loop3A_108], %parallel_loop3A_106 {strides = array<i32>} : memref<632x16xf32, #tpu.memory_space<vmem>>, vector<16xf32>,
    } {sc.loop_unroll_factor = 8 : i64, sc.parallel_access}
    %parallel_loop3A_10 = arith.constant 0 : i32
    %parallel_loop3A_11 = arith.constant 632 : i32
    %parallel_loop3A_12 = arith.constant 1 : i32
    scf.for %parallel_loop3A_104 = %parallel_loop3A_10 to %parallel_loop3A_11 step %parallel_loop3A_12  : i32 {
      %parallel_loop3A_105 = arith.index_cast %parallel_loop3A_104 : i32 to index
      %parallel_loop3A_106 = arith.constant 0 : index
      %parallel_loop3A_107 = tpu.vector_load %arg11[%parallel_loop3A_105, %parallel_loop3A_106] {strides = array<i32>} : memref<632x16xf32, #tpu.memory_space<vmem>>, vector<16xf32>,
      %parallel_loop3A_108 = arith.index_cast %parallel_loop3A_104 : i32 to index
      %parallel_loop3A_109 = arith.constant 0 : index
      %parallel_loop3A_110 = tpu.vector_load %arg12[%parallel_loop3A_108, %parallel_loop3A_109] {strides = array<i32>} : memref<632x16xf32, #tpu.memory_space<vmem>>, vector<16xf32>,
      %parallel_loop3A_111 = arith.addf %parallel_loop3A_107, %parallel_loop3A_110 : vector<16xf32>
      %parallel_loop3A_112 = arith.constant 1.000000e+00 : f32
      %parallel_loop3A_113 = vector.broadcast %parallel_loop3A_112 : f32 to vector<16xf32>
      %parallel_loop3A_114 = arith.addf %parallel_loop3A_111, %parallel_loop3A_113 : vector<16xf32>
      %parallel_loop3A_115 = vector.bitcast %parallel_loop3A_114 : vector<16xf32> to vector<16xi32>
      %parallel_loop3A_116 = arith.constant 1 : i32
      %parallel_loop3A_117 = vector.broadcast %parallel_loop3A_116 : i32 to vector<16xi32>
      %parallel_loop3A_118 = arith.shrsi %parallel_loop3A_115, %parallel_loop3A_117 : vector<16xi32>
      %parallel_loop3A_119 = arith.constant 1597463007 : i32
      %parallel_loop3A_120 = vector.broadcast %parallel_loop3A_119 : i32 to vector<16xi32>
      %parallel_loop3A_121 = arith.subi %parallel_loop3A_120, %parallel_loop3A_118 : vector<16xi32>
      %parallel_loop3A_122 = vector.bitcast %parallel_loop3A_121 : vector<16xi32> to vector<16xf32>
      %parallel_loop3A_123 = arith.constant 5.000000e-01 : f32
      %parallel_loop3A_124 = vector.broadcast %parallel_loop3A_123 : f32 to vector<16xf32>
      %parallel_loop3A_125 = arith.mulf %parallel_loop3A_124, %parallel_loop3A_114 : vector<16xf32>
      %parallel_loop3A_126 = arith.mulf %parallel_loop3A_125, %parallel_loop3A_122 : vector<16xf32>
      %parallel_loop3A_127 = arith.mulf %parallel_loop3A_126, %parallel_loop3A_122 : vector<16xf32>
      %parallel_loop3A_128 = arith.constant 1.500000e+00 : f32
      %parallel_loop3A_129 = vector.broadcast %parallel_loop3A_128 : f32 to vector<16xf32>
      %parallel_loop3A_130 = arith.subf %parallel_loop3A_129, %parallel_loop3A_127 : vector<16xf32>
      %parallel_loop3A_131 = arith.mulf %parallel_loop3A_122, %parallel_loop3A_130 : vector<16xf32>
      %parallel_loop3A_132 = arith.constant 5.000000e-01 : f32
      %parallel_loop3A_133 = vector.broadcast %parallel_loop3A_132 : f32 to vector<16xf32>
      %parallel_loop3A_134 = arith.mulf %parallel_loop3A_133, %parallel_loop3A_114 : vector<16xf32>
      %parallel_loop3A_135 = arith.mulf %parallel_loop3A_134, %parallel_loop3A_131 : vector<16xf32>
      %parallel_loop3A_136 = arith.mulf %parallel_loop3A_135, %parallel_loop3A_131 : vector<16xf32>
      %parallel_loop3A_137 = arith.constant 1.500000e+00 : f32
      %parallel_loop3A_138 = vector.broadcast %parallel_loop3A_137 : f32 to vector<16xf32>
      %parallel_loop3A_139 = arith.subf %parallel_loop3A_138, %parallel_loop3A_136 : vector<16xf32>
      %parallel_loop3A_140 = arith.mulf %parallel_loop3A_131, %parallel_loop3A_139 : vector<16xf32>
      %parallel_loop3A_141 = arith.constant 5.000000e-01 : f32
      %parallel_loop3A_142 = vector.broadcast %parallel_loop3A_141 : f32 to vector<16xf32>
      %parallel_loop3A_143 = arith.mulf %parallel_loop3A_142, %parallel_loop3A_114 : vector<16xf32>
      %parallel_loop3A_144 = arith.mulf %parallel_loop3A_143, %parallel_loop3A_140 : vector<16xf32>
      %parallel_loop3A_145 = arith.mulf %parallel_loop3A_144, %parallel_loop3A_140 : vector<16xf32>
      %parallel_loop3A_146 = arith.constant 1.500000e+00 : f32
      %parallel_loop3A_147 = vector.broadcast %parallel_loop3A_146 : f32 to vector<16xf32>
      %parallel_loop3A_148 = arith.subf %parallel_loop3A_147, %parallel_loop3A_145 : vector<16xf32>
      %parallel_loop3A_149 = arith.mulf %parallel_loop3A_140, %parallel_loop3A_148 : vector<16xf32>
      %parallel_loop3A_150 = arith.index_cast %parallel_loop3A_104 : i32 to index
      %parallel_loop3A_151 = arith.constant 0 : index
      %parallel_loop3A_152 = tpu.vector_load %arg15[%parallel_loop3A_150, %parallel_loop3A_151] {strides = array<i32>} : memref<632x16xf32, #tpu.memory_space<vmem>>, vector<16xf32>,
      tpu.vector_store %arg15[%parallel_loop3A_150, %parallel_loop3A_151], %parallel_loop3A_149 {strides = array<i32>} : memref<632x16xf32, #tpu.memory_space<vmem>>, vector<16xf32>,
      %parallel_loop3A_153 = arith.index_cast %parallel_loop3A_104 : i32 to index
      %parallel_loop3A_154 = arith.constant 0 : index
      %parallel_loop3A_155 = tpu.vector_load %arg13[%parallel_loop3A_153, %parallel_loop3A_154] {strides = array<i32>} : memref<632x16xf32, #tpu.memory_space<vmem>>, vector<16xf32>,
      %parallel_loop3A_156 = arith.mulf %parallel_loop3A_149, %parallel_loop3A_155 : vector<16xf32>
      %parallel_loop3A_157 = arith.index_cast %parallel_loop3A_104 : i32 to index
      %parallel_loop3A_158 = arith.constant 0 : index
      %parallel_loop3A_159 = tpu.vector_load %arg14[%parallel_loop3A_157, %parallel_loop3A_158] {strides = array<i32>} : memref<632x16xf32, #tpu.memory_space<vmem>>, vector<16xf32>,
      tpu.vector_store %arg14[%parallel_loop3A_157, %parallel_loop3A_158], %parallel_loop3A_156 {strides = array<i32>} : memref<632x16xf32, #tpu.memory_space<vmem>>, vector<16xf32>,
    } {sc.loop_unroll_factor = 4 : i64, sc.parallel_access}
    "tpu.region"() ({
      %run_scoped3A_104 = tpu.sem_alloc : memref<!tpu.dma_semaphore, #tpu.memory_space<semaphore_mem>>
      %dma_start3A_105 = arith.constant 0 : i32
      %dma_start3A_106 = tpu.memref_slice %arg16[%mul3A_2, %dma_start3A_105] : memref<10112x16xf32, #tpu.memory_space<vmem_shared>> -> memref<632x16xf32, #tpu.memory_space<vmem_shared>>
      %dma_start3A_107 = arith.constant 0 : i32
      %dma_start3A_108 = tpu.memref_slice %arg16[%mul3A_2, %dma_start3A_107] : memref<10112x16xf32, #tpu.memory_space<vmem_shared>> -> memref<632x16xf32, #tpu.memory_space<vmem_shared>>
      tpu.enqueue_dma source(%arg10 : memref<632x16xf32, #tpu.memory_space<vmem>>) target(%dma_start3A_108 : memref<632x16xf32, #tpu.memory_space<vmem_shared>>) target_semaphore(%run_scoped3A_104 : memref<!tpu.dma_semaphore, #tpu.memory_space<semaphore_mem>>)
      %dma_wait3A_109 = arith.constant 0 : i32
      %dma_wait3A_110 = tpu.memref_slice %arg16[%mul3A_2, %dma_wait3A_109] : memref<10112x16xf32, #tpu.memory_space<vmem_shared>> -> memref<632x16xf32, #tpu.memory_space<vmem_shared>>
      %dma_wait3A_111 = arith.constant 0 : i32
      %dma_wait3A_112 = tpu.memref_slice %arg16[%mul3A_2, %dma_wait3A_111] : memref<10112x16xf32, #tpu.memory_space<vmem_shared>> -> memref<632x16xf32, #tpu.memory_space<vmem_shared>>
      tpu.wait_dma2 semaphore(%run_scoped3A_104 : memref<!tpu.dma_semaphore, #tpu.memory_space<semaphore_mem>>) src(%arg10 : memref<632x16xf32, #tpu.memory_space<vmem>>) dst(%dma_wait3A_112 : memref<632x16xf32, #tpu.memory_space<vmem_shared>>)
      tpu.yield
    }) : () -> ()
    "tpu.region"() ({
      %run_scoped3A_104 = tpu.sem_alloc : memref<!tpu.dma_semaphore, #tpu.memory_space<semaphore_mem>>
      %dma_start3A_105 = arith.constant 0 : i32
      %dma_start3A_106 = tpu.memref_slice %arg17[%mul3A_2, %dma_start3A_105] : memref<10112x16xf32, #tpu.memory_space<vmem_shared>> -> memref<632x16xf32, #tpu.memory_space<vmem_shared>>
      %dma_start3A_107 = arith.constant 0 : i32
      %dma_start3A_108 = tpu.memref_slice %arg17[%mul3A_2, %dma_start3A_107] : memref<10112x16xf32, #tpu.memory_space<vmem_shared>> -> memref<632x16xf32, #tpu.memory_space<vmem_shared>>
      tpu.enqueue_dma source(%arg14 : memref<632x16xf32, #tpu.memory_space<vmem>>) target(%dma_start3A_108 : memref<632x16xf32, #tpu.memory_space<vmem_shared>>) target_semaphore(%run_scoped3A_104 : memref<!tpu.dma_semaphore, #tpu.memory_space<semaphore_mem>>)
      %dma_wait3A_109 = arith.constant 0 : i32
      %dma_wait3A_110 = tpu.memref_slice %arg17[%mul3A_2, %dma_wait3A_109] : memref<10112x16xf32, #tpu.memory_space<vmem_shared>> -> memref<632x16xf32, #tpu.memory_space<vmem_shared>>
      %dma_wait3A_111 = arith.constant 0 : i32
      %dma_wait3A_112 = tpu.memref_slice %arg17[%mul3A_2, %dma_wait3A_111] : memref<10112x16xf32, #tpu.memory_space<vmem_shared>> -> memref<632x16xf32, #tpu.memory_space<vmem_shared>>
      tpu.wait_dma2 semaphore(%run_scoped3A_104 : memref<!tpu.dma_semaphore, #tpu.memory_space<semaphore_mem>>) src(%arg14 : memref<632x16xf32, #tpu.memory_space<vmem>>) dst(%dma_wait3A_112 : memref<632x16xf32, #tpu.memory_space<vmem_shared>>)
      tpu.yield
    }) : () -> ()
    %eq3A = arith.constant 0 : i32
    %eq3A_13 = arith.cmpi eq, %arg0, %eq3A : i32
    %convert_element_type3A = arith.extui %eq3A_13 : i1 to i32
    %cond3A = arith.constant 0 : i32
    %cond3A_14 = arith.cmpi ne, %convert_element_type3A, %cond3A : i32
    scf.if %cond3A_14 {
      %run_scoped3A_104 = arith.constant 2 : i32
      "tpu.region"() ({
        %run_scoped3A_106 = tpu.sem_alloc : memref<!tpu.dma_semaphore, #tpu.memory_space<semaphore_mem>>
        %dma_start3A_107 = arith.constant 0 : i32
        %dma_start3A_108 = arith.constant 0 : i32
        %dma_start3A_109 = tpu.memref_slice %arg6[%run_scoped3A_104, %dma_start3A_107, %dma_start3A_108] : memref<4x10112x16xf32, #tpu.memory_space<hbm>> -> memref<1x10112x16xf32, #tpu.memory_space<hbm>>
        %dma_start3A_110 = tpu.memref_squeeze %dma_start3A_109 : memref<1x10112x16xf32, #tpu.memory_space<hbm>> -> memref<10112x16xf32, #tpu.memory_space<hbm>>
        %dma_start3A_111 = arith.constant 0 : i32
        %dma_start3A_112 = tpu.memref_slice %dma_start3A_110[%mul3A_2, %dma_start3A_111] : memref<10112x16xf32, #tpu.memory_space<hbm>> -> memref<632x16xf32, #tpu.memory_space<hbm>>
        %dma_start3A_113 = arith.constant 0 : i32
        %dma_start3A_114 = arith.constant 0 : i32
        %dma_start3A_115 = tpu.memref_slice %arg6[%run_scoped3A_104, %dma_start3A_113, %dma_start3A_114] : memref<4x10112x16xf32, #tpu.memory_space<hbm>> -> memref<1x10112x16xf32, #tpu.memory_space<hbm>>
        %dma_start3A_116 = tpu.memref_squeeze %dma_start3A_115 : memref<1x10112x16xf32, #tpu.memory_space<hbm>> -> memref<10112x16xf32, #tpu.memory_space<hbm>>
        %dma_start3A_117 = arith.constant 0 : i32
        %dma_start3A_118 = tpu.memref_slice %dma_start3A_116[%mul3A_2, %dma_start3A_117] : memref<10112x16xf32, #tpu.memory_space<hbm>> -> memref<632x16xf32, #tpu.memory_space<hbm>>
        tpu.enqueue_dma source(%arg14 : memref<632x16xf32, #tpu.memory_space<vmem>>) target(%dma_start3A_118 : memref<632x16xf32, #tpu.memory_space<hbm>>) target_semaphore(%run_scoped3A_106 : memref<!tpu.dma_semaphore, #tpu.memory_space<semaphore_mem>>)
        %dma_wait3A_119 = arith.constant 0 : i32
        %dma_wait3A_120 = arith.constant 0 : i32
        %dma_wait3A_121 = tpu.memref_slice %arg6[%run_scoped3A_104, %dma_wait3A_119, %dma_wait3A_120] : memref<4x10112x16xf32, #tpu.memory_space<hbm>> -> memref<1x10112x16xf32, #tpu.memory_space<hbm>>
        %dma_wait3A_122 = tpu.memref_squeeze %dma_wait3A_121 : memref<1x10112x16xf32, #tpu.memory_space<hbm>> -> memref<10112x16xf32, #tpu.memory_space<hbm>>
        %dma_wait3A_123 = arith.constant 0 : i32
        %dma_wait3A_124 = tpu.memref_slice %dma_wait3A_122[%mul3A_2, %dma_wait3A_123] : memref<10112x16xf32, #tpu.memory_space<hbm>> -> memref<632x16xf32, #tpu.memory_space<hbm>>
        %dma_wait3A_125 = arith.constant 0 : i32
        %dma_wait3A_126 = arith.constant 0 : i32
        %dma_wait3A_127 = tpu.memref_slice %arg6[%run_scoped3A_104, %dma_wait3A_125, %dma_wait3A_126] : memref<4x10112x16xf32, #tpu.memory_space<hbm>> -> memref<1x10112x16xf32, #tpu.memory_space<hbm>>
        %dma_wait3A_128 = tpu.memref_squeeze %dma_wait3A_127 : memref<1x10112x16xf32, #tpu.memory_space<hbm>> -> memref<10112x16xf32, #tpu.memory_space<hbm>>
        %dma_wait3A_129 = arith.constant 0 : i32
        %dma_wait3A_130 = tpu.memref_slice %dma_wait3A_128[%mul3A_2, %dma_wait3A_129] : memref<10112x16xf32, #tpu.memory_space<hbm>> -> memref<632x16xf32, #tpu.memory_space<hbm>>
        tpu.wait_dma2 semaphore(%run_scoped3A_106 : memref<!tpu.dma_semaphore, #tpu.memory_space<semaphore_mem>>) src(%arg14 : memref<632x16xf32, #tpu.memory_space<vmem>>) dst(%dma_wait3A_130 : memref<632x16xf32, #tpu.memory_space<hbm>>)
        tpu.yield
      }) : () -> ()
      %run_scoped3A_105 = arith.constant 3 : i32
      "tpu.region"() ({
        %run_scoped3A_106 = tpu.sem_alloc : memref<!tpu.dma_semaphore, #tpu.memory_space<semaphore_mem>>
        %dma_start3A_107 = arith.constant 0 : i32
        %dma_start3A_108 = arith.constant 0 : i32
        %dma_start3A_109 = tpu.memref_slice %arg6[%run_scoped3A_105, %dma_start3A_107, %dma_start3A_108] : memref<4x10112x16xf32, #tpu.memory_space<hbm>> -> memref<1x10112x16xf32, #tpu.memory_space<hbm>>
        %dma_start3A_110 = tpu.memref_squeeze %dma_start3A_109 : memref<1x10112x16xf32, #tpu.memory_space<hbm>> -> memref<10112x16xf32, #tpu.memory_space<hbm>>
        %dma_start3A_111 = arith.constant 0 : i32
        %dma_start3A_112 = tpu.memref_slice %dma_start3A_110[%mul3A_2, %dma_start3A_111] : memref<10112x16xf32, #tpu.memory_space<hbm>> -> memref<632x16xf32, #tpu.memory_space<hbm>>
        %dma_start3A_113 = arith.constant 0 : i32
        %dma_start3A_114 = arith.constant 0 : i32
        %dma_start3A_115 = tpu.memref_slice %arg6[%run_scoped3A_105, %dma_start3A_113, %dma_start3A_114] : memref<4x10112x16xf32, #tpu.memory_space<hbm>> -> memref<1x10112x16xf32, #tpu.memory_space<hbm>>
        %dma_start3A_116 = tpu.memref_squeeze %dma_start3A_115 : memref<1x10112x16xf32, #tpu.memory_space<hbm>> -> memref<10112x16xf32, #tpu.memory_space<hbm>>
        %dma_start3A_117 = arith.constant 0 : i32
        %dma_start3A_118 = tpu.memref_slice %dma_start3A_116[%mul3A_2, %dma_start3A_117] : memref<10112x16xf32, #tpu.memory_space<hbm>> -> memref<632x16xf32, #tpu.memory_space<hbm>>
        tpu.enqueue_dma source(%arg15 : memref<632x16xf32, #tpu.memory_space<vmem>>) target(%dma_start3A_118 : memref<632x16xf32, #tpu.memory_space<hbm>>) target_semaphore(%run_scoped3A_106 : memref<!tpu.dma_semaphore, #tpu.memory_space<semaphore_mem>>)
        %dma_wait3A_119 = arith.constant 0 : i32
        %dma_wait3A_120 = arith.constant 0 : i32
        %dma_wait3A_121 = tpu.memref_slice %arg6[%run_scoped3A_105, %dma_wait3A_119, %dma_wait3A_120] : memref<4x10112x16xf32, #tpu.memory_space<hbm>> -> memref<1x10112x16xf32, #tpu.memory_space<hbm>>
        %dma_wait3A_122 = tpu.memref_squeeze %dma_wait3A_121 : memref<1x10112x16xf32, #tpu.memory_space<hbm>> -> memref<10112x16xf32, #tpu.memory_space<hbm>>
        %dma_wait3A_123 = arith.constant 0 : i32
        %dma_wait3A_124 = tpu.memref_slice %dma_wait3A_122[%mul3A_2, %dma_wait3A_123] : memref<10112x16xf32, #tpu.memory_space<hbm>> -> memref<632x16xf32, #tpu.memory_space<hbm>>
        %dma_wait3A_125 = arith.constant 0 : i32
        %dma_wait3A_126 = arith.constant 0 : i32
        %dma_wait3A_127 = tpu.memref_slice %arg6[%run_scoped3A_105, %dma_wait3A_125, %dma_wait3A_126] : memref<4x10112x16xf32, #tpu.memory_space<hbm>> -> memref<1x10112x16xf32, #tpu.memory_space<hbm>>
        %dma_wait3A_128 = tpu.memref_squeeze %dma_wait3A_127 : memref<1x10112x16xf32, #tpu.memory_space<hbm>> -> memref<10112x16xf32, #tpu.memory_space<hbm>>
        %dma_wait3A_129 = arith.constant 0 : i32
        %dma_wait3A_130 = tpu.memref_slice %dma_wait3A_128[%mul3A_2, %dma_wait3A_129] : memref<10112x16xf32, #tpu.memory_space<hbm>> -> memref<632x16xf32, #tpu.memory_space<hbm>>
        tpu.wait_dma2 semaphore(%run_scoped3A_106 : memref<!tpu.dma_semaphore, #tpu.memory_space<semaphore_mem>>) src(%arg15 : memref<632x16xf32, #tpu.memory_space<vmem>>) dst(%dma_wait3A_130 : memref<632x16xf32, #tpu.memory_space<hbm>>)
        tpu.yield
      }) : () -> ()
    } else {
    }
    %barrier3A = arith.constant 0 : index
    tpu.barrier barrier_id(%barrier3A)
    %dma_start3A = arith.constant 0 : i32
    %dma_start3A_15 = arith.constant 0 : i32
    %dma_start3A_16 = arith.constant 0 : i32
    %dma_start3A_17 = arith.constant 0 : i32
    %dma_start3A_18 = tpu.memref_slice %arg9[%dma_start3A_15, %dma_start3A_16, %dma_start3A_17] : memref<4x128x16xf32, #tpu.memory_space<vmem>> -> memref<1x128x16xf32, #tpu.memory_space<vmem>>
    %dma_start3A_19 = tpu.memref_squeeze %dma_start3A_18 : memref<1x128x16xf32, #tpu.memory_space<vmem>> -> memref<128x16xf32, #tpu.memory_space<vmem>>
    %dma_start3A_20 = arith.constant 0 : i32
    %dma_start3A_21 = tpu.memref_slice %arg7[%dma_start3A, %dma_start3A_20] : memref<80x128xi32, #tpu.memory_space<vmem>> -> memref<1x128xi32, #tpu.memory_space<vmem>>
    %dma_start3A_22 = tpu.memref_squeeze %dma_start3A_21 : memref<1x128xi32, #tpu.memory_space<vmem>> -> memref<128xi32, #tpu.memory_space<vmem>>
    %dma_start3A_23 = arith.constant 0 : i32
    %dma_start3A_24 = arith.constant 0 : i32
    %dma_start3A_25 = tpu.memref_slice %arg17[%dma_start3A_23, %dma_start3A_24] : memref<10112x16xf32, #tpu.memory_space<vmem_shared>> -> memref<10112x16xf32, #tpu.memory_space<vmem_shared>>
    tpu.enqueue_indirect_dma source(%dma_start3A_25 : memref<10112x16xf32, #tpu.memory_space<vmem_shared>>) target(%dma_start3A_19 : memref<128x16xf32, #tpu.memory_space<vmem>>) offsets(%dma_start3A_22 : memref<128xi32, #tpu.memory_space<vmem>>) semaphore(%arg18 : memref<!tpu.dma_semaphore, #tpu.memory_space<semaphore_mem>>)
    %dma_start3A_26 = arith.constant 1 : i32
    %dma_start3A_27 = arith.constant 1 : i32
    %dma_start3A_28 = arith.constant 0 : i32
    %dma_start3A_29 = arith.constant 0 : i32
    %dma_start3A_30 = tpu.memref_slice %arg9[%dma_start3A_27, %dma_start3A_28, %dma_start3A_29] : memref<4x128x16xf32, #tpu.memory_space<vmem>> -> memref<1x128x16xf32, #tpu.memory_space<vmem>>
    %dma_start3A_31 = tpu.memref_squeeze %dma_start3A_30 : memref<1x128x16xf32, #tpu.memory_space<vmem>> -> memref<128x16xf32, #tpu.memory_space<vmem>>
    %dma_start3A_32 = arith.constant 0 : i32
    %dma_start3A_33 = tpu.memref_slice %arg7[%dma_start3A_26, %dma_start3A_32] : memref<80x128xi32, #tpu.memory_space<vmem>> -> memref<1x128xi32, #tpu.memory_space<vmem>>
    %dma_start3A_34 = tpu.memref_squeeze %dma_start3A_33 : memref<1x128xi32, #tpu.memory_space<vmem>> -> memref<128xi32, #tpu.memory_space<vmem>>
    %dma_start3A_35 = arith.constant 0 : i32
    %dma_start3A_36 = arith.constant 0 : i32
    %dma_start3A_37 = tpu.memref_slice %arg17[%dma_start3A_35, %dma_start3A_36] : memref<10112x16xf32, #tpu.memory_space<vmem_shared>> -> memref<10112x16xf32, #tpu.memory_space<vmem_shared>>
    tpu.enqueue_indirect_dma source(%dma_start3A_37 : memref<10112x16xf32, #tpu.memory_space<vmem_shared>>) target(%dma_start3A_31 : memref<128x16xf32, #tpu.memory_space<vmem>>) offsets(%dma_start3A_34 : memref<128xi32, #tpu.memory_space<vmem>>) semaphore(%arg19 : memref<!tpu.dma_semaphore, #tpu.memory_space<semaphore_mem>>)
    %dma_start3A_38 = arith.constant 2 : i32
    %dma_start3A_39 = arith.constant 2 : i32
    %dma_start3A_40 = arith.constant 0 : i32
    %dma_start3A_41 = arith.constant 0 : i32
    %dma_start3A_42 = tpu.memref_slice %arg9[%dma_start3A_39, %dma_start3A_40, %dma_start3A_41] : memref<4x128x16xf32, #tpu.memory_space<vmem>> -> memref<1x128x16xf32, #tpu.memory_space<vmem>>
    %dma_start3A_43 = tpu.memref_squeeze %dma_start3A_42 : memref<1x128x16xf32, #tpu.memory_space<vmem>> -> memref<128x16xf32, #tpu.memory_space<vmem>>
    %dma_start3A_44 = arith.constant 0 : i32
    %dma_start3A_45 = tpu.memref_slice %arg7[%dma_start3A_38, %dma_start3A_44] : memref<80x128xi32, #tpu.memory_space<vmem>> -> memref<1x128xi32, #tpu.memory_space<vmem>>
    %dma_start3A_46 = tpu.memref_squeeze %dma_start3A_45 : memref<1x128xi32, #tpu.memory_space<vmem>> -> memref<128xi32, #tpu.memory_space<vmem>>
    %dma_start3A_47 = arith.constant 0 : i32
    %dma_start3A_48 = arith.constant 0 : i32
    %dma_start3A_49 = tpu.memref_slice %arg17[%dma_start3A_47, %dma_start3A_48] : memref<10112x16xf32, #tpu.memory_space<vmem_shared>> -> memref<10112x16xf32, #tpu.memory_space<vmem_shared>>
    tpu.enqueue_indirect_dma source(%dma_start3A_49 : memref<10112x16xf32, #tpu.memory_space<vmem_shared>>) target(%dma_start3A_43 : memref<128x16xf32, #tpu.memory_space<vmem>>) offsets(%dma_start3A_46 : memref<128xi32, #tpu.memory_space<vmem>>) semaphore(%arg20 : memref<!tpu.dma_semaphore, #tpu.memory_space<semaphore_mem>>)
    %scan3A = arith.constant 0 : i32
    %scan3A_50 = arith.constant 0 : i32
    %scan3A_51 = arith.constant 20 : i32
    %scan3A_52 = arith.addi %scan3A_50, %scan3A_51 : i32
    %scan3A_53 = arith.constant 1 : i32
    %scan3A_54 = scf.for %scan3A_104 = %scan3A_50 to %scan3A_52 step %scan3A_53 iter_args(%scan3A_105 = %scan3A) -> (i32)  : i32 {
      %mul3A_106 = arith.constant 4 : i32
      %mul3A_107 = arith.muli %scan3A_104, %mul3A_106 : i32
      %add3A_108 = arith.constant 0 : i32
      %add3A_109 = arith.addi %mul3A_107, %add3A_108 : i32
      %add3A_110 = arith.constant 4 : i32
      %add3A_111 = arith.addi %add3A_109, %add3A_110 : i32
      %sub3A = arith.constant 1 : i32
      %sub3A_112 = arith.subi %add3A_111, %sub3A : i32
      %lt3A = arith.constant 80 : i32
      %lt3A_113 = arith.cmpi slt, %sub3A_112, %lt3A : i32
      %ge3A = arith.constant 1 : i32
      %ge3A_114 = arith.cmpi sge, %add3A_109, %ge3A : i32
      %and3A = arith.andi %lt3A_113, %ge3A_114 : i1
      %convert_element_type3A_115 = arith.extui %and3A : i1 to i32
      %cond3A_116 = arith.constant 0 : i32
      %cond3A_117 = arith.cmpi ne, %convert_element_type3A_115, %cond3A_116 : i32
      scf.if %cond3A_117 {
        %sub3A_285 = arith.constant 1 : i32
        %sub3A_286 = arith.subi %add3A_109, %sub3A_285 : i32
        %dma_wait3A_287 = arith.constant 3 : i32
        %dma_wait3A_288 = arith.constant 0 : i32
        %dma_wait3A_289 = arith.constant 0 : i32
        %dma_wait3A_290 = tpu.memref_slice %arg9[%dma_wait3A_287, %dma_wait3A_288, %dma_wait3A_289] : memref<4x128x16xf32, #tpu.memory_space<vmem>> -> memref<1x128x16xf32, #tpu.memory_space<vmem>>
        %dma_wait3A_291 = tpu.memref_squeeze %dma_wait3A_290 : memref<1x128x16xf32, #tpu.memory_space<vmem>> -> memref<128x16xf32, #tpu.memory_space<vmem>>
        %dma_wait3A_292 = arith.constant 0 : i32
        %dma_wait3A_293 = tpu.memref_slice %arg8[%sub3A_286, %dma_wait3A_292] : memref<80x128xi32, #tpu.memory_space<vmem>> -> memref<1x128xi32, #tpu.memory_space<vmem>>
        %dma_wait3A_294 = tpu.memref_squeeze %dma_wait3A_293 : memref<1x128xi32, #tpu.memory_space<vmem>> -> memref<128xi32, #tpu.memory_space<vmem>>
        %dma_wait3A_295 = arith.constant 0 : i32
        %dma_wait3A_296 = arith.constant 0 : i32
        %dma_wait3A_297 = tpu.memref_slice %arg16[%dma_wait3A_295, %dma_wait3A_296] : memref<10112x16xf32, #tpu.memory_space<vmem_shared>> -> memref<10112x16xf32, #tpu.memory_space<vmem_shared>>
        tpu.wait_indirect_dma semaphore(%arg25 : memref<!tpu.dma_semaphore, #tpu.memory_space<semaphore_mem>>) src(%dma_wait3A_291 : memref<128x16xf32, #tpu.memory_space<vmem>>) dst(%dma_wait3A_297 : memref<10112x16xf32, #tpu.memory_space<vmem_shared>>)
      } else {
      }
      %add3A_118 = arith.constant 4 : i32
      %add3A_119 = arith.addi %add3A_109, %add3A_118 : i32
      %sub3A_120 = arith.constant 1 : i32
      %sub3A_121 = arith.subi %add3A_119, %sub3A_120 : i32
      %lt3A_122 = arith.constant 80 : i32
      %lt3A_123 = arith.cmpi slt, %sub3A_121, %lt3A_122 : i32
      %convert_element_type3A_124 = arith.extui %lt3A_123 : i1 to i32
      %cond3A_125 = arith.constant 0 : i32
      %cond3A_126 = arith.cmpi ne, %convert_element_type3A_124, %cond3A_125 : i32
      scf.if %cond3A_126 {
        %add3A_285 = arith.constant 4 : i32
        %add3A_286 = arith.addi %add3A_109, %add3A_285 : i32
        %sub3A_287 = arith.constant 1 : i32
        %sub3A_288 = arith.subi %add3A_286, %sub3A_287 : i32
        %dma_start3A_289 = arith.constant 3 : i32
        %dma_start3A_290 = arith.constant 0 : i32
        %dma_start3A_291 = arith.constant 0 : i32
        %dma_start3A_292 = tpu.memref_slice %arg9[%dma_start3A_289, %dma_start3A_290, %dma_start3A_291] : memref<4x128x16xf32, #tpu.memory_space<vmem>> -> memref<1x128x16xf32, #tpu.memory_space<vmem>>
        %dma_start3A_293 = tpu.memref_squeeze %dma_start3A_292 : memref<1x128x16xf32, #tpu.memory_space<vmem>> -> memref<128x16xf32, #tpu.memory_space<vmem>>
        %dma_start3A_294 = arith.constant 0 : i32
        %dma_start3A_295 = tpu.memref_slice %arg7[%sub3A_288, %dma_start3A_294] : memref<80x128xi32, #tpu.memory_space<vmem>> -> memref<1x128xi32, #tpu.memory_space<vmem>>
        %dma_start3A_296 = tpu.memref_squeeze %dma_start3A_295 : memref<1x128xi32, #tpu.memory_space<vmem>> -> memref<128xi32, #tpu.memory_space<vmem>>
        %dma_start3A_297 = arith.constant 0 : i32
        %dma_start3A_298 = arith.constant 0 : i32
        %dma_start3A_299 = tpu.memref_slice %arg17[%dma_start3A_297, %dma_start3A_298] : memref<10112x16xf32, #tpu.memory_space<vmem_shared>> -> memref<10112x16xf32, #tpu.memory_space<vmem_shared>>
        tpu.enqueue_indirect_dma source(%dma_start3A_299 : memref<10112x16xf32, #tpu.memory_space<vmem_shared>>) target(%dma_start3A_293 : memref<128x16xf32, #tpu.memory_space<vmem>>) offsets(%dma_start3A_296 : memref<128xi32, #tpu.memory_space<vmem>>) semaphore(%arg21 : memref<!tpu.dma_semaphore, #tpu.memory_space<semaphore_mem>>)
      } else {
      }
      %dma_wait3A_127 = arith.constant 0 : i32
      %dma_wait3A_128 = arith.constant 0 : i32
      %dma_wait3A_129 = arith.constant 0 : i32
      %dma_wait3A_130 = tpu.memref_slice %arg9[%dma_wait3A_127, %dma_wait3A_128, %dma_wait3A_129] : memref<4x128x16xf32, #tpu.memory_space<vmem>> -> memref<1x128x16xf32, #tpu.memory_space<vmem>>
      %dma_wait3A_131 = tpu.memref_squeeze %dma_wait3A_130 : memref<1x128x16xf32, #tpu.memory_space<vmem>> -> memref<128x16xf32, #tpu.memory_space<vmem>>
      %dma_wait3A_132 = arith.constant 0 : i32
      %dma_wait3A_133 = tpu.memref_slice %arg7[%add3A_109, %dma_wait3A_132] : memref<80x128xi32, #tpu.memory_space<vmem>> -> memref<1x128xi32, #tpu.memory_space<vmem>>
      %dma_wait3A_134 = tpu.memref_squeeze %dma_wait3A_133 : memref<1x128xi32, #tpu.memory_space<vmem>> -> memref<128xi32, #tpu.memory_space<vmem>>
      %dma_wait3A_135 = arith.constant 0 : i32
      %dma_wait3A_136 = arith.constant 0 : i32
      %dma_wait3A_137 = tpu.memref_slice %arg17[%dma_wait3A_135, %dma_wait3A_136] : memref<10112x16xf32, #tpu.memory_space<vmem_shared>> -> memref<10112x16xf32, #tpu.memory_space<vmem_shared>>
      tpu.wait_indirect_dma semaphore(%arg18 : memref<!tpu.dma_semaphore, #tpu.memory_space<semaphore_mem>>) src(%dma_wait3A_137 : memref<10112x16xf32, #tpu.memory_space<vmem_shared>>) dst(%dma_wait3A_131 : memref<128x16xf32, #tpu.memory_space<vmem>>)
      %dma_start3A_138 = arith.constant 0 : i32
      %dma_start3A_139 = arith.constant 0 : i32
      %dma_start3A_140 = arith.constant 0 : i32
      %dma_start3A_141 = tpu.memref_slice %arg9[%dma_start3A_138, %dma_start3A_139, %dma_start3A_140] : memref<4x128x16xf32, #tpu.memory_space<vmem>> -> memref<1x128x16xf32, #tpu.memory_space<vmem>>
      %dma_start3A_142 = tpu.memref_squeeze %dma_start3A_141 : memref<1x128x16xf32, #tpu.memory_space<vmem>> -> memref<128x16xf32, #tpu.memory_space<vmem>>
      %dma_start3A_143 = arith.constant 0 : i32
      %dma_start3A_144 = tpu.memref_slice %arg8[%add3A_109, %dma_start3A_143] : memref<80x128xi32, #tpu.memory_space<vmem>> -> memref<1x128xi32, #tpu.memory_space<vmem>>
      %dma_start3A_145 = tpu.memref_squeeze %dma_start3A_144 : memref<1x128xi32, #tpu.memory_space<vmem>> -> memref<128xi32, #tpu.memory_space<vmem>>
      %dma_start3A_146 = arith.constant 0 : i32
      %dma_start3A_147 = arith.constant 0 : i32
      %dma_start3A_148 = tpu.memref_slice %arg16[%dma_start3A_146, %dma_start3A_147] : memref<10112x16xf32, #tpu.memory_space<vmem_shared>> -> memref<10112x16xf32, #tpu.memory_space<vmem_shared>>
      tpu.enqueue_indirect_dma source(%dma_start3A_142 : memref<128x16xf32, #tpu.memory_space<vmem>>) target(%dma_start3A_148 : memref<10112x16xf32, #tpu.memory_space<vmem_shared>>) offsets(%dma_start3A_145 : memref<128xi32, #tpu.memory_space<vmem>>) semaphore(%arg22 : memref<!tpu.dma_semaphore, #tpu.memory_space<semaphore_mem>>) {add = true}
      %add3A_149 = arith.constant 1 : i32
      %add3A_150 = arith.addi %mul3A_107, %add3A_149 : i32
      %add3A_151 = arith.constant 4 : i32
      %add3A_152 = arith.addi %add3A_150, %add3A_151 : i32
      %sub3A_153 = arith.constant 1 : i32
      %sub3A_154 = arith.subi %add3A_152, %sub3A_153 : i32
      %lt3A_155 = arith.constant 80 : i32
      %lt3A_156 = arith.cmpi slt, %sub3A_154, %lt3A_155 : i32
      %ge3A_157 = arith.constant 1 : i32
      %ge3A_158 = arith.cmpi sge, %add3A_150, %ge3A_157 : i32
      %and3A_159 = arith.andi %lt3A_156, %ge3A_158 : i1
      %convert_element_type3A_160 = arith.extui %and3A_159 : i1 to i32
      %cond3A_161 = arith.constant 0 : i32
      %cond3A_162 = arith.cmpi ne, %convert_element_type3A_160, %cond3A_161 : i32
      scf.if %cond3A_162 {
        %sub3A_285 = arith.constant 1 : i32
        %sub3A_286 = arith.subi %add3A_150, %sub3A_285 : i32
        %dma_wait3A_287 = arith.constant 0 : i32
        %dma_wait3A_288 = arith.constant 0 : i32
        %dma_wait3A_289 = arith.constant 0 : i32
        %dma_wait3A_290 = tpu.memref_slice %arg9[%dma_wait3A_287, %dma_wait3A_288, %dma_wait3A_289] : memref<4x128x16xf32, #tpu.memory_space<vmem>> -> memref<1x128x16xf32, #tpu.memory_space<vmem>>
        %dma_wait3A_291 = tpu.memref_squeeze %dma_wait3A_290 : memref<1x128x16xf32, #tpu.memory_space<vmem>> -> memref<128x16xf32, #tpu.memory_space<vmem>>
        %dma_wait3A_292 = arith.constant 0 : i32
        %dma_wait3A_293 = tpu.memref_slice %arg8[%sub3A_286, %dma_wait3A_292] : memref<80x128xi32, #tpu.memory_space<vmem>> -> memref<1x128xi32, #tpu.memory_space<vmem>>
        %dma_wait3A_294 = tpu.memref_squeeze %dma_wait3A_293 : memref<1x128xi32, #tpu.memory_space<vmem>> -> memref<128xi32, #tpu.memory_space<vmem>>
        %dma_wait3A_295 = arith.constant 0 : i32
        %dma_wait3A_296 = arith.constant 0 : i32
        %dma_wait3A_297 = tpu.memref_slice %arg16[%dma_wait3A_295, %dma_wait3A_296] : memref<10112x16xf32, #tpu.memory_space<vmem_shared>> -> memref<10112x16xf32, #tpu.memory_space<vmem_shared>>
        tpu.wait_indirect_dma semaphore(%arg22 : memref<!tpu.dma_semaphore, #tpu.memory_space<semaphore_mem>>) src(%dma_wait3A_291 : memref<128x16xf32, #tpu.memory_space<vmem>>) dst(%dma_wait3A_297 : memref<10112x16xf32, #tpu.memory_space<vmem_shared>>)
      } else {
      }
      %add3A_163 = arith.constant 4 : i32
      %add3A_164 = arith.addi %add3A_150, %add3A_163 : i32
      %sub3A_165 = arith.constant 1 : i32
      %sub3A_166 = arith.subi %add3A_164, %sub3A_165 : i32
      %lt3A_167 = arith.constant 80 : i32
      %lt3A_168 = arith.cmpi slt, %sub3A_166, %lt3A_167 : i32
      %convert_element_type3A_169 = arith.extui %lt3A_168 : i1 to i32
      %cond3A_170 = arith.constant 0 : i32
      %cond3A_171 = arith.cmpi ne, %convert_element_type3A_169, %cond3A_170 : i32
      scf.if %cond3A_171 {
        %add3A_285 = arith.constant 4 : i32
        %add3A_286 = arith.addi %add3A_150, %add3A_285 : i32
        %sub3A_287 = arith.constant 1 : i32
        %sub3A_288 = arith.subi %add3A_286, %sub3A_287 : i32
        %dma_start3A_289 = arith.constant 0 : i32
        %dma_start3A_290 = arith.constant 0 : i32
        %dma_start3A_291 = arith.constant 0 : i32
        %dma_start3A_292 = tpu.memref_slice %arg9[%dma_start3A_289, %dma_start3A_290, %dma_start3A_291] : memref<4x128x16xf32, #tpu.memory_space<vmem>> -> memref<1x128x16xf32, #tpu.memory_space<vmem>>
        %dma_start3A_293 = tpu.memref_squeeze %dma_start3A_292 : memref<1x128x16xf32, #tpu.memory_space<vmem>> -> memref<128x16xf32, #tpu.memory_space<vmem>>
        %dma_start3A_294 = arith.constant 0 : i32
        %dma_start3A_295 = tpu.memref_slice %arg7[%sub3A_288, %dma_start3A_294] : memref<80x128xi32, #tpu.memory_space<vmem>> -> memref<1x128xi32, #tpu.memory_space<vmem>>
        %dma_start3A_296 = tpu.memref_squeeze %dma_start3A_295 : memref<1x128xi32, #tpu.memory_space<vmem>> -> memref<128xi32, #tpu.memory_space<vmem>>
        %dma_start3A_297 = arith.constant 0 : i32
        %dma_start3A_298 = arith.constant 0 : i32
        %dma_start3A_299 = tpu.memref_slice %arg17[%dma_start3A_297, %dma_start3A_298] : memref<10112x16xf32, #tpu.memory_space<vmem_shared>> -> memref<10112x16xf32, #tpu.memory_space<vmem_shared>>
        tpu.enqueue_indirect_dma source(%dma_start3A_299 : memref<10112x16xf32, #tpu.memory_space<vmem_shared>>) target(%dma_start3A_293 : memref<128x16xf32, #tpu.memory_space<vmem>>) offsets(%dma_start3A_296 : memref<128xi32, #tpu.memory_space<vmem>>) semaphore(%arg18 : memref<!tpu.dma_semaphore, #tpu.memory_space<semaphore_mem>>)
      } else {
      }
      %dma_wait3A_172 = arith.constant 1 : i32
      %dma_wait3A_173 = arith.constant 0 : i32
      %dma_wait3A_174 = arith.constant 0 : i32
      %dma_wait3A_175 = tpu.memref_slice %arg9[%dma_wait3A_172, %dma_wait3A_173, %dma_wait3A_174] : memref<4x128x16xf32, #tpu.memory_space<vmem>> -> memref<1x128x16xf32, #tpu.memory_space<vmem>>
      %dma_wait3A_176 = tpu.memref_squeeze %dma_wait3A_175 : memref<1x128x16xf32, #tpu.memory_space<vmem>> -> memref<128x16xf32, #tpu.memory_space<vmem>>
      %dma_wait3A_177 = arith.constant 0 : i32
      %dma_wait3A_178 = tpu.memref_slice %arg7[%add3A_150, %dma_wait3A_177] : memref<80x128xi32, #tpu.memory_space<vmem>> -> memref<1x128xi32, #tpu.memory_space<vmem>>
      %dma_wait3A_179 = tpu.memref_squeeze %dma_wait3A_178 : memref<1x128xi32, #tpu.memory_space<vmem>> -> memref<128xi32, #tpu.memory_space<vmem>>
      %dma_wait3A_180 = arith.constant 0 : i32
      %dma_wait3A_181 = arith.constant 0 : i32
      %dma_wait3A_182 = tpu.memref_slice %arg17[%dma_wait3A_180, %dma_wait3A_181] : memref<10112x16xf32, #tpu.memory_space<vmem_shared>> -> memref<10112x16xf32, #tpu.memory_space<vmem_shared>>
      tpu.wait_indirect_dma semaphore(%arg19 : memref<!tpu.dma_semaphore, #tpu.memory_space<semaphore_mem>>) src(%dma_wait3A_182 : memref<10112x16xf32, #tpu.memory_space<vmem_shared>>) dst(%dma_wait3A_176 : memref<128x16xf32, #tpu.memory_space<vmem>>)
      %dma_start3A_183 = arith.constant 1 : i32
      %dma_start3A_184 = arith.constant 0 : i32
      %dma_start3A_185 = arith.constant 0 : i32
      %dma_start3A_186 = tpu.memref_slice %arg9[%dma_start3A_183, %dma_start3A_184, %dma_start3A_185] : memref<4x128x16xf32, #tpu.memory_space<vmem>> -> memref<1x128x16xf32, #tpu.memory_space<vmem>>
      %dma_start3A_187 = tpu.memref_squeeze %dma_start3A_186 : memref<1x128x16xf32, #tpu.memory_space<vmem>> -> memref<128x16xf32, #tpu.memory_space<vmem>>
      %dma_start3A_188 = arith.constant 0 : i32
      %dma_start3A_189 = tpu.memref_slice %arg8[%add3A_150, %dma_start3A_188] : memref<80x128xi32, #tpu.memory_space<vmem>> -> memref<1x128xi32, #tpu.memory_space<vmem>>
      %dma_start3A_190 = tpu.memref_squeeze %dma_start3A_189 : memref<1x128xi32, #tpu.memory_space<vmem>> -> memref<128xi32, #tpu.memory_space<vmem>>
      %dma_start3A_191 = arith.constant 0 : i32
      %dma_start3A_192 = arith.constant 0 : i32
      %dma_start3A_193 = tpu.memref_slice %arg16[%dma_start3A_191, %dma_start3A_192] : memref<10112x16xf32, #tpu.memory_space<vmem_shared>> -> memref<10112x16xf32, #tpu.memory_space<vmem_shared>>
      tpu.enqueue_indirect_dma source(%dma_start3A_187 : memref<128x16xf32, #tpu.memory_space<vmem>>) target(%dma_start3A_193 : memref<10112x16xf32, #tpu.memory_space<vmem_shared>>) offsets(%dma_start3A_190 : memref<128xi32, #tpu.memory_space<vmem>>) semaphore(%arg23 : memref<!tpu.dma_semaphore, #tpu.memory_space<semaphore_mem>>) {add = true}
      %add3A_194 = arith.constant 2 : i32
      %add3A_195 = arith.addi %mul3A_107, %add3A_194 : i32
      %add3A_196 = arith.constant 4 : i32
      %add3A_197 = arith.addi %add3A_195, %add3A_196 : i32
      %sub3A_198 = arith.constant 1 : i32
      %sub3A_199 = arith.subi %add3A_197, %sub3A_198 : i32
      %lt3A_200 = arith.constant 80 : i32
      %lt3A_201 = arith.cmpi slt, %sub3A_199, %lt3A_200 : i32
      %ge3A_202 = arith.constant 1 : i32
      %ge3A_203 = arith.cmpi sge, %add3A_195, %ge3A_202 : i32
      %and3A_204 = arith.andi %lt3A_201, %ge3A_203 : i1
      %convert_element_type3A_205 = arith.extui %and3A_204 : i1 to i32
      %cond3A_206 = arith.constant 0 : i32
      %cond3A_207 = arith.cmpi ne, %convert_element_type3A_205, %cond3A_206 : i32
      scf.if %cond3A_207 {
        %sub3A_285 = arith.constant 1 : i32
        %sub3A_286 = arith.subi %add3A_195, %sub3A_285 : i32
        %dma_wait3A_287 = arith.constant 1 : i32
        %dma_wait3A_288 = arith.constant 0 : i32
        %dma_wait3A_289 = arith.constant 0 : i32
        %dma_wait3A_290 = tpu.memref_slice %arg9[%dma_wait3A_287, %dma_wait3A_288, %dma_wait3A_289] : memref<4x128x16xf32, #tpu.memory_space<vmem>> -> memref<1x128x16xf32, #tpu.memory_space<vmem>>
        %dma_wait3A_291 = tpu.memref_squeeze %dma_wait3A_290 : memref<1x128x16xf32, #tpu.memory_space<vmem>> -> memref<128x16xf32, #tpu.memory_space<vmem>>
        %dma_wait3A_292 = arith.constant 0 : i32
        %dma_wait3A_293 = tpu.memref_slice %arg8[%sub3A_286, %dma_wait3A_292] : memref<80x128xi32, #tpu.memory_space<vmem>> -> memref<1x128xi32, #tpu.memory_space<vmem>>
        %dma_wait3A_294 = tpu.memref_squeeze %dma_wait3A_293 : memref<1x128xi32, #tpu.memory_space<vmem>> -> memref<128xi32, #tpu.memory_space<vmem>>
        %dma_wait3A_295 = arith.constant 0 : i32
        %dma_wait3A_296 = arith.constant 0 : i32
        %dma_wait3A_297 = tpu.memref_slice %arg16[%dma_wait3A_295, %dma_wait3A_296] : memref<10112x16xf32, #tpu.memory_space<vmem_shared>> -> memref<10112x16xf32, #tpu.memory_space<vmem_shared>>
        tpu.wait_indirect_dma semaphore(%arg23 : memref<!tpu.dma_semaphore, #tpu.memory_space<semaphore_mem>>) src(%dma_wait3A_291 : memref<128x16xf32, #tpu.memory_space<vmem>>) dst(%dma_wait3A_297 : memref<10112x16xf32, #tpu.memory_space<vmem_shared>>)
      } else {
      }
      %add3A_208 = arith.constant 4 : i32
      %add3A_209 = arith.addi %add3A_195, %add3A_208 : i32
      %sub3A_210 = arith.constant 1 : i32
      %sub3A_211 = arith.subi %add3A_209, %sub3A_210 : i32
      %lt3A_212 = arith.constant 80 : i32
      %lt3A_213 = arith.cmpi slt, %sub3A_211, %lt3A_212 : i32
      %convert_element_type3A_214 = arith.extui %lt3A_213 : i1 to i32
      %cond3A_215 = arith.constant 0 : i32
      %cond3A_216 = arith.cmpi ne, %convert_element_type3A_214, %cond3A_215 : i32
      scf.if %cond3A_216 {
        %add3A_285 = arith.constant 4 : i32
        %add3A_286 = arith.addi %add3A_195, %add3A_285 : i32
        %sub3A_287 = arith.constant 1 : i32
        %sub3A_288 = arith.subi %add3A_286, %sub3A_287 : i32
        %dma_start3A_289 = arith.constant 1 : i32
        %dma_start3A_290 = arith.constant 0 : i32
        %dma_start3A_291 = arith.constant 0 : i32
        %dma_start3A_292 = tpu.memref_slice %arg9[%dma_start3A_289, %dma_start3A_290, %dma_start3A_291] : memref<4x128x16xf32, #tpu.memory_space<vmem>> -> memref<1x128x16xf32, #tpu.memory_space<vmem>>
        %dma_start3A_293 = tpu.memref_squeeze %dma_start3A_292 : memref<1x128x16xf32, #tpu.memory_space<vmem>> -> memref<128x16xf32, #tpu.memory_space<vmem>>
        %dma_start3A_294 = arith.constant 0 : i32
        %dma_start3A_295 = tpu.memref_slice %arg7[%sub3A_288, %dma_start3A_294] : memref<80x128xi32, #tpu.memory_space<vmem>> -> memref<1x128xi32, #tpu.memory_space<vmem>>
        %dma_start3A_296 = tpu.memref_squeeze %dma_start3A_295 : memref<1x128xi32, #tpu.memory_space<vmem>> -> memref<128xi32, #tpu.memory_space<vmem>>
        %dma_start3A_297 = arith.constant 0 : i32
        %dma_start3A_298 = arith.constant 0 : i32
        %dma_start3A_299 = tpu.memref_slice %arg17[%dma_start3A_297, %dma_start3A_298] : memref<10112x16xf32, #tpu.memory_space<vmem_shared>> -> memref<10112x16xf32, #tpu.memory_space<vmem_shared>>
        tpu.enqueue_indirect_dma source(%dma_start3A_299 : memref<10112x16xf32, #tpu.memory_space<vmem_shared>>) target(%dma_start3A_293 : memref<128x16xf32, #tpu.memory_space<vmem>>) offsets(%dma_start3A_296 : memref<128xi32, #tpu.memory_space<vmem>>) semaphore(%arg19 : memref<!tpu.dma_semaphore, #tpu.memory_space<semaphore_mem>>)
      } else {
      }
      %dma_wait3A_217 = arith.constant 2 : i32
      %dma_wait3A_218 = arith.constant 0 : i32
      %dma_wait3A_219 = arith.constant 0 : i32
      %dma_wait3A_220 = tpu.memref_slice %arg9[%dma_wait3A_217, %dma_wait3A_218, %dma_wait3A_219] : memref<4x128x16xf32, #tpu.memory_space<vmem>> -> memref<1x128x16xf32, #tpu.memory_space<vmem>>
      %dma_wait3A_221 = tpu.memref_squeeze %dma_wait3A_220 : memref<1x128x16xf32, #tpu.memory_space<vmem>> -> memref<128x16xf32, #tpu.memory_space<vmem>>
      %dma_wait3A_222 = arith.constant 0 : i32
      %dma_wait3A_223 = tpu.memref_slice %arg7[%add3A_195, %dma_wait3A_222] : memref<80x128xi32, #tpu.memory_space<vmem>> -> memref<1x128xi32, #tpu.memory_space<vmem>>
      %dma_wait3A_224 = tpu.memref_squeeze %dma_wait3A_223 : memref<1x128xi32, #tpu.memory_space<vmem>> -> memref<128xi32, #tpu.memory_space<vmem>>
      %dma_wait3A_225 = arith.constant 0 : i32
      %dma_wait3A_226 = arith.constant 0 : i32
      %dma_wait3A_227 = tpu.memref_slice %arg17[%dma_wait3A_225, %dma_wait3A_226] : memref<10112x16xf32, #tpu.memory_space<vmem_shared>> -> memref<10112x16xf32, #tpu.memory_space<vmem_shared>>
      tpu.wait_indirect_dma semaphore(%arg20 : memref<!tpu.dma_semaphore, #tpu.memory_space<semaphore_mem>>) src(%dma_wait3A_227 : memref<10112x16xf32, #tpu.memory_space<vmem_shared>>) dst(%dma_wait3A_221 : memref<128x16xf32, #tpu.memory_space<vmem>>)
      %dma_start3A_228 = arith.constant 2 : i32
      %dma_start3A_229 = arith.constant 0 : i32
      %dma_start3A_230 = arith.constant 0 : i32
      %dma_start3A_231 = tpu.memref_slice %arg9[%dma_start3A_228, %dma_start3A_229, %dma_start3A_230] : memref<4x128x16xf32, #tpu.memory_space<vmem>> -> memref<1x128x16xf32, #tpu.memory_space<vmem>>
      %dma_start3A_232 = tpu.memref_squeeze %dma_start3A_231 : memref<1x128x16xf32, #tpu.memory_space<vmem>> -> memref<128x16xf32, #tpu.memory_space<vmem>>
      %dma_start3A_233 = arith.constant 0 : i32
      %dma_start3A_234 = tpu.memref_slice %arg8[%add3A_195, %dma_start3A_233] : memref<80x128xi32, #tpu.memory_space<vmem>> -> memref<1x128xi32, #tpu.memory_space<vmem>>
      %dma_start3A_235 = tpu.memref_squeeze %dma_start3A_234 : memref<1x128xi32, #tpu.memory_space<vmem>> -> memref<128xi32, #tpu.memory_space<vmem>>
      %dma_start3A_236 = arith.constant 0 : i32
      %dma_start3A_237 = arith.constant 0 : i32
      %dma_start3A_238 = tpu.memref_slice %arg16[%dma_start3A_236, %dma_start3A_237] : memref<10112x16xf32, #tpu.memory_space<vmem_shared>> -> memref<10112x16xf32, #tpu.memory_space<vmem_shared>>
      tpu.enqueue_indirect_dma source(%dma_start3A_232 : memref<128x16xf32, #tpu.memory_space<vmem>>) target(%dma_start3A_238 : memref<10112x16xf32, #tpu.memory_space<vmem_shared>>) offsets(%dma_start3A_235 : memref<128xi32, #tpu.memory_space<vmem>>) semaphore(%arg24 : memref<!tpu.dma_semaphore, #tpu.memory_space<semaphore_mem>>) {add = true}
      %add3A_239 = arith.constant 3 : i32
      %add3A_240 = arith.addi %mul3A_107, %add3A_239 : i32
      %add3A_241 = arith.constant 4 : i32
      %add3A_242 = arith.addi %add3A_240, %add3A_241 : i32
      %sub3A_243 = arith.constant 1 : i32
      %sub3A_244 = arith.subi %add3A_242, %sub3A_243 : i32
      %lt3A_245 = arith.constant 80 : i32
      %lt3A_246 = arith.cmpi slt, %sub3A_244, %lt3A_245 : i32
      %ge3A_247 = arith.constant 1 : i32
      %ge3A_248 = arith.cmpi sge, %add3A_240, %ge3A_247 : i32
      %and3A_249 = arith.andi %lt3A_246, %ge3A_248 : i1
      %convert_element_type3A_250 = arith.extui %and3A_249 : i1 to i32
      %cond3A_251 = arith.constant 0 : i32
      %cond3A_252 = arith.cmpi ne, %convert_element_type3A_250, %cond3A_251 : i32
      scf.if %cond3A_252 {
        %sub3A_285 = arith.constant 1 : i32
        %sub3A_286 = arith.subi %add3A_240, %sub3A_285 : i32
        %dma_wait3A_287 = arith.constant 2 : i32
        %dma_wait3A_288 = arith.constant 0 : i32
        %dma_wait3A_289 = arith.constant 0 : i32
        %dma_wait3A_290 = tpu.memref_slice %arg9[%dma_wait3A_287, %dma_wait3A_288, %dma_wait3A_289] : memref<4x128x16xf32, #tpu.memory_space<vmem>> -> memref<1x128x16xf32, #tpu.memory_space<vmem>>
        %dma_wait3A_291 = tpu.memref_squeeze %dma_wait3A_290 : memref<1x128x16xf32, #tpu.memory_space<vmem>> -> memref<128x16xf32, #tpu.memory_space<vmem>>
        %dma_wait3A_292 = arith.constant 0 : i32
        %dma_wait3A_293 = tpu.memref_slice %arg8[%sub3A_286, %dma_wait3A_292] : memref<80x128xi32, #tpu.memory_space<vmem>> -> memref<1x128xi32, #tpu.memory_space<vmem>>
        %dma_wait3A_294 = tpu.memref_squeeze %dma_wait3A_293 : memref<1x128xi32, #tpu.memory_space<vmem>> -> memref<128xi32, #tpu.memory_space<vmem>>
        %dma_wait3A_295 = arith.constant 0 : i32
        %dma_wait3A_296 = arith.constant 0 : i32
        %dma_wait3A_297 = tpu.memref_slice %arg16[%dma_wait3A_295, %dma_wait3A_296] : memref<10112x16xf32, #tpu.memory_space<vmem_shared>> -> memref<10112x16xf32, #tpu.memory_space<vmem_shared>>
        tpu.wait_indirect_dma semaphore(%arg24 : memref<!tpu.dma_semaphore, #tpu.memory_space<semaphore_mem>>) src(%dma_wait3A_291 : memref<128x16xf32, #tpu.memory_space<vmem>>) dst(%dma_wait3A_297 : memref<10112x16xf32, #tpu.memory_space<vmem_shared>>)
      } else {
      }
      %add3A_253 = arith.constant 4 : i32
      %add3A_254 = arith.addi %add3A_240, %add3A_253 : i32
      %sub3A_255 = arith.constant 1 : i32
      %sub3A_256 = arith.subi %add3A_254, %sub3A_255 : i32
      %lt3A_257 = arith.constant 80 : i32
      %lt3A_258 = arith.cmpi slt, %sub3A_256, %lt3A_257 : i32
      %convert_element_type3A_259 = arith.extui %lt3A_258 : i1 to i32
      %cond3A_260 = arith.constant 0 : i32
      %cond3A_261 = arith.cmpi ne, %convert_element_type3A_259, %cond3A_260 : i32
      scf.if %cond3A_261 {
        %add3A_285 = arith.constant 4 : i32
        %add3A_286 = arith.addi %add3A_240, %add3A_285 : i32
        %sub3A_287 = arith.constant 1 : i32
        %sub3A_288 = arith.subi %add3A_286, %sub3A_287 : i32
        %dma_start3A_289 = arith.constant 2 : i32
        %dma_start3A_290 = arith.constant 0 : i32
        %dma_start3A_291 = arith.constant 0 : i32
        %dma_start3A_292 = tpu.memref_slice %arg9[%dma_start3A_289, %dma_start3A_290, %dma_start3A_291] : memref<4x128x16xf32, #tpu.memory_space<vmem>> -> memref<1x128x16xf32, #tpu.memory_space<vmem>>
        %dma_start3A_293 = tpu.memref_squeeze %dma_start3A_292 : memref<1x128x16xf32, #tpu.memory_space<vmem>> -> memref<128x16xf32, #tpu.memory_space<vmem>>
        %dma_start3A_294 = arith.constant 0 : i32
        %dma_start3A_295 = tpu.memref_slice %arg7[%sub3A_288, %dma_start3A_294] : memref<80x128xi32, #tpu.memory_space<vmem>> -> memref<1x128xi32, #tpu.memory_space<vmem>>
        %dma_start3A_296 = tpu.memref_squeeze %dma_start3A_295 : memref<1x128xi32, #tpu.memory_space<vmem>> -> memref<128xi32, #tpu.memory_space<vmem>>
        %dma_start3A_297 = arith.constant 0 : i32
        %dma_start3A_298 = arith.constant 0 : i32
        %dma_start3A_299 = tpu.memref_slice %arg17[%dma_start3A_297, %dma_start3A_298] : memref<10112x16xf32, #tpu.memory_space<vmem_shared>> -> memref<10112x16xf32, #tpu.memory_space<vmem_shared>>
        tpu.enqueue_indirect_dma source(%dma_start3A_299 : memref<10112x16xf32, #tpu.memory_space<vmem_shared>>) target(%dma_start3A_293 : memref<128x16xf32, #tpu.memory_space<vmem>>) offsets(%dma_start3A_296 : memref<128xi32, #tpu.memory_space<vmem>>) semaphore(%arg20 : memref<!tpu.dma_semaphore, #tpu.memory_space<semaphore_mem>>)
      } else {
      }
      %dma_wait3A_262 = arith.constant 3 : i32
      %dma_wait3A_263 = arith.constant 0 : i32
      %dma_wait3A_264 = arith.constant 0 : i32
      %dma_wait3A_265 = tpu.memref_slice %arg9[%dma_wait3A_262, %dma_wait3A_263, %dma_wait3A_264] : memref<4x128x16xf32, #tpu.memory_space<vmem>> -> memref<1x128x16xf32, #tpu.memory_space<vmem>>
      %dma_wait3A_266 = tpu.memref_squeeze %dma_wait3A_265 : memref<1x128x16xf32, #tpu.memory_space<vmem>> -> memref<128x16xf32, #tpu.memory_space<vmem>>
      %dma_wait3A_267 = arith.constant 0 : i32
      %dma_wait3A_268 = tpu.memref_slice %arg7[%add3A_240, %dma_wait3A_267] : memref<80x128xi32, #tpu.memory_space<vmem>> -> memref<1x128xi32, #tpu.memory_space<vmem>>
      %dma_wait3A_269 = tpu.memref_squeeze %dma_wait3A_268 : memref<1x128xi32, #tpu.memory_space<vmem>> -> memref<128xi32, #tpu.memory_space<vmem>>
      %dma_wait3A_270 = arith.constant 0 : i32
      %dma_wait3A_271 = arith.constant 0 : i32
      %dma_wait3A_272 = tpu.memref_slice %arg17[%dma_wait3A_270, %dma_wait3A_271] : memref<10112x16xf32, #tpu.memory_space<vmem_shared>> -> memref<10112x16xf32, #tpu.memory_space<vmem_shared>>
      tpu.wait_indirect_dma semaphore(%arg21 : memref<!tpu.dma_semaphore, #tpu.memory_space<semaphore_mem>>) src(%dma_wait3A_272 : memref<10112x16xf32, #tpu.memory_space<vmem_shared>>) dst(%dma_wait3A_266 : memref<128x16xf32, #tpu.memory_space<vmem>>)
      %dma_start3A_273 = arith.constant 3 : i32
      %dma_start3A_274 = arith.constant 0 : i32
      %dma_start3A_275 = arith.constant 0 : i32
      %dma_start3A_276 = tpu.memref_slice %arg9[%dma_start3A_273, %dma_start3A_274, %dma_start3A_275] : memref<4x128x16xf32, #tpu.memory_space<vmem>> -> memref<1x128x16xf32, #tpu.memory_space<vmem>>
      %dma_start3A_277 = tpu.memref_squeeze %dma_start3A_276 : memref<1x128x16xf32, #tpu.memory_space<vmem>> -> memref<128x16xf32, #tpu.memory_space<vmem>>
      %dma_start3A_278 = arith.constant 0 : i32
      %dma_start3A_279 = tpu.memref_slice %arg8[%add3A_240, %dma_start3A_278] : memref<80x128xi32, #tpu.memory_space<vmem>> -> memref<1x128xi32, #tpu.memory_space<vmem>>
      %dma_start3A_280 = tpu.memref_squeeze %dma_start3A_279 : memref<1x128xi32, #tpu.memory_space<vmem>> -> memref<128xi32, #tpu.memory_space<vmem>>
      %dma_start3A_281 = arith.constant 0 : i32
      %dma_start3A_282 = arith.constant 0 : i32
      %dma_start3A_283 = tpu.memref_slice %arg16[%dma_start3A_281, %dma_start3A_282] : memref<10112x16xf32, #tpu.memory_space<vmem_shared>> -> memref<10112x16xf32, #tpu.memory_space<vmem_shared>>
      tpu.enqueue_indirect_dma source(%dma_start3A_277 : memref<128x16xf32, #tpu.memory_space<vmem>>) target(%dma_start3A_283 : memref<10112x16xf32, #tpu.memory_space<vmem_shared>>) offsets(%dma_start3A_280 : memref<128xi32, #tpu.memory_space<vmem>>) semaphore(%arg25 : memref<!tpu.dma_semaphore, #tpu.memory_space<semaphore_mem>>) {add = true}
      %scan3A_284 = arith.constant 0 : i32
      scf.yield %scan3A_284 : i32
    }
    %scan3A_55 = arith.constant 20 : i32
    %dma_wait3A = arith.constant 0 : i32
    %dma_wait3A_56 = arith.constant 76 : i32
    %dma_wait3A_57 = arith.constant 0 : i32
    %dma_wait3A_58 = arith.constant 0 : i32
    %dma_wait3A_59 = tpu.memref_slice %arg9[%dma_wait3A, %dma_wait3A_57, %dma_wait3A_58] : memref<4x128x16xf32, #tpu.memory_space<vmem>> -> memref<1x128x16xf32, #tpu.memory_space<vmem>>
    %dma_wait3A_60 = tpu.memref_squeeze %dma_wait3A_59 : memref<1x128x16xf32, #tpu.memory_space<vmem>> -> memref<128x16xf32, #tpu.memory_space<vmem>>
    %dma_wait3A_61 = arith.constant 0 : i32
    %dma_wait3A_62 = tpu.memref_slice %arg8[%dma_wait3A_56, %dma_wait3A_61] : memref<80x128xi32, #tpu.memory_space<vmem>> -> memref<1x128xi32, #tpu.memory_space<vmem>>
    %dma_wait3A_63 = tpu.memref_squeeze %dma_wait3A_62 : memref<1x128xi32, #tpu.memory_space<vmem>> -> memref<128xi32, #tpu.memory_space<vmem>>
    %dma_wait3A_64 = arith.constant 0 : i32
    %dma_wait3A_65 = arith.constant 0 : i32
    %dma_wait3A_66 = tpu.memref_slice %arg16[%dma_wait3A_64, %dma_wait3A_65] : memref<10112x16xf32, #tpu.memory_space<vmem_shared>> -> memref<10112x16xf32, #tpu.memory_space<vmem_shared>>
    tpu.wait_indirect_dma semaphore(%arg22 : memref<!tpu.dma_semaphore, #tpu.memory_space<semaphore_mem>>) src(%dma_wait3A_60 : memref<128x16xf32, #tpu.memory_space<vmem>>) dst(%dma_wait3A_66 : memref<10112x16xf32, #tpu.memory_space<vmem_shared>>)
    %dma_wait3A_67 = arith.constant 1 : i32
    %dma_wait3A_68 = arith.constant 77 : i32
    %dma_wait3A_69 = arith.constant 0 : i32
    %dma_wait3A_70 = arith.constant 0 : i32
    %dma_wait3A_71 = tpu.memref_slice %arg9[%dma_wait3A_67, %dma_wait3A_69, %dma_wait3A_70] : memref<4x128x16xf32, #tpu.memory_space<vmem>> -> memref<1x128x16xf32, #tpu.memory_space<vmem>>
    %dma_wait3A_72 = tpu.memref_squeeze %dma_wait3A_71 : memref<1x128x16xf32, #tpu.memory_space<vmem>> -> memref<128x16xf32, #tpu.memory_space<vmem>>
    %dma_wait3A_73 = arith.constant 0 : i32
    %dma_wait3A_74 = tpu.memref_slice %arg8[%dma_wait3A_68, %dma_wait3A_73] : memref<80x128xi32, #tpu.memory_space<vmem>> -> memref<1x128xi32, #tpu.memory_space<vmem>>
    %dma_wait3A_75 = tpu.memref_squeeze %dma_wait3A_74 : memref<1x128xi32, #tpu.memory_space<vmem>> -> memref<128xi32, #tpu.memory_space<vmem>>
    %dma_wait3A_76 = arith.constant 0 : i32
    %dma_wait3A_77 = arith.constant 0 : i32
    %dma_wait3A_78 = tpu.memref_slice %arg16[%dma_wait3A_76, %dma_wait3A_77] : memref<10112x16xf32, #tpu.memory_space<vmem_shared>> -> memref<10112x16xf32, #tpu.memory_space<vmem_shared>>
    tpu.wait_indirect_dma semaphore(%arg23 : memref<!tpu.dma_semaphore, #tpu.memory_space<semaphore_mem>>) src(%dma_wait3A_72 : memref<128x16xf32, #tpu.memory_space<vmem>>) dst(%dma_wait3A_78 : memref<10112x16xf32, #tpu.memory_space<vmem_shared>>)
    %dma_wait3A_79 = arith.constant 2 : i32
    %dma_wait3A_80 = arith.constant 78 : i32
    %dma_wait3A_81 = arith.constant 0 : i32
    %dma_wait3A_82 = arith.constant 0 : i32
    %dma_wait3A_83 = tpu.memref_slice %arg9[%dma_wait3A_79, %dma_wait3A_81, %dma_wait3A_82] : memref<4x128x16xf32, #tpu.memory_space<vmem>> -> memref<1x128x16xf32, #tpu.memory_space<vmem>>
    %dma_wait3A_84 = tpu.memref_squeeze %dma_wait3A_83 : memref<1x128x16xf32, #tpu.memory_space<vmem>> -> memref<128x16xf32, #tpu.memory_space<vmem>>
    %dma_wait3A_85 = arith.constant 0 : i32
    %dma_wait3A_86 = tpu.memref_slice %arg8[%dma_wait3A_80, %dma_wait3A_85] : memref<80x128xi32, #tpu.memory_space<vmem>> -> memref<1x128xi32, #tpu.memory_space<vmem>>
    %dma_wait3A_87 = tpu.memref_squeeze %dma_wait3A_86 : memref<1x128xi32, #tpu.memory_space<vmem>> -> memref<128xi32, #tpu.memory_space<vmem>>
    %dma_wait3A_88 = arith.constant 0 : i32
    %dma_wait3A_89 = arith.constant 0 : i32
    %dma_wait3A_90 = tpu.memref_slice %arg16[%dma_wait3A_88, %dma_wait3A_89] : memref<10112x16xf32, #tpu.memory_space<vmem_shared>> -> memref<10112x16xf32, #tpu.memory_space<vmem_shared>>
    tpu.wait_indirect_dma semaphore(%arg24 : memref<!tpu.dma_semaphore, #tpu.memory_space<semaphore_mem>>) src(%dma_wait3A_84 : memref<128x16xf32, #tpu.memory_space<vmem>>) dst(%dma_wait3A_90 : memref<10112x16xf32, #tpu.memory_space<vmem_shared>>)
    %dma_wait3A_91 = arith.constant 3 : i32
    %dma_wait3A_92 = arith.constant 79 : i32
    %dma_wait3A_93 = arith.constant 0 : i32
    %dma_wait3A_94 = arith.constant 0 : i32
    %dma_wait3A_95 = tpu.memref_slice %arg9[%dma_wait3A_91, %dma_wait3A_93, %dma_wait3A_94] : memref<4x128x16xf32, #tpu.memory_space<vmem>> -> memref<1x128x16xf32, #tpu.memory_space<vmem>>
    %dma_wait3A_96 = tpu.memref_squeeze %dma_wait3A_95 : memref<1x128x16xf32, #tpu.memory_space<vmem>> -> memref<128x16xf32, #tpu.memory_space<vmem>>
    %dma_wait3A_97 = arith.constant 0 : i32
    %dma_wait3A_98 = tpu.memref_slice %arg8[%dma_wait3A_92, %dma_wait3A_97] : memref<80x128xi32, #tpu.memory_space<vmem>> -> memref<1x128xi32, #tpu.memory_space<vmem>>
    %dma_wait3A_99 = tpu.memref_squeeze %dma_wait3A_98 : memref<1x128xi32, #tpu.memory_space<vmem>> -> memref<128xi32, #tpu.memory_space<vmem>>
    %dma_wait3A_100 = arith.constant 0 : i32
    %dma_wait3A_101 = arith.constant 0 : i32
    %dma_wait3A_102 = tpu.memref_slice %arg16[%dma_wait3A_100, %dma_wait3A_101] : memref<10112x16xf32, #tpu.memory_space<vmem_shared>> -> memref<10112x16xf32, #tpu.memory_space<vmem_shared>>
    tpu.wait_indirect_dma semaphore(%arg25 : memref<!tpu.dma_semaphore, #tpu.memory_space<semaphore_mem>>) src(%dma_wait3A_96 : memref<128x16xf32, #tpu.memory_space<vmem>>) dst(%dma_wait3A_102 : memref<10112x16xf32, #tpu.memory_space<vmem_shared>>)
    %barrier3A_103 = arith.constant 0 : index
    tpu.barrier barrier_id(%barrier3A_103)
    "tpu.region"() ({
      %run_scoped3A_104 = tpu.sem_alloc : memref<!tpu.dma_semaphore, #tpu.memory_space<semaphore_mem>>
      %dma_start3A_105 = arith.constant 0 : i32
      %dma_start3A_106 = arith.constant 0 : i32
      %dma_start3A_107 = tpu.memref_slice %arg6[%arg0, %dma_start3A_105, %dma_start3A_106] : memref<4x10112x16xf32, #tpu.memory_space<hbm>> -> memref<1x10112x16xf32, #tpu.memory_space<hbm>>
      %dma_start3A_108 = tpu.memref_squeeze %dma_start3A_107 : memref<1x10112x16xf32, #tpu.memory_space<hbm>> -> memref<10112x16xf32, #tpu.memory_space<hbm>>
      %dma_start3A_109 = arith.constant 0 : i32
      %dma_start3A_110 = tpu.memref_slice %dma_start3A_108[%mul3A_2, %dma_start3A_109] : memref<10112x16xf32, #tpu.memory_space<hbm>> -> memref<632x16xf32, #tpu.memory_space<hbm>>
      %dma_start3A_111 = arith.constant 0 : i32
      %dma_start3A_112 = tpu.memref_slice %arg16[%mul3A_2, %dma_start3A_111] : memref<10112x16xf32, #tpu.memory_space<vmem_shared>> -> memref<632x16xf32, #tpu.memory_space<vmem_shared>>
      tpu.enqueue_dma source(%dma_start3A_112 : memref<632x16xf32, #tpu.memory_space<vmem_shared>>) target(%dma_start3A_110 : memref<632x16xf32, #tpu.memory_space<hbm>>) target_semaphore(%run_scoped3A_104 : memref<!tpu.dma_semaphore, #tpu.memory_space<semaphore_mem>>)
      %dma_wait3A_113 = arith.constant 0 : i32
      %dma_wait3A_114 = arith.constant 0 : i32
      %dma_wait3A_115 = tpu.memref_slice %arg6[%arg0, %dma_wait3A_113, %dma_wait3A_114] : memref<4x10112x16xf32, #tpu.memory_space<hbm>> -> memref<1x10112x16xf32, #tpu.memory_space<hbm>>
      %dma_wait3A_116 = tpu.memref_squeeze %dma_wait3A_115 : memref<1x10112x16xf32, #tpu.memory_space<hbm>> -> memref<10112x16xf32, #tpu.memory_space<hbm>>
      %dma_wait3A_117 = arith.constant 0 : i32
      %dma_wait3A_118 = tpu.memref_slice %dma_wait3A_116[%mul3A_2, %dma_wait3A_117] : memref<10112x16xf32, #tpu.memory_space<hbm>> -> memref<632x16xf32, #tpu.memory_space<hbm>>
      %dma_wait3A_119 = arith.constant 0 : i32
      %dma_wait3A_120 = tpu.memref_slice %arg16[%mul3A_2, %dma_wait3A_119] : memref<10112x16xf32, #tpu.memory_space<vmem_shared>> -> memref<632x16xf32, #tpu.memory_space<vmem_shared>>
      tpu.wait_dma2 semaphore(%run_scoped3A_104 : memref<!tpu.dma_semaphore, #tpu.memory_space<semaphore_mem>>) src(%dma_wait3A_120 : memref<632x16xf32, #tpu.memory_space<vmem_shared>>) dst(%dma_wait3A_118 : memref<632x16xf32, #tpu.memory_space<hbm>>)
      tpu.yield
    }) : () -> ()
    return
  }
}

module attributes {stable_mosaic.version = 14 : i64} {
  func.func @_tc_pre_body(%arg0: i32, %arg1: memref<1000x128xf32, #tpu.memory_space<vmem>>, %arg2: memref<128x16xf32, #tpu.memory_space<vmem>>, %arg3: memref<1000x16xf32, #tpu.memory_space<vmem>>) attributes {dimension_semantics = [#tpu.dimension_semantics<arbitrary>], iteration_bounds = array<i64: 10>, scalar_prefetch = 0 : i64, scratch_operands = 0 : i64, tpu.core_type = #tpu.core_type<tc>, window_params = [{transform_indices = @transform_0, window_bounds = array<i64: 1000, 128>}, {pipeline_mode = #tpu.pipeline_mode<synchronous>, transform_indices = @transform_1, window_bounds = array<i64: 128, 16>}, {transform_indices = @transform_2, window_bounds = array<i64: 1000, 16>}]} {
    %get3A = arith.constant 0 : index
    %get3A_0 = arith.constant 0 : index
    %get3A_1 = vector.load %arg1[%get3A, %get3A_0] : memref<1000x128xf32, #tpu.memory_space<vmem>>, vector<1000x128xf32>
    %get3A_2 = arith.constant 0 : index
    %get3A_3 = arith.constant 0 : index
    %get3A_4 = vector.load %arg2[%get3A_2, %get3A_3] : memref<128x16xf32, #tpu.memory_space<vmem>>, vector<128x16xf32>
    %dot_general3A = arith.constant dense<0.000000e+00> : vector<1000x16xf32>
    %dot_general3A_5 = tpu.matmul %get3A_1, %get3A_4, %dot_general3A {dimension_numbers = #tpu.dot_dimension_numbers<[1], [0], [0], [1], [0, 0, 1, 1], [], []>, transpose_lhs_hint = false} : vector<1000x128xf32>, vector<128x16xf32>, vector<1000x16xf32> -> vector<1000x16xf32>
    %swap3A = arith.constant 0 : index
    %swap3A_6 = arith.constant 0 : index
    %swap3A_7 = vector.load %arg3[%swap3A, %swap3A_6] : memref<1000x16xf32, #tpu.memory_space<vmem>>, vector<1000x16xf32>
    tpu.vector_store %arg3[%swap3A, %swap3A_6], %dot_general3A_5 {strides = array<i32>} : memref<1000x16xf32, #tpu.memory_space<vmem>>, vector<1000x16xf32>,
    return
  }
  func.func @transform_0(%arg0: i32) -> (i32, i32) {
    %c0_i32 = arith.constant 0 : i32
    %c0_i32_0 = arith.constant 0 : i32
    return %arg0, %c0_i32 : i32, i32
  }
  func.func @transform_1(%arg0: i32) -> (i32, i32) {
    %c0_i32 = arith.constant 0 : i32
    %c0_i32_0 = arith.constant 0 : i32
    %c0_i32_1 = arith.constant 0 : i32
    return %c0_i32, %c0_i32_0 : i32, i32
  }
  func.func @transform_2(%arg0: i32) -> (i32, i32) {
    %c0_i32 = arith.constant 0 : i32
    %c0_i32_0 = arith.constant 0 : i32
    return %arg0, %c0_i32 : i32, i32
  }
}

module attributes {stable_mosaic.version = 14 : i64} {
  func.func @_tc_post_body(%arg0: i32, %arg1: memref<1000x128xf32, #tpu.memory_space<vmem>>, %arg2: memref<1x16xf32, #tpu.memory_space<vmem>>, %arg3: memref<16x128xf32, #tpu.memory_space<vmem>>, %arg4: memref<1x128xf32, #tpu.memory_space<vmem>>, %arg5: memref<1000x128xf32, #tpu.memory_space<vmem>>) attributes {dimension_semantics = [#tpu.dimension_semantics<arbitrary>], iteration_bounds = array<i64: 10>, scalar_prefetch = 0 : i64, scratch_operands = 0 : i64, tpu.core_type = #tpu.core_type<tc>, window_params = [{transform_indices = @transform_0, window_bounds = array<i64: 1000, 128>}, {pipeline_mode = #tpu.pipeline_mode<synchronous>, transform_indices = @transform_1, window_bounds = array<i64: 1, 16>}, {pipeline_mode = #tpu.pipeline_mode<synchronous>, transform_indices = @transform_2, window_bounds = array<i64: 16, 128>}, {pipeline_mode = #tpu.pipeline_mode<synchronous>, transform_indices = @transform_3, window_bounds = array<i64: 1, 128>}, {transform_indices = @transform_4, window_bounds = array<i64: 1000, 128>}]} {
    %get3A = arith.constant 0 : index
    %get3A_0 = arith.constant 0 : index
    %get3A_1 = vector.load %arg1[%get3A, %get3A_0] : memref<1000x128xf32, #tpu.memory_space<vmem>>, vector<1000x128xf32>
    %slice3A = vector.extract_strided_slice %get3A_1 {offsets = [0, 0], sizes = [1000, 16], strides = [1, 1]} : vector<1000x128xf32> to vector<1000x16xf32>
    %slice3A_2 = vector.extract_strided_slice %get3A_1 {offsets = [0, 16], sizes = [1000, 16], strides = [1, 1]} : vector<1000x128xf32> to vector<1000x16xf32>
    %add3A = arith.addf %slice3A, %slice3A_2 : vector<1000x16xf32>
    %slice3A_3 = vector.extract_strided_slice %get3A_1 {offsets = [0, 48], sizes = [1000, 16], strides = [1, 1]} : vector<1000x128xf32> to vector<1000x16xf32>
    %slice3A_4 = vector.extract_strided_slice %get3A_1 {offsets = [0, 32], sizes = [1000, 16], strides = [1, 1]} : vector<1000x128xf32> to vector<1000x16xf32>
    %add3A_5 = arith.addf %add3A, %slice3A_4 : vector<1000x16xf32>
    %mul3A = arith.mulf %slice3A_3, %add3A_5 : vector<1000x16xf32>
    %get3A_6 = arith.constant 0 : index
    %get3A_7 = arith.constant 0 : index
    %get3A_8 = vector.load %arg2[%get3A_6, %get3A_7] : memref<1x16xf32, #tpu.memory_space<vmem>>, vector<1x16xf32>
    %add3A_9 = vector.broadcast %get3A_8 : vector<1x16xf32> to vector<1000x16xf32>
    %add3A_10 = arith.addf %mul3A, %add3A_9 : vector<1000x16xf32>
    %max3A = arith.constant 0.000000e+00 : f32
    %max3A_11 = vector.broadcast %max3A : f32 to vector<1000x16xf32>
    %max3A_12 = arith.maximumf %add3A_10, %max3A_11 : vector<1000x16xf32>
    %get3A_13 = arith.constant 0 : index
    %get3A_14 = arith.constant 0 : index
    %get3A_15 = vector.load %arg3[%get3A_13, %get3A_14] : memref<16x128xf32, #tpu.memory_space<vmem>>, vector<16x128xf32>
    %dot_general3A = arith.constant dense<0.000000e+00> : vector<1000x128xf32>
    %dot_general3A_16 = tpu.matmul %max3A_12, %get3A_15, %dot_general3A {dimension_numbers = #tpu.dot_dimension_numbers<[1], [0], [0], [1], [0, 0, 1, 1], [], []>, transpose_lhs_hint = false} : vector<1000x16xf32>, vector<16x128xf32>, vector<1000x128xf32> -> vector<1000x128xf32>
    %get3A_17 = arith.constant 0 : index
    %get3A_18 = arith.constant 0 : index
    %get3A_19 = vector.load %arg4[%get3A_17, %get3A_18] : memref<1x128xf32, #tpu.memory_space<vmem>>, vector<1x128xf32>
    %add3A_20 = vector.broadcast %get3A_19 : vector<1x128xf32> to vector<1000x128xf32>
    %add3A_21 = arith.addf %dot_general3A_16, %add3A_20 : vector<1000x128xf32>
    %swap3A = arith.constant 0 : index
    %swap3A_22 = arith.constant 0 : index
    %swap3A_23 = vector.load %arg5[%swap3A, %swap3A_22] : memref<1000x128xf32, #tpu.memory_space<vmem>>, vector<1000x128xf32>
    tpu.vector_store %arg5[%swap3A, %swap3A_22], %add3A_21 {strides = array<i32>} : memref<1000x128xf32, #tpu.memory_space<vmem>>, vector<1000x128xf32>,
    return
  }
  func.func @transform_0(%arg0: i32) -> (i32, i32) {
    %c0_i32 = arith.constant 0 : i32
    %c0_i32_0 = arith.constant 0 : i32
    return %arg0, %c0_i32 : i32, i32
  }
  func.func @transform_1(%arg0: i32) -> (i32, i32) {
    %c0_i32 = arith.constant 0 : i32
    %c0_i32_0 = arith.constant 0 : i32
    %c0_i32_1 = arith.constant 0 : i32
    return %c0_i32, %c0_i32_0 : i32, i32
  }
  func.func @transform_2(%arg0: i32) -> (i32, i32) {
    %c0_i32 = arith.constant 0 : i32
    %c0_i32_0 = arith.constant 0 : i32
    %c0_i32_1 = arith.constant 0 : i32
    return %c0_i32, %c0_i32_0 : i32, i32
  }
  func.func @transform_3(%arg0: i32) -> (i32, i32) {
    %c0_i32 = arith.constant 0 : i32
    %c0_i32_0 = arith.constant 0 : i32
    %c0_i32_1 = arith.constant 0 : i32
    return %c0_i32, %c0_i32_0 : i32, i32
  }
  func.func @transform_4(%arg0: i32) -> (i32, i32) {
    %c0_i32 = arith.constant 0 : i32
    %c0_i32_0 = arith.constant 0 : i32
    return %arg0, %c0_i32 : i32, i32
  }
}

</mosaic_0001>

<sc_bundles>
// kernel: kernel.11.cloned.1.call-start
scs
__scs_entry_jumppad:
0x0: {  	(pc) =	sbr.rel $0x88, $3  }
0x1: {  	(tag) =	ssettag $0x0;
	lr =	simm.s32 $0x1  }
0x2: {  	[smem:$0x3F97] =	sst lr;
	_ =	strace $0xD0000000  }
0x3: {  	_ = 	snop  }
0x4: {  	_ = 	snop  }
0x5: {  	_ = 	snop  }
0x6: {  	_ = 	snop  }
0x7: {  	_ = 	snop  }
__scs_overlays_trampoline_lowered:
0x8: {  	[smem:$0x3FA6] =	sst s0  }
0x9: {  	[smem:$0x3FA7] =	sst s1  }
0xa: {  	[smem:$0x3FA8] =	sst s2  }
0xb: {  	[smem:$0x3FA9] =	sst s3  }
0xc: {  	[smem:$0x3FAA] =	sst s4  }
0xd: {  	[smem:$0x3FAB] =	sst s5  }
0xe: {  	[smem:$0x3FAC] =	sst s6  }
0xf: {  	[smem:$0x3FAD] =	sst s7  }
0x10: {  	[smem:$0x3FAE] =	sst s8  }
0x11: {  	[smem:$0x3FAF] =	sst s9;
	s0 =	simm.s32 @!p0 $0x0  }
0x12: {  	s1 =	sld [smem:$0x3F95];
	s0 =	simm.s32 @p0 $0x1  }
0x13: {  	[smem:$0x3FB0] =	sst s0;
	s0 =	simm.s32 @!p1 $0x0  }
0x14: {  	s2 =	sld [smem:$0x3F94];
	s0 =	simm.s32 @p1 $0x1  }
0x15: {  	[smem:$0x3FB1] =	sst s0;
	s0 =	simm.s32 @!p2 $0x0  }
0x16: {  	s3 =	sld [smem:$0x3FDB];
	s0 =	simm.s32 @p2 $0x1  }
0x17: {  	s4 =	simm.s32 $0x1BF5;
	[smem:$0x3FB3] =	sst s0  }
0x18: {  	s0 =	sld [smem:$0x3F96];
	_ =	swait.ge [sflag:s4], $0x0  }
0x19: {  	s7 =	sld [smem:$0x3F97]  }
0x1a: {  	s8 =	sadd.s32 $0xFFFFE003, lr  }
0x1b: {  	s9 =	sadd.s32 $0xFFFFFEF7, lr;
	s5 =	simm.s32 $0xFFFFFFFF;
	p2 =	slt.u32 s8, $0xFFFFF086  }
0x1c: {  	p1 =	slt.u32 s9, $0xF7A;
	s5 =	simm.s32 @!p2 $0x0  }
0x1d: {  	s5 =	simm.s32 @p1 $0x1;
	p0 =	seq.s32 s7, s2  }
0x1e: {  	s7 =	smul.u32 @!p0 $0xF7A, s2;
	p2 =	seq.s32 @!p0 s5, $0x0  }
0x1f: {  	s9 =	smul.u32 $0xF7A, s1;
	s8 =	simm.s32 @!p0 $0x1BF5;
	p2 =	por !p2, p0  }
0x20: {  	[sflag:s8] =	ssyncset.s32 @!p0 $0xFFFFF086;
	s6 =	sadd.s32 @!p0 s3, s7;
	s7 =	simm.s32 @!p0 $0x108  }
0x21: {  	s3 =	sadd.s32 s3, s9;
	s6 =	sadd.s32 @!p0 $0x88, s6;
	s7 =	simm.s32 @p2 $0x1082  }
0x22: {  	[simem:s7], [sflag:s8] =	dma.local @!p0 [hbm:s6], $0xF7A  }
0x23: {  	s9 =	sor.u32 $0xD0000000, s2;
	s6 =	simm.s32 $0x108;
	_ =	swait.ge @!p0 [sflag:s8], $0x0  }
0x24: {  	s3 =	sadd.s32 $0x88, s3;
	s6 =	simm.s32 @!p1 $0x1082;
	[sflag:s4] =	ssyncset.s32 $0xFFFFF086  }
0x25: {  	[simem:s6], [sflag:s4] =	dma.local [hbm:s3], $0xF7A  }
0x26: {  	[smem:$0x3F97] =	sst s1;
	(tag) =	ssettag s2;
	_ =	strace s9  }
0x27: {  	s1 =	sld [smem:$0x3FA7]  }
0x28: {  	s2 =	sld [smem:$0x3FA8]  }
0x29: {  	s4 =	sld [smem:$0x3FAA]  }
0x2a: {  	p0 =	seq.s32 s5, $0x0;
	s5 =	sld [smem:$0x3FAB]  }
0x2b: {  	s6 =	sld [smem:$0x3FAC]  }
0x2c: {  	s7 =	sld [smem:$0x3FAD]  }
0x2d: {  	s3 =	simm.s32 $0x108;
	s8 =	sld [smem:$0x3FAE]  }
0x2e: {  	s3 =	simm.s32 @!p0 $0x1082;
	s9 =	sld [smem:$0x3FAF]  }
0x2f: {  	lr =	sadd.s32 s0, s3;
	s0 =	sld [smem:$0x3FA6]  }
0x30: {  	s3 =	sld [smem:$0x3FA9]  }
0x31: {  	[smem:$0x3FB2] =	sst s10  }
0x32: {  	s10 =	sld [smem:$0x3FB0];
	_ =	sdelay $0x3  }
0x33: {  	p0 =	seq.s32 s10, $0x1;
	s10 =	sld [smem:$0x3FB2];
	_ =	sdelay $0x3  }
0x34: {  	[smem:$0x3FB2] =	sst s10  }
0x35: {  	s10 =	sld [smem:$0x3FB1];
	_ =	sdelay $0x3  }
0x36: {  	p1 =	seq.s32 s10, $0x1;
	s10 =	sld [smem:$0x3FB2];
	_ =	sdelay $0x3  }
0x37: {  	[smem:$0x3FB2] =	sst s10  }
0x38: {  	s10 =	sld [smem:$0x3FB3]  }
0x39: {  	_ = 	snop;
	(pc) =	sbr.ind lr, $3  }
0x3a: {  	_ = 	snop  }
0x3b: {  	_ = 	snop  }
0x3c: {  	p2 =	seq.s32 s10, $0x1;
	s10 =	sld [smem:$0x3FB2]  }
0x3d: {  	_ =	shalt  }
0x3e: {  	_ =	shalt  }
0x3f: {  	_ =	shalt  }
0x40: {  	_ =	shalt  }
0x41: {  	_ =	shalt  }
0x42: {  	_ =	shalt  }
0x43: {  	_ =	shalt  }
0x44: {  	_ =	shalt  }
0x45: {  	_ =	shalt  }
0x46: {  	_ =	shalt  }
0x47: {  	_ =	shalt  }
0x48: {  	_ =	shalt  }
0x49: {  	_ =	shalt  }
0x4a: {  	_ =	shalt  }
0x4b: {  	_ =	shalt  }
0x4c: {  	_ =	shalt  }
0x4d: {  	_ =	shalt  }
0x4e: {  	_ =	shalt  }
0x4f: {  	_ =	shalt  }
0x50: {  	_ =	shalt  }
0x51: {  	_ =	shalt  }
0x52: {  	_ =	shalt  }
0x53: {  	_ =	shalt  }
0x54: {  	_ =	shalt  }
0x55: {  	_ =	shalt  }
0x56: {  	_ =	shalt  }
0x57: {  	_ =	shalt  }
0x58: {  	_ =	shalt  }
0x59: {  	_ =	shalt  }
0x5a: {  	_ =	shalt  }
0x5b: {  	_ =	shalt  }
0x5c: {  	_ =	shalt  }
0x5d: {  	_ =	shalt  }
0x5e: {  	_ =	shalt  }
0x5f: {  	_ =	shalt  }
0x60: {  	_ =	shalt  }
0x61: {  	_ =	shalt  }
0x62: {  	_ =	shalt  }
0x63: {  	_ =	shalt  }
0x64: {  	_ =	shalt  }
0x65: {  	_ =	shalt  }
0x66: {  	_ =	shalt  }
0x67: {  	_ =	shalt  }
0x68: {  	_ =	shalt  }
0x69: {  	_ =	shalt  }
0x6a: {  	_ =	shalt  }
0x6b: {  	_ =	shalt  }
0x6c: {  	_ =	shalt  }
0x6d: {  	_ =	shalt  }
0x6e: {  	_ =	shalt  }
0x6f: {  	_ =	shalt  }
0x70: {  	_ =	shalt  }
0x71: {  	_ =	shalt  }
0x72: {  	_ =	shalt  }
0x73: {  	_ =	shalt  }
0x74: {  	_ =	shalt  }
0x75: {  	_ =	shalt  }
0x76: {  	_ =	shalt  }
0x77: {  	_ =	shalt  }
0x78: {  	_ =	shalt  }
0x79: {  	_ =	shalt  }
0x7a: {  	_ =	shalt  }
0x7b: {  	_ =	shalt  }
0x7c: {  	_ =	shalt  }
0x7d: {  	_ =	shalt  }
0x7e: {  	_ =	shalt  }
0x7f: {  	_ =	shalt  }
0x80: {  	_ =	shalt  }
0x81: {  	_ =	shalt  }
0x82: {  	_ =	shalt  }
0x83: {  	_ =	shalt  }
0x84: {  	_ =	shalt  }
0x85: {  	_ =	shalt  }
0x86: {  	_ =	shalt  }
0x87: {  	_ =	shalt  }
.Lfunc_end0:
.L_simem_size_0:
called_computation.1_lowered:
.L_overlay_start_0:
0x88: {  	s2 =	sld [smem:$0x3FD9]  }
0x89: {  	s3 =	sld [smem:$0x3FFE];
	_ =	sdelay $0x1  }
0x8a: {  	s1 =	srdreg.scid  }
0x8b: {  	s0 =	sand.u32 $0x1, s1  }
0x8c: {  	s17 =	sshll.u32 s0, $0xA;
	s2 =	sadd.s32 s3, s2  }
0x8d: {  	s2 =	sadd.s32 s2, s17  }
0x8e: {  	[smem:$0x3FBE] =	sst s2  }
0x8f: {  	_ = 	snop  }
0x90: {  	s2 =	sld [smem:$0x3FD0];
	(tm) =	ssettm $0x1  }
0x91: {  	s18 =	sld [smem:$0x3FFB];
	_ =	sdelay $0x3  }
0x92: {  	_ =	strace s18  }
0x93: {  	s3 =	sld [smem:$0x3FFC];
	_ =	sdelay $0x3  }
0x94: {  	_ =	strace s3  }
0x95: {  	s3 =	sld [smem:$0x3FFD];
	_ =	sdelay $0x3  }
0x96: {  	_ =	strace s3  }
0x97: {  	_ =	strace $0x8FFFFFFF  }
0x98: {  	s19 =	sld [smem:$0x3FDB];
	_ =	sdelay $0x1  }
0x99: {  	s4 =	simm.s32 $_scs_section_size  }
0x9a: {  	s5 =	simm.s32 $_size__tile_overlayer_lowered;
	s6 =	simm.s32 $_tile_overlayer_lowered  }
0x9b: {  	s22 =	simm.s32 $0x1BFF;
	s21 =	sshll.u32 s6, $0x1;
	s3 =	sadd.s32 s4, s19  }
0x9c: {  	s7 =	simm.s32 $0x0;
	s20 =	sshll.u32 s5, $0x1;
	s5 =	sadd.s32 s21, s3  }
0x9d: {  	[timem:s7], [sflag:s22] =	dma.local [hbm:s5], s20  }
0x9e: {  	_ =	swait.ge [sflag:s22], s20  }
0x9f: {  	s4 =	ssub.s32 $0x0, s20;
	[sflag:s22] =	ssyncset.done $0x0  }
0xa0: {  	[sflag:s22] =	ssyncadd.s32 s4;
	_ =	sdelay $0x1  }
0xa1: {  	s23 =	simm.s32 $0x1B8B  }
0xa2: {  	_ =	swait.ge [sflag:s23], $0x1  }
0xa3: {  	[sflag:s23] =	ssyncset.done $0x0  }
0xa4: {  	s25 =	simm.s32 $0x1B8E;
	s24 =	sld [smem:$0x3FFE];
	[sflag:s23] =	ssyncadd.s32 $0xFFFFFFFF  }
0xa5: {  	s26 =	simm.s32 $execute0_lowered;
	[smem:$0x3FD2] =	sst s25  }
0xa6: {  	s5 =	sshll.u32 s26, $0x1;
	_ =	strace $0x80000049;
	[dreg:$0x1] =	wrdreg $0xFFFFFFFF  }
0xa7: {  	s28 =	simm.s32 $_size_execute0_lowered;
	s3 =	sadd.s32 s3, s5;
	[dreg:$0x0] =	wrdreg $0x0  }
0xa8: {  	s5 =	sshll.u32 s28, $0x1;
	[dreg:$0x2] =	wrdreg s3  }
0xa9: {  	[dreg:$0x3] =	wrdreg s5  }
0xaa: {  	[dreg:$0x4] =	wrdreg $0xC0  }
0xab: {  	_ =	task [dreg:s7], $0x5FFFF  }
0xac: {  	[dreg:$0x1] =	wrdreg $0xFFFFFFFF  }
0xad: {  	[dreg:$0x0] =	wrdreg $0x60  }
0xae: {  	[dreg:$0x2] =	wrdreg s24  }
0xaf: {  	[dreg:$0x3] =	wrdreg s2  }
0xb0: {  	[dreg:$0x4] =	wrdreg $0x15D000  }
0xb1: {  	[dreg:$0x5] =	wrdreg $0x184800  }
0xb2: {  	[dreg:$0x6] =	wrdreg $0x9  }
0xb3: {  	_ =	task.clear_ibuf [dreg:s7], $0x7FFFF;
	_ =	strace $0x90000049  }
0xb4: {  	s29 =	simm.s32 $0x9;
	_ =	strace $0x8000004B  }
0xb5: {  	_ =	swait.ge [sflag:s29], $0x1  }
0xb6: {  	[sflag:s29] =	ssyncadd.s32 $0xFFFFFFFF  }
0xb7: {  	_ =	strace $0x9000004B  }
0xb8: {  	_ =	sfence  }
0xb9: {  	s30 =	sld [smem:$0x0];
	_ =	sdelay $0x2  }
0xba: {  	s31 =	sshll.u32 s1, $0xD;
	s1 =	sshrl.u32 s1, $0x2  }
0xbb: {  	s3 =	sand.u32 $0x4000, s31;
	s1 =	sadd.s32 s1, s30  }
0xbc: {  	s0 =	sor.u32 s3, s0;
	s1 =	sshll.u32 s1, $0x11  }
0xbd: {  	s0 =	sor.u32 s1, s0  }
0xbe: {  	s0 =	sadd.s32 $0x8F2B, s0  }
0xbf: {  	[sflag:s0] =	ssyncadd.remote.s32 $0x1  }
0xc0: {  	_ =	sfence.sel $0xFFFF  }
0xc1: {  	[dreg:$0x0] =	wrdreg $0xFFFFFFFF;
	(pc) =	sbr.abs _section_cstart, $3  }
0xc2: {  	[dreg:$0x1] =	wrdreg $0xFFFFFFFF  }
0xc3: {  	_ =	task.clear_ibuf [dreg:s7], $0x2FFFF;
	_ =	strace $0x9FFFFFFF  }
0xc4: {  	(tm) =	ssettm $0x7FFFFFFF  }
0xc5: {  	_ =	shalt  }
tec
execute0_lowered:
.L_overlay_start_1:
0x0: {  	(tag) =	ssettag $0x1  }
0x1: {  	s0 =	rddreg [dreg:$0x0]  }
0x2: {  	s5 =	rddreg [dreg:$0x1]  }
0x3: {  	s1 =	srdreg.scid;
	s2 =	rddreg [dreg:$0x2]  }
0x4: {  	s7 =	stileid.u32;
	s3 =	rddreg [dreg:$0x3];
	s28 =	simm.s32 $0x6000  }
0x5: {  	s30 =	simm.s32 $0x6800;
	s31 =	simm.s32 $0x1;
	s16 =	simm.s32 $0x2  }
0x6: {  	s18 =	simm.s32 $0x6;
	s14 =	simm.s32 $0x7;
	s1 =	sand.u32 $0x1, s1  }
0x7: {  	s19 =	simm.s32 $0x4;
	s17 =	simm.s32 $0x8;
	s4 =	sshll.u32 s1, $0x4  }
0x8: {  	s8 =	smul.u32 $0x4F00, s1;
	s9 =	ssub.s32 $0x2, s1;
	p0 =	sne.s32 s1, $0x0  }
0x9: {  	s6 =	sor.u32 s7, s4;
	s4 =	simm.s32 $0x0;
	s7 =	smul.u32 $0x2780, s7  }
0xa: {  	s12 =	sshrl.u32 s9, $0x1;
	s6 =	smul.u32 $0x500, s6;
	[smem:$0x7FF] =	sst s4  }
0xb: {  	s8 =	sadd.s32 s8, s0;
	s12 =	ssub.s32 s9, s12;
	_ =	strace $0x8000004A  }
0xc: {  	s10 =	sshrl.u32 s7, $0x3;
	s9 =	sadd.s32 s7, s2;
	s24 =	sadd.s32 s7, s3  }
0xd: {  	s25 =	sadd.s32 $0x1B200, s8;
	s26 =	smax.u32 s12, $0x1;
	s12 =	simm.s32 $0x9  }
0xe: {  	s8 =	simm.s32 $0x2800;
	s6 =	sadd.s32 s6, s0;
	[dreg:$0x9] =	wrdreg s24  }
0xf: {  	s11 =	sadd.s32 s10, s0;
	s22 =	sadd.s32 s5, s10;
	[dreg:$0xa] =	wrdreg s26  }
0x10: {  	s5 =	sadd.s32 $0x4F00, s5;
	s29 =	sadd.s32 s10, s25;
	[dreg:$0x7] =	wrdreg s22  }
0x11: {  	s25 =	simm.s32 $0x5800;
	s21 =	sadd.s32 $0x11200, s6;
	[dreg:$0xe] =	wrdreg s29  }
0x12: {  	s26 =	simm.s32 $0x3;
	s6 =	sadd.s32 $0x2200, s6;
	[dreg:$0x5] =	wrdreg s21  }
0x13: {  	s23 =	sadd.s32 $0xC200, s11;
	s5 =	sadd.s32 s10, s5;
	[dreg:$0x6] =	wrdreg s6  }
0x14: {  	s22 =	simm.s32 $0x80;
	[dreg:$0x8] =	wrdreg s23;
	s6 =	sadd.s32 $0x25000, s0  }
0x15: {  	s0 =	sadd.s32 $0x29F00, s0;
	[dreg:$0xb] =	wrdreg s5;
	s1 =	sadd.s32 @!p0 s10, s6  }
0x16: {  	s23 =	simm.s32 $0x5000;
	s0 =	sadd.s32 @!p0 s10, s0;
	[dreg:$0xc] =	wrdreg s1  }
0x17: {  	v0 =	vimm.f32 $0.0e+00;
	[dreg:$0xd] =	wrdreg s0;
	s1 =	simm.s32 $0x5;
	s0 =	simm.s32 $0x0  }
.LBB2_1:
0x18: {  	s5 =	rddreg [dreg:$0x5]  }
0x19: {  	[tilespmem:s4], [sflag:$0x9] =	stream.linear.gather [hbm4b:s5+s4], $0x2800, $0x38;
	[tilespmem:$0x1AC00] =	vst v63  }
0x1a: {  	_ =	swait.ge [sflag:s12], $0x2800  }
0x1b: {  	[sflag:s12] =	ssyncset.done $0x0  }
0x1c: {  	s11 =	rddreg [dreg:$0x6];
	[sflag:s12] =	ssyncadd.s32 $0xFFFFD800  }
0x1d: {  	[tilespmem:s8], [sflag:$0x9] =	stream.linear.gather [hbm4b:s11+s4], $0x2800, $0x38;
	[tilespmem:$0x1AC00] =	vst v63  }
0x1e: {  	_ =	swait.ge [sflag:s12], $0x2800  }
0x1f: {  	[sflag:s12] =	ssyncset.done $0x0  }
0x20: {  	s6 =	simm.s32 $0x9780;
	s13 =	rddreg [dreg:$0x7];
	[sflag:s12] =	ssyncadd.s32 $0xFFFFD800  }
0x21: {  	[tilespmem:s6], [sflag:$0x9] =	stream.linear.gather [hbm4b:s13+s4], $0x2780, $0x38;
	[tilespmem:$0x1AC00] =	vst v63  }
0x22: {  	_ =	swait.ge [sflag:s12], $0x2780  }
0x23: {  	[sflag:s12] =	ssyncset.done $0x0  }
0x24: {  	s20 =	simm.s32 $0xBF00;
	s15 =	rddreg [dreg:$0xb];
	[sflag:s12] =	ssyncadd.s32 $0xFFFFD880  }
0x25: {  	[tilespmem:s20], [sflag:$0x9] =	stream.linear.gather [hbm4b:s15+s4], $0x2780, $0x38;
	[tilespmem:$0x1AC00] =	vst v63  }
0x26: {  	_ =	swait.ge [sflag:s12], $0x2780  }
0x27: {  	[sflag:s12] =	ssyncset.done $0x0  }
0x28: {  	s24 =	simm.s32 $0xE680;
	s21 =	rddreg [dreg:$0x8];
	[sflag:s12] =	ssyncadd.s32 $0xFFFFD880  }
0x29: {  	[tilespmem:s24], [sflag:$0x9] =	stream.linear.gather [hbm4b:s21+s4], $0x2780, $0x38;
	[tilespmem:$0x1AC00] =	vst v63  }
0x2a: {  	_ =	swait.ge [sflag:s12], $0x2780  }
0x2b: {  	[sflag:s12] =	ssyncset.done $0x0  }
0x2c: {  	s7 =	simm.s32 $0x7040;
	[sflag:s12] =	ssyncadd.s32 $0xFFFFD880  }
0x2d: {  	[tilespmem:s7+$0xFFFFFFC0] =	vst v0  }
0x2e: {  	[tilespmem:s7+$0x30] =	vst v0  }
0x2f: {  	[tilespmem:s7+$0x20] =	vst v0  }
0x30: {  	[tilespmem:s7+$0x10] =	vst v0  }
0x31: {  	[tilespmem:s7+$0x0] =	vst v0  }
0x32: {  	s10 =	simm.s32 $0x0;
	s29 =	simm.s32 $0x10E20;
	s5 =	simm.s32 $0xE6A0;
	[tilespmem:s7+$0xFFFFFFF0] =	vst v0  }
0x33: {  	s8 =	simm.s32 $0xBF20;
	s6 =	simm.s32 $0x97A0;
	s13 =	simm.s32 $0x135A0;
	[tilespmem:s7+$0xFFFFFFE0] =	vst v0  }
.LBB2_2:
0x34: {  	s10 =	sadd.s32 $0x8, s10;
	[tilespmem:s7+$0xFFFFFFD0] =	vst v0;
	s7 =	sadd.s32 $0x80, s7  }
0x35: {  	[tilespmem:s7+$0xFFFFFFC0] =	vst v0;
	p1 =	slt.u32 s10, $0x270  }
0x36: {  	[tilespmem:s7+$0x30] =	vst v0  }
.Ltmp0:
0x37: {  	[tilespmem:s7+$0x20] =	vst v0;
	(pc) =	sbr.rel @p1 .LBB2_2-.Ltmp0, $4  }
0x38: {  	[tilespmem:s7+$0x10] =	vst v0  }
0x39: {  	[tilespmem:s7+$0x0] =	vst v0  }
0x3a: {  	[tilespmem:s7+$0xFFFFFFF0] =	vst v0  }
0x3b: {  	[tilespmem:s7+$0xFFFFFFE0] =	vst v0  }
0x3c: {  	[tilespmem:s7+$0xFFFFFFD0] =	vst v0  }
0x3d: {  	v1 =	vld [tilespmem:s8+$0x0]  }
0x3e: {  	v2 =	vld [tilespmem:s6+$0x0];
	_ =	sdelay $0x2  }
0x3f: {  	v3 =	vld [tilespmem:s8+$0xFFFFFFE0]  }
0x40: {  	v4 =	vld [tilespmem:s8+$0x10]  }
0x41: {  	v5 =	vld [tilespmem:s8+$0xFFFFFFF0];
	v1 =	vadd.f32 v1, v2  }
0x42: {  	v6 =	vld [tilespmem:s6+$0xFFFFFFF0]  }
0x43: {  	v7 =	vld [tilespmem:s6+$0x10];
	v1 =	vadd.f32 $1.000000000e+00, v1  }
0x44: {  	v2 =	vld [tilespmem:s6+$0xFFFFFFE0]  }
0x45: {  	v8 =	vshra.s32 v1, $0x1;
	v1 =	vmul.f32 $5.000000000e-01, v1  }
0x46: {  	v8 =	vsub.s32 $0x5F3759DF, v8  }
0x47: {  	v9 =	vmul.f32 v8, v1  }
0x48: {  	v5 =	vadd.f32 v5, v6  }
0x49: {  	s20 =	simm.s32 $0x97E0;
	v2 =	vadd.f32 v3, v2;
	v3 =	vadd.f32 v4, v7;
	v6 =	vmul.f32 v8, v9  }
0x4a: {  	s15 =	simm.s32 $0xBF60;
	v4 =	vadd.f32 $1.000000000e+00, v5;
	v9 =	vld [tilespmem:s20+$0x0]  }
0x4b: {  	v3 =	vadd.f32 $1.000000000e+00, v3;
	v5 =	vsub.f32 $1.500000000e+00, v6;
	v6 =	vld [tilespmem:s15+$0x0]  }
0x4c: {  	v7 =	vadd.f32 $1.000000000e+00, v2;
	v10 =	vshra.s32 v4, $0x1;
	v2 =	vmul.f32 $5.000000000e-01, v4  }
0x4d: {  	v11 =	vmul.f32 $5.000000000e-01, v3;
	v4 =	vmul.f32 v8, v5;
	v5 =	vshra.s32 v3, $0x1  }
0x4e: {  	v16 =	vld [tilespmem:s20+$0xFFFFFFF0];
	v10 =	vsub.s32 $0x5F3759DF, v10;
	v5 =	vsub.s32 $0x5F3759DF, v5  }
0x4f: {  	v18 =	vld [tilespmem:s20+$0x10];
	v13 =	vshra.s32 v7, $0x1;
	v12 =	vmul.f32 v4, v1;
	v14 =	vmul.f32 v5, v11  }
0x50: {  	v15 =	vmul.f32 $5.000000000e-01, v7;
	v7 =	vld [tilespmem:s15+$0xFFFFFFF0];
	v3 =	vmul.f32 v10, v2;
	v6 =	vadd.f32 v6, v9  }
0x51: {  	v13 =	vsub.s32 $0x5F3759DF, v13;
	v8 =	vld [tilespmem:s15+$0xFFFFFFE0];
	v12 =	vmul.f32 v12, v4;
	v14 =	vmul.f32 v5, v14  }
0x52: {  	v17 =	vmul.f32 v13, v15;
	v19 =	vmul.f32 v10, v3;
	v3 =	vld [tilespmem:s20+$0xFFFFFFE0];
	v6 =	vadd.f32 $1.000000000e+00, v6  }
0x53: {  	v9 =	vld [tilespmem:s15+$0x10];
	v12 =	vsub.f32 $1.500000000e+00, v12;
	v14 =	vsub.f32 $1.500000000e+00, v14  }
0x54: {  	v17 =	vmul.f32 v13, v17;
	v20 =	vmul.f32 $5.000000000e-01, v6  }
0x55: {  	v12 =	vmul.f32 v12, v4;
	v4 =	vshra.s32 v6, $0x1;
	v14 =	vmul.f32 v5, v14  }
0x56: {  	v5 =	vadd.f32 v7, v16;
	v6 =	vsub.s32 $0x5F3759DF, v4;
	v4 =	vsub.f32 $1.500000000e+00, v17  }
0x57: {  	v8 =	vadd.f32 v8, v3;
	v1 =	vmul.f32 v12, v1;
	v7 =	vmul.f32 v6, v20  }
0x58: {  	v9 =	vadd.f32 v9, v18;
	v5 =	vadd.f32 $1.000000000e+00, v5;
	v13 =	vmul.f32 v13, v4  }
0x59: {  	v8 =	vadd.f32 $1.000000000e+00, v8;
	v17 =	vmul.f32 v1, v12;
	v3 =	vmul.f32 v6, v7  }
0x5a: {  	v7 =	vadd.f32 $1.000000000e+00, v9;
	v9 =	vshra.s32 v5, $0x1;
	v1 =	vmul.f32 $5.000000000e-01, v5  }
0x5b: {  	v16 =	vmul.f32 v14, v11;
	v4 =	vsub.s32 $0x5F3759DF, v9;
	v5 =	vsub.f32 $1.500000000e+00, v3  }
0x5c: {  	s21 =	simm.s32 $0xBFA0;
	v18 =	vmul.f32 v13, v15;
	v9 =	vmul.f32 v4, v1  }
0x5d: {  	v22 =	vld [tilespmem:s21+$0x0];
	v24 =	vshra.s32 v8, $0x1;
	v3 =	vmul.f32 $5.000000000e-01, v7;
	v21 =	vmul.f32 v6, v5  }
0x5e: {  	s24 =	simm.s32 $0x9820;
	v26 =	vld [tilespmem:s21+$0x10];
	v18 =	vmul.f32 v18, v13;
	v6 =	vshra.s32 v7, $0x1;
	v5 =	vmul.f32 v4, v9  }
0x5f: {  	v27 =	vld [tilespmem:s24+$0x0];
	v9 =	vsub.s32 $0x5F3759DF, v6;
	v6 =	vmul.f32 $5.000000000e-01, v8;
	v23 =	vmul.f32 v21, v20  }
0x60: {  	v30 =	vld [tilespmem:s24+$0x10];
	v24 =	vsub.s32 $0x5F3759DF, v24;
	v7 =	vmul.f32 v16, v14;
	v25 =	vmul.f32 v9, v3  }
0x61: {  	v16 =	vld [tilespmem:s21+$0xFFFFFFE0];
	v28 =	vmul.f32 v24, v6;
	v8 =	vmul.f32 v23, v21  }
0x62: {  	v18 =	vsub.f32 $1.500000000e+00, v18;
	v7 =	vsub.f32 $1.500000000e+00, v7;
	v23 =	vld [tilespmem:s24+$0xFFFFFFE0];
	v25 =	vmul.f32 v9, v25  }
0x63: {  	v17 =	vsub.f32 $1.500000000e+00, v17;
	v28 =	vmul.f32 v24, v28;
	v29 =	vsub.f32 $1.500000000e+00, v8  }
0x64: {  	v8 =	vmul.f32 v18, v13;
	v18 =	vsub.f32 $1.500000000e+00, v25;
	v25 =	vld [tilespmem:s21+$0xFFFFFFF0];
	v13 =	vmul.f32 v7, v14  }
0x65: {  	v14 =	vmul.f32 v17, v12;
	v12 =	vadd.f32 v26, v30;
	v7 =	vmul.f32 v29, v21;
	v29 =	vld [tilespmem:s24+$0xFFFFFFF0]  }
0x66: {  	v15 =	vmul.f32 v8, v15;
	v21 =	vsub.f32 $1.500000000e+00, v19;
	v9 =	vmul.f32 v9, v18  }
0x67: {  	v18 =	vadd.f32 v16, v23;
	v16 =	vadd.f32 v22, v27;
	v19 =	vmul.f32 v7, v20  }
0x68: {  	v28 =	vsub.f32 $1.500000000e+00, v28;
	v11 =	vmul.f32 v13, v11;
	v12 =	vadd.f32 $1.000000000e+00, v12  }
0x69: {  	v17 =	vmul.f32 v19, v7;
	v19 =	vmul.f32 v15, v8;
	v15 =	vadd.f32 $1.000000000e+00, v16  }
0x6a: {  	v20 =	vmul.f32 v9, v3;
	v22 =	vmul.f32 v11, v13;
	v25 =	vadd.f32 v25, v29  }
0x6b: {  	v23 =	vmul.f32 v10, v21;
	v26 =	vshra.s32 v15, $0x1;
	v11 =	vmul.f32 $5.000000000e-01, v15  }
0x6c: {  	v16 =	vmul.f32 v24, v28;
	v10 =	vadd.f32 $1.000000000e+00, v25;
	v25 =	vsub.s32 $0x5F3759DF, v26  }
0x6d: {  	v24 =	vadd.f32 $1.000000000e+00, v18;
	v21 =	vmul.f32 v23, v2;
	v18 =	vmul.f32 v25, v11  }
0x6e: {  	v28 =	vshra.s32 v12, $0x1;
	v26 =	vshra.s32 v10, $0x1;
	v15 =	vmul.f32 $5.000000000e-01, v10  }
0x6f: {  	v12 =	vmul.f32 $5.000000000e-01, v12;
	v10 =	vsub.s32 $0x5F3759DF, v26;
	v18 =	vmul.f32 v25, v18  }
0x70: {  	v27 =	vmul.f32 v20, v9;
	v20 =	vsub.s32 $0x5F3759DF, v28;
	v29 =	vmul.f32 v10, v15  }
0x71: {  	s10 =	simm.s32 $0xE6E0;
	s11 =	simm.s32 $0x13620;
	s7 =	simm.s32 $0x10E60;
	v31 =	vmul.f32 v21, v23;
	v28 =	vmul.f32 v20, v12;
	v30 =	vsub.f32 $1.500000000e+00, v18  }
0x72: {  	s8 =	simm.s32 $0x135E0;
	s6 =	simm.s32 $0x10E60;
	s20 =	simm.s32 $0x8;
	[tilespmem:s13+$0x0] =	vst v14;
	v17 =	vsub.f32 $1.500000000e+00, v17;
	v18 =	vmul.f32 v10, v29;
	v29 =	vmul.f32 v16, v6  }
0x73: {  	s15 =	simm.s32 $0xE6E0;
	s21 =	simm.s32 $0xBFE0;
	s24 =	simm.s32 $0x9860;
	v21 =	vld [tilespmem:s5+$0x0];
	v26 =	vshra.s32 v24, $0x1;
	v25 =	vmul.f32 v25, v30;
	v30 =	vsub.f32 $1.500000000e+00, v31  }
.LBB2_4:
0x74: {  	v31 =	vld [tilespmem:s21+$0xFFFFFFE0];
	s20 =	sadd.s32 $0x4, s20;
	v29 =	vmul.f32 v29, v16;
	v27 =	vsub.f32 $1.500000000e+00, v27;
	s6 =	sadd.s32 $0x40, s6;
	s10 =	sadd.s32 $0x40, s10;
	v22 =	vsub.f32 $1.500000000e+00, v22  }
0x75: {  	v19 =	vsub.f32 $1.500000000e+00, v19;
	v32 =	vld [tilespmem:s21+$0x0];
	p1 =	slt.u32 s20, $0x274;
	v33 =	vmul.f32 v25, v11;
	v23 =	vmul.f32 v30, v23  }
0x76: {  	v24 =	vmul.f32 $5.000000000e-01, v24;
	v30 =	vld [tilespmem:s21+$0x10];
	v22 =	vmul.f32 v22, v13  }
0x77: {  	v26 =	vsub.s32 $0x5F3759DF, v26;
	v34 =	vld [tilespmem:s24+$0x0];
	v13 =	vmul.f32 v33, v25;
	v33 =	vmul.f32 v23, v2;
	v2 =	vmovc v1;
	v1 =	vmovc v15  }
0x78: {  	v28 =	vmul.f32 v20, v28;
	v29 =	vsub.f32 $1.500000000e+00, v29;
	v35 =	vmul.f32 v19, v8;
	v15 =	vld [tilespmem:s24+$0xFFFFFFE0];
	[tilespmem:s13+$0x10] =	vst v22  }
0x79: {  	v19 =	vmul.f32 v26, v24;
	v36 =	vsub.f32 $1.500000000e+00, v13;
	v33 =	vmul.f32 v33, v23;
	v37 =	vld [tilespmem:s5+$0x10]  }
0x7a: {  	v14 =	vmul.f32 v14, v21;
	v28 =	vsub.f32 $1.500000000e+00, v28;
	v8 =	vmul.f32 v29, v16;
	v38 =	vld [tilespmem:s24+$0x10]  }
0x7b: {  	v19 =	vmul.f32 v26, v19;
	v13 =	vmul.f32 v27, v9;
	v16 =	vld [tilespmem:s21+$0xFFFFFFF0];
	[tilespmem:s13+$0xFFFFFFE0] =	vst v35;
	v21 =	vsub.f32 $1.500000000e+00, v33  }
0x7c: {  	v29 =	vsub.f32 $1.500000000e+00, v5;
	v27 =	vmul.f32 v8, v6;
	v6 =	vmovc v24;
	v25 =	vmul.f32 v36, v25;
	v33 =	vld [tilespmem:s5+$0xFFFFFFE0];
	[tilespmem:s29+$0x0] =	vst v14  }
0x7d: {  	v5 =	vmovc v18;
	v9 =	vmul.f32 v20, v28;
	v36 =	vsub.f32 $1.500000000e+00, v19;
	v24 =	vld [tilespmem:s24+$0xFFFFFFF0];
	v20 =	vmul.f32 v21, v23  }
0x7e: {  	v18 =	vadd.f32 v32, v34;
	v15 =	vadd.f32 v31, v15;
	v21 =	vmul.f32 v13, v3;
	v3 =	vmovc v12  }
0x7f: {  	v11 =	vmul.f32 v25, v11;
	v12 =	vmul.f32 v22, v37;
	[tilespmem:s13+$0xFFFFFFF0] =	vst v20;
	s13 =	smov.u32 s8;
	s8 =	smov.u32 s11  }
0x80: {  	v14 =	vmul.f32 v17, v7;
	v7 =	vmov v25;
	v28 =	vmul.f32 v9, v3;
	v17 =	vld [tilespmem:s5+$0xFFFFFFF0];
	s5 =	smov.u32 s15;
	s15 =	smov.u32 s10  }
0x81: {  	v19 =	vmul.f32 v27, v8;
	v23 =	vadd.f32 v30, v38;
	v25 =	vmul.f32 v11, v7;
	[tilespmem:s29+$0x10] =	vst v12  }
0x82: {  	v11 =	vadd.f32 $1.000000000e+00, v18;
	v22 =	vmul.f32 v21, v13;
	v12 =	vadd.f32 v16, v24;
	[tilespmem:s13+$0x0] =	vst v14  }
0x83: {  	v18 =	vadd.f32 $1.000000000e+00, v23;
	v16 =	vmul.f32 v26, v36;
	v24 =	vmul.f32 v35, v33  }
0x84: {  	v23 =	vmul.f32 v4, v29;
	v4 =	vmovc v10;
	v26 =	vshra.s32 v11, $0x1;
	v11 =	vmul.f32 $5.000000000e-01, v11;
	v21 =	vld [tilespmem:s5+$0x0]  }
0x85: {  	v30 =	vsub.s32 $0x5F3759DF, v26;
	v10 =	vadd.f32 $1.000000000e+00, v12;
	[tilespmem:s29+$0xFFFFFFE0] =	vst v24;
	v12 =	vmul.f32 v20, v17  }
0x86: {  	v29 =	vmul.f32 v23, v2;
	v24 =	vadd.f32 $1.000000000e+00, v15;
	v17 =	vmul.f32 v30, v11  }
0x87: {  	v31 =	vshra.s32 v18, $0x1;
	v20 =	vshra.s32 v10, $0x1;
	v15 =	vmul.f32 $5.000000000e-01, v10;
	[tilespmem:s29+$0xFFFFFFF0] =	vst v12;
	s29 =	smov.u32 s7;
	s7 =	smov.u32 s6  }
.Ltmp1:
0x88: {  	v10 =	vsub.s32 $0x5F3759DF, v20;
	v17 =	vmul.f32 v30, v17;
	v12 =	vmul.f32 $5.000000000e-01, v18;
	(pc) =	sbr.rel @p1 .LBB2_4-.Ltmp1, $4  }
0x89: {  	v27 =	vmul.f32 v28, v9;
	v26 =	vshra.s32 v24, $0x1;
	v18 =	vmul.f32 v10, v15  }
0x8a: {  	v20 =	vsub.s32 $0x5F3759DF, v31;
	v31 =	vmul.f32 v29, v23;
	v28 =	vsub.f32 $1.500000000e+00, v17  }
0x8b: {  	v29 =	vmul.f32 v16, v6;
	v17 =	vsub.f32 $1.500000000e+00, v25;
	v18 =	vmul.f32 v10, v18  }
0x8c: {  	s21 =	sadd.s32 $0x40, s21;
	s24 =	sadd.s32 $0x40, s24;
	s11 =	sadd.s32 $0x40, s11;
	v25 =	vmul.f32 v30, v28;
	v28 =	vmul.f32 v20, v12;
	v30 =	vsub.f32 $1.500000000e+00, v31  }
0x8d: {  	v29 =	vmul.f32 v29, v16  }
0x8e: {  	v22 =	vsub.f32 $1.500000000e+00, v22;
	v19 =	vsub.f32 $1.500000000e+00, v19;
	v24 =	vmul.f32 $5.000000000e-01, v24  }
0x8f: {  	v62 =	vsub.s32 $0x5F3759DF, v26;
	v14 =	vmul.f32 v14, v21;
	v7 =	vmul.f32 v17, v7  }
0x90: {  	v32 =	vsub.f32 $1.500000000e+00, v27;
	v31 =	vmul.f32 v25, v11;
	v23 =	vmul.f32 v30, v23  }
0x91: {  	v5 =	vsub.f32 $1.500000000e+00, v5;
	v28 =	vmul.f32 v20, v28;
	v13 =	vmul.f32 v22, v13  }
0x92: {  	v42 =	vsub.f32 $1.500000000e+00, v18;
	v8 =	vmul.f32 v19, v8;
	v33 =	vmul.f32 v62, v24  }
0x93: {  	v29 =	vsub.f32 $1.500000000e+00, v29;
	v9 =	vmul.f32 v32, v9;
	v4 =	vmul.f32 v4, v5  }
0x94: {  	v10 =	vmul.f32 v10, v42;
	v63 =	vmul.f32 v31, v25  }
0x95: {  	v2 =	vmul.f32 v23, v2;
	v34 =	vmul.f32 v29, v16  }
0x96: {  	v28 =	vsub.f32 $1.500000000e+00, v28;
	v27 =	vmul.f32 v62, v33;
	v3 =	vmul.f32 v9, v3  }
0x97: {  	v40 =	vmul.f32 v4, v1;
	v46 =	vmul.f32 v10, v15;
	v26 =	vsub.f32 $1.500000000e+00, v63  }
0x98: {  	v2 =	vmul.f32 v2, v23;
	v37 =	vmul.f32 v20, v28  }
0x99: {  	[tilespmem:s13+$0x10] =	vst v13;
	v6 =	vmul.f32 v34, v6;
	v39 =	vsub.f32 $1.500000000e+00, v27;
	v36 =	vmul.f32 v26, v25  }
0x9a: {  	[tilespmem:s13+$0xFFFFFFE0] =	vst v8;
	v35 =	vld [tilespmem:s5+$0x10];
	v43 =	vmul.f32 v40, v4;
	v48 =	vmul.f32 v46, v10;
	v2 =	vsub.f32 $1.500000000e+00, v2  }
0x9b: {  	v44 =	vld [tilespmem:s5+$0xFFFFFFE0];
	v38 =	vmul.f32 v36, v11;
	v11 =	vmul.f32 v62, v39  }
0x9c: {  	v41 =	vmul.f32 v37, v12;
	v2 =	vmul.f32 v2, v23  }
0x9d: {  	v3 =	vmul.f32 v3, v9;
	v18 =	vsub.f32 $1.500000000e+00, v43;
	v22 =	vmul.f32 v11, v24  }
0x9e: {  	v6 =	vmul.f32 v6, v34;
	v51 =	vsub.f32 $1.500000000e+00, v48;
	v23 =	vmul.f32 v41, v37;
	[tilespmem:s13+$0xFFFFFFF0] =	vst v2  }
0x9f: {  	v3 =	vsub.f32 $1.500000000e+00, v3;
	v4 =	vmul.f32 v18, v4;
	v45 =	vld [tilespmem:s5+$0xFFFFFFF0];
	v22 =	vmul.f32 v22, v11  }
0xa0: {  	v13 =	vmul.f32 v13, v35;
	v8 =	vmul.f32 v8, v44;
	v47 =	vsub.f32 $1.500000000e+00, v23  }
0xa1: {  	v10 =	vmul.f32 v51, v10;
	v1 =	vmul.f32 v4, v1;
	v49 =	vsub.f32 $1.500000000e+00, v22  }
0xa2: {  	v3 =	vmul.f32 v3, v9;
	v50 =	vmul.f32 v47, v37  }
0xa3: {  	[tilespmem:s29+$0x0] =	vst v14;
	v1 =	vmul.f32 v1, v4;
	v11 =	vmul.f32 v49, v11  }
0xa4: {  	[tilespmem:s8+$0x0] =	vst v7;
	v52 =	vmul.f32 v50, v12;
	v2 =	vmul.f32 v2, v45  }
0xa5: {  	v6 =	vsub.f32 $1.500000000e+00, v6;
	v5 =	vmul.f32 v38, v36;
	[tilespmem:s29+$0x10] =	vst v13;
	v53 =	vmul.f32 v11, v24  }
0xa6: {  	v54 =	vmul.f32 v10, v15;
	v1 =	vsub.f32 $1.500000000e+00, v1;
	[tilespmem:s29+$0xFFFFFFF0] =	vst v2;
	v2 =	vmul.f32 v52, v50  }
0xa7: {  	[tilespmem:s29+$0xFFFFFFE0] =	vst v8;
	v6 =	vmul.f32 v6, v34;
	v5 =	vsub.f32 $1.500000000e+00, v5;
	v8 =	vmul.f32 v53, v11  }
0xa8: {  	v55 =	vld [tilespmem:s15+$0x0];
	[tilespmem:s8+$0x10] =	vst v3;
	v56 =	vmul.f32 v54, v10;
	v1 =	vmul.f32 v1, v4;
	v2 =	vsub.f32 $1.500000000e+00, v2  }
0xa9: {  	v57 =	vld [tilespmem:s15+$0x10];
	[tilespmem:s8+$0xFFFFFFE0] =	vst v6;
	v5 =	vmul.f32 v5, v36;
	v8 =	vsub.f32 $1.500000000e+00, v8  }
0xaa: {  	v58 =	vld [tilespmem:s15+$0xFFFFFFE0];
	v4 =	vsub.f32 $1.500000000e+00, v56;
	[tilespmem:s8+$0xFFFFFFF0] =	vst v1;
	v2 =	vmul.f32 v2, v50  }
0xab: {  	[tilespmem:s11+$0x0] =	vst v5;
	s29 =	sadd.s32 $0x40, s10;
	v59 =	vld [tilespmem:s15+$0xFFFFFFF0];
	v8 =	vmul.f32 v8, v11  }
0xac: {  	v60 =	vld [tilespmem:s29+$0x0];
	v4 =	vmul.f32 v4, v10;
	[tilespmem:s11+$0x10] =	vst v2  }
0xad: {  	v7 =	vmul.f32 v7, v55;
	v61 =	vld [tilespmem:s29+$0x10];
	[tilespmem:s11+$0xFFFFFFE0] =	vst v8  }
0xae: {  	v3 =	vmul.f32 v3, v57;
	[tilespmem:s11+$0xFFFFFFF0] =	vst v4;
	v62 =	vld [tilespmem:s29+$0xFFFFFFE0]  }
0xaf: {  	[tilespmem:s7+$0x0] =	vst v7;
	v6 =	vmul.f32 v6, v58;
	v63 =	vld [tilespmem:s29+$0xFFFFFFF0]  }
0xb0: {  	[tilespmem:s7+$0x10] =	vst v3;
	v1 =	vmul.f32 v1, v59  }
0xb1: {  	[tilespmem:s7+$0xFFFFFFE0] =	vst v6;
	v3 =	vmul.f32 v5, v60  }
0xb2: {  	s6 =	sadd.s32 $0x40, s6;
	[tilespmem:s7+$0xFFFFFFF0] =	vst v1;
	v1 =	vmul.f32 v2, v61  }
0xb3: {  	[tilespmem:s6+$0x0] =	vst v3;
	v2 =	vmul.f32 v8, v62  }
0xb4: {  	[tilespmem:s6+$0x10] =	vst v1;
	v1 =	vmul.f32 v4, v63  }
0xb5: {  	[tilespmem:s6+$0xFFFFFFE0] =	vst v2  }
0xb6: {  	s8 =	simm.s32 $0x7000;
	[tilespmem:s6+$0xFFFFFFF0] =	vst v1  }
0xb7: {  	[spmem:s9] =	stream.linear.scatter [tilespmem:s8], [sflag:$0x9], $0x2780, $0x38;
	[tilespmem:$0x1AC00] =	vst v63  }
0xb8: {  	_ =	swait.ge [sflag:s12], $0x2780  }
0xb9: {  	[sflag:s12] =	ssyncset.done $0x0  }
0xba: {  	s11 =	simm.s32 $0x10E00;
	s10 =	rddreg [dreg:$0x9];
	[sflag:s12] =	ssyncadd.s32 $0xFFFFD880  }
0xbb: {  	[spmem:s10] =	stream.linear.scatter [tilespmem:s11], [sflag:$0x9], $0x2780, $0x38;
	[tilespmem:$0x1AC00] =	vst v63  }
0xbc: {  	_ =	swait.ge [sflag:s12], $0x2780  }
0xbd: {  	s5 =	simm.s32 @!p0 $0x0;
	[sflag:s12] =	ssyncset.done $0x0  }
0xbe: {  	s6 =	simm.s32 @!p0 $0x10E00;
	s7 =	rddreg [dreg:$0xc];
	[sflag:s12] =	ssyncadd.s32 $0xFFFFD880  }
0xbf: {  	[hbm4b:s7+s5] =	stream.linear.scatter @!p0 [tilespmem:s6], [sflag:$0x9], $0x2780, $0x38;
	[tilespmem:$0x1AC00] =	vst v63  }
0xc0: {  	s6 =	simm.s32 @!p0 $0x9  }
0xc1: {  	_ =	swait.ge @!p0 [sflag:s6], $0x2780  }
0xc2: {  	[sflag:s6] =	ssyncset.done @!p0 $0x0  }
0xc3: {  	s7 =	simm.s32 @!p0 $0x13580;
	s8 =	rddreg [dreg:$0xd];
	[sflag:s6] =	ssyncadd.s32 @!p0 $0xFFFFD880  }
0xc4: {  	[hbm4b:s8+s5] =	stream.linear.scatter @!p0 [tilespmem:s7], [sflag:$0x9], $0x2780, $0x38;
	[tilespmem:$0x1AC00] =	vst v63  }
0xc5: {  	_ =	swait.ge @!p0 [sflag:s6], $0x2780  }
0xc6: {  	[sflag:s6] =	ssyncset.done @!p0 $0x0  }
0xc7: {  	[sflag:s6] =	ssyncadd.s32 @!p0 $0xFFFFD880  }
0xc8: {  	s13 =	simm.s32 $0x0;
	[bflag:$0x0] =	sbarrier.arrive $0xFFFF  }
0xc9: {  	[tilespmem:s23], [sflag:$0x1] =	stream.indirect.gather [spmem:s3], $0x10, s13, s22, $0xb8;
	[tilespmem:$0x1AC00] =	vst v63  }
0xca: {  	_ = 	snop  }
0xcb: {  	[tilespmem:s25], [sflag:$0x2] =	stream.indirect.gather [spmem:s3], $0x10, s22, s22, $0xb8;
	[tilespmem:$0x1AC00] =	vst v63  }
0xcc: {  	s15 =	simm.s32 $0x100  }
0xcd: {  	[tilespmem:s28], [sflag:$0x3] =	stream.indirect.gather [spmem:s3], $0x10, s15, s22, $0xb8;
	[tilespmem:$0x1AC00] =	vst v63  }
0xce: {  	s20 =	simm.s32 $0x180  }
0xcf: {  	[tilespmem:s30], [sflag:$0x4] =	stream.indirect.gather [spmem:s3], $0x10, s20, s22, $0xb8;
	[tilespmem:$0x1AC00] =	vst v63  }
0xd0: {  	_ =	swait.ge [sflag:s31], $0x800  }
0xd1: {  	[sflag:s31] =	ssyncset.done $0x0  }
0xd2: {  	s8 =	simm.s32 $0x2800;
	[sflag:s31] =	ssyncadd.s32 $0xFFFFF800  }
0xd3: {  	[spmem:s2] =	stream.indirect.scatter.add.f32 [tilespmem:s23], [sflag:$0x5], $0x10, s8, s22, $0xb8;
	[tilespmem:$0x1AC00] =	vst v63  }
0xd4: {  	_ =	swait.ge [sflag:s1], $0x800  }
0xd5: {  	[sflag:s1] =	ssyncset.done $0x0  }
0xd6: {  	s21 =	simm.s32 $0x200;
	[sflag:s1] =	ssyncadd.s32 $0xFFFFF800  }
0xd7: {  	[tilespmem:s23], [sflag:$0x1] =	stream.indirect.gather [spmem:s3], $0x10, s21, s22, $0xb8;
	[tilespmem:$0x1AC00] =	vst v63  }
0xd8: {  	_ =	swait.ge [sflag:s16], $0x800  }
0xd9: {  	[sflag:s16] =	ssyncset.done $0x0  }
0xda: {  	s24 =	simm.s32 $0x2880;
	[sflag:s16] =	ssyncadd.s32 $0xFFFFF800  }
0xdb: {  	[spmem:s2] =	stream.indirect.scatter.add.f32 [tilespmem:s25], [sflag:$0x6], $0x10, s24, s22, $0xb8;
	[tilespmem:$0x1AC00] =	vst v63  }
0xdc: {  	_ =	swait.ge [sflag:s18], $0x800  }
0xdd: {  	[sflag:s18] =	ssyncset.done $0x0  }
0xde: {  	s29 =	simm.s32 $0x280;
	[sflag:s18] =	ssyncadd.s32 $0xFFFFF800  }
0xdf: {  	[tilespmem:s25], [sflag:$0x2] =	stream.indirect.gather [spmem:s3], $0x10, s29, s22, $0xb8;
	[tilespmem:$0x1AC00] =	vst v63  }
0xe0: {  	_ =	swait.ge [sflag:s26], $0x800  }
0xe1: {  	[sflag:s26] =	ssyncset.done $0x0  }
0xe2: {  	s6 =	simm.s32 $0x2900;
	[sflag:s26] =	ssyncadd.s32 $0xFFFFF800  }
0xe3: {  	[spmem:s2] =	stream.indirect.scatter.add.f32 [tilespmem:s28], [sflag:$0x7], $0x10, s6, s22, $0xb8;
	[tilespmem:$0x1AC00] =	vst v63  }
0xe4: {  	_ =	swait.ge [sflag:s14], $0x800  }
0xe5: {  	[sflag:s14] =	ssyncset.done $0x0  }
0xe6: {  	s7 =	simm.s32 $0x300;
	[sflag:s14] =	ssyncadd.s32 $0xFFFFF800  }
0xe7: {  	[tilespmem:s28], [sflag:$0x3] =	stream.indirect.gather [spmem:s3], $0x10, s7, s22, $0xb8;
	[tilespmem:$0x1AC00] =	vst v63  }
0xe8: {  	_ =	swait.ge [sflag:s19], $0x800  }
0xe9: {  	[sflag:s19] =	ssyncset.done $0x0  }
0xea: {  	s10 =	simm.s32 $0x2980;
	[sflag:s19] =	ssyncadd.s32 $0xFFFFF800  }
0xeb: {  	[spmem:s2] =	stream.indirect.scatter.add.f32 [tilespmem:s30], [sflag:$0x8], $0x10, s10, s22, $0xb8;
	[tilespmem:$0x1AC00] =	vst v63  }
0xec: {  	_ =	swait.ge [sflag:s17], $0x800  }
0xed: {  	[sflag:s17] =	ssyncset.done $0x0  }
0xee: {  	s11 =	simm.s32 $0x380;
	[sflag:s17] =	ssyncadd.s32 $0xFFFFF800  }
0xef: {  	[tilespmem:s30], [sflag:$0x4] =	stream.indirect.gather [spmem:s3], $0x10, s11, s22, $0xb8;
	[tilespmem:$0x1AC00] =	vst v63  }
0xf0: {  	_ =	swait.ge [sflag:s31], $0x800  }
0xf1: {  	[sflag:s31] =	ssyncset.done $0x0  }
0xf2: {  	s13 =	simm.s32 $0x2A00;
	[sflag:s31] =	ssyncadd.s32 $0xFFFFF800  }
0xf3: {  	[spmem:s2] =	stream.indirect.scatter.add.f32 [tilespmem:s23], [sflag:$0x5], $0x10, s13, s22, $0xb8;
	[tilespmem:$0x1AC00] =	vst v63  }
0xf4: {  	_ =	swait.ge [sflag:s1], $0x800  }
0xf5: {  	[sflag:s1] =	ssyncset.done $0x0  }
0xf6: {  	s15 =	simm.s32 $0x400;
	[sflag:s1] =	ssyncadd.s32 $0xFFFFF800  }
0xf7: {  	[tilespmem:s23], [sflag:$0x1] =	stream.indirect.gather [spmem:s3], $0x10, s15, s22, $0xb8;
	[tilespmem:$0x1AC00] =	vst v63  }
0xf8: {  	_ =	swait.ge [sflag:s16], $0x800  }
0xf9: {  	[sflag:s16] =	ssyncset.done $0x0  }
0xfa: {  	s20 =	simm.s32 $0x2A80;
	[sflag:s16] =	ssyncadd.s32 $0xFFFFF800  }
0xfb: {  	[spmem:s2] =	stream.indirect.scatter.add.f32 [tilespmem:s25], [sflag:$0x6], $0x10, s20, s22, $0xb8;
	[tilespmem:$0x1AC00] =	vst v63  }
0xfc: {  	_ =	swait.ge [sflag:s18], $0x800  }
0xfd: {  	[sflag:s18] =	ssyncset.done $0x0  }
0xfe: {  	s21 =	simm.s32 $0x480;
	[sflag:s18] =	ssyncadd.s32 $0xFFFFF800  }
0xff: {  	[tilespmem:s25], [sflag:$0x2] =	stream.indirect.gather [spmem:s3], $0x10, s21, s22, $0xb8;
	[tilespmem:$0x1AC00] =	vst v63  }
0x100: {  	_ =	swait.ge [sflag:s26], $0x800  }
0x101: {  	[sflag:s26] =	ssyncset.done $0x0  }
0x102: {  	s24 =	simm.s32 $0x2B00;
	[sflag:s26] =	ssyncadd.s32 $0xFFFFF800  }
0x103: {  	[spmem:s2] =	stream.indirect.scatter.add.f32 [tilespmem:s28], [sflag:$0x7], $0x10, s24, s22, $0xb8;
	[tilespmem:$0x1AC00] =	vst v63  }
0x104: {  	_ =	swait.ge [sflag:s14], $0x800  }
0x105: {  	[sflag:s14] =	ssyncset.done $0x0  }
0x106: {  	s29 =	simm.s32 $0x500;
	[sflag:s14] =	ssyncadd.s32 $0xFFFFF800  }
0x107: {  	[tilespmem:s28], [sflag:$0x3] =	stream.indirect.gather [spmem:s3], $0x10, s29, s22, $0xb8;
	[tilespmem:$0x1AC00] =	vst v63  }
0x108: {  	_ =	swait.ge [sflag:s19], $0x800  }
0x109: {  	[sflag:s19] =	ssyncset.done $0x0  }
0x10a: {  	s5 =	simm.s32 $0x800;
	s6 =	simm.s32 $0x2B80;
	[sflag:s19] =	ssyncadd.s32 $0xFFFFF800  }
.LBB2_6:
0x10b: {  	[spmem:s2] =	stream.indirect.scatter.add.f32 [tilespmem:s30], [sflag:$0x8], $0x10, s6, s22, $0xb8;
	[tilespmem:$0x1AC00] =	vst v63  }
0x10c: {  	s6 =	smov.u32 s5  }
0x10d: {  	p1 =	sne.s32 s5, $0x8800;
	s5 =	sadd.s32 $0x800, s5;
	_ =	swait.ge [sflag:s17], $0x800  }
0x10e: {  	s6 =	sshra.s32 s6, $0x2;
	[sflag:s17] =	ssyncset.done $0x0  }
0x10f: {  	s7 =	sadd.s32 $0x380, s6;
	[sflag:s17] =	ssyncadd.s32 $0xFFFFF800  }
0x110: {  	[tilespmem:s30], [sflag:$0x4] =	stream.indirect.gather [spmem:s3], $0x10, s7, s22, $0xb8;
	[tilespmem:$0x1AC00] =	vst v63  }
0x111: {  	_ =	swait.ge [sflag:s31], $0x800  }
0x112: {  	[sflag:s31] =	ssyncset.done $0x0  }
0x113: {  	s7 =	sadd.s32 $0x2A00, s6;
	[sflag:s31] =	ssyncadd.s32 $0xFFFFF800  }
0x114: {  	[spmem:s2] =	stream.indirect.scatter.add.f32 [tilespmem:s23], [sflag:$0x5], $0x10, s7, s22, $0xb8;
	[tilespmem:$0x1AC00] =	vst v63  }
0x115: {  	_ =	swait.ge [sflag:s1], $0x800  }
0x116: {  	[sflag:s1] =	ssyncset.done $0x0  }
0x117: {  	s7 =	sadd.s32 $0x400, s6;
	[sflag:s1] =	ssyncadd.s32 $0xFFFFF800  }
0x118: {  	[tilespmem:s23], [sflag:$0x1] =	stream.indirect.gather [spmem:s3], $0x10, s7, s22, $0xb8;
	[tilespmem:$0x1AC00] =	vst v63  }
0x119: {  	_ =	swait.ge [sflag:s16], $0x800  }
0x11a: {  	[sflag:s16] =	ssyncset.done $0x0  }
0x11b: {  	s7 =	sadd.s32 $0x2A80, s6;
	[sflag:s16] =	ssyncadd.s32 $0xFFFFF800  }
0x11c: {  	[spmem:s2] =	stream.indirect.scatter.add.f32 [tilespmem:s25], [sflag:$0x6], $0x10, s7, s22, $0xb8;
	[tilespmem:$0x1AC00] =	vst v63  }
0x11d: {  	_ =	swait.ge [sflag:s18], $0x800  }
0x11e: {  	[sflag:s18] =	ssyncset.done $0x0  }
0x11f: {  	s7 =	sadd.s32 $0x480, s6;
	[sflag:s18] =	ssyncadd.s32 $0xFFFFF800  }
0x120: {  	[tilespmem:s25], [sflag:$0x2] =	stream.indirect.gather [spmem:s3], $0x10, s7, s22, $0xb8;
	[tilespmem:$0x1AC00] =	vst v63  }
0x121: {  	_ =	swait.ge [sflag:s26], $0x800  }
0x122: {  	[sflag:s26] =	ssyncset.done $0x0  }
0x123: {  	s7 =	sadd.s32 $0x2B00, s6;
	[sflag:s26] =	ssyncadd.s32 $0xFFFFF800  }
0x124: {  	[spmem:s2] =	stream.indirect.scatter.add.f32 [tilespmem:s28], [sflag:$0x7], $0x10, s7, s22, $0xb8;
	[tilespmem:$0x1AC00] =	vst v63  }
0x125: {  	_ =	swait.ge [sflag:s14], $0x800  }
0x126: {  	[sflag:s14] =	ssyncset.done $0x0  }
.Ltmp2:
0x127: {  	s7 =	sadd.s32 $0x500, s6;
	[sflag:s14] =	ssyncadd.s32 $0xFFFFF800;
	(pc) =	sbr.rel @p1 .LBB2_6-.Ltmp2, $4  }
0x128: {  	[tilespmem:s28], [sflag:$0x3] =	stream.indirect.gather [spmem:s3], $0x10, s7, s22, $0xb8;
	[tilespmem:$0x1AC00] =	vst v63  }
0x129: {  	_ =	swait.ge [sflag:s19], $0x800  }
0x12a: {  	[sflag:s19] =	ssyncset.done $0x0  }
0x12b: {  	s6 =	sadd.s32 $0x2B80, s6;
	[sflag:s19] =	ssyncadd.s32 $0xFFFFF800  }
0x12c: {  	[spmem:s2] =	stream.indirect.scatter.add.f32 [tilespmem:s30], [sflag:$0x8], $0x10, s6, s22, $0xb8;
	[tilespmem:$0x1AC00] =	vst v63  }
0x12d: {  	_ =	swait.ge [sflag:s17], $0x800  }
0x12e: {  	[sflag:s17] =	ssyncset.done $0x0  }
0x12f: {  	s5 =	simm.s32 $0x2780;
	[sflag:s17] =	ssyncadd.s32 $0xFFFFF800  }
0x130: {  	[tilespmem:s30], [sflag:$0x4] =	stream.indirect.gather [spmem:s3], $0x10, s5, s22, $0xb8;
	[tilespmem:$0x1AC00] =	vst v63  }
0x131: {  	_ =	swait.ge [sflag:s31], $0x800  }
0x132: {  	[sflag:s31] =	ssyncset.done $0x0  }
0x133: {  	s11 =	simm.s32 $0x4E00;
	[sflag:s31] =	ssyncadd.s32 $0xFFFFF800  }
0x134: {  	[spmem:s2] =	stream.indirect.scatter.add.f32 [tilespmem:s23], [sflag:$0x5], $0x10, s11, s22, $0xb8;
	[tilespmem:$0x1AC00] =	vst v63  }
0x135: {  	_ =	swait.ge [sflag:s16], $0x800  }
0x136: {  	[sflag:s16] =	ssyncset.done $0x0  }
0x137: {  	s13 =	simm.s32 $0x4E80;
	[sflag:s16] =	ssyncadd.s32 $0xFFFFF800  }
0x138: {  	[spmem:s2] =	stream.indirect.scatter.add.f32 [tilespmem:s25], [sflag:$0x6], $0x10, s13, s22, $0xb8;
	[tilespmem:$0x1AC00] =	vst v63  }
0x139: {  	_ =	swait.ge [sflag:s26], $0x800  }
0x13a: {  	[sflag:s26] =	ssyncset.done $0x0  }
0x13b: {  	s15 =	simm.s32 $0x4F00;
	[sflag:s26] =	ssyncadd.s32 $0xFFFFF800  }
0x13c: {  	[spmem:s2] =	stream.indirect.scatter.add.f32 [tilespmem:s28], [sflag:$0x7], $0x10, s15, s22, $0xb8;
	[tilespmem:$0x1AC00] =	vst v63  }
0x13d: {  	_ =	swait.ge [sflag:s19], $0x800  }
0x13e: {  	[sflag:s19] =	ssyncset.done $0x0  }
0x13f: {  	s20 =	simm.s32 $0x4F80;
	[sflag:s19] =	ssyncadd.s32 $0xFFFFF800  }
0x140: {  	[spmem:s2] =	stream.indirect.scatter.add.f32 [tilespmem:s30], [sflag:$0x8], $0x10, s20, s22, $0xb8;
	[tilespmem:$0x1AC00] =	vst v63  }
0x141: {  	_ =	swait.ge [sflag:s1], $0x800  }
0x142: {  	[sflag:s1] =	ssyncset.done $0x0  }
0x143: {  	[sflag:s1] =	ssyncadd.s32 $0xFFFFF800  }
0x144: {  	_ =	swait.ge [sflag:s18], $0x800  }
0x145: {  	[sflag:s18] =	ssyncset.done $0x0  }
0x146: {  	[sflag:s18] =	ssyncadd.s32 $0xFFFFF800  }
0x147: {  	_ =	swait.ge [sflag:s14], $0x800  }
0x148: {  	[sflag:s14] =	ssyncset.done $0x0  }
0x149: {  	[sflag:s14] =	ssyncadd.s32 $0xFFFFF800  }
0x14a: {  	_ =	swait.ge [sflag:s17], $0x800  }
0x14b: {  	[sflag:s17] =	ssyncset.done $0x0  }
0x14c: {  	s21 =	stileid.u32;
	[sflag:s17] =	ssyncadd.s32 $0xFFFFF800  }
0x14d: {  	s5 =	sshll.u32 s21, $0x6;
	[bflag:$0x0] =	sbarrier.arrive $0xFFFF  }
0x14e: {  	s24 =	sshrl.u32 s9, $0x3;
	s5 =	sor.u32 $0x1C09, s5;
	s7 =	rddreg [dreg:$0xe]  }
0x14f: {  	[hbm:s7], [sflag:s5] =	dma.local [spmem:s24], $0x4F0  }
0x150: {  	_ =	swait.ge [sflag:s12], $0x4F0  }
0x151: {  	s0 =	sadd.s32 $0x1, s0;
	s29 =	rddreg [dreg:$0xa]  }
0x152: {  	p1 =	sne.s32 s0, s29  }
.Ltmp3:
0x153: {  	_ = 	snop;
	(pc) =	sbr.rel @p1 .LBB2_1-.Ltmp3, $3  }
0x154: {  	_ =	sdelay $0x1  }
0x155: {  	[sflag:s12] =	ssyncset.done $0x0  }
0x156: {  	[sflag:s12] =	ssyncadd.s32 $0xFFFFFB10  }
0x157: {  	_ =	sfence.sel $0x180000  }
0x158: {  	[bflag:$0x0] =	sbarrier.arrive $0xFFFF  }
0x159: {  	_ =	strace $0x9000004A  }
0x15a: {  	s0 =	stileid.u32;
	[bflag:$0x2] =	sbarrier.arrive $0xFFFF  }
0x15b: {  	p0 =	sne.s32 s0, $0x0;
	s0 =	rddreg [dreg:$0x4]  }
0x15c: {  	s0 =	sadd.s32 @!p0 $0x100000, s0  }
0x15d: {  	[sflag:s0] =	ssyncadd.tile.s32 @!p0 $0x1;
	_ =	shalt  }
.Lfunc_end2:
_tile_overlayer_lowered:
.L_overlay_start_2:
0x15e: {  	(tag) =	ssettag $0x2  }
0x15f: {  	s0 =	rddreg [dreg:$0x0];
	s2 =	stileid.u32  }
0x160: {  	s1 =	rddreg [dreg:$0x1];
	p0 =	sne.s32 s2, $0x0  }
0x161: {  	s3 =	rddreg [dreg:$0x2];
	[bflag:$0x3] =	sbarrier.arrive $0xFFFF;
	s2 =	simm.s32 @!p0 $0x1C09  }
0x162: {  	[timem:s3], [sflag:s2] =	dma.local @!p0 [hbm:s0], s1  }
0x163: {  	s0 =	simm.s32 @!p0 $0x9  }
0x164: {  	_ =	swait.ge @!p0 [sflag:s0], s1  }
0x165: {  	s1 =	ssub.s32 @!p0 $0x0, s1;
	[sflag:s0] =	ssyncset.done @!p0 $0x0  }
0x166: {  	[sflag:s0] =	ssyncadd.s32 @!p0 s1  }
0x167: {  	[bflag:$0x3] =	sbarrier.arrive $0xFFFF  }
0x168: {  	_ =	shalt  }

// kernel: kernel.14.cloned.1.call-start
scs
__scs_entry_jumppad:
0x0: {  	(pc) =	sbr.rel $0x88, $3  }
0x1: {  	(tag) =	ssettag $0x0;
	lr =	simm.s32 $0x1  }
0x2: {  	[smem:$0x3F97] =	sst lr;
	_ =	strace $0xD0000000  }
0x3: {  	_ = 	snop  }
0x4: {  	_ = 	snop  }
0x5: {  	_ = 	snop  }
0x6: {  	_ = 	snop  }
0x7: {  	_ = 	snop  }
__scs_overlays_trampoline_lowered:
0x8: {  	[smem:$0x3FA6] =	sst s0  }
0x9: {  	[smem:$0x3FA7] =	sst s1  }
0xa: {  	[smem:$0x3FA8] =	sst s2  }
0xb: {  	[smem:$0x3FA9] =	sst s3  }
0xc: {  	[smem:$0x3FAA] =	sst s4  }
0xd: {  	[smem:$0x3FAB] =	sst s5  }
0xe: {  	[smem:$0x3FAC] =	sst s6  }
0xf: {  	[smem:$0x3FAD] =	sst s7  }
0x10: {  	[smem:$0x3FAE] =	sst s8  }
0x11: {  	[smem:$0x3FAF] =	sst s9;
	s0 =	simm.s32 @!p0 $0x0  }
0x12: {  	s1 =	sld [smem:$0x3F95];
	s0 =	simm.s32 @p0 $0x1  }
0x13: {  	[smem:$0x3FB0] =	sst s0;
	s0 =	simm.s32 @!p1 $0x0  }
0x14: {  	s2 =	sld [smem:$0x3F94];
	s0 =	simm.s32 @p1 $0x1  }
0x15: {  	[smem:$0x3FB1] =	sst s0;
	s0 =	simm.s32 @!p2 $0x0  }
0x16: {  	s3 =	sld [smem:$0x3FDB];
	s0 =	simm.s32 @p2 $0x1  }
0x17: {  	s4 =	simm.s32 $0x1BF5;
	[smem:$0x3FB3] =	sst s0  }
0x18: {  	s0 =	sld [smem:$0x3F96];
	_ =	swait.ge [sflag:s4], $0x0  }
0x19: {  	s7 =	sld [smem:$0x3F97]  }
0x1a: {  	s8 =	sadd.s32 $0xFFFFE003, lr  }
0x1b: {  	s9 =	sadd.s32 $0xFFFFFEF7, lr;
	s5 =	simm.s32 $0xFFFFFFFF;
	p2 =	slt.u32 s8, $0xFFFFF086  }
0x1c: {  	p1 =	slt.u32 s9, $0xF7A;
	s5 =	simm.s32 @!p2 $0x0  }
0x1d: {  	s5 =	simm.s32 @p1 $0x1;
	p0 =	seq.s32 s7, s2  }
0x1e: {  	s7 =	smul.u32 @!p0 $0xF7A, s2;
	p2 =	seq.s32 @!p0 s5, $0x0  }
0x1f: {  	s9 =	smul.u32 $0xF7A, s1;
	s8 =	simm.s32 @!p0 $0x1BF5;
	p2 =	por !p2, p0  }
0x20: {  	[sflag:s8] =	ssyncset.s32 @!p0 $0xFFFFF086;
	s6 =	sadd.s32 @!p0 s3, s7;
	s7 =	simm.s32 @!p0 $0x108  }
0x21: {  	s3 =	sadd.s32 s3, s9;
	s6 =	sadd.s32 @!p0 $0x88, s6;
	s7 =	simm.s32 @p2 $0x1082  }
0x22: {  	[simem:s7], [sflag:s8] =	dma.local @!p0 [hbm:s6], $0xF7A  }
0x23: {  	s9 =	sor.u32 $0xD0000000, s2;
	s6 =	simm.s32 $0x108;
	_ =	swait.ge @!p0 [sflag:s8], $0x0  }
0x24: {  	s3 =	sadd.s32 $0x88, s3;
	s6 =	simm.s32 @!p1 $0x1082;
	[sflag:s4] =	ssyncset.s32 $0xFFFFF086  }
0x25: {  	[simem:s6], [sflag:s4] =	dma.local [hbm:s3], $0xF7A  }
0x26: {  	[smem:$0x3F97] =	sst s1;
	(tag) =	ssettag s2;
	_ =	strace s9  }
0x27: {  	s1 =	sld [smem:$0x3FA7]  }
0x28: {  	s2 =	sld [smem:$0x3FA8]  }
0x29: {  	s4 =	sld [smem:$0x3FAA]  }
0x2a: {  	p0 =	seq.s32 s5, $0x0;
	s5 =	sld [smem:$0x3FAB]  }
0x2b: {  	s6 =	sld [smem:$0x3FAC]  }
0x2c: {  	s7 =	sld [smem:$0x3FAD]  }
0x2d: {  	s3 =	simm.s32 $0x108;
	s8 =	sld [smem:$0x3FAE]  }
0x2e: {  	s3 =	simm.s32 @!p0 $0x1082;
	s9 =	sld [smem:$0x3FAF]  }
0x2f: {  	lr =	sadd.s32 s0, s3;
	s0 =	sld [smem:$0x3FA6]  }
0x30: {  	s3 =	sld [smem:$0x3FA9]  }
0x31: {  	[smem:$0x3FB2] =	sst s10  }
0x32: {  	s10 =	sld [smem:$0x3FB0];
	_ =	sdelay $0x3  }
0x33: {  	p0 =	seq.s32 s10, $0x1;
	s10 =	sld [smem:$0x3FB2];
	_ =	sdelay $0x3  }
0x34: {  	[smem:$0x3FB2] =	sst s10  }
0x35: {  	s10 =	sld [smem:$0x3FB1];
	_ =	sdelay $0x3  }
0x36: {  	p1 =	seq.s32 s10, $0x1;
	s10 =	sld [smem:$0x3FB2];
	_ =	sdelay $0x3  }
0x37: {  	[smem:$0x3FB2] =	sst s10  }
0x38: {  	s10 =	sld [smem:$0x3FB3]  }
0x39: {  	_ = 	snop;
	(pc) =	sbr.ind lr, $3  }
0x3a: {  	_ = 	snop  }
0x3b: {  	_ = 	snop  }
0x3c: {  	p2 =	seq.s32 s10, $0x1;
	s10 =	sld [smem:$0x3FB2]  }
0x3d: {  	_ =	shalt  }
0x3e: {  	_ =	shalt  }
0x3f: {  	_ =	shalt  }
0x40: {  	_ =	shalt  }
0x41: {  	_ =	shalt  }
0x42: {  	_ =	shalt  }
0x43: {  	_ =	shalt  }
0x44: {  	_ =	shalt  }
0x45: {  	_ =	shalt  }
0x46: {  	_ =	shalt  }
0x47: {  	_ =	shalt  }
0x48: {  	_ =	shalt  }
0x49: {  	_ =	shalt  }
0x4a: {  	_ =	shalt  }
0x4b: {  	_ =	shalt  }
0x4c: {  	_ =	shalt  }
0x4d: {  	_ =	shalt  }
0x4e: {  	_ =	shalt  }
0x4f: {  	_ =	shalt  }
0x50: {  	_ =	shalt  }
0x51: {  	_ =	shalt  }
0x52: {  	_ =	shalt  }
0x53: {  	_ =	shalt  }
0x54: {  	_ =	shalt  }
0x55: {  	_ =	shalt  }
0x56: {  	_ =	shalt  }
0x57: {  	_ =	shalt  }
0x58: {  	_ =	shalt  }
0x59: {  	_ =	shalt  }
0x5a: {  	_ =	shalt  }
0x5b: {  	_ =	shalt  }
0x5c: {  	_ =	shalt  }
0x5d: {  	_ =	shalt  }
0x5e: {  	_ =	shalt  }
0x5f: {  	_ =	shalt  }
0x60: {  	_ =	shalt  }
0x61: {  	_ =	shalt  }
0x62: {  	_ =	shalt  }
0x63: {  	_ =	shalt  }
0x64: {  	_ =	shalt  }
0x65: {  	_ =	shalt  }
0x66: {  	_ =	shalt  }
0x67: {  	_ =	shalt  }
0x68: {  	_ =	shalt  }
0x69: {  	_ =	shalt  }
0x6a: {  	_ =	shalt  }
0x6b: {  	_ =	shalt  }
0x6c: {  	_ =	shalt  }
0x6d: {  	_ =	shalt  }
0x6e: {  	_ =	shalt  }
0x6f: {  	_ =	shalt  }
0x70: {  	_ =	shalt  }
0x71: {  	_ =	shalt  }
0x72: {  	_ =	shalt  }
0x73: {  	_ =	shalt  }
0x74: {  	_ =	shalt  }
0x75: {  	_ =	shalt  }
0x76: {  	_ =	shalt  }
0x77: {  	_ =	shalt  }
0x78: {  	_ =	shalt  }
0x79: {  	_ =	shalt  }
0x7a: {  	_ =	shalt  }
0x7b: {  	_ =	shalt  }
0x7c: {  	_ =	shalt  }
0x7d: {  	_ =	shalt  }
0x7e: {  	_ =	shalt  }
0x7f: {  	_ =	shalt  }
0x80: {  	_ =	shalt  }
0x81: {  	_ =	shalt  }
0x82: {  	_ =	shalt  }
0x83: {  	_ =	shalt  }
0x84: {  	_ =	shalt  }
0x85: {  	_ =	shalt  }
0x86: {  	_ =	shalt  }
0x87: {  	_ =	shalt  }
.Lfunc_end0:
.L_simem_size_0:
called_computation.2_lowered:
.L_overlay_start_0:
0x88: {  	s2 =	sld [smem:$0x3FD9]  }
0x89: {  	s3 =	sld [smem:$0x3FFE];
	_ =	sdelay $0x1  }
0x8a: {  	s1 =	srdreg.scid  }
0x8b: {  	s0 =	sand.u32 $0x1, s1  }
0x8c: {  	s17 =	sshll.u32 s0, $0xA;
	s2 =	sadd.s32 s3, s2  }
0x8d: {  	s2 =	sadd.s32 s2, s17  }
0x8e: {  	[smem:$0x3FBE] =	sst s2  }
0x8f: {  	_ = 	snop  }
0x90: {  	s2 =	sld [smem:$0x3FD0];
	(tm) =	ssettm $0x1  }
0x91: {  	s18 =	sld [smem:$0x3FFB];
	_ =	sdelay $0x3  }
0x92: {  	_ =	strace s18  }
0x93: {  	s3 =	sld [smem:$0x3FFC];
	_ =	sdelay $0x3  }
0x94: {  	_ =	strace s3  }
0x95: {  	s3 =	sld [smem:$0x3FFD];
	_ =	sdelay $0x3  }
0x96: {  	_ =	strace s3  }
0x97: {  	_ =	strace $0x8FFFFFFF  }
0x98: {  	s19 =	sld [smem:$0x3FDB];
	_ =	sdelay $0x1  }
0x99: {  	s4 =	simm.s32 $_scs_section_size  }
0x9a: {  	s5 =	simm.s32 $_size__tile_overlayer_lowered;
	s6 =	simm.s32 $_tile_overlayer_lowered  }
0x9b: {  	s22 =	simm.s32 $0x1BFF;
	s21 =	sshll.u32 s6, $0x1;
	s3 =	sadd.s32 s4, s19  }
0x9c: {  	s7 =	simm.s32 $0x0;
	s20 =	sshll.u32 s5, $0x1;
	s5 =	sadd.s32 s21, s3  }
0x9d: {  	[timem:s7], [sflag:s22] =	dma.local [hbm:s5], s20  }
0x9e: {  	_ =	swait.ge [sflag:s22], s20  }
0x9f: {  	s4 =	ssub.s32 $0x0, s20;
	[sflag:s22] =	ssyncset.done $0x0  }
0xa0: {  	[sflag:s22] =	ssyncadd.s32 s4;
	_ =	sdelay $0x1  }
0xa1: {  	s23 =	simm.s32 $0x1B8B  }
0xa2: {  	_ =	swait.ge [sflag:s23], $0x1  }
0xa3: {  	[sflag:s23] =	ssyncset.done $0x0  }
0xa4: {  	s25 =	simm.s32 $0x1B8E;
	s24 =	sld [smem:$0x3FFE];
	[sflag:s23] =	ssyncadd.s32 $0xFFFFFFFF  }
0xa5: {  	s26 =	simm.s32 $execute0_lowered;
	[smem:$0x3FD2] =	sst s25  }
0xa6: {  	s5 =	sshll.u32 s26, $0x1;
	_ =	strace $0x8000004C;
	[dreg:$0x1] =	wrdreg $0xFFFFFFFF  }
0xa7: {  	s28 =	simm.s32 $_size_execute0_lowered;
	s3 =	sadd.s32 s3, s5;
	[dreg:$0x0] =	wrdreg $0x0  }
0xa8: {  	s5 =	sshll.u32 s28, $0x1;
	[dreg:$0x2] =	wrdreg s3  }
0xa9: {  	[dreg:$0x3] =	wrdreg s5  }
0xaa: {  	[dreg:$0x4] =	wrdreg $0xC0  }
0xab: {  	_ =	task [dreg:s7], $0x5FFFF  }
0xac: {  	[dreg:$0x1] =	wrdreg $0xFFFFFFFF  }
0xad: {  	[dreg:$0x0] =	wrdreg $0x60  }
0xae: {  	[dreg:$0x2] =	wrdreg s24  }
0xaf: {  	[dreg:$0x3] =	wrdreg s2  }
0xb0: {  	[dreg:$0x4] =	wrdreg $0x15E100  }
0xb1: {  	[dreg:$0x5] =	wrdreg $0x185900  }
0xb2: {  	[dreg:$0x6] =	wrdreg $0x9  }
0xb3: {  	_ =	task.clear_ibuf [dreg:s7], $0x7FFFF;
	_ =	strace $0x9000004C  }
0xb4: {  	s29 =	simm.s32 $0x9;
	_ =	strace $0x8000004E  }
0xb5: {  	_ =	swait.ge [sflag:s29], $0x1  }
0xb6: {  	[sflag:s29] =	ssyncadd.s32 $0xFFFFFFFF  }
0xb7: {  	_ =	strace $0x9000004E  }
0xb8: {  	_ =	sfence  }
0xb9: {  	s30 =	sld [smem:$0x0];
	_ =	sdelay $0x2  }
0xba: {  	s31 =	sshll.u32 s1, $0xD;
	s1 =	sshrl.u32 s1, $0x2  }
0xbb: {  	s3 =	sand.u32 $0x4000, s31;
	s1 =	sadd.s32 s1, s30  }
0xbc: {  	s0 =	sor.u32 s3, s0;
	s1 =	sshll.u32 s1, $0x11  }
0xbd: {  	s0 =	sor.u32 s1, s0  }
0xbe: {  	s0 =	sadd.s32 $0x8F2B, s0  }
0xbf: {  	[sflag:s0] =	ssyncadd.remote.s32 $0x1  }
0xc0: {  	_ =	sfence.sel $0xFFFF  }
0xc1: {  	[dreg:$0x0] =	wrdreg $0xFFFFFFFF;
	(pc) =	sbr.abs _section_cstart, $3  }
0xc2: {  	[dreg:$0x1] =	wrdreg $0xFFFFFFFF  }
0xc3: {  	_ =	task.clear_ibuf [dreg:s7], $0x2FFFF;
	_ =	strace $0x9FFFFFFF  }
0xc4: {  	(tm) =	ssettm $0x7FFFFFFF  }
0xc5: {  	_ =	shalt  }
tec
execute0_lowered:
.L_overlay_start_1:
0x0: {  	(tag) =	ssettag $0x1  }
0x1: {  	s0 =	rddreg [dreg:$0x0]  }
0x2: {  	s2 =	rddreg [dreg:$0x1]  }
0x3: {  	s1 =	rddreg [dreg:$0x2];
	s4 =	srdreg.scid  }
0x4: {  	s3 =	rddreg [dreg:$0x3];
	s7 =	stileid.u32  }
0x5: {  	s13 =	simm.s32 $0x9;
	s30 =	simm.s32 $0x80;
	s31 =	simm.s32 $0x5000  }
0x6: {  	s17 =	simm.s32 $0x6000;
	s29 =	simm.s32 $0x2;
	s19 =	simm.s32 $0x6  }
0x7: {  	s15 =	simm.s32 $0x3;
	s28 =	simm.s32 $0x7;
	s5 =	sand.u32 $0x1, s4  }
0x8: {  	s4 =	simm.s32 $0x0;
	s12 =	sadd.s32 $0x2EE00, s0;
	s21 =	sadd.s32 $0x2F000, s0  }
0x9: {  	s24 =	sadd.s32 $0x20100, s0;
	s25 =	sadd.s32 $0x25000, s0;
	s14 =	sadd.s32 $0xED00, s2  }
0xa: {  	s6 =	sshll.u32 s5, $0x4;
	[smem:$0x7FF] =	sst s4;
	s9 =	ssub.s32 $0x2, s5  }
0xb: {  	s26 =	smul.u32 $0x4F00, s5;
	p0 =	sne.s32 s5, $0x0;
	s5 =	simm.s32 $0x8  }
0xc: {  	s6 =	sor.u32 s7, s6;
	_ =	strace $0x8000004D;
	[dreg:$0x5] =	wrdreg s12  }
0xd: {  	s7 =	smul.u32 $0x2780, s7;
	s11 =	sshrl.u32 s9, $0x1;
	[dreg:$0x6] =	wrdreg s21  }
0xe: {  	s12 =	simm.s32 $0x2800;
	s6 =	smul.u32 $0x500, s6;
	s9 =	ssub.s32 s9, s11  }
0xf: {  	s21 =	simm.s32 $0x6800;
	s8 =	sshrl.u32 s7, $0x3;
	s9 =	smax.u32 s9, $0x1  }
0x10: {  	s6 =	sadd.s32 s6, s0;
	s10 =	sadd.s32 s8, s0;
	s0 =	sadd.s32 $0x29F00, s0  }
0x11: {  	[dreg:$0xb] =	wrdreg s9;
	s18 =	sadd.s32 s8, s25;
	s22 =	sadd.s32 $0x11200, s6  }
0x12: {  	s25 =	simm.s32 $0x1;
	s6 =	sadd.s32 $0x2200, s6;
	[dreg:$0x7] =	wrdreg s22  }
0x13: {  	s23 =	sadd.s32 $0x1B200, s10;
	s10 =	sadd.s32 s7, s1;
	[dreg:$0x8] =	wrdreg s6  }
0x14: {  	s7 =	sadd.s32 s7, s3;
	s20 =	sadd.s32 s8, s0;
	[dreg:$0x9] =	wrdreg s23  }
0x15: {  	s0 =	simm.s32 $0x5800;
	[dreg:$0xa] =	wrdreg s7;
	s7 =	sadd.s32 $0x9E00, s2  }
0x16: {  	s2 =	sadd.s32 s2, s26;
	s6 =	sadd.s32 s8, s24;
	s23 =	sadd.s32 @!p0 s8, s14  }
0x17: {  	s26 =	simm.s32 $0x5;
	[dreg:$0xc] =	wrdreg s6;
	s22 =	sadd.s32 @!p0 s8, s7  }
0x18: {  	v0 =	vimm.f32 $0.0e+00;
	s24 =	sadd.s32 s8, s2;
	s2 =	simm.s32 $0x4;
	s6 =	simm.s32 $0x0  }
.LBB2_1:
0x19: {  	s7 =	rddreg [dreg:$0x7]  }
0x1a: {  	[tilespmem:s4], [sflag:$0x9] =	stream.linear.gather [hbm4b:s7+s4], $0x2800, $0x38;
	[tilespmem:$0x1AD10] =	vst v63  }
0x1b: {  	_ =	swait.ge [sflag:s13], $0x2800  }
0x1c: {  	[sflag:s13] =	ssyncset.done $0x0  }
0x1d: {  	s11 =	rddreg [dreg:$0x8];
	[sflag:s13] =	ssyncadd.s32 $0xFFFFD800  }
0x1e: {  	[tilespmem:s12], [sflag:$0x9] =	stream.linear.gather [hbm4b:s11+s4], $0x2800, $0x38;
	[tilespmem:$0x1AD10] =	vst v63  }
0x1f: {  	_ =	swait.ge [sflag:s13], $0x2800  }
0x20: {  	[sflag:s13] =	ssyncset.done $0x0  }
0x21: {  	s8 =	simm.s32 $0x9780;
	s12 =	rddreg [dreg:$0x9];
	[sflag:s13] =	ssyncadd.s32 $0xFFFFD800  }
0x22: {  	[tilespmem:s8], [sflag:$0x9] =	stream.linear.gather [hbm4b:s12+s4], $0x2780, $0x38;
	[tilespmem:$0x1AD10] =	vst v63  }
0x23: {  	_ =	swait.ge [sflag:s13], $0x2780  }
0x24: {  	[sflag:s13] =	ssyncset.done $0x0  }
0x25: {  	s16 =	simm.s32 $0xBF00;
	s14 =	rddreg [dreg:$0xc];
	[sflag:s13] =	ssyncadd.s32 $0xFFFFD880  }
0x26: {  	[tilespmem:s16], [sflag:$0x9] =	stream.linear.gather [hbm4b:s14+s4], $0x2780, $0x38;
	[tilespmem:$0x1AD10] =	vst v63  }
0x27: {  	_ =	swait.ge [sflag:s13], $0x2780  }
0x28: {  	[sflag:s13] =	ssyncset.done $0x0  }
0x29: {  	s8 =	simm.s32 $0xE680;
	[sflag:s13] =	ssyncadd.s32 $0xFFFFD880  }
0x2a: {  	[tilespmem:s8], [sflag:$0x9] =	stream.linear.gather [hbm4b:s18+s4], $0x2780, $0x38;
	[tilespmem:$0x1AD10] =	vst v63  }
0x2b: {  	_ =	swait.ge [sflag:s13], $0x2780  }
0x2c: {  	[sflag:s13] =	ssyncset.done $0x0  }
0x2d: {  	s9 =	simm.s32 $0x10E00;
	[sflag:s13] =	ssyncadd.s32 $0xFFFFD880  }
0x2e: {  	[tilespmem:s9], [sflag:$0x9] =	stream.linear.gather [hbm4b:s20+s4], $0x2780, $0x38;
	[tilespmem:$0x1AD10] =	vst v63  }
0x2f: {  	_ =	swait.ge [sflag:s13], $0x2780  }
0x30: {  	[sflag:s13] =	ssyncset.done $0x0  }
0x31: {  	s12 =	simm.s32 $0x15D00;
	s11 =	rddreg [dreg:$0x5];
	[sflag:s13] =	ssyncadd.s32 $0xFFFFD880  }
0x32: {  	[tilespmem:s12], [sflag:$0x9] =	stream.linear.gather [hbm4b:s11+s4], $0x100, $0x38;
	[tilespmem:$0x1AD10] =	vst v63  }
0x33: {  	_ =	swait.ge [sflag:s13], $0x100  }
0x34: {  	[sflag:s13] =	ssyncset.done $0x0  }
0x35: {  	s16 =	simm.s32 $0x15E00;
	s14 =	rddreg [dreg:$0x6];
	[sflag:s13] =	ssyncadd.s32 $0xFFFFFF00  }
0x36: {  	[tilespmem:s16], [sflag:$0x9] =	stream.linear.gather [hbm4b:s14+s4], $0x10, $0x38;
	[tilespmem:$0x1AD10] =	vst v63  }
0x37: {  	_ =	swait.ge [sflag:s13], $0x10  }
0x38: {  	[sflag:s13] =	ssyncset.done $0x0  }
0x39: {  	s7 =	simm.s32 $0x7040;
	[sflag:s13] =	ssyncadd.s32 $0xFFFFFFF0  }
0x3a: {  	[tilespmem:s7+$0xFFFFFFC0] =	vst v0  }
0x3b: {  	[tilespmem:s7+$0x30] =	vst v0  }
0x3c: {  	[tilespmem:s7+$0x20] =	vst v0  }
0x3d: {  	[tilespmem:s7+$0x10] =	vst v0  }
0x3e: {  	[tilespmem:s7+$0x0] =	vst v0  }
0x3f: {  	[tilespmem:s7+$0xFFFFFFF0] =	vst v0  }
0x40: {  	s8 =	simm.s32 $0x0;
	[tilespmem:s7+$0xFFFFFFE0] =	vst v0  }
.LBB2_2:
0x41: {  	s8 =	sadd.s32 $0x8, s8;
	[tilespmem:s7+$0xFFFFFFD0] =	vst v0;
	s7 =	sadd.s32 $0x80, s7  }
0x42: {  	[tilespmem:s7+$0xFFFFFFC0] =	vst v0;
	p1 =	slt.u32 s8, $0x270  }
0x43: {  	[tilespmem:s7+$0x30] =	vst v0  }
.Ltmp0:
0x44: {  	[tilespmem:s7+$0x20] =	vst v0;
	(pc) =	sbr.rel @p1 .LBB2_2-.Ltmp0, $4  }
0x45: {  	[tilespmem:s7+$0x10] =	vst v0  }
0x46: {  	[tilespmem:s7+$0x0] =	vst v0  }
0x47: {  	[tilespmem:s7+$0xFFFFFFF0] =	vst v0  }
0x48: {  	[tilespmem:s7+$0xFFFFFFE0] =	vst v0  }
0x49: {  	[tilespmem:s7+$0xFFFFFFD0] =	vst v0  }
0x4a: {  	v1 =	vld [tilespmem:$0x15D00]  }
0x4b: {  	v2 =	vld [tilespmem:$0x15D10]  }
0x4c: {  	v3 =	vld [tilespmem:$0x15D20]  }
0x4d: {  	s9 =	simm.s32 $0x9790;
	v8 =	vld [tilespmem:$0x15D50]  }
0x4e: {  	s8 =	simm.s32 $0xBF10;
	v13 =	vld [tilespmem:s9+$0x0]  }
0x4f: {  	v16 =	vld [tilespmem:s8+$0x0];
	_ =	sdelay $0x2  }
0x50: {  	v6 =	vld [tilespmem:$0x15D30];
	v4 =	vshrl.u32 v1, $0x10;
	v5 =	vshrl.u32 v2, $0x10  }
0x51: {  	v7 =	vld [tilespmem:$0x15D40];
	v10 =	vshrl.u32 v3, $0x10;
	v15 =	vshrl.u32 v8, $0x10;
	v4 =	vand.u32 $0x1, v4  }
0x52: {  	v9 =	vld [tilespmem:$0x15D60];
	v13 =	vadd.f32 v16, v13;
	v58 =	vand.u32 $0x1, v10;
	v1 =	vadd.s32 v4, v1  }
0x53: {  	v11 =	vld [tilespmem:$0x15D70];
	v5 =	vand.u32 $0x1, v5;
	v59 =	vadd.s32 v58, v3;
	v1 =	vadd.s32 $0x7FFF, v1  }
0x54: {  	v12 =	vld [tilespmem:$0x15D90];
	v2 =	vadd.s32 v5, v2;
	v3 =	vand.u32 $0xFFFF0000, v1;
	v1 =	vadd.s32 $0x7FFF, v59  }
0x55: {  	v14 =	vld [tilespmem:s8+$0xFFFFFFF0];
	v2 =	vadd.s32 $0x7FFF, v2;
	v5 =	vand.u32 $0xFFFF0000, v1;
	v1 =	vshrl.u32 v6, $0x10  }
0x56: {  	s11 =	simm.s32 $0xE690;
	v17 =	vld [tilespmem:s9+$0xFFFFFFF0];
	v4 =	vand.u32 $0xFFFF0000, v2;
	v2 =	vshrl.u32 v7, $0x10;
	v1 =	vand.u32 $0x1, v1  }
0x57: {  	v18 =	vld [tilespmem:s11+$0x0];
	v60 =	vand.u32 $0x1, v15;
	v2 =	vand.u32 $0x1, v2;
	v1 =	vadd.s32 v1, v6  }
0x58: {  	v19 =	vld [tilespmem:s11+$0xFFFFFFF0];
	v61 =	vadd.s32 v60, v8;
	v2 =	vadd.s32 v2, v7;
	v1 =	vadd.s32 $0x7FFF, v1  }
0x59: {  	s12 =	simm.s32 $0x10E10;
	v10 =	vld [tilespmem:$0x15D80];
	v2 =	vadd.s32 $0x7FFF, v2;
	v8 =	vand.u32 $0xFFFF0000, v1;
	v1 =	vadd.s32 $0x7FFF, v61  }
0x5a: {  	v62 =	vand.u32 $0xFFFF0000, v2;
	v2 =	vshrl.u32 v9, $0x10;
	v7 =	vand.u32 $0xFFFF0000, v1;
	v1 =	vld [tilespmem:s12+$0x0]  }
0x5b: {  	v14 =	vadd.f32 v14, v17;
	v15 =	vshrl.u32 v11, $0x10;
	v20 =	vand.u32 $0x1, v2;
	v2 =	vld [tilespmem:s12+$0xFFFFFFF0]  }
0x5c: {  	v17 =	vshrl.u32 v12, $0x10;
	v21 =	vand.u32 $0x1, v15;
	v15 =	vld [tilespmem:$0x15E00];
	v9 =	vadd.s32 v20, v9  }
0x5d: {  	v13 =	vadd.f32 v18, v13;
	v11 =	vadd.s32 v21, v11;
	v9 =	vadd.s32 $0x7FFF, v9  }
0x5e: {  	v14 =	vadd.f32 v19, v14;
	v16 =	vadd.s32 $0x7FFF, v11;
	v11 =	vand.u32 $0xFFFF0000, v9  }
0x5f: {  	v18 =	vld [tilespmem:$0x15DA0];
	v9 =	vand.u32 $0xFFFF0000, v16;
	v16 =	vshrl.u32 v10, $0x10;
	v13 =	vmul.f32 v13, v1  }
0x60: {  	v17 =	vand.u32 $0x1, v17;
	v16 =	vand.u32 $0x1, v16;
	v14 =	vmul.f32 v14, v2  }
0x61: {  	v12 =	vadd.s32 v17, v12;
	v10 =	vadd.s32 v16, v10;
	v16 =	vadd.f32 v13, v15  }
0x62: {  	v17 =	vld [tilespmem:$0x15DF0];
	v12 =	vadd.s32 $0x7FFF, v12;
	v10 =	vadd.s32 $0x7FFF, v10;
	v19 =	vadd.f32 v14, v15  }
0x63: {  	v14 =	vand.u32 $0xFFFF0000, v10;
	v13 =	vand.u32 $0xFFFF0000, v12;
	v10 =	vmax.f32 v16, $0.0e+00  }
0x64: {  	v12 =	vshrl.u32 v18, $0x10;
	v16 =	vmax.f32 v19, $0.0e+00;
	v19 =	vshrl.u32 v10, $0x10  }
0x65: {  	v12 =	vand.u32 $0x1, v12;
	v20 =	vshrl.u32 v16, $0x10;
	v19 =	vand.u32 $0x1, v19  }
0x66: {  	v12 =	vadd.s32 v12, v18;
	v18 =	vand.u32 $0x1, v20;
	v10 =	vadd.s32 v19, v10  }
0x67: {  	v19 =	vshrl.u32 v17, $0x10;
	v16 =	vadd.s32 v18, v16;
	v10 =	vadd.s32 $0x7FFF, v10  }
0x68: {  	v43 =	vld [tilespmem:$0x15DC0];
	v18 =	vand.u32 $0x1, v19;
	v16 =	vadd.s32 $0x7FFF, v16;
	v22 =	vand.u32 $0xFFFF0000, v10  }
0x69: {  	v24 =	vand.u32 $0xFFFF0000, v16;
	v23 =	vbroadcast v22, $0x0;
	v16 =	vbroadcast v22, $0xF  }
0x6a: {  	v10 =	vadd.s32 v18, v17;
	v17 =	vbroadcast v24, $0x0;
	v27 =	vbroadcast v22, $0xD  }
0x6b: {  	v21 =	vld [tilespmem:$0x15DB0];
	v18 =	vbroadcast v24, $0x2;
	v25 =	vbroadcast v22, $0xB  }
0x6c: {  	v29 =	vbroadcast v22, $0x9;
	v31 =	vbroadcast v24, $0xF  }
0x6d: {  	v53 =	vshrl.u32 v43, $0x10;
	v26 =	vbroadcast v24, $0x4;
	v32 =	vbroadcast v22, $0x8  }
0x6e: {  	v53 =	vand.u32 $0x1, v53;
	v34 =	vbroadcast v24, $0xB;
	v35 =	vbroadcast v24, $0x7  }
0x6f: {  	v43 =	vadd.s32 v53, v43;
	v37 =	vbroadcast v22, $0x7;
	v39 =	vbroadcast v22, $0x2  }
0x70: {  	v36 =	vshrl.u32 v21, $0x10;
	v40 =	vbroadcast v24, $0x6;
	v41 =	vbroadcast v24, $0x8  }
0x71: {  	v36 =	vand.u32 $0x1, v36;
	v63 =	vbroadcast v22, $0x4;
	v42 =	vbroadcast v24, $0x5  }
0x72: {  	s16 =	simm.s32 $0xBF30;
	v21 =	vadd.s32 v36, v21;
	v45 =	vbroadcast v22, $0x1;
	v46 =	vbroadcast v22, $0x3  }
0x73: {  	s14 =	simm.s32 $0x97B0;
	v52 =	vld [tilespmem:s16+$0x0];
	v10 =	vadd.s32 $0x7FFF, v10;
	v47 =	vbroadcast v22, $0x6;
	v49 =	vbroadcast v22, $0x5  }
0x74: {  	v36 =	vld [tilespmem:s14+$0x0];
	v53 =	vbroadcast v22, $0xA;
	v58 =	vbroadcast v22, $0xC;
	v10 =	vand.u32 $0xFFFF0000, v10  }
0x75: {  	s7 =	simm.s32 $0xE6B0;
	v50 =	vld [tilespmem:s16+$0xFFFFFFF0];
	[tilespmem:$0x1FF90] =	vst v7;
	v20 =	vadd.s32 $0x7FFF, v12;
	v59 =	vbroadcast v24, $0xE;
	v12 =	vmul.f32 v10, v16  }
0x76: {  	v55 =	vld [tilespmem:s7+$0x0];
	v28 =	vmul.f32 v3, v17;
	v16 =	vbroadcast v24, $0x3  }
0x77: {  	v43 =	vadd.s32 $0x7FFF, v43;
	v30 =	vmul.f32 v5, v18;
	v40 =	vmul.f32 v11, v40  }
0x78: {  	v21 =	vadd.s32 $0x7FFF, v21;
	v19 =	vld [tilespmem:$0x15DD0];
	v48 =	vmul.f32 v9, v37;
	v37 =	vbroadcast v24, $0x9  }
0x79: {  	v36 =	vadd.f32 v52, v36;
	v47 =	vmul.f32 v11, v47;
	v51 =	vmul.f32 v14, v32  }
0x7a: {  	v21 =	vand.u32 $0xFFFF0000, v21;
	v32 =	vbroadcast v24, $0xC;
	v49 =	vmul.f32 v7, v49  }
0x7b: {  	v36 =	vadd.f32 v55, v36;
	v54 =	vmul.f32 v7, v42;
	v45 =	vmul.f32 v4, v45  }
0x7c: {  	v17 =	vand.u32 $0xFFFF0000, v20;
	v57 =	vmul.f32 v62, v26;
	v60 =	vmul.f32 v3, v23  }
0x7d: {  	v7 =	vld [tilespmem:s14+$0xFFFFFFF0];
	v26 =	vmul.f32 v21, v25;
	v52 =	vmul.f32 v8, v46;
	v20 =	vshrl.u32 v19, $0x10  }
0x7e: {  	v41 =	vmul.f32 v14, v41;
	v39 =	vmul.f32 v5, v39;
	v18 =	vand.u32 $0x1, v20;
	v20 =	vld [tilespmem:$0x15DE0]  }
0x7f: {  	v56 =	vld [tilespmem:s7+$0xFFFFFFF0];
	v33 =	vmul.f32 v8, v16;
	v18 =	vadd.s32 v18, v19;
	v19 =	vbroadcast v24, $0xA  }
0x80: {  	s14 =	simm.s32 $0x10E30;
	[tilespmem:$0x1FFA0] =	vst v62;
	v16 =	vadd.s32 $0x7FFF, v18;
	v18 =	vbroadcast v24, $0xD;
	v24 =	vbroadcast v24, $0x1  }
0x81: {  	v23 =	vld [tilespmem:s14+$0xFFFFFFF0];
	v61 =	vmul.f32 v17, v53;
	v16 =	vand.u32 $0xFFFF0000, v16;
	v44 =	vmul.f32 v17, v19  }
0x82: {  	v25 =	vadd.f32 v50, v7;
	v50 =	vmul.f32 v13, v37;
	v7 =	vmul.f32 v4, v24  }
0x83: {  	v18 =	vmul.f32 v16, v18;
	v24 =	vand.u32 $0xFFFF0000, v43;
	v38 =	vshrl.u32 v20, $0x10  }
0x84: {  	v56 =	vadd.f32 v56, v25;
	v37 =	vadd.f32 v7, v28;
	v28 =	vmul.f32 v16, v27  }
0x85: {  	v38 =	vand.u32 $0x1, v38;
	v27 =	vmul.f32 v10, v31;
	v31 =	vmul.f32 v24, v58  }
0x86: {  	v19 =	vadd.s32 v38, v20;
	v38 =	vmul.f32 v62, v63;
	v62 =	vmul.f32 v56, v23  }
0x87: {  	v7 =	vmul.f32 v9, v35;
	v20 =	vbroadcast v22, $0xE;
	v22 =	vld [tilespmem:s14+$0x0];
	v63 =	vadd.f32 v45, v60  }
0x88: {  	v56 =	vmul.f32 v13, v29;
	v19 =	vadd.s32 $0x7FFF, v19;
	v29 =	vadd.f32 v62, v15  }
0x89: {  	v30 =	vadd.f32 v37, v30;
	v19 =	vand.u32 $0xFFFF0000, v19;
	v53 =	vadd.f32 v63, v39  }
0x8a: {  	v20 =	vmul.f32 v19, v20;
	v25 =	vmul.f32 v19, v59;
	v29 =	vmax.f32 v29, $0.0e+00  }
0x8b: {  	v30 =	vadd.f32 v30, v33;
	v37 =	vadd.f32 v53, v52;
	v6 =	vshrl.u32 v29, $0x10  }
0x8c: {  	v59 =	vmul.f32 v21, v34;
	v36 =	vmul.f32 v36, v22;
	v46 =	vand.u32 $0x1, v6  }
0x8d: {  	v30 =	vadd.f32 v30, v57;
	v62 =	vadd.f32 v37, v38;
	v29 =	vadd.s32 v46, v29  }
0x8e: {  	v34 =	vmul.f32 v24, v32;
	v36 =	vadd.f32 v36, v15;
	v29 =	vadd.s32 $0x7FFF, v29  }
0x8f: {  	v30 =	vadd.f32 v30, v54;
	v43 =	vadd.f32 v62, v49;
	v35 =	vand.u32 $0xFFFF0000, v29  }
0x90: {  	v36 =	vmax.f32 v36, $0.0e+00;
	v58 =	vbroadcast v35, $0x0;
	v60 =	vbroadcast v35, $0x2  }
0x91: {  	v30 =	vadd.f32 v30, v40;
	v63 =	vbroadcast v35, $0x3;
	v33 =	vbroadcast v35, $0xF  }
0x92: {  	[tilespmem:$0x1FFB0] =	vst v4;
	v4 =	vshrl.u32 v36, $0x10;
	v52 =	vbroadcast v35, $0x4;
	v40 =	vbroadcast v35, $0xB  }
0x93: {  	v47 =	vadd.f32 v43, v47;
	v43 =	vbroadcast v35, $0x7;
	v6 =	vbroadcast v35, $0x6  }
0x94: {  	v54 =	vbroadcast v35, $0x8;
	v32 =	vand.u32 $0x1, v4;
	v4 =	vbroadcast v35, $0xD  }
0x95: {  	v30 =	vadd.f32 v30, v7;
	v45 =	vmul.f32 v3, v58;
	v38 =	vmul.f32 v5, v60  }
0x96: {  	[tilespmem:$0x1FFD0] =	vst v5;
	v32 =	vadd.s32 v32, v36;
	v39 =	vmul.f32 v8, v63;
	v5 =	vbroadcast v35, $0xA  }
0x97: {  	v58 =	vbroadcast v35, $0x5;
	v32 =	vadd.s32 $0x7FFF, v32;
	v49 =	vmul.f32 v16, v4  }
0x98: {  	v41 =	vadd.f32 v30, v41;
	v36 =	vand.u32 $0xFFFF0000, v32;
	v30 =	vmul.f32 v17, v5  }
0x99: {  	v46 =	vbroadcast v36, $0x0;
	v32 =	vbroadcast v36, $0xF  }
0x9a: {  	v48 =	vadd.f32 v47, v48;
	v29 =	vbroadcast v36, $0xD;
	v42 =	vbroadcast v36, $0xB  }
0x9b: {  	v37 =	vbroadcast v36, $0x9;
	v53 =	vbroadcast v36, $0x8  }
0x9c: {  	v48 =	vadd.f32 v48, v51;
	v62 =	vbroadcast v36, $0x7;
	v47 =	vbroadcast v36, $0x2  }
0x9d: {  	v55 =	vbroadcast v36, $0x4;
	v50 =	vadd.f32 v41, v50;
	v41 =	vmul.f32 v11, v6  }
0x9e: {  	v7 =	vbroadcast v36, $0xE;
	v60 =	vbroadcast v36, $0x1;
	v48 =	vadd.f32 v48, v56  }
0x9f: {  	[tilespmem:$0x1FFC0] =	vst v3;
	v56 =	vbroadcast v36, $0x3;
	v32 =	vmul.f32 v10, v32;
	v63 =	vadd.f32 v50, v44  }
0xa0: {  	s8 =	simm.s32 $0x13590;
	s11 =	simm.s32 $0x2;
	[tilespmem:$0x1FFE0] =	vst v8;
	v50 =	vmul.f32 v19, v7;
	v44 =	vmul.f32 v9, v62  }
0xa1: {  	s16 =	simm.s32 $0x97D0;
	s9 =	simm.s32 $0x13590;
	s12 =	simm.s32 $0xBF50;
	[tilespmem:$0x1FFF0] =	vst v9;
	v57 =	vadd.f32 v48, v61;
	v48 =	vbroadcast v36, $0x6;
	v59 =	vadd.f32 v63, v59  }
.LBB2_4:
0xa2: {  	v61 =	vld [tilespmem:s16+$0x0]  }
0xa3: {  	v3 =	vld [tilespmem:s12+$0xFFFFFFF0]  }
0xa4: {  	v4 =	vld [tilespmem:$0x1FF90]  }
0xa5: {  	v8 =	vld [tilespmem:$0x1FFB0]  }
0xa6: {  	v5 =	vld [tilespmem:$0x1FFA0]  }
0xa7: {  	v62 =	vbroadcast v35, $0x9;
	v63 =	vbroadcast v36, $0x5;
	v7 =	vld [tilespmem:$0x1FFC0]  }
0xa8: {  	v9 =	vld [tilespmem:$0x1FFE0];
	v51 =	vmul.f32 v11, v48;
	v48 =	vmul.f32 v14, v53;
	v34 =	vadd.f32 v59, v34  }
0xa9: {  	s7 =	sadd.s32 $0x20, s7;
	v59 =	vbroadcast v35, $0xC;
	v26 =	vadd.f32 v57, v26;
	v57 =	vld [tilespmem:s12+$0x0];
	v63 =	vmul.f32 v4, v63  }
0xaa: {  	v53 =	vld [tilespmem:s7+$0x0];
	v34 =	vadd.f32 v34, v18;
	v58 =	vmul.f32 v4, v58;
	v60 =	vmul.f32 v8, v60  }
0xab: {  	v18 =	vmovc v49;
	v49 =	vld [tilespmem:s16+$0xFFFFFFF0];
	v26 =	vadd.f32 v26, v31;
	v55 =	vmul.f32 v5, v55;
	v4 =	vbroadcast v36, $0xA  }
0xac: {  	s14 =	sadd.s32 $0x20, s14;
	v31 =	vld [tilespmem:s7+$0xFFFFFFF0];
	v52 =	vmul.f32 v5, v52;
	v36 =	vbroadcast v36, $0xC;
	v25 =	vadd.f32 v34, v25  }
0xad: {  	v5 =	vld [tilespmem:s14+$0x0];
	v34 =	vbroadcast v35, $0xE;
	v46 =	vmul.f32 v7, v46  }
0xae: {  	v35 =	vbroadcast v35, $0x1;
	v27 =	vadd.f32 v25, v27;
	v25 =	vadd.f32 v57, v61  }
0xaf: {  	v6 =	vld [tilespmem:s14+$0xFFFFFFF0];
	v28 =	vadd.f32 v26, v28;
	v26 =	vmul.f32 v21, v42;
	v42 =	vmul.f32 v9, v56  }
0xb0: {  	v56 =	vmul.f32 v13, v62;
	v3 =	vadd.f32 v3, v49;
	v53 =	vadd.f32 v53, v25  }
0xb1: {  	v28 =	vadd.f32 v28, v20;
	v20 =	vmovc v50;
	v35 =	vmul.f32 v8, v35;
	v50 =	vmul.f32 v14, v54  }
0xb2: {  	v4 =	vmul.f32 v17, v4;
	v3 =	vadd.f32 v31, v3;
	v31 =	vmul.f32 v53, v5  }
0xb3: {  	v57 =	vmul.f32 v13, v37;
	v61 =	vmul.f32 v21, v40;
	v28 =	vadd.f32 v28, v12  }
0xb4: {  	v25 =	vmul.f32 v19, v34;
	v3 =	vmul.f32 v3, v6;
	v8 =	vadd.f32 v31, v15  }
0xb5: {  	v54 =	vadd.f32 v60, v46;
	v27 =	vmul.f32 v27, v2;
	v34 =	vmul.f32 v28, v1  }
0xb6: {  	v28 =	vmul.f32 v16, v29;
	v3 =	vadd.f32 v3, v15;
	v29 =	vmax.f32 v8, $0.0e+00;
	v8 =	vld [tilespmem:$0x1FFD0]  }
0xb7: {  	v12 =	vmovc v32;
	v32 =	vadd.f32 v35, v45;
	[tilespmem:s9+$0x0] =	vst v34;
	v34 =	vmul.f32 v24, v59;
	v59 =	vld [tilespmem:$0x1FFF0];
	v46 =	vshrl.u32 v29, $0x10  }
0xb8: {  	v1 =	vmovc v22;
	[tilespmem:s9+$0xFFFFFFF0] =	vst v27;
	v27 =	vmul.f32 v10, v33;
	v22 =	vmovc v5;
	v3 =	vmax.f32 v3, $0.0e+00;
	v5 =	vand.u32 $0x1, v46  }
0xb9: {  	v31 =	vmul.f32 v24, v36;
	v53 =	vshrl.u32 v3, $0x10;
	v5 =	vadd.s32 v5, v29  }
0xba: {  	v33 =	vand.u32 $0x1, v53;
	v29 =	vadd.f32 v32, v38;
	v5 =	vadd.s32 $0x7FFF, v5  }
0xbb: {  	v3 =	vadd.s32 v33, v3;
	v49 =	vmul.f32 v8, v47;
	v36 =	vand.u32 $0xFFFF0000, v5  }
0xbc: {  	v47 =	vmul.f32 v59, v43;
	v3 =	vadd.s32 $0x7FFF, v3;
	v46 =	vbroadcast v36, $0x0  }
0xbd: {  	v35 =	vand.u32 $0xFFFF0000, v3;
	v3 =	vbroadcast v36, $0xF;
	v37 =	vbroadcast v36, $0x9  }
0xbe: {  	v2 =	vmovc v23;
	v23 =	vmovc v6;
	v53 =	vbroadcast v36, $0x8;
	v6 =	vadd.f32 v54, v49;
	v60 =	vbroadcast v35, $0x0  }
0xbf: {  	v54 =	vadd.f32 v29, v39;
	v29 =	vbroadcast v36, $0xD;
	v62 =	vbroadcast v35, $0x2  }
0xc0: {  	v49 =	vbroadcast v35, $0x3;
	v33 =	vbroadcast v35, $0xF  }
0xc1: {  	v40 =	vbroadcast v35, $0xB;
	v32 =	vmul.f32 v10, v3;
	v6 =	vadd.f32 v6, v42  }
0xc2: {  	v3 =	vadd.f32 v54, v52;
	v45 =	vmul.f32 v7, v60;
	v42 =	vbroadcast v36, $0xB  }
0xc3: {  	v38 =	vmul.f32 v8, v62;
	v52 =	vbroadcast v35, $0x4  }
0xc4: {  	v39 =	vmul.f32 v9, v49;
	v43 =	vadd.f32 v6, v55;
	v3 =	vadd.f32 v3, v58  }
0xc5: {  	v60 =	vbroadcast v35, $0xD;
	v62 =	vbroadcast v35, $0xA  }
0xc6: {  	v54 =	vbroadcast v35, $0x8;
	v5 =	vadd.f32 v43, v63;
	v3 =	vadd.f32 v3, v41  }
0xc7: {  	v49 =	vmul.f32 v16, v60;
	v55 =	vbroadcast v36, $0x4  }
0xc8: {  	v58 =	vbroadcast v35, $0x5;
	v5 =	vadd.f32 v5, v51;
	v3 =	vadd.f32 v3, v47  }
0xc9: {  	v60 =	vbroadcast v36, $0x1;
	v43 =	vbroadcast v35, $0x7  }
0xca: {  	s11 =	sadd.s32 $0x2, s11;
	v63 =	vbroadcast v35, $0x6;
	v5 =	vadd.f32 v5, v44;
	v3 =	vadd.f32 v3, v50  }
0xcb: {  	p1 =	slt.u32 s11, $0x276;
	v51 =	vbroadcast v36, $0x7;
	v47 =	vbroadcast v36, $0x2  }
.Ltmp1:
0xcc: {  	v41 =	vmul.f32 v11, v63;
	v5 =	vadd.f32 v5, v48;
	v3 =	vadd.f32 v3, v56;
	(pc) =	sbr.rel @p1 .LBB2_4-.Ltmp1, $4  }
0xcd: {  	v44 =	vmul.f32 v17, v62;
	v50 =	vbroadcast v36, $0xE  }
0xce: {  	v56 =	vbroadcast v36, $0x3;
	v5 =	vadd.f32 v5, v57;
	v3 =	vadd.f32 v3, v30  }
0xcf: {  	s8 =	sadd.s32 $0x20, s8;
	v50 =	vmul.f32 v19, v50;
	v48 =	vbroadcast v36, $0x6  }
0xd0: {  	s12 =	sadd.s32 $0x20, s12;
	s16 =	sadd.s32 $0x20, s16;
	s9 =	smov.u32 s8;
	v30 =	vmovc v44;
	v44 =	vmul.f32 v59, v51;
	v57 =	vadd.f32 v5, v4;
	v59 =	vadd.f32 v3, v61  }
0xd1: {  	v4 =	vld [tilespmem:$0x1FFB0];
	_ =	sdelay $0x2  }
0xd2: {  	v3 =	vbroadcast v35, $0x1;
	v5 =	vld [tilespmem:$0x1FFC0];
	_ =	sdelay $0x1  }
0xd3: {  	v3 =	vmul.f32 v4, v3;
	v4 =	vmul.f32 v4, v60;
	v60 =	vld [tilespmem:$0x1FFD0];
	_ =	sdelay $0x1  }
0xd4: {  	v6 =	vld [tilespmem:$0x1FFE0]  }
0xd5: {  	v7 =	vld [tilespmem:$0x1FFA0];
	v5 =	vmul.f32 v5, v46  }
0xd6: {  	v3 =	vadd.f32 v3, v45  }
0xd7: {  	v62 =	vld [tilespmem:$0x1FF90];
	v4 =	vadd.f32 v4, v5;
	v5 =	vmul.f32 v60, v47  }
0xd8: {  	v3 =	vadd.f32 v3, v38  }
0xd9: {  	v6 =	vmul.f32 v6, v56;
	v4 =	vadd.f32 v4, v5  }
0xda: {  	v61 =	vmul.f32 v7, v52;
	v3 =	vadd.f32 v3, v39  }
0xdb: {  	v8 =	vbroadcast v36, $0x5;
	v15 =	vmul.f32 v7, v55;
	v39 =	vld [tilespmem:$0x1FFF0];
	v4 =	vadd.f32 v4, v6  }
0xdc: {  	v63 =	vmul.f32 v62, v58;
	v3 =	vadd.f32 v3, v61  }
0xdd: {  	v9 =	vmul.f32 v62, v8;
	v4 =	vadd.f32 v4, v15  }
0xde: {  	v3 =	vadd.f32 v3, v63  }
0xdf: {  	v38 =	vmul.f32 v11, v48;
	v4 =	vadd.f32 v4, v9  }
0xe0: {  	v5 =	vmul.f32 v39, v43;
	v3 =	vadd.f32 v3, v41  }
0xe1: {  	v4 =	vadd.f32 v4, v38  }
0xe2: {  	v46 =	vmul.f32 v14, v54;
	v45 =	vbroadcast v35, $0x9;
	v3 =	vadd.f32 v3, v5  }
0xe3: {  	v47 =	vmul.f32 v14, v53;
	v4 =	vadd.f32 v4, v44  }
0xe4: {  	v6 =	vmul.f32 v13, v45;
	v3 =	vadd.f32 v3, v46  }
0xe5: {  	v51 =	vmul.f32 v13, v37;
	v48 =	vbroadcast v36, $0xA;
	v4 =	vadd.f32 v4, v47  }
0xe6: {  	v3 =	vadd.f32 v3, v6  }
0xe7: {  	v52 =	vbroadcast v35, $0xC;
	v53 =	vmul.f32 v17, v48;
	v4 =	vadd.f32 v4, v51  }
0xe8: {  	v54 =	vadd.f32 v57, v26;
	v55 =	vmul.f32 v21, v40;
	v3 =	vadd.f32 v3, v30  }
0xe9: {  	v56 =	vmul.f32 v21, v42;
	v9 =	vbroadcast v36, $0xC;
	v4 =	vadd.f32 v4, v53  }
0xea: {  	v57 =	vadd.f32 v59, v34;
	v5 =	vmul.f32 v24, v52;
	v3 =	vadd.f32 v3, v55  }
0xeb: {  	v7 =	vadd.f32 v54, v31;
	v58 =	vmul.f32 v24, v9;
	v4 =	vadd.f32 v4, v56  }
0xec: {  	v59 =	vbroadcast v35, $0xE;
	v6 =	vadd.f32 v57, v18;
	v3 =	vadd.f32 v3, v5  }
0xed: {  	v60 =	vadd.f32 v7, v28;
	v61 =	vmul.f32 v16, v29;
	v4 =	vadd.f32 v4, v58  }
0xee: {  	v62 =	vmul.f32 v19, v59;
	v6 =	vadd.f32 v6, v25;
	v3 =	vadd.f32 v3, v49  }
0xef: {  	v5 =	vadd.f32 v60, v20;
	v4 =	vadd.f32 v4, v61  }
0xf0: {  	v63 =	vmul.f32 v10, v33;
	v6 =	vadd.f32 v6, v27;
	v3 =	vadd.f32 v3, v62  }
0xf1: {  	v5 =	vadd.f32 v5, v12;
	v4 =	vadd.f32 v4, v50  }
0xf2: {  	v2 =	vmul.f32 v6, v2;
	v3 =	vadd.f32 v3, v63  }
0xf3: {  	v1 =	vmul.f32 v5, v1;
	v4 =	vadd.f32 v4, v32  }
0xf4: {  	[tilespmem:s9+$0xFFFFFFF0] =	vst v2;
	v2 =	vmul.f32 v3, v23  }
0xf5: {  	s7 =	sadd.s32 $0x20, s8;
	[tilespmem:s9+$0x0] =	vst v1;
	v1 =	vmul.f32 v4, v22  }
0xf6: {  	[tilespmem:s7+$0xFFFFFFF0] =	vst v2  }
0xf7: {  	s11 =	simm.s32 $0x7000;
	[tilespmem:s7+$0x0] =	vst v1  }
0xf8: {  	[spmem:s10] =	stream.linear.scatter [tilespmem:s11], [sflag:$0x9], $0x2780, $0x38;
	[tilespmem:$0x1AD10] =	vst v63  }
0xf9: {  	_ =	swait.ge [sflag:s13], $0x2780  }
0xfa: {  	[sflag:s13] =	ssyncset.done $0x0  }
0xfb: {  	s14 =	simm.s32 $0x13580;
	s12 =	rddreg [dreg:$0xa];
	[sflag:s13] =	ssyncadd.s32 $0xFFFFD880  }
0xfc: {  	[spmem:s12] =	stream.linear.scatter [tilespmem:s14], [sflag:$0x9], $0x2780, $0x38;
	[tilespmem:$0x1AD10] =	vst v63  }
0xfd: {  	_ =	swait.ge [sflag:s13], $0x2780  }
0xfe: {  	[sflag:s13] =	ssyncset.done $0x0  }
0xff: {  	s8 =	simm.s32 @!p0 $0x13580;
	s7 =	simm.s32 @!p0 $0x0;
	[sflag:s13] =	ssyncadd.s32 $0xFFFFD880  }
0x100: {  	[hbm4b:s22+s7] =	stream.linear.scatter @!p0 [tilespmem:s8], [sflag:$0x9], $0x2780, $0x38;
	[tilespmem:$0x1AD10] =	vst v63  }
0x101: {  	s8 =	simm.s32 @!p0 $0x9  }
0x102: {  	_ =	swait.ge @!p0 [sflag:s8], $0x2780  }
0x103: {  	[sflag:s8] =	ssyncset.done @!p0 $0x0  }
0x104: {  	s9 =	simm.s32 @!p0 $0x10E00;
	[sflag:s8] =	ssyncadd.s32 @!p0 $0xFFFFD880  }
0x105: {  	[hbm4b:s23+s7] =	stream.linear.scatter @!p0 [tilespmem:s9], [sflag:$0x9], $0x2780, $0x38;
	[tilespmem:$0x1AD10] =	vst v63  }
0x106: {  	_ =	swait.ge @!p0 [sflag:s8], $0x2780  }
0x107: {  	[sflag:s8] =	ssyncset.done @!p0 $0x0  }
0x108: {  	[sflag:s8] =	ssyncadd.s32 @!p0 $0xFFFFD880  }
0x109: {  	s16 =	simm.s32 $0x0;
	[bflag:$0x0] =	sbarrier.arrive $0xFFFF  }
0x10a: {  	[tilespmem:s31], [sflag:$0x1] =	stream.indirect.gather [spmem:s3], $0x10, s16, s30, $0xb8;
	[tilespmem:$0x1AD10] =	vst v63  }
0x10b: {  	_ = 	snop  }
0x10c: {  	[tilespmem:s0], [sflag:$0x2] =	stream.indirect.gather [spmem:s3], $0x10, s30, s30, $0xb8;
	[tilespmem:$0x1AD10] =	vst v63  }
0x10d: {  	s8 =	simm.s32 $0x100  }
0x10e: {  	[tilespmem:s17], [sflag:$0x3] =	stream.indirect.gather [spmem:s3], $0x10, s8, s30, $0xb8;
	[tilespmem:$0x1AD10] =	vst v63  }
0x10f: {  	s9 =	simm.s32 $0x180  }
0x110: {  	[tilespmem:s21], [sflag:$0x4] =	stream.indirect.gather [spmem:s3], $0x10, s9, s30, $0xb8;
	[tilespmem:$0x1AD10] =	vst v63  }
0x111: {  	_ =	swait.ge [sflag:s25], $0x800  }
0x112: {  	[sflag:s25] =	ssyncset.done $0x0  }
0x113: {  	s12 =	simm.s32 $0x2800;
	[sflag:s25] =	ssyncadd.s32 $0xFFFFF800  }
0x114: {  	[spmem:s1] =	stream.indirect.scatter.add.f32 [tilespmem:s31], [sflag:$0x5], $0x10, s12, s30, $0xb8;
	[tilespmem:$0x1AD10] =	vst v63  }
0x115: {  	_ =	swait.ge [sflag:s26], $0x800  }
0x116: {  	[sflag:s26] =	ssyncset.done $0x0  }
0x117: {  	s11 =	simm.s32 $0x200;
	[sflag:s26] =	ssyncadd.s32 $0xFFFFF800  }
0x118: {  	[tilespmem:s31], [sflag:$0x1] =	stream.indirect.gather [spmem:s3], $0x10, s11, s30, $0xb8;
	[tilespmem:$0x1AD10] =	vst v63  }
0x119: {  	_ =	swait.ge [sflag:s29], $0x800  }
0x11a: {  	[sflag:s29] =	ssyncset.done $0x0  }
0x11b: {  	s14 =	simm.s32 $0x2880;
	[sflag:s29] =	ssyncadd.s32 $0xFFFFF800  }
0x11c: {  	[spmem:s1] =	stream.indirect.scatter.add.f32 [tilespmem:s0], [sflag:$0x6], $0x10, s14, s30, $0xb8;
	[tilespmem:$0x1AD10] =	vst v63  }
0x11d: {  	_ =	swait.ge [sflag:s19], $0x800  }
0x11e: {  	[sflag:s19] =	ssyncset.done $0x0  }
0x11f: {  	s16 =	simm.s32 $0x280;
	[sflag:s19] =	ssyncadd.s32 $0xFFFFF800  }
0x120: {  	[tilespmem:s0], [sflag:$0x2] =	stream.indirect.gather [spmem:s3], $0x10, s16, s30, $0xb8;
	[tilespmem:$0x1AD10] =	vst v63  }
0x121: {  	_ =	swait.ge [sflag:s15], $0x800  }
0x122: {  	[sflag:s15] =	ssyncset.done $0x0  }
0x123: {  	s8 =	simm.s32 $0x2900;
	[sflag:s15] =	ssyncadd.s32 $0xFFFFF800  }
0x124: {  	[spmem:s1] =	stream.indirect.scatter.add.f32 [tilespmem:s17], [sflag:$0x7], $0x10, s8, s30, $0xb8;
	[tilespmem:$0x1AD10] =	vst v63  }
0x125: {  	_ =	swait.ge [sflag:s28], $0x800  }
0x126: {  	[sflag:s28] =	ssyncset.done $0x0  }
0x127: {  	s9 =	simm.s32 $0x300;
	[sflag:s28] =	ssyncadd.s32 $0xFFFFF800  }
0x128: {  	[tilespmem:s17], [sflag:$0x3] =	stream.indirect.gather [spmem:s3], $0x10, s9, s30, $0xb8;
	[tilespmem:$0x1AD10] =	vst v63  }
0x129: {  	_ =	swait.ge [sflag:s2], $0x800  }
0x12a: {  	[sflag:s2] =	ssyncset.done $0x0  }
0x12b: {  	s11 =	simm.s32 $0x2980;
	[sflag:s2] =	ssyncadd.s32 $0xFFFFF800  }
0x12c: {  	[spmem:s1] =	stream.indirect.scatter.add.f32 [tilespmem:s21], [sflag:$0x8], $0x10, s11, s30, $0xb8;
	[tilespmem:$0x1AD10] =	vst v63  }
0x12d: {  	_ =	swait.ge [sflag:s5], $0x800  }
0x12e: {  	[sflag:s5] =	ssyncset.done $0x0  }
0x12f: {  	s14 =	simm.s32 $0x380;
	[sflag:s5] =	ssyncadd.s32 $0xFFFFF800  }
0x130: {  	[tilespmem:s21], [sflag:$0x4] =	stream.indirect.gather [spmem:s3], $0x10, s14, s30, $0xb8;
	[tilespmem:$0x1AD10] =	vst v63  }
0x131: {  	_ =	swait.ge [sflag:s25], $0x800  }
0x132: {  	[sflag:s25] =	ssyncset.done $0x0  }
0x133: {  	s16 =	simm.s32 $0x2A00;
	[sflag:s25] =	ssyncadd.s32 $0xFFFFF800  }
0x134: {  	[spmem:s1] =	stream.indirect.scatter.add.f32 [tilespmem:s31], [sflag:$0x5], $0x10, s16, s30, $0xb8;
	[tilespmem:$0x1AD10] =	vst v63  }
0x135: {  	_ =	swait.ge [sflag:s26], $0x800  }
0x136: {  	[sflag:s26] =	ssyncset.done $0x0  }
0x137: {  	s8 =	simm.s32 $0x400;
	[sflag:s26] =	ssyncadd.s32 $0xFFFFF800  }
0x138: {  	[tilespmem:s31], [sflag:$0x1] =	stream.indirect.gather [spmem:s3], $0x10, s8, s30, $0xb8;
	[tilespmem:$0x1AD10] =	vst v63  }
0x139: {  	_ =	swait.ge [sflag:s29], $0x800  }
0x13a: {  	[sflag:s29] =	ssyncset.done $0x0  }
0x13b: {  	s9 =	simm.s32 $0x2A80;
	[sflag:s29] =	ssyncadd.s32 $0xFFFFF800  }
0x13c: {  	[spmem:s1] =	stream.indirect.scatter.add.f32 [tilespmem:s0], [sflag:$0x6], $0x10, s9, s30, $0xb8;
	[tilespmem:$0x1AD10] =	vst v63  }
0x13d: {  	_ =	swait.ge [sflag:s19], $0x800  }
0x13e: {  	[sflag:s19] =	ssyncset.done $0x0  }
0x13f: {  	s11 =	simm.s32 $0x480;
	[sflag:s19] =	ssyncadd.s32 $0xFFFFF800  }
0x140: {  	[tilespmem:s0], [sflag:$0x2] =	stream.indirect.gather [spmem:s3], $0x10, s11, s30, $0xb8;
	[tilespmem:$0x1AD10] =	vst v63  }
0x141: {  	_ =	swait.ge [sflag:s15], $0x800  }
0x142: {  	[sflag:s15] =	ssyncset.done $0x0  }
0x143: {  	s14 =	simm.s32 $0x2B00;
	[sflag:s15] =	ssyncadd.s32 $0xFFFFF800  }
0x144: {  	[spmem:s1] =	stream.indirect.scatter.add.f32 [tilespmem:s17], [sflag:$0x7], $0x10, s14, s30, $0xb8;
	[tilespmem:$0x1AD10] =	vst v63  }
0x145: {  	_ =	swait.ge [sflag:s28], $0x800  }
0x146: {  	[sflag:s28] =	ssyncset.done $0x0  }
0x147: {  	s16 =	simm.s32 $0x500;
	[sflag:s28] =	ssyncadd.s32 $0xFFFFF800  }
0x148: {  	[tilespmem:s17], [sflag:$0x3] =	stream.indirect.gather [spmem:s3], $0x10, s16, s30, $0xb8;
	[tilespmem:$0x1AD10] =	vst v63  }
0x149: {  	_ =	swait.ge [sflag:s2], $0x800  }
0x14a: {  	[sflag:s2] =	ssyncset.done $0x0  }
0x14b: {  	s7 =	simm.s32 $0x800;
	s8 =	simm.s32 $0x2B80;
	[sflag:s2] =	ssyncadd.s32 $0xFFFFF800  }
.LBB2_6:
0x14c: {  	[spmem:s1] =	stream.indirect.scatter.add.f32 [tilespmem:s21], [sflag:$0x8], $0x10, s8, s30, $0xb8;
	[tilespmem:$0x1AD10] =	vst v63  }
0x14d: {  	s8 =	smov.u32 s7  }
0x14e: {  	p1 =	sne.s32 s7, $0x8800;
	s7 =	sadd.s32 $0x800, s7;
	_ =	swait.ge [sflag:s5], $0x800  }
0x14f: {  	s8 =	sshra.s32 s8, $0x2;
	[sflag:s5] =	ssyncset.done $0x0  }
0x150: {  	s9 =	sadd.s32 $0x380, s8;
	[sflag:s5] =	ssyncadd.s32 $0xFFFFF800  }
0x151: {  	[tilespmem:s21], [sflag:$0x4] =	stream.indirect.gather [spmem:s3], $0x10, s9, s30, $0xb8;
	[tilespmem:$0x1AD10] =	vst v63  }
0x152: {  	_ =	swait.ge [sflag:s25], $0x800  }
0x153: {  	[sflag:s25] =	ssyncset.done $0x0  }
0x154: {  	s9 =	sadd.s32 $0x2A00, s8;
	[sflag:s25] =	ssyncadd.s32 $0xFFFFF800  }
0x155: {  	[spmem:s1] =	stream.indirect.scatter.add.f32 [tilespmem:s31], [sflag:$0x5], $0x10, s9, s30, $0xb8;
	[tilespmem:$0x1AD10] =	vst v63  }
0x156: {  	_ =	swait.ge [sflag:s26], $0x800  }
0x157: {  	[sflag:s26] =	ssyncset.done $0x0  }
0x158: {  	s9 =	sadd.s32 $0x400, s8;
	[sflag:s26] =	ssyncadd.s32 $0xFFFFF800  }
0x159: {  	[tilespmem:s31], [sflag:$0x1] =	stream.indirect.gather [spmem:s3], $0x10, s9, s30, $0xb8;
	[tilespmem:$0x1AD10] =	vst v63  }
0x15a: {  	_ =	swait.ge [sflag:s29], $0x800  }
0x15b: {  	[sflag:s29] =	ssyncset.done $0x0  }
0x15c: {  	s9 =	sadd.s32 $0x2A80, s8;
	[sflag:s29] =	ssyncadd.s32 $0xFFFFF800  }
0x15d: {  	[spmem:s1] =	stream.indirect.scatter.add.f32 [tilespmem:s0], [sflag:$0x6], $0x10, s9, s30, $0xb8;
	[tilespmem:$0x1AD10] =	vst v63  }
0x15e: {  	_ =	swait.ge [sflag:s19], $0x800  }
0x15f: {  	[sflag:s19] =	ssyncset.done $0x0  }
0x160: {  	s9 =	sadd.s32 $0x480, s8;
	[sflag:s19] =	ssyncadd.s32 $0xFFFFF800  }
0x161: {  	[tilespmem:s0], [sflag:$0x2] =	stream.indirect.gather [spmem:s3], $0x10, s9, s30, $0xb8;
	[tilespmem:$0x1AD10] =	vst v63  }
0x162: {  	_ =	swait.ge [sflag:s15], $0x800  }
0x163: {  	[sflag:s15] =	ssyncset.done $0x0  }
0x164: {  	s9 =	sadd.s32 $0x2B00, s8;
	[sflag:s15] =	ssyncadd.s32 $0xFFFFF800  }
0x165: {  	[spmem:s1] =	stream.indirect.scatter.add.f32 [tilespmem:s17], [sflag:$0x7], $0x10, s9, s30, $0xb8;
	[tilespmem:$0x1AD10] =	vst v63  }
0x166: {  	_ =	swait.ge [sflag:s28], $0x800  }
0x167: {  	[sflag:s28] =	ssyncset.done $0x0  }
.Ltmp2:
0x168: {  	s9 =	sadd.s32 $0x500, s8;
	[sflag:s28] =	ssyncadd.s32 $0xFFFFF800;
	(pc) =	sbr.rel @p1 .LBB2_6-.Ltmp2, $4  }
0x169: {  	[tilespmem:s17], [sflag:$0x3] =	stream.indirect.gather [spmem:s3], $0x10, s9, s30, $0xb8;
	[tilespmem:$0x1AD10] =	vst v63  }
0x16a: {  	_ =	swait.ge [sflag:s2], $0x800  }
0x16b: {  	[sflag:s2] =	ssyncset.done $0x0  }
0x16c: {  	s8 =	sadd.s32 $0x2B80, s8;
	[sflag:s2] =	ssyncadd.s32 $0xFFFFF800  }
0x16d: {  	[spmem:s1] =	stream.indirect.scatter.add.f32 [tilespmem:s21], [sflag:$0x8], $0x10, s8, s30, $0xb8;
	[tilespmem:$0x1AD10] =	vst v63  }
0x16e: {  	_ =	swait.ge [sflag:s5], $0x800  }
0x16f: {  	[sflag:s5] =	ssyncset.done $0x0  }
0x170: {  	s7 =	simm.s32 $0x2780;
	[sflag:s5] =	ssyncadd.s32 $0xFFFFF800  }
0x171: {  	[tilespmem:s21], [sflag:$0x4] =	stream.indirect.gather [spmem:s3], $0x10, s7, s30, $0xb8;
	[tilespmem:$0x1AD10] =	vst v63  }
0x172: {  	_ =	swait.ge [sflag:s25], $0x800  }
0x173: {  	[sflag:s25] =	ssyncset.done $0x0  }
0x174: {  	s14 =	simm.s32 $0x4E00;
	[sflag:s25] =	ssyncadd.s32 $0xFFFFF800  }
0x175: {  	[spmem:s1] =	stream.indirect.scatter.add.f32 [tilespmem:s31], [sflag:$0x5], $0x10, s14, s30, $0xb8;
	[tilespmem:$0x1AD10] =	vst v63  }
0x176: {  	_ =	swait.ge [sflag:s29], $0x800  }
0x177: {  	[sflag:s29] =	ssyncset.done $0x0  }
0x178: {  	s16 =	simm.s32 $0x4E80;
	[sflag:s29] =	ssyncadd.s32 $0xFFFFF800  }
0x179: {  	[spmem:s1] =	stream.indirect.scatter.add.f32 [tilespmem:s0], [sflag:$0x6], $0x10, s16, s30, $0xb8;
	[tilespmem:$0x1AD10] =	vst v63  }
0x17a: {  	_ =	swait.ge [sflag:s15], $0x800  }
0x17b: {  	[sflag:s15] =	ssyncset.done $0x0  }
0x17c: {  	s8 =	simm.s32 $0x4F00;
	[sflag:s15] =	ssyncadd.s32 $0xFFFFF800  }
0x17d: {  	[spmem:s1] =	stream.indirect.scatter.add.f32 [tilespmem:s17], [sflag:$0x7], $0x10, s8, s30, $0xb8;
	[tilespmem:$0x1AD10] =	vst v63  }
0x17e: {  	_ =	swait.ge [sflag:s2], $0x800  }
0x17f: {  	[sflag:s2] =	ssyncset.done $0x0  }
0x180: {  	s9 =	simm.s32 $0x4F80;
	[sflag:s2] =	ssyncadd.s32 $0xFFFFF800  }
0x181: {  	[spmem:s1] =	stream.indirect.scatter.add.f32 [tilespmem:s21], [sflag:$0x8], $0x10, s9, s30, $0xb8;
	[tilespmem:$0x1AD10] =	vst v63  }
0x182: {  	_ =	swait.ge [sflag:s26], $0x800  }
0x183: {  	[sflag:s26] =	ssyncset.done $0x0  }
0x184: {  	[sflag:s26] =	ssyncadd.s32 $0xFFFFF800  }
0x185: {  	_ =	swait.ge [sflag:s19], $0x800  }
0x186: {  	[sflag:s19] =	ssyncset.done $0x0  }
0x187: {  	[sflag:s19] =	ssyncadd.s32 $0xFFFFF800  }
0x188: {  	_ =	swait.ge [sflag:s28], $0x800  }
0x189: {  	[sflag:s28] =	ssyncset.done $0x0  }
0x18a: {  	[sflag:s28] =	ssyncadd.s32 $0xFFFFF800  }
0x18b: {  	_ =	swait.ge [sflag:s5], $0x800  }
0x18c: {  	s11 =	stileid.u32;
	[sflag:s5] =	ssyncset.done $0x0  }
0x18d: {  	s7 =	sshll.u32 s11, $0x6;
	[sflag:s5] =	ssyncadd.s32 $0xFFFFF800  }
0x18e: {  	s7 =	sor.u32 $0x1C09, s7;
	s14 =	sshrl.u32 s10, $0x3;
	[bflag:$0x0] =	sbarrier.arrive $0xFFFF  }
0x18f: {  	[hbm:s24], [sflag:s7] =	dma.local [spmem:s14], $0x4F0  }
0x190: {  	_ =	swait.ge [sflag:s13], $0x4F0  }
0x191: {  	s6 =	sadd.s32 $0x1, s6;
	s16 =	rddreg [dreg:$0xb]  }
0x192: {  	p1 =	sne.s32 s6, s16  }
.Ltmp3:
0x193: {  	_ = 	snop;
	(pc) =	sbr.rel @p1 .LBB2_1-.Ltmp3, $3  }
0x194: {  	_ =	sdelay $0x1  }
0x195: {  	[sflag:s13] =	ssyncset.done $0x0  }
0x196: {  	[sflag:s13] =	ssyncadd.s32 $0xFFFFFB10  }
0x197: {  	_ =	sfence.sel $0x180000  }
0x198: {  	[bflag:$0x0] =	sbarrier.arrive $0xFFFF  }
0x199: {  	_ =	strace $0x9000004D  }
0x19a: {  	s0 =	stileid.u32;
	[bflag:$0x2] =	sbarrier.arrive $0xFFFF  }
0x19b: {  	p0 =	sne.s32 s0, $0x0;
	s0 =	rddreg [dreg:$0x4]  }
0x19c: {  	s0 =	sadd.s32 @!p0 $0x100000, s0  }
0x19d: {  	[sflag:s0] =	ssyncadd.tile.s32 @!p0 $0x1;
	_ =	shalt  }
.Lfunc_end2:
_tile_overlayer_lowered:
.L_overlay_start_2:
0x19e: {  	(tag) =	ssettag $0x2  }
0x19f: {  	s0 =	rddreg [dreg:$0x0];
	s2 =	stileid.u32  }
0x1a0: {  	s1 =	rddreg [dreg:$0x1];
	p0 =	sne.s32 s2, $0x0  }
0x1a1: {  	s3 =	rddreg [dreg:$0x2];
	[bflag:$0x3] =	sbarrier.arrive $0xFFFF;
	s2 =	simm.s32 @!p0 $0x1C09  }
0x1a2: {  	[timem:s3], [sflag:s2] =	dma.local @!p0 [hbm:s0], s1  }
0x1a3: {  	s0 =	simm.s32 @!p0 $0x9  }
0x1a4: {  	_ =	swait.ge @!p0 [sflag:s0], s1  }
0x1a5: {  	s1 =	ssub.s32 @!p0 $0x0, s1;
	[sflag:s0] =	ssyncset.done @!p0 $0x0  }
0x1a6: {  	[sflag:s0] =	ssyncadd.s32 @!p0 s1  }
0x1a7: {  	[bflag:$0x3] =	sbarrier.arrive $0xFFFF  }
0x1a8: {  	_ =	shalt  }

// kernel: kernel.17.cloned.1.call-start
scs
__scs_entry_jumppad:
0x0: {  	(pc) =	sbr.rel $0x88, $3  }
0x1: {  	(tag) =	ssettag $0x0;
	lr =	simm.s32 $0x1  }
0x2: {  	[smem:$0x3F97] =	sst lr;
	_ =	strace $0xD0000000  }
0x3: {  	_ = 	snop  }
0x4: {  	_ = 	snop  }
0x5: {  	_ = 	snop  }
0x6: {  	_ = 	snop  }
0x7: {  	_ = 	snop  }
__scs_overlays_trampoline_lowered:
0x8: {  	[smem:$0x3FA6] =	sst s0  }
0x9: {  	[smem:$0x3FA7] =	sst s1  }
0xa: {  	[smem:$0x3FA8] =	sst s2  }
0xb: {  	[smem:$0x3FA9] =	sst s3  }
0xc: {  	[smem:$0x3FAA] =	sst s4  }
0xd: {  	[smem:$0x3FAB] =	sst s5  }
0xe: {  	[smem:$0x3FAC] =	sst s6  }
0xf: {  	[smem:$0x3FAD] =	sst s7  }
0x10: {  	[smem:$0x3FAE] =	sst s8  }
0x11: {  	[smem:$0x3FAF] =	sst s9;
	s0 =	simm.s32 @!p0 $0x0  }
0x12: {  	s1 =	sld [smem:$0x3F95];
	s0 =	simm.s32 @p0 $0x1  }
0x13: {  	[smem:$0x3FB0] =	sst s0;
	s0 =	simm.s32 @!p1 $0x0  }
0x14: {  	s2 =	sld [smem:$0x3F94];
	s0 =	simm.s32 @p1 $0x1  }
0x15: {  	[smem:$0x3FB1] =	sst s0;
	s0 =	simm.s32 @!p2 $0x0  }
0x16: {  	s3 =	sld [smem:$0x3FDB];
	s0 =	simm.s32 @p2 $0x1  }
0x17: {  	s4 =	simm.s32 $0x1BF5;
	[smem:$0x3FB3] =	sst s0  }
0x18: {  	s0 =	sld [smem:$0x3F96];
	_ =	swait.ge [sflag:s4], $0x0  }
0x19: {  	s7 =	sld [smem:$0x3F97]  }
0x1a: {  	s8 =	sadd.s32 $0xFFFFE003, lr  }
0x1b: {  	s9 =	sadd.s32 $0xFFFFFEF7, lr;
	s5 =	simm.s32 $0xFFFFFFFF;
	p2 =	slt.u32 s8, $0xFFFFF086  }
0x1c: {  	p1 =	slt.u32 s9, $0xF7A;
	s5 =	simm.s32 @!p2 $0x0  }
0x1d: {  	s5 =	simm.s32 @p1 $0x1;
	p0 =	seq.s32 s7, s2  }
0x1e: {  	s7 =	smul.u32 @!p0 $0xF7A, s2;
	p2 =	seq.s32 @!p0 s5, $0x0  }
0x1f: {  	s9 =	smul.u32 $0xF7A, s1;
	s8 =	simm.s32 @!p0 $0x1BF5;
	p2 =	por !p2, p0  }
0x20: {  	[sflag:s8] =	ssyncset.s32 @!p0 $0xFFFFF086;
	s6 =	sadd.s32 @!p0 s3, s7;
	s7 =	simm.s32 @!p0 $0x108  }
0x21: {  	s3 =	sadd.s32 s3, s9;
	s6 =	sadd.s32 @!p0 $0x88, s6;
	s7 =	simm.s32 @p2 $0x1082  }
0x22: {  	[simem:s7], [sflag:s8] =	dma.local @!p0 [hbm:s6], $0xF7A  }
0x23: {  	s9 =	sor.u32 $0xD0000000, s2;
	s6 =	simm.s32 $0x108;
	_ =	swait.ge @!p0 [sflag:s8], $0x0  }
0x24: {  	s3 =	sadd.s32 $0x88, s3;
	s6 =	simm.s32 @!p1 $0x1082;
	[sflag:s4] =	ssyncset.s32 $0xFFFFF086  }
0x25: {  	[simem:s6], [sflag:s4] =	dma.local [hbm:s3], $0xF7A  }
0x26: {  	[smem:$0x3F97] =	sst s1;
	(tag) =	ssettag s2;
	_ =	strace s9  }
0x27: {  	s1 =	sld [smem:$0x3FA7]  }
0x28: {  	s2 =	sld [smem:$0x3FA8]  }
0x29: {  	s4 =	sld [smem:$0x3FAA]  }
0x2a: {  	p0 =	seq.s32 s5, $0x0;
	s5 =	sld [smem:$0x3FAB]  }
0x2b: {  	s6 =	sld [smem:$0x3FAC]  }
0x2c: {  	s7 =	sld [smem:$0x3FAD]  }
0x2d: {  	s3 =	simm.s32 $0x108;
	s8 =	sld [smem:$0x3FAE]  }
0x2e: {  	s3 =	simm.s32 @!p0 $0x1082;
	s9 =	sld [smem:$0x3FAF]  }
0x2f: {  	lr =	sadd.s32 s0, s3;
	s0 =	sld [smem:$0x3FA6]  }
0x30: {  	s3 =	sld [smem:$0x3FA9]  }
0x31: {  	[smem:$0x3FB2] =	sst s10  }
0x32: {  	s10 =	sld [smem:$0x3FB0];
	_ =	sdelay $0x3  }
0x33: {  	p0 =	seq.s32 s10, $0x1;
	s10 =	sld [smem:$0x3FB2];
	_ =	sdelay $0x3  }
0x34: {  	[smem:$0x3FB2] =	sst s10  }
0x35: {  	s10 =	sld [smem:$0x3FB1];
	_ =	sdelay $0x3  }
0x36: {  	p1 =	seq.s32 s10, $0x1;
	s10 =	sld [smem:$0x3FB2];
	_ =	sdelay $0x3  }
0x37: {  	[smem:$0x3FB2] =	sst s10  }
0x38: {  	s10 =	sld [smem:$0x3FB3]  }
0x39: {  	_ = 	snop;
	(pc) =	sbr.ind lr, $3  }
0x3a: {  	_ = 	snop  }
0x3b: {  	_ = 	snop  }
0x3c: {  	p2 =	seq.s32 s10, $0x1;
	s10 =	sld [smem:$0x3FB2]  }
0x3d: {  	_ =	shalt  }
0x3e: {  	_ =	shalt  }
0x3f: {  	_ =	shalt  }
0x40: {  	_ =	shalt  }
0x41: {  	_ =	shalt  }
0x42: {  	_ =	shalt  }
0x43: {  	_ =	shalt  }
0x44: {  	_ =	shalt  }
0x45: {  	_ =	shalt  }
0x46: {  	_ =	shalt  }
0x47: {  	_ =	shalt  }
0x48: {  	_ =	shalt  }
0x49: {  	_ =	shalt  }
0x4a: {  	_ =	shalt  }
0x4b: {  	_ =	shalt  }
0x4c: {  	_ =	shalt  }
0x4d: {  	_ =	shalt  }
0x4e: {  	_ =	shalt  }
0x4f: {  	_ =	shalt  }
0x50: {  	_ =	shalt  }
0x51: {  	_ =	shalt  }
0x52: {  	_ =	shalt  }
0x53: {  	_ =	shalt  }
0x54: {  	_ =	shalt  }
0x55: {  	_ =	shalt  }
0x56: {  	_ =	shalt  }
0x57: {  	_ =	shalt  }
0x58: {  	_ =	shalt  }
0x59: {  	_ =	shalt  }
0x5a: {  	_ =	shalt  }
0x5b: {  	_ =	shalt  }
0x5c: {  	_ =	shalt  }
0x5d: {  	_ =	shalt  }
0x5e: {  	_ =	shalt  }
0x5f: {  	_ =	shalt  }
0x60: {  	_ =	shalt  }
0x61: {  	_ =	shalt  }
0x62: {  	_ =	shalt  }
0x63: {  	_ =	shalt  }
0x64: {  	_ =	shalt  }
0x65: {  	_ =	shalt  }
0x66: {  	_ =	shalt  }
0x67: {  	_ =	shalt  }
0x68: {  	_ =	shalt  }
0x69: {  	_ =	shalt  }
0x6a: {  	_ =	shalt  }
0x6b: {  	_ =	shalt  }
0x6c: {  	_ =	shalt  }
0x6d: {  	_ =	shalt  }
0x6e: {  	_ =	shalt  }
0x6f: {  	_ =	shalt  }
0x70: {  	_ =	shalt  }
0x71: {  	_ =	shalt  }
0x72: {  	_ =	shalt  }
0x73: {  	_ =	shalt  }
0x74: {  	_ =	shalt  }
0x75: {  	_ =	shalt  }
0x76: {  	_ =	shalt  }
0x77: {  	_ =	shalt  }
0x78: {  	_ =	shalt  }
0x79: {  	_ =	shalt  }
0x7a: {  	_ =	shalt  }
0x7b: {  	_ =	shalt  }
0x7c: {  	_ =	shalt  }
0x7d: {  	_ =	shalt  }
0x7e: {  	_ =	shalt  }
0x7f: {  	_ =	shalt  }
0x80: {  	_ =	shalt  }
0x81: {  	_ =	shalt  }
0x82: {  	_ =	shalt  }
0x83: {  	_ =	shalt  }
0x84: {  	_ =	shalt  }
0x85: {  	_ =	shalt  }
0x86: {  	_ =	shalt  }
0x87: {  	_ =	shalt  }
.Lfunc_end0:
.L_simem_size_0:
called_computation.3_lowered:
.L_overlay_start_0:
0x88: {  	s2 =	sld [smem:$0x3FD9]  }
0x89: {  	s3 =	sld [smem:$0x3FFE];
	_ =	sdelay $0x1  }
0x8a: {  	s1 =	srdreg.scid  }
0x8b: {  	s0 =	sand.u32 $0x1, s1  }
0x8c: {  	s17 =	sshll.u32 s0, $0xA;
	s2 =	sadd.s32 s3, s2  }
0x8d: {  	s2 =	sadd.s32 s2, s17  }
0x8e: {  	[smem:$0x3FBE] =	sst s2  }
0x8f: {  	_ = 	snop  }
0x90: {  	s2 =	sld [smem:$0x3FD0];
	(tm) =	ssettm $0x1  }
0x91: {  	s18 =	sld [smem:$0x3FFB];
	_ =	sdelay $0x3  }
0x92: {  	_ =	strace s18  }
0x93: {  	s3 =	sld [smem:$0x3FFC];
	_ =	sdelay $0x3  }
0x94: {  	_ =	strace s3  }
0x95: {  	s3 =	sld [smem:$0x3FFD];
	_ =	sdelay $0x3  }
0x96: {  	_ =	strace s3  }
0x97: {  	_ =	strace $0x8FFFFFFF  }
0x98: {  	s19 =	sld [smem:$0x3FDB];
	_ =	sdelay $0x1  }
0x99: {  	s4 =	simm.s32 $_scs_section_size  }
0x9a: {  	s5 =	simm.s32 $_size__tile_overlayer_lowered;
	s6 =	simm.s32 $_tile_overlayer_lowered  }
0x9b: {  	s22 =	simm.s32 $0x1BFF;
	s21 =	sshll.u32 s6, $0x1;
	s3 =	sadd.s32 s4, s19  }
0x9c: {  	s7 =	simm.s32 $0x0;
	s20 =	sshll.u32 s5, $0x1;
	s5 =	sadd.s32 s21, s3  }
0x9d: {  	[timem:s7], [sflag:s22] =	dma.local [hbm:s5], s20  }
0x9e: {  	_ =	swait.ge [sflag:s22], s20  }
0x9f: {  	s4 =	ssub.s32 $0x0, s20;
	[sflag:s22] =	ssyncset.done $0x0  }
0xa0: {  	[sflag:s22] =	ssyncadd.s32 s4;
	_ =	sdelay $0x1  }
0xa1: {  	s23 =	simm.s32 $0x1B8B  }
0xa2: {  	_ =	swait.ge [sflag:s23], $0x1  }
0xa3: {  	[sflag:s23] =	ssyncset.done $0x0  }
0xa4: {  	s25 =	simm.s32 $0x1B8E;
	s24 =	sld [smem:$0x3FFE];
	[sflag:s23] =	ssyncadd.s32 $0xFFFFFFFF  }
0xa5: {  	s26 =	simm.s32 $execute0_lowered;
	[smem:$0x3FD2] =	sst s25  }
0xa6: {  	s5 =	sshll.u32 s26, $0x1;
	_ =	strace $0x8000004F;
	[dreg:$0x1] =	wrdreg $0xFFFFFFFF  }
0xa7: {  	s28 =	simm.s32 $_size_execute0_lowered;
	s3 =	sadd.s32 s3, s5;
	[dreg:$0x0] =	wrdreg $0x0  }
0xa8: {  	s5 =	sshll.u32 s28, $0x1;
	[dreg:$0x2] =	wrdreg s3  }
0xa9: {  	[dreg:$0x3] =	wrdreg s5  }
0xaa: {  	[dreg:$0x4] =	wrdreg $0xC0  }
0xab: {  	_ =	task [dreg:s7], $0x5FFFF  }
0xac: {  	[dreg:$0x1] =	wrdreg $0xFFFFFFFF  }
0xad: {  	[dreg:$0x0] =	wrdreg $0x60  }
0xae: {  	[dreg:$0x2] =	wrdreg s24  }
0xaf: {  	[dreg:$0x3] =	wrdreg s2  }
0xb0: {  	[dreg:$0x4] =	wrdreg $0x15E100  }
0xb1: {  	[dreg:$0x5] =	wrdreg $0x185900  }
0xb2: {  	[dreg:$0x6] =	wrdreg $0x9  }
0xb3: {  	_ =	task.clear_ibuf [dreg:s7], $0x7FFFF;
	_ =	strace $0x9000004F  }
0xb4: {  	s29 =	simm.s32 $0x9;
	_ =	strace $0x80000051  }
0xb5: {  	_ =	swait.ge [sflag:s29], $0x1  }
0xb6: {  	[sflag:s29] =	ssyncadd.s32 $0xFFFFFFFF  }
0xb7: {  	_ =	strace $0x90000051  }
0xb8: {  	_ =	sfence  }
0xb9: {  	s30 =	sld [smem:$0x0];
	_ =	sdelay $0x2  }
0xba: {  	s31 =	sshll.u32 s1, $0xD;
	s1 =	sshrl.u32 s1, $0x2  }
0xbb: {  	s3 =	sand.u32 $0x4000, s31;
	s1 =	sadd.s32 s1, s30  }
0xbc: {  	s0 =	sor.u32 s3, s0;
	s1 =	sshll.u32 s1, $0x11  }
0xbd: {  	s0 =	sor.u32 s1, s0  }
0xbe: {  	s0 =	sadd.s32 $0x8F2B, s0  }
0xbf: {  	[sflag:s0] =	ssyncadd.remote.s32 $0x1  }
0xc0: {  	_ =	sfence.sel $0xFFFF  }
0xc1: {  	[dreg:$0x0] =	wrdreg $0xFFFFFFFF;
	(pc) =	sbr.abs _section_cstart, $3  }
0xc2: {  	[dreg:$0x1] =	wrdreg $0xFFFFFFFF  }
0xc3: {  	_ =	task.clear_ibuf [dreg:s7], $0x2FFFF;
	_ =	strace $0x9FFFFFFF  }
0xc4: {  	(tm) =	ssettm $0x7FFFFFFF  }
0xc5: {  	_ =	shalt  }
tec
execute0_lowered:
.L_overlay_start_1:
0x0: {  	(tag) =	ssettag $0x1  }
0x1: {  	s0 =	rddreg [dreg:$0x0]  }
0x2: {  	s1 =	rddreg [dreg:$0x1]  }
0x3: {  	s3 =	srdreg.scid;
	s2 =	rddreg [dreg:$0x2]  }
0x4: {  	s7 =	stileid.u32;
	s4 =	simm.s32 $0x0;
	s16 =	simm.s32 $0x9  }
0x5: {  	s30 =	simm.s32 $0x80;
	s31 =	simm.s32 $0x5000;
	s29 =	simm.s32 $0x2  }
0x6: {  	s18 =	simm.s32 $0x3;
	s5 =	sand.u32 $0x1, s3;
	s3 =	rddreg [dreg:$0x3]  }
0x7: {  	s28 =	simm.s32 $0x7;
	[smem:$0x7FF] =	sst s4;
	s9 =	sadd.s32 $0xC200, s0  }
0x8: {  	s10 =	sadd.s32 $0xC400, s0;
	s24 =	sadd.s32 $0x4F00, s1;
	s11 =	sadd.s32 $0x9E00, s1  }
0x9: {  	s6 =	sshll.u32 s5, $0x4;
	_ =	strace $0x80000050;
	[dreg:$0x5] =	wrdreg s9  }
0xa: {  	s8 =	ssub.s32 $0x2, s5;
	[dreg:$0x6] =	wrdreg s10;
	s12 =	sshll.u32 s5, $0x1  }
0xb: {  	p0 =	sne.s32 s5, $0x0;
	s6 =	sor.u32 s7, s6;
	s7 =	smul.u32 $0x2780, s7  }
0xc: {  	s5 =	simm.s32 $0x8;
	s20 =	sshrl.u32 s8, $0x1;
	s6 =	smul.u32 $0x500, s6  }
0xd: {  	s8 =	ssub.s32 s8, s20;
	s20 =	simm.s32 $0x6000;
	s22 =	sshrl.u32 s7, $0x3  }
0xe: {  	s10 =	sadd.s32 s7, s2;
	s14 =	smax.u32 s8, $0x1;
	s6 =	sadd.s32 s6, s0  }
0xf: {  	s0 =	sadd.s32 s7, s0;
	s23 =	sadd.s32 s1, s22;
	s1 =	sadd.s32 $0xED00, s1  }
0x10: {  	s7 =	sadd.s32 s7, s3;
	s19 =	sadd.s32 s22, s24;
	[dreg:$0x9] =	wrdreg s23  }
0x11: {  	s24 =	simm.s32 $0x6800;
	s21 =	sadd.s32 $0x11200, s6;
	[dreg:$0xa] =	wrdreg s7  }
0x12: {  	s6 =	sadd.s32 $0x2200, s6;
	s25 =	sadd.s32 $0x1B204, s0;
	[dreg:$0x7] =	wrdreg s21  }
0x13: {  	s26 =	sadd.s32 s12, s0;
	s0 =	sadd.s32 $0x1B206, s0;
	[dreg:$0x8] =	wrdreg s6  }
0x14: {  	s12 =	simm.s32 $0x2800;
	s23 =	sadd.s32 s22, s1;
	[dreg:$0xb] =	wrdreg s25  }
0x15: {  	s1 =	simm.s32 $0x4;
	[dreg:$0xc] =	wrdreg s0;
	s15 =	sadd.s32 $0x1B200, s26  }
0x16: {  	s21 =	sadd.s32 s22, s11;
	s0 =	simm.s32 $0x5800;
	s25 =	simm.s32 $0x1  }
0x17: {  	v0 =	vimm.f32 $0.0e+00;
	s26 =	simm.s32 $0x5;
	s22 =	simm.s32 $0x6;
	s6 =	simm.s32 $0x0  }
.LBB2_1:
0x18: {  	s7 =	rddreg [dreg:$0x7]  }
0x19: {  	[tilespmem:s4], [sflag:$0x9] =	stream.linear.gather [hbm4b:s7+s4], $0x2800, $0x38;
	[tilespmem:$0x1AD10] =	vst v63  }
0x1a: {  	_ =	swait.ge [sflag:s16], $0x2800  }
0x1b: {  	[sflag:s16] =	ssyncset.done $0x0  }
0x1c: {  	s11 =	rddreg [dreg:$0x8];
	[sflag:s16] =	ssyncadd.s32 $0xFFFFD800  }
0x1d: {  	[tilespmem:s12], [sflag:$0x9] =	stream.linear.gather [hbm4b:s11+s4], $0x2800, $0x38;
	[tilespmem:$0x1AD10] =	vst v63  }
0x1e: {  	_ =	swait.ge [sflag:s16], $0x2800  }
0x1f: {  	[sflag:s16] =	ssyncset.done $0x0  }
0x20: {  	s8 =	simm.s32 $0x9780;
	s13 =	rddreg [dreg:$0x9];
	[sflag:s16] =	ssyncadd.s32 $0xFFFFD800  }
0x21: {  	[tilespmem:s8], [sflag:$0x9] =	stream.linear.gather [hbm4b:s13+s4], $0x2780, $0x38;
	[tilespmem:$0x1AD10] =	vst v63  }
0x22: {  	_ =	swait.ge [sflag:s16], $0x2780  }
0x23: {  	[sflag:s16] =	ssyncset.done $0x0  }
0x24: {  	s17 =	simm.s32 $0xBF00;
	[sflag:s16] =	ssyncadd.s32 $0xFFFFD880  }
0x25: {  	[tilespmem:s17], [sflag:$0x9] =	stream.linear.gather [hbm4b:s19+s4], $0x2780, $0x38;
	[tilespmem:$0x1AD10] =	vst v63  }
0x26: {  	_ =	swait.ge [sflag:s16], $0x2780  }
0x27: {  	[sflag:s16] =	ssyncset.done $0x0  }
0x28: {  	s8 =	simm.s32 $0xE680;
	[sflag:s16] =	ssyncadd.s32 $0xFFFFD880  }
0x29: {  	[tilespmem:s8], [sflag:$0x9] =	stream.linear.gather [hbm4b:s21+s4], $0x2780, $0x38;
	[tilespmem:$0x1AD10] =	vst v63  }
0x2a: {  	_ =	swait.ge [sflag:s16], $0x2780  }
0x2b: {  	[sflag:s16] =	ssyncset.done $0x0  }
0x2c: {  	s9 =	simm.s32 $0x10E00;
	[sflag:s16] =	ssyncadd.s32 $0xFFFFD880  }
0x2d: {  	[tilespmem:s9], [sflag:$0x9] =	stream.linear.gather [hbm4b:s23+s4], $0x2780, $0x38;
	[tilespmem:$0x1AD10] =	vst v63  }
0x2e: {  	_ =	swait.ge [sflag:s16], $0x2780  }
0x2f: {  	[sflag:s16] =	ssyncset.done $0x0  }
0x30: {  	s12 =	simm.s32 $0x15D00;
	s11 =	rddreg [dreg:$0x5];
	[sflag:s16] =	ssyncadd.s32 $0xFFFFD880  }
0x31: {  	[tilespmem:s12], [sflag:$0x9] =	stream.linear.gather [hbm4b:s11+s4], $0x100, $0x38;
	[tilespmem:$0x1AD10] =	vst v63  }
0x32: {  	_ =	swait.ge [sflag:s16], $0x100  }
0x33: {  	[sflag:s16] =	ssyncset.done $0x0  }
0x34: {  	s17 =	simm.s32 $0x15E00;
	s13 =	rddreg [dreg:$0x6];
	[sflag:s16] =	ssyncadd.s32 $0xFFFFFF00  }
0x35: {  	[tilespmem:s17], [sflag:$0x9] =	stream.linear.gather [hbm4b:s13+s4], $0x10, $0x38;
	[tilespmem:$0x1AD10] =	vst v63  }
0x36: {  	_ =	swait.ge [sflag:s16], $0x10  }
0x37: {  	[sflag:s16] =	ssyncset.done $0x0  }
0x38: {  	s7 =	simm.s32 $0x7040;
	[sflag:s16] =	ssyncadd.s32 $0xFFFFFFF0  }
0x39: {  	[tilespmem:s7+$0xFFFFFFC0] =	vst v0  }
0x3a: {  	[tilespmem:s7+$0x30] =	vst v0  }
0x3b: {  	[tilespmem:s7+$0x20] =	vst v0  }
0x3c: {  	[tilespmem:s7+$0x10] =	vst v0  }
0x3d: {  	[tilespmem:s7+$0x0] =	vst v0  }
0x3e: {  	[tilespmem:s7+$0xFFFFFFF0] =	vst v0  }
0x3f: {  	s8 =	simm.s32 $0x0;
	[tilespmem:s7+$0xFFFFFFE0] =	vst v0  }
.LBB2_2:
0x40: {  	s8 =	sadd.s32 $0x8, s8;
	[tilespmem:s7+$0xFFFFFFD0] =	vst v0;
	s7 =	sadd.s32 $0x80, s7  }
0x41: {  	[tilespmem:s7+$0xFFFFFFC0] =	vst v0;
	p1 =	slt.u32 s8, $0x270  }
0x42: {  	[tilespmem:s7+$0x30] =	vst v0  }
.Ltmp0:
0x43: {  	[tilespmem:s7+$0x20] =	vst v0;
	(pc) =	sbr.rel @p1 .LBB2_2-.Ltmp0, $4  }
0x44: {  	[tilespmem:s7+$0x10] =	vst v0  }
0x45: {  	[tilespmem:s7+$0x0] =	vst v0  }
0x46: {  	[tilespmem:s7+$0xFFFFFFF0] =	vst v0  }
0x47: {  	[tilespmem:s7+$0xFFFFFFE0] =	vst v0  }
0x48: {  	[tilespmem:s7+$0xFFFFFFD0] =	vst v0  }
0x49: {  	v1 =	vld [tilespmem:$0x15D00]  }
0x4a: {  	v2 =	vld [tilespmem:$0x15D10]  }
0x4b: {  	v3 =	vld [tilespmem:$0x15D20]  }
0x4c: {  	s9 =	simm.s32 $0x9790;
	v8 =	vld [tilespmem:$0x15D50]  }
0x4d: {  	s8 =	simm.s32 $0xBF10;
	v13 =	vld [tilespmem:s9+$0x0]  }
0x4e: {  	v16 =	vld [tilespmem:s8+$0x0];
	_ =	sdelay $0x2  }
0x4f: {  	v6 =	vld [tilespmem:$0x15D30];
	v4 =	vshrl.u32 v1, $0x10;
	v5 =	vshrl.u32 v2, $0x10  }
0x50: {  	v7 =	vld [tilespmem:$0x15D40];
	v10 =	vshrl.u32 v3, $0x10;
	v15 =	vshrl.u32 v8, $0x10;
	v4 =	vand.u32 $0x1, v4  }
0x51: {  	v9 =	vld [tilespmem:$0x15D60];
	v13 =	vadd.f32 v16, v13;
	v58 =	vand.u32 $0x1, v10;
	v1 =	vadd.s32 v4, v1  }
0x52: {  	v11 =	vld [tilespmem:$0x15D70];
	v5 =	vand.u32 $0x1, v5;
	v59 =	vadd.s32 v58, v3;
	v1 =	vadd.s32 $0x7FFF, v1  }
0x53: {  	v12 =	vld [tilespmem:$0x15D90];
	v2 =	vadd.s32 v5, v2;
	v3 =	vand.u32 $0xFFFF0000, v1;
	v1 =	vadd.s32 $0x7FFF, v59  }
0x54: {  	v14 =	vld [tilespmem:s8+$0xFFFFFFF0];
	v2 =	vadd.s32 $0x7FFF, v2;
	v5 =	vand.u32 $0xFFFF0000, v1;
	v1 =	vshrl.u32 v6, $0x10  }
0x55: {  	s11 =	simm.s32 $0xE690;
	v17 =	vld [tilespmem:s9+$0xFFFFFFF0];
	v4 =	vand.u32 $0xFFFF0000, v2;
	v2 =	vshrl.u32 v7, $0x10;
	v1 =	vand.u32 $0x1, v1  }
0x56: {  	v18 =	vld [tilespmem:s11+$0x0];
	v60 =	vand.u32 $0x1, v15;
	v2 =	vand.u32 $0x1, v2;
	v1 =	vadd.s32 v1, v6  }
0x57: {  	v19 =	vld [tilespmem:s11+$0xFFFFFFF0];
	v61 =	vadd.s32 v60, v8;
	v2 =	vadd.s32 v2, v7;
	v1 =	vadd.s32 $0x7FFF, v1  }
0x58: {  	s12 =	simm.s32 $0x10E10;
	v10 =	vld [tilespmem:$0x15D80];
	v2 =	vadd.s32 $0x7FFF, v2;
	v8 =	vand.u32 $0xFFFF0000, v1;
	v1 =	vadd.s32 $0x7FFF, v61  }
0x59: {  	v62 =	vand.u32 $0xFFFF0000, v2;
	v2 =	vshrl.u32 v9, $0x10;
	v7 =	vand.u32 $0xFFFF0000, v1;
	v1 =	vld [tilespmem:s12+$0x0]  }
0x5a: {  	v14 =	vadd.f32 v14, v17;
	v15 =	vshrl.u32 v11, $0x10;
	v20 =	vand.u32 $0x1, v2;
	v2 =	vld [tilespmem:s12+$0xFFFFFFF0]  }
0x5b: {  	v17 =	vshrl.u32 v12, $0x10;
	v21 =	vand.u32 $0x1, v15;
	v15 =	vld [tilespmem:$0x15E00];
	v9 =	vadd.s32 v20, v9  }
0x5c: {  	v13 =	vadd.f32 v18, v13;
	v11 =	vadd.s32 v21, v11;
	v9 =	vadd.s32 $0x7FFF, v9  }
0x5d: {  	v14 =	vadd.f32 v19, v14;
	v16 =	vadd.s32 $0x7FFF, v11;
	v11 =	vand.u32 $0xFFFF0000, v9  }
0x5e: {  	v18 =	vld [tilespmem:$0x15DA0];
	v9 =	vand.u32 $0xFFFF0000, v16;
	v16 =	vshrl.u32 v10, $0x10;
	v13 =	vmul.f32 v13, v1  }
0x5f: {  	v17 =	vand.u32 $0x1, v17;
	v16 =	vand.u32 $0x1, v16;
	v14 =	vmul.f32 v14, v2  }
0x60: {  	v12 =	vadd.s32 v17, v12;
	v10 =	vadd.s32 v16, v10;
	v16 =	vadd.f32 v13, v15  }
0x61: {  	v17 =	vld [tilespmem:$0x15DF0];
	v12 =	vadd.s32 $0x7FFF, v12;
	v10 =	vadd.s32 $0x7FFF, v10;
	v19 =	vadd.f32 v14, v15  }
0x62: {  	v14 =	vand.u32 $0xFFFF0000, v10;
	v13 =	vand.u32 $0xFFFF0000, v12;
	v10 =	vmax.f32 v16, $0.0e+00  }
0x63: {  	v12 =	vshrl.u32 v18, $0x10;
	v16 =	vmax.f32 v19, $0.0e+00;
	v19 =	vshrl.u32 v10, $0x10  }
0x64: {  	v12 =	vand.u32 $0x1, v12;
	v20 =	vshrl.u32 v16, $0x10;
	v19 =	vand.u32 $0x1, v19  }
0x65: {  	v12 =	vadd.s32 v12, v18;
	v18 =	vand.u32 $0x1, v20;
	v10 =	vadd.s32 v19, v10  }
0x66: {  	v19 =	vshrl.u32 v17, $0x10;
	v16 =	vadd.s32 v18, v16;
	v10 =	vadd.s32 $0x7FFF, v10  }
0x67: {  	v43 =	vld [tilespmem:$0x15DC0];
	v18 =	vand.u32 $0x1, v19;
	v16 =	vadd.s32 $0x7FFF, v16;
	v22 =	vand.u32 $0xFFFF0000, v10  }
0x68: {  	v24 =	vand.u32 $0xFFFF0000, v16;
	v23 =	vbroadcast v22, $0x0;
	v16 =	vbroadcast v22, $0xF  }
0x69: {  	v10 =	vadd.s32 v18, v17;
	v17 =	vbroadcast v24, $0x0;
	v27 =	vbroadcast v22, $0xD  }
0x6a: {  	v21 =	vld [tilespmem:$0x15DB0];
	v18 =	vbroadcast v24, $0x2;
	v25 =	vbroadcast v22, $0xB  }
0x6b: {  	v29 =	vbroadcast v22, $0x9;
	v31 =	vbroadcast v24, $0xF  }
0x6c: {  	v53 =	vshrl.u32 v43, $0x10;
	v26 =	vbroadcast v24, $0x4;
	v32 =	vbroadcast v22, $0x8  }
0x6d: {  	v53 =	vand.u32 $0x1, v53;
	v34 =	vbroadcast v24, $0xB;
	v35 =	vbroadcast v24, $0x7  }
0x6e: {  	v43 =	vadd.s32 v53, v43;
	v37 =	vbroadcast v22, $0x7;
	v39 =	vbroadcast v22, $0x2  }
0x6f: {  	v36 =	vshrl.u32 v21, $0x10;
	v40 =	vbroadcast v24, $0x6;
	v41 =	vbroadcast v24, $0x8  }
0x70: {  	v36 =	vand.u32 $0x1, v36;
	v63 =	vbroadcast v22, $0x4;
	v42 =	vbroadcast v24, $0x5  }
0x71: {  	s17 =	simm.s32 $0xBF30;
	v21 =	vadd.s32 v36, v21;
	v45 =	vbroadcast v22, $0x1;
	v46 =	vbroadcast v22, $0x3  }
0x72: {  	s13 =	simm.s32 $0x97B0;
	v52 =	vld [tilespmem:s17+$0x0];
	v10 =	vadd.s32 $0x7FFF, v10;
	v47 =	vbroadcast v22, $0x6;
	v49 =	vbroadcast v22, $0x5  }
0x73: {  	v36 =	vld [tilespmem:s13+$0x0];
	v53 =	vbroadcast v22, $0xA;
	v58 =	vbroadcast v22, $0xC;
	v10 =	vand.u32 $0xFFFF0000, v10  }
0x74: {  	s7 =	simm.s32 $0xE6B0;
	v50 =	vld [tilespmem:s17+$0xFFFFFFF0];
	[tilespmem:$0x1FF90] =	vst v7;
	v20 =	vadd.s32 $0x7FFF, v12;
	v59 =	vbroadcast v24, $0xE;
	v12 =	vmul.f32 v10, v16  }
0x75: {  	v55 =	vld [tilespmem:s7+$0x0];
	v28 =	vmul.f32 v3, v17;
	v16 =	vbroadcast v24, $0x3  }
0x76: {  	v43 =	vadd.s32 $0x7FFF, v43;
	v30 =	vmul.f32 v5, v18;
	v40 =	vmul.f32 v11, v40  }
0x77: {  	v21 =	vadd.s32 $0x7FFF, v21;
	v19 =	vld [tilespmem:$0x15DD0];
	v48 =	vmul.f32 v9, v37;
	v37 =	vbroadcast v24, $0x9  }
0x78: {  	v36 =	vadd.f32 v52, v36;
	v47 =	vmul.f32 v11, v47;
	v51 =	vmul.f32 v14, v32  }
0x79: {  	v21 =	vand.u32 $0xFFFF0000, v21;
	v32 =	vbroadcast v24, $0xC;
	v49 =	vmul.f32 v7, v49  }
0x7a: {  	v36 =	vadd.f32 v55, v36;
	v54 =	vmul.f32 v7, v42;
	v45 =	vmul.f32 v4, v45  }
0x7b: {  	v17 =	vand.u32 $0xFFFF0000, v20;
	v57 =	vmul.f32 v62, v26;
	v60 =	vmul.f32 v3, v23  }
0x7c: {  	v7 =	vld [tilespmem:s13+$0xFFFFFFF0];
	v26 =	vmul.f32 v21, v25;
	v52 =	vmul.f32 v8, v46;
	v20 =	vshrl.u32 v19, $0x10  }
0x7d: {  	v41 =	vmul.f32 v14, v41;
	v39 =	vmul.f32 v5, v39;
	v18 =	vand.u32 $0x1, v20;
	v20 =	vld [tilespmem:$0x15DE0]  }
0x7e: {  	v56 =	vld [tilespmem:s7+$0xFFFFFFF0];
	v33 =	vmul.f32 v8, v16;
	v18 =	vadd.s32 v18, v19;
	v19 =	vbroadcast v24, $0xA  }
0x7f: {  	s8 =	simm.s32 $0x10E30;
	[tilespmem:$0x1FFA0] =	vst v62;
	v16 =	vadd.s32 $0x7FFF, v18;
	v18 =	vbroadcast v24, $0xD;
	v24 =	vbroadcast v24, $0x1  }
0x80: {  	v23 =	vld [tilespmem:s8+$0xFFFFFFF0];
	v61 =	vmul.f32 v17, v53;
	v16 =	vand.u32 $0xFFFF0000, v16;
	v44 =	vmul.f32 v17, v19  }
0x81: {  	v25 =	vadd.f32 v50, v7;
	v50 =	vmul.f32 v13, v37;
	v7 =	vmul.f32 v4, v24  }
0x82: {  	v18 =	vmul.f32 v16, v18;
	v24 =	vand.u32 $0xFFFF0000, v43;
	v38 =	vshrl.u32 v20, $0x10  }
0x83: {  	v56 =	vadd.f32 v56, v25;
	v37 =	vadd.f32 v7, v28;
	v28 =	vmul.f32 v16, v27  }
0x84: {  	v38 =	vand.u32 $0x1, v38;
	v27 =	vmul.f32 v10, v31;
	v31 =	vmul.f32 v24, v58  }
0x85: {  	v19 =	vadd.s32 v38, v20;
	v38 =	vmul.f32 v62, v63;
	v62 =	vmul.f32 v56, v23  }
0x86: {  	v7 =	vmul.f32 v9, v35;
	v20 =	vbroadcast v22, $0xE;
	v22 =	vld [tilespmem:s8+$0x0];
	v63 =	vadd.f32 v45, v60  }
0x87: {  	v56 =	vmul.f32 v13, v29;
	v19 =	vadd.s32 $0x7FFF, v19;
	v29 =	vadd.f32 v62, v15  }
0x88: {  	v30 =	vadd.f32 v37, v30;
	v19 =	vand.u32 $0xFFFF0000, v19;
	v53 =	vadd.f32 v63, v39  }
0x89: {  	v20 =	vmul.f32 v19, v20;
	v25 =	vmul.f32 v19, v59;
	v29 =	vmax.f32 v29, $0.0e+00  }
0x8a: {  	v30 =	vadd.f32 v30, v33;
	v37 =	vadd.f32 v53, v52;
	v6 =	vshrl.u32 v29, $0x10  }
0x8b: {  	v59 =	vmul.f32 v21, v34;
	v36 =	vmul.f32 v36, v22;
	v46 =	vand.u32 $0x1, v6  }
0x8c: {  	v30 =	vadd.f32 v30, v57;
	v62 =	vadd.f32 v37, v38;
	v29 =	vadd.s32 v46, v29  }
0x8d: {  	v34 =	vmul.f32 v24, v32;
	v36 =	vadd.f32 v36, v15;
	v29 =	vadd.s32 $0x7FFF, v29  }
0x8e: {  	v30 =	vadd.f32 v30, v54;
	v43 =	vadd.f32 v62, v49;
	v35 =	vand.u32 $0xFFFF0000, v29  }
0x8f: {  	v36 =	vmax.f32 v36, $0.0e+00;
	v58 =	vbroadcast v35, $0x0;
	v60 =	vbroadcast v35, $0x2  }
0x90: {  	v30 =	vadd.f32 v30, v40;
	v63 =	vbroadcast v35, $0x3;
	v33 =	vbroadcast v35, $0xF  }
0x91: {  	[tilespmem:$0x1FFB0] =	vst v4;
	v4 =	vshrl.u32 v36, $0x10;
	v52 =	vbroadcast v35, $0x4;
	v40 =	vbroadcast v35, $0xB  }
0x92: {  	v47 =	vadd.f32 v43, v47;
	v43 =	vbroadcast v35, $0x7;
	v6 =	vbroadcast v35, $0x6  }
0x93: {  	v54 =	vbroadcast v35, $0x8;
	v32 =	vand.u32 $0x1, v4;
	v4 =	vbroadcast v35, $0xD  }
0x94: {  	v30 =	vadd.f32 v30, v7;
	v45 =	vmul.f32 v3, v58;
	v38 =	vmul.f32 v5, v60  }
0x95: {  	[tilespmem:$0x1FFD0] =	vst v5;
	v32 =	vadd.s32 v32, v36;
	v39 =	vmul.f32 v8, v63;
	v5 =	vbroadcast v35, $0xA  }
0x96: {  	v58 =	vbroadcast v35, $0x5;
	v32 =	vadd.s32 $0x7FFF, v32;
	v49 =	vmul.f32 v16, v4  }
0x97: {  	v41 =	vadd.f32 v30, v41;
	v36 =	vand.u32 $0xFFFF0000, v32;
	v30 =	vmul.f32 v17, v5  }
0x98: {  	v46 =	vbroadcast v36, $0x0;
	v32 =	vbroadcast v36, $0xF  }
0x99: {  	v48 =	vadd.f32 v47, v48;
	v29 =	vbroadcast v36, $0xD;
	v42 =	vbroadcast v36, $0xB  }
0x9a: {  	v37 =	vbroadcast v36, $0x9;
	v53 =	vbroadcast v36, $0x8  }
0x9b: {  	v48 =	vadd.f32 v48, v51;
	v62 =	vbroadcast v36, $0x7;
	v47 =	vbroadcast v36, $0x2  }
0x9c: {  	v55 =	vbroadcast v36, $0x4;
	v50 =	vadd.f32 v41, v50;
	v41 =	vmul.f32 v11, v6  }
0x9d: {  	v7 =	vbroadcast v36, $0xE;
	v60 =	vbroadcast v36, $0x1;
	v48 =	vadd.f32 v48, v56  }
0x9e: {  	[tilespmem:$0x1FFC0] =	vst v3;
	v56 =	vbroadcast v36, $0x3;
	v32 =	vmul.f32 v10, v32;
	v63 =	vadd.f32 v50, v44  }
0x9f: {  	s17 =	simm.s32 $0x13590;
	s11 =	simm.s32 $0x2;
	[tilespmem:$0x1FFE0] =	vst v8;
	v50 =	vmul.f32 v19, v7;
	v44 =	vmul.f32 v9, v62  }
0xa0: {  	s9 =	simm.s32 $0x13590;
	s12 =	simm.s32 $0xBF50;
	s13 =	simm.s32 $0x97D0;
	[tilespmem:$0x1FFF0] =	vst v9;
	v57 =	vadd.f32 v48, v61;
	v48 =	vbroadcast v36, $0x6;
	v59 =	vadd.f32 v63, v59  }
.LBB2_4:
0xa1: {  	v61 =	vld [tilespmem:s13+$0x0]  }
0xa2: {  	v3 =	vld [tilespmem:s12+$0xFFFFFFF0]  }
0xa3: {  	v4 =	vld [tilespmem:$0x1FF90]  }
0xa4: {  	v8 =	vld [tilespmem:$0x1FFB0]  }
0xa5: {  	v5 =	vld [tilespmem:$0x1FFA0]  }
0xa6: {  	v62 =	vbroadcast v35, $0x9;
	v63 =	vbroadcast v36, $0x5;
	v7 =	vld [tilespmem:$0x1FFC0]  }
0xa7: {  	v9 =	vld [tilespmem:$0x1FFE0];
	v51 =	vmul.f32 v11, v48;
	v48 =	vmul.f32 v14, v53;
	v34 =	vadd.f32 v59, v34  }
0xa8: {  	s7 =	sadd.s32 $0x20, s7;
	v59 =	vbroadcast v35, $0xC;
	v26 =	vadd.f32 v57, v26;
	v57 =	vld [tilespmem:s12+$0x0];
	v63 =	vmul.f32 v4, v63  }
0xa9: {  	v53 =	vld [tilespmem:s7+$0x0];
	v34 =	vadd.f32 v34, v18;
	v58 =	vmul.f32 v4, v58;
	v60 =	vmul.f32 v8, v60  }
0xaa: {  	v18 =	vmovc v49;
	v49 =	vld [tilespmem:s13+$0xFFFFFFF0];
	v26 =	vadd.f32 v26, v31;
	v55 =	vmul.f32 v5, v55;
	v4 =	vbroadcast v36, $0xA  }
0xab: {  	s8 =	sadd.s32 $0x20, s8;
	v31 =	vld [tilespmem:s7+$0xFFFFFFF0];
	v52 =	vmul.f32 v5, v52;
	v36 =	vbroadcast v36, $0xC;
	v25 =	vadd.f32 v34, v25  }
0xac: {  	v5 =	vld [tilespmem:s8+$0x0];
	v34 =	vbroadcast v35, $0xE;
	v46 =	vmul.f32 v7, v46  }
0xad: {  	v35 =	vbroadcast v35, $0x1;
	v27 =	vadd.f32 v25, v27;
	v25 =	vadd.f32 v57, v61  }
0xae: {  	v6 =	vld [tilespmem:s8+$0xFFFFFFF0];
	v28 =	vadd.f32 v26, v28;
	v26 =	vmul.f32 v21, v42;
	v42 =	vmul.f32 v9, v56  }
0xaf: {  	v56 =	vmul.f32 v13, v62;
	v3 =	vadd.f32 v3, v49;
	v53 =	vadd.f32 v53, v25  }
0xb0: {  	v28 =	vadd.f32 v28, v20;
	v20 =	vmovc v50;
	v35 =	vmul.f32 v8, v35;
	v50 =	vmul.f32 v14, v54  }
0xb1: {  	v4 =	vmul.f32 v17, v4;
	v3 =	vadd.f32 v31, v3;
	v31 =	vmul.f32 v53, v5  }
0xb2: {  	v57 =	vmul.f32 v13, v37;
	v61 =	vmul.f32 v21, v40;
	v28 =	vadd.f32 v28, v12  }
0xb3: {  	v25 =	vmul.f32 v19, v34;
	v3 =	vmul.f32 v3, v6;
	v8 =	vadd.f32 v31, v15  }
0xb4: {  	v54 =	vadd.f32 v60, v46;
	v27 =	vmul.f32 v27, v2;
	v34 =	vmul.f32 v28, v1  }
0xb5: {  	v28 =	vmul.f32 v16, v29;
	v3 =	vadd.f32 v3, v15;
	v29 =	vmax.f32 v8, $0.0e+00;
	v8 =	vld [tilespmem:$0x1FFD0]  }
0xb6: {  	v12 =	vmovc v32;
	v32 =	vadd.f32 v35, v45;
	[tilespmem:s9+$0x0] =	vst v34;
	v34 =	vmul.f32 v24, v59;
	v59 =	vld [tilespmem:$0x1FFF0];
	v46 =	vshrl.u32 v29, $0x10  }
0xb7: {  	v1 =	vmovc v22;
	[tilespmem:s9+$0xFFFFFFF0] =	vst v27;
	v27 =	vmul.f32 v10, v33;
	v22 =	vmovc v5;
	v3 =	vmax.f32 v3, $0.0e+00;
	v5 =	vand.u32 $0x1, v46  }
0xb8: {  	v31 =	vmul.f32 v24, v36;
	v53 =	vshrl.u32 v3, $0x10;
	v5 =	vadd.s32 v5, v29  }
0xb9: {  	v33 =	vand.u32 $0x1, v53;
	v29 =	vadd.f32 v32, v38;
	v5 =	vadd.s32 $0x7FFF, v5  }
0xba: {  	v3 =	vadd.s32 v33, v3;
	v49 =	vmul.f32 v8, v47;
	v36 =	vand.u32 $0xFFFF0000, v5  }
0xbb: {  	v47 =	vmul.f32 v59, v43;
	v3 =	vadd.s32 $0x7FFF, v3;
	v46 =	vbroadcast v36, $0x0  }
0xbc: {  	v35 =	vand.u32 $0xFFFF0000, v3;
	v3 =	vbroadcast v36, $0xF;
	v37 =	vbroadcast v36, $0x9  }
0xbd: {  	v2 =	vmovc v23;
	v23 =	vmovc v6;
	v53 =	vbroadcast v36, $0x8;
	v6 =	vadd.f32 v54, v49;
	v60 =	vbroadcast v35, $0x0  }
0xbe: {  	v54 =	vadd.f32 v29, v39;
	v29 =	vbroadcast v36, $0xD;
	v62 =	vbroadcast v35, $0x2  }
0xbf: {  	v49 =	vbroadcast v35, $0x3;
	v33 =	vbroadcast v35, $0xF  }
0xc0: {  	v40 =	vbroadcast v35, $0xB;
	v32 =	vmul.f32 v10, v3;
	v6 =	vadd.f32 v6, v42  }
0xc1: {  	v3 =	vadd.f32 v54, v52;
	v45 =	vmul.f32 v7, v60;
	v42 =	vbroadcast v36, $0xB  }
0xc2: {  	v38 =	vmul.f32 v8, v62;
	v52 =	vbroadcast v35, $0x4  }
0xc3: {  	v39 =	vmul.f32 v9, v49;
	v43 =	vadd.f32 v6, v55;
	v3 =	vadd.f32 v3, v58  }
0xc4: {  	v60 =	vbroadcast v35, $0xD;
	v62 =	vbroadcast v35, $0xA  }
0xc5: {  	v54 =	vbroadcast v35, $0x8;
	v5 =	vadd.f32 v43, v63;
	v3 =	vadd.f32 v3, v41  }
0xc6: {  	v49 =	vmul.f32 v16, v60;
	v55 =	vbroadcast v36, $0x4  }
0xc7: {  	v58 =	vbroadcast v35, $0x5;
	v5 =	vadd.f32 v5, v51;
	v3 =	vadd.f32 v3, v47  }
0xc8: {  	v60 =	vbroadcast v36, $0x1;
	v43 =	vbroadcast v35, $0x7  }
0xc9: {  	s11 =	sadd.s32 $0x2, s11;
	v63 =	vbroadcast v35, $0x6;
	v5 =	vadd.f32 v5, v44;
	v3 =	vadd.f32 v3, v50  }
0xca: {  	p1 =	slt.u32 s11, $0x276;
	v51 =	vbroadcast v36, $0x7;
	v47 =	vbroadcast v36, $0x2  }
.Ltmp1:
0xcb: {  	v41 =	vmul.f32 v11, v63;
	v5 =	vadd.f32 v5, v48;
	v3 =	vadd.f32 v3, v56;
	(pc) =	sbr.rel @p1 .LBB2_4-.Ltmp1, $4  }
0xcc: {  	v44 =	vmul.f32 v17, v62;
	v50 =	vbroadcast v36, $0xE  }
0xcd: {  	v56 =	vbroadcast v36, $0x3;
	v5 =	vadd.f32 v5, v57;
	v3 =	vadd.f32 v3, v30  }
0xce: {  	s17 =	sadd.s32 $0x20, s17;
	v50 =	vmul.f32 v19, v50;
	v48 =	vbroadcast v36, $0x6  }
0xcf: {  	s12 =	sadd.s32 $0x20, s12;
	s13 =	sadd.s32 $0x20, s13;
	s9 =	smov.u32 s17;
	v30 =	vmovc v44;
	v44 =	vmul.f32 v59, v51;
	v57 =	vadd.f32 v5, v4;
	v59 =	vadd.f32 v3, v61  }
0xd0: {  	v4 =	vld [tilespmem:$0x1FFB0];
	_ =	sdelay $0x2  }
0xd1: {  	v3 =	vbroadcast v35, $0x1;
	v5 =	vld [tilespmem:$0x1FFC0];
	_ =	sdelay $0x1  }
0xd2: {  	v3 =	vmul.f32 v4, v3;
	v4 =	vmul.f32 v4, v60;
	v60 =	vld [tilespmem:$0x1FFD0];
	_ =	sdelay $0x1  }
0xd3: {  	v6 =	vld [tilespmem:$0x1FFE0]  }
0xd4: {  	v7 =	vld [tilespmem:$0x1FFA0];
	v5 =	vmul.f32 v5, v46  }
0xd5: {  	v3 =	vadd.f32 v3, v45  }
0xd6: {  	v62 =	vld [tilespmem:$0x1FF90];
	v4 =	vadd.f32 v4, v5;
	v5 =	vmul.f32 v60, v47  }
0xd7: {  	v3 =	vadd.f32 v3, v38  }
0xd8: {  	v6 =	vmul.f32 v6, v56;
	v4 =	vadd.f32 v4, v5  }
0xd9: {  	v61 =	vmul.f32 v7, v52;
	v3 =	vadd.f32 v3, v39  }
0xda: {  	v8 =	vbroadcast v36, $0x5;
	v15 =	vmul.f32 v7, v55;
	v39 =	vld [tilespmem:$0x1FFF0];
	v4 =	vadd.f32 v4, v6  }
0xdb: {  	v63 =	vmul.f32 v62, v58;
	v3 =	vadd.f32 v3, v61  }
0xdc: {  	v9 =	vmul.f32 v62, v8;
	v4 =	vadd.f32 v4, v15  }
0xdd: {  	v3 =	vadd.f32 v3, v63  }
0xde: {  	v38 =	vmul.f32 v11, v48;
	v4 =	vadd.f32 v4, v9  }
0xdf: {  	v5 =	vmul.f32 v39, v43;
	v3 =	vadd.f32 v3, v41  }
0xe0: {  	v4 =	vadd.f32 v4, v38  }
0xe1: {  	v46 =	vmul.f32 v14, v54;
	v45 =	vbroadcast v35, $0x9;
	v3 =	vadd.f32 v3, v5  }
0xe2: {  	v47 =	vmul.f32 v14, v53;
	v4 =	vadd.f32 v4, v44  }
0xe3: {  	v6 =	vmul.f32 v13, v45;
	v3 =	vadd.f32 v3, v46  }
0xe4: {  	v51 =	vmul.f32 v13, v37;
	v48 =	vbroadcast v36, $0xA;
	v4 =	vadd.f32 v4, v47  }
0xe5: {  	v3 =	vadd.f32 v3, v6  }
0xe6: {  	v52 =	vbroadcast v35, $0xC;
	v53 =	vmul.f32 v17, v48;
	v4 =	vadd.f32 v4, v51  }
0xe7: {  	v54 =	vadd.f32 v57, v26;
	v55 =	vmul.f32 v21, v40;
	v3 =	vadd.f32 v3, v30  }
0xe8: {  	v56 =	vmul.f32 v21, v42;
	v9 =	vbroadcast v36, $0xC;
	v4 =	vadd.f32 v4, v53  }
0xe9: {  	v57 =	vadd.f32 v59, v34;
	v5 =	vmul.f32 v24, v52;
	v3 =	vadd.f32 v3, v55  }
0xea: {  	v7 =	vadd.f32 v54, v31;
	v58 =	vmul.f32 v24, v9;
	v4 =	vadd.f32 v4, v56  }
0xeb: {  	v59 =	vbroadcast v35, $0xE;
	v6 =	vadd.f32 v57, v18;
	v3 =	vadd.f32 v3, v5  }
0xec: {  	v60 =	vadd.f32 v7, v28;
	v61 =	vmul.f32 v16, v29;
	v4 =	vadd.f32 v4, v58  }
0xed: {  	v62 =	vmul.f32 v19, v59;
	v6 =	vadd.f32 v6, v25;
	v3 =	vadd.f32 v3, v49  }
0xee: {  	v5 =	vadd.f32 v60, v20;
	v4 =	vadd.f32 v4, v61  }
0xef: {  	v63 =	vmul.f32 v10, v33;
	v6 =	vadd.f32 v6, v27;
	v3 =	vadd.f32 v3, v62  }
0xf0: {  	v5 =	vadd.f32 v5, v12;
	v4 =	vadd.f32 v4, v50  }
0xf1: {  	v2 =	vmul.f32 v6, v2;
	v3 =	vadd.f32 v3, v63  }
0xf2: {  	v1 =	vmul.f32 v5, v1;
	v4 =	vadd.f32 v4, v32  }
0xf3: {  	[tilespmem:s9+$0xFFFFFFF0] =	vst v2;
	v2 =	vmul.f32 v3, v23  }
0xf4: {  	s7 =	sadd.s32 $0x20, s17;
	[tilespmem:s9+$0x0] =	vst v1;
	v1 =	vmul.f32 v4, v22  }
0xf5: {  	[tilespmem:s7+$0xFFFFFFF0] =	vst v2  }
0xf6: {  	s12 =	simm.s32 $0x7000;
	[tilespmem:s7+$0x0] =	vst v1  }
0xf7: {  	[spmem:s10] =	stream.linear.scatter [tilespmem:s12], [sflag:$0x9], $0x2780, $0x38;
	[tilespmem:$0x1AD10] =	vst v63  }
0xf8: {  	_ =	swait.ge [sflag:s16], $0x2780  }
0xf9: {  	[sflag:s16] =	ssyncset.done $0x0  }
0xfa: {  	s8 =	simm.s32 $0x13580;
	s13 =	rddreg [dreg:$0xa];
	[sflag:s16] =	ssyncadd.s32 $0xFFFFD880  }
0xfb: {  	[spmem:s13] =	stream.linear.scatter [tilespmem:s8], [sflag:$0x9], $0x2780, $0x38;
	[tilespmem:$0x1AD10] =	vst v63  }
0xfc: {  	_ =	swait.ge [sflag:s16], $0x2780  }
0xfd: {  	s9 =	simm.s32 @!p0 $0x13580;
	s7 =	simm.s32 @!p0 $0x10;
	[sflag:s16] =	ssyncset.done $0x0  }
0xfe: {  	s8 =	simm.s32 @!p0 $0x80;
	s11 =	rddreg [dreg:$0xb];
	[sflag:s16] =	ssyncadd.s32 $0xFFFFD880  }
0xff: {  	[hbm4b:s11+s7] =	stream.strided.scatter @!p0 [tilespmem:s9], [sflag:$0x9], $0x2780, s8, s7, $0x38;
	[tilespmem:$0x1AD10] =	vst v63  }
0x100: {  	s9 =	simm.s32 @!p0 $0x9  }
0x101: {  	_ =	swait.ge @!p0 [sflag:s9], $0x2780  }
0x102: {  	[sflag:s9] =	ssyncset.done @!p0 $0x0  }
0x103: {  	s11 =	simm.s32 @!p0 $0x10E00;
	s12 =	rddreg [dreg:$0xc];
	[sflag:s9] =	ssyncadd.s32 @!p0 $0xFFFFD880  }
0x104: {  	[hbm4b:s12+s7] =	stream.strided.scatter @!p0 [tilespmem:s11], [sflag:$0x9], $0x2780, s8, s7, $0x38;
	[tilespmem:$0x1AD10] =	vst v63  }
0x105: {  	_ =	swait.ge @!p0 [sflag:s9], $0x2780  }
0x106: {  	[sflag:s9] =	ssyncset.done @!p0 $0x0  }
0x107: {  	[sflag:s9] =	ssyncadd.s32 @!p0 $0xFFFFD880  }
0x108: {  	s17 =	simm.s32 $0x0;
	[bflag:$0x0] =	sbarrier.arrive $0xFFFF  }
0x109: {  	[tilespmem:s31], [sflag:$0x1] =	stream.indirect.gather [spmem:s3], $0x10, s17, s30, $0xb8;
	[tilespmem:$0x1AD10] =	vst v63  }
0x10a: {  	_ = 	snop  }
0x10b: {  	[tilespmem:s0], [sflag:$0x2] =	stream.indirect.gather [spmem:s3], $0x10, s30, s30, $0xb8;
	[tilespmem:$0x1AD10] =	vst v63  }
0x10c: {  	s8 =	simm.s32 $0x100  }
0x10d: {  	[tilespmem:s20], [sflag:$0x3] =	stream.indirect.gather [spmem:s3], $0x10, s8, s30, $0xb8;
	[tilespmem:$0x1AD10] =	vst v63  }
0x10e: {  	s9 =	simm.s32 $0x180  }
0x10f: {  	[tilespmem:s24], [sflag:$0x4] =	stream.indirect.gather [spmem:s3], $0x10, s9, s30, $0xb8;
	[tilespmem:$0x1AD10] =	vst v63  }
0x110: {  	_ =	swait.ge [sflag:s25], $0x800  }
0x111: {  	[sflag:s25] =	ssyncset.done $0x0  }
0x112: {  	s12 =	simm.s32 $0x2800;
	[sflag:s25] =	ssyncadd.s32 $0xFFFFF800  }
0x113: {  	[spmem:s2] =	stream.indirect.scatter.add.f32 [tilespmem:s31], [sflag:$0x5], $0x10, s12, s30, $0xb8;
	[tilespmem:$0x1AD10] =	vst v63  }
0x114: {  	_ =	swait.ge [sflag:s26], $0x800  }
0x115: {  	[sflag:s26] =	ssyncset.done $0x0  }
0x116: {  	s11 =	simm.s32 $0x200;
	[sflag:s26] =	ssyncadd.s32 $0xFFFFF800  }
0x117: {  	[tilespmem:s31], [sflag:$0x1] =	stream.indirect.gather [spmem:s3], $0x10, s11, s30, $0xb8;
	[tilespmem:$0x1AD10] =	vst v63  }
0x118: {  	_ =	swait.ge [sflag:s29], $0x800  }
0x119: {  	[sflag:s29] =	ssyncset.done $0x0  }
0x11a: {  	s13 =	simm.s32 $0x2880;
	[sflag:s29] =	ssyncadd.s32 $0xFFFFF800  }
0x11b: {  	[spmem:s2] =	stream.indirect.scatter.add.f32 [tilespmem:s0], [sflag:$0x6], $0x10, s13, s30, $0xb8;
	[tilespmem:$0x1AD10] =	vst v63  }
0x11c: {  	_ =	swait.ge [sflag:s22], $0x800  }
0x11d: {  	[sflag:s22] =	ssyncset.done $0x0  }
0x11e: {  	s17 =	simm.s32 $0x280;
	[sflag:s22] =	ssyncadd.s32 $0xFFFFF800  }
0x11f: {  	[tilespmem:s0], [sflag:$0x2] =	stream.indirect.gather [spmem:s3], $0x10, s17, s30, $0xb8;
	[tilespmem:$0x1AD10] =	vst v63  }
0x120: {  	_ =	swait.ge [sflag:s18], $0x800  }
0x121: {  	[sflag:s18] =	ssyncset.done $0x0  }
0x122: {  	s8 =	simm.s32 $0x2900;
	[sflag:s18] =	ssyncadd.s32 $0xFFFFF800  }
0x123: {  	[spmem:s2] =	stream.indirect.scatter.add.f32 [tilespmem:s20], [sflag:$0x7], $0x10, s8, s30, $0xb8;
	[tilespmem:$0x1AD10] =	vst v63  }
0x124: {  	_ =	swait.ge [sflag:s28], $0x800  }
0x125: {  	[sflag:s28] =	ssyncset.done $0x0  }
0x126: {  	s9 =	simm.s32 $0x300;
	[sflag:s28] =	ssyncadd.s32 $0xFFFFF800  }
0x127: {  	[tilespmem:s20], [sflag:$0x3] =	stream.indirect.gather [spmem:s3], $0x10, s9, s30, $0xb8;
	[tilespmem:$0x1AD10] =	vst v63  }
0x128: {  	_ =	swait.ge [sflag:s1], $0x800  }
0x129: {  	[sflag:s1] =	ssyncset.done $0x0  }
0x12a: {  	s11 =	simm.s32 $0x2980;
	[sflag:s1] =	ssyncadd.s32 $0xFFFFF800  }
0x12b: {  	[spmem:s2] =	stream.indirect.scatter.add.f32 [tilespmem:s24], [sflag:$0x8], $0x10, s11, s30, $0xb8;
	[tilespmem:$0x1AD10] =	vst v63  }
0x12c: {  	_ =	swait.ge [sflag:s5], $0x800  }
0x12d: {  	[sflag:s5] =	ssyncset.done $0x0  }
0x12e: {  	s13 =	simm.s32 $0x380;
	[sflag:s5] =	ssyncadd.s32 $0xFFFFF800  }
0x12f: {  	[tilespmem:s24], [sflag:$0x4] =	stream.indirect.gather [spmem:s3], $0x10, s13, s30, $0xb8;
	[tilespmem:$0x1AD10] =	vst v63  }
0x130: {  	_ =	swait.ge [sflag:s25], $0x800  }
0x131: {  	[sflag:s25] =	ssyncset.done $0x0  }
0x132: {  	s17 =	simm.s32 $0x2A00;
	[sflag:s25] =	ssyncadd.s32 $0xFFFFF800  }
0x133: {  	[spmem:s2] =	stream.indirect.scatter.add.f32 [tilespmem:s31], [sflag:$0x5], $0x10, s17, s30, $0xb8;
	[tilespmem:$0x1AD10] =	vst v63  }
0x134: {  	_ =	swait.ge [sflag:s26], $0x800  }
0x135: {  	[sflag:s26] =	ssyncset.done $0x0  }
0x136: {  	s8 =	simm.s32 $0x400;
	[sflag:s26] =	ssyncadd.s32 $0xFFFFF800  }
0x137: {  	[tilespmem:s31], [sflag:$0x1] =	stream.indirect.gather [spmem:s3], $0x10, s8, s30, $0xb8;
	[tilespmem:$0x1AD10] =	vst v63  }
0x138: {  	_ =	swait.ge [sflag:s29], $0x800  }
0x139: {  	[sflag:s29] =	ssyncset.done $0x0  }
0x13a: {  	s9 =	simm.s32 $0x2A80;
	[sflag:s29] =	ssyncadd.s32 $0xFFFFF800  }
0x13b: {  	[spmem:s2] =	stream.indirect.scatter.add.f32 [tilespmem:s0], [sflag:$0x6], $0x10, s9, s30, $0xb8;
	[tilespmem:$0x1AD10] =	vst v63  }
0x13c: {  	_ =	swait.ge [sflag:s22], $0x800  }
0x13d: {  	[sflag:s22] =	ssyncset.done $0x0  }
0x13e: {  	s11 =	simm.s32 $0x480;
	[sflag:s22] =	ssyncadd.s32 $0xFFFFF800  }
0x13f: {  	[tilespmem:s0], [sflag:$0x2] =	stream.indirect.gather [spmem:s3], $0x10, s11, s30, $0xb8;
	[tilespmem:$0x1AD10] =	vst v63  }
0x140: {  	_ =	swait.ge [sflag:s18], $0x800  }
0x141: {  	[sflag:s18] =	ssyncset.done $0x0  }
0x142: {  	s13 =	simm.s32 $0x2B00;
	[sflag:s18] =	ssyncadd.s32 $0xFFFFF800  }
0x143: {  	[spmem:s2] =	stream.indirect.scatter.add.f32 [tilespmem:s20], [sflag:$0x7], $0x10, s13, s30, $0xb8;
	[tilespmem:$0x1AD10] =	vst v63  }
0x144: {  	_ =	swait.ge [sflag:s28], $0x800  }
0x145: {  	[sflag:s28] =	ssyncset.done $0x0  }
0x146: {  	s17 =	simm.s32 $0x500;
	[sflag:s28] =	ssyncadd.s32 $0xFFFFF800  }
0x147: {  	[tilespmem:s20], [sflag:$0x3] =	stream.indirect.gather [spmem:s3], $0x10, s17, s30, $0xb8;
	[tilespmem:$0x1AD10] =	vst v63  }
0x148: {  	_ =	swait.ge [sflag:s1], $0x800  }
0x149: {  	[sflag:s1] =	ssyncset.done $0x0  }
0x14a: {  	s7 =	simm.s32 $0x800;
	s8 =	simm.s32 $0x2B80;
	[sflag:s1] =	ssyncadd.s32 $0xFFFFF800  }
.LBB2_6:
0x14b: {  	[spmem:s2] =	stream.indirect.scatter.add.f32 [tilespmem:s24], [sflag:$0x8], $0x10, s8, s30, $0xb8;
	[tilespmem:$0x1AD10] =	vst v63  }
0x14c: {  	s8 =	smov.u32 s7  }
0x14d: {  	p1 =	sne.s32 s7, $0x8800;
	s7 =	sadd.s32 $0x800, s7;
	_ =	swait.ge [sflag:s5], $0x800  }
0x14e: {  	s8 =	sshra.s32 s8, $0x2;
	[sflag:s5] =	ssyncset.done $0x0  }
0x14f: {  	s9 =	sadd.s32 $0x380, s8;
	[sflag:s5] =	ssyncadd.s32 $0xFFFFF800  }
0x150: {  	[tilespmem:s24], [sflag:$0x4] =	stream.indirect.gather [spmem:s3], $0x10, s9, s30, $0xb8;
	[tilespmem:$0x1AD10] =	vst v63  }
0x151: {  	_ =	swait.ge [sflag:s25], $0x800  }
0x152: {  	[sflag:s25] =	ssyncset.done $0x0  }
0x153: {  	s9 =	sadd.s32 $0x2A00, s8;
	[sflag:s25] =	ssyncadd.s32 $0xFFFFF800  }
0x154: {  	[spmem:s2] =	stream.indirect.scatter.add.f32 [tilespmem:s31], [sflag:$0x5], $0x10, s9, s30, $0xb8;
	[tilespmem:$0x1AD10] =	vst v63  }
0x155: {  	_ =	swait.ge [sflag:s26], $0x800  }
0x156: {  	[sflag:s26] =	ssyncset.done $0x0  }
0x157: {  	s9 =	sadd.s32 $0x400, s8;
	[sflag:s26] =	ssyncadd.s32 $0xFFFFF800  }
0x158: {  	[tilespmem:s31], [sflag:$0x1] =	stream.indirect.gather [spmem:s3], $0x10, s9, s30, $0xb8;
	[tilespmem:$0x1AD10] =	vst v63  }
0x159: {  	_ =	swait.ge [sflag:s29], $0x800  }
0x15a: {  	[sflag:s29] =	ssyncset.done $0x0  }
0x15b: {  	s9 =	sadd.s32 $0x2A80, s8;
	[sflag:s29] =	ssyncadd.s32 $0xFFFFF800  }
0x15c: {  	[spmem:s2] =	stream.indirect.scatter.add.f32 [tilespmem:s0], [sflag:$0x6], $0x10, s9, s30, $0xb8;
	[tilespmem:$0x1AD10] =	vst v63  }
0x15d: {  	_ =	swait.ge [sflag:s22], $0x800  }
0x15e: {  	[sflag:s22] =	ssyncset.done $0x0  }
0x15f: {  	s9 =	sadd.s32 $0x480, s8;
	[sflag:s22] =	ssyncadd.s32 $0xFFFFF800  }
0x160: {  	[tilespmem:s0], [sflag:$0x2] =	stream.indirect.gather [spmem:s3], $0x10, s9, s30, $0xb8;
	[tilespmem:$0x1AD10] =	vst v63  }
0x161: {  	_ =	swait.ge [sflag:s18], $0x800  }
0x162: {  	[sflag:s18] =	ssyncset.done $0x0  }
0x163: {  	s9 =	sadd.s32 $0x2B00, s8;
	[sflag:s18] =	ssyncadd.s32 $0xFFFFF800  }
0x164: {  	[spmem:s2] =	stream.indirect.scatter.add.f32 [tilespmem:s20], [sflag:$0x7], $0x10, s9, s30, $0xb8;
	[tilespmem:$0x1AD10] =	vst v63  }
0x165: {  	_ =	swait.ge [sflag:s28], $0x800  }
0x166: {  	[sflag:s28] =	ssyncset.done $0x0  }
.Ltmp2:
0x167: {  	s9 =	sadd.s32 $0x500, s8;
	[sflag:s28] =	ssyncadd.s32 $0xFFFFF800;
	(pc) =	sbr.rel @p1 .LBB2_6-.Ltmp2, $4  }
0x168: {  	[tilespmem:s20], [sflag:$0x3] =	stream.indirect.gather [spmem:s3], $0x10, s9, s30, $0xb8;
	[tilespmem:$0x1AD10] =	vst v63  }
0x169: {  	_ =	swait.ge [sflag:s1], $0x800  }
0x16a: {  	[sflag:s1] =	ssyncset.done $0x0  }
0x16b: {  	s8 =	sadd.s32 $0x2B80, s8;
	[sflag:s1] =	ssyncadd.s32 $0xFFFFF800  }
0x16c: {  	[spmem:s2] =	stream.indirect.scatter.add.f32 [tilespmem:s24], [sflag:$0x8], $0x10, s8, s30, $0xb8;
	[tilespmem:$0x1AD10] =	vst v63  }
0x16d: {  	_ =	swait.ge [sflag:s5], $0x800  }
0x16e: {  	[sflag:s5] =	ssyncset.done $0x0  }
0x16f: {  	s7 =	simm.s32 $0x2780;
	[sflag:s5] =	ssyncadd.s32 $0xFFFFF800  }
0x170: {  	[tilespmem:s24], [sflag:$0x4] =	stream.indirect.gather [spmem:s3], $0x10, s7, s30, $0xb8;
	[tilespmem:$0x1AD10] =	vst v63  }
0x171: {  	_ =	swait.ge [sflag:s25], $0x800  }
0x172: {  	[sflag:s25] =	ssyncset.done $0x0  }
0x173: {  	s17 =	simm.s32 $0x4E00;
	[sflag:s25] =	ssyncadd.s32 $0xFFFFF800  }
0x174: {  	[spmem:s2] =	stream.indirect.scatter.add.f32 [tilespmem:s31], [sflag:$0x5], $0x10, s17, s30, $0xb8;
	[tilespmem:$0x1AD10] =	vst v63  }
0x175: {  	_ =	swait.ge [sflag:s29], $0x800  }
0x176: {  	[sflag:s29] =	ssyncset.done $0x0  }
0x177: {  	s8 =	simm.s32 $0x4E80;
	[sflag:s29] =	ssyncadd.s32 $0xFFFFF800  }
0x178: {  	[spmem:s2] =	stream.indirect.scatter.add.f32 [tilespmem:s0], [sflag:$0x6], $0x10, s8, s30, $0xb8;
	[tilespmem:$0x1AD10] =	vst v63  }
0x179: {  	_ =	swait.ge [sflag:s18], $0x800  }
0x17a: {  	[sflag:s18] =	ssyncset.done $0x0  }
0x17b: {  	s9 =	simm.s32 $0x4F00;
	[sflag:s18] =	ssyncadd.s32 $0xFFFFF800  }
0x17c: {  	[spmem:s2] =	stream.indirect.scatter.add.f32 [tilespmem:s20], [sflag:$0x7], $0x10, s9, s30, $0xb8;
	[tilespmem:$0x1AD10] =	vst v63  }
0x17d: {  	_ =	swait.ge [sflag:s1], $0x800  }
0x17e: {  	[sflag:s1] =	ssyncset.done $0x0  }
0x17f: {  	s11 =	simm.s32 $0x4F80;
	[sflag:s1] =	ssyncadd.s32 $0xFFFFF800  }
0x180: {  	[spmem:s2] =	stream.indirect.scatter.add.f32 [tilespmem:s24], [sflag:$0x8], $0x10, s11, s30, $0xb8;
	[tilespmem:$0x1AD10] =	vst v63  }
0x181: {  	_ =	swait.ge [sflag:s26], $0x800  }
0x182: {  	[sflag:s26] =	ssyncset.done $0x0  }
0x183: {  	[sflag:s26] =	ssyncadd.s32 $0xFFFFF800  }
0x184: {  	_ =	swait.ge [sflag:s22], $0x800  }
0x185: {  	[sflag:s22] =	ssyncset.done $0x0  }
0x186: {  	[sflag:s22] =	ssyncadd.s32 $0xFFFFF800  }
0x187: {  	_ =	swait.ge [sflag:s28], $0x800  }
0x188: {  	[sflag:s28] =	ssyncset.done $0x0  }
0x189: {  	[sflag:s28] =	ssyncadd.s32 $0xFFFFF800  }
0x18a: {  	s13 =	stileid.u32;
	s6 =	sadd.s32 $0x1, s6;
	_ =	swait.ge [sflag:s5], $0x800  }
0x18b: {  	p1 =	sne.s32 s6, s14;
	s7 =	sshll.u32 s13, $0x6;
	[sflag:s5] =	ssyncset.done $0x0  }
0x18c: {  	s7 =	sor.u32 $0x1C09, s7;
	s17 =	sshrl.u32 s10, $0x3;
	[sflag:s5] =	ssyncadd.s32 $0xFFFFF800  }
.Ltmp3:
0x18d: {  	s9 =	simm.s32 $0x10;
	[bflag:$0x0] =	sbarrier.arrive $0xFFFF;
	(pc) =	sbr.rel @p1 .LBB2_1-.Ltmp3, $4  }
0x18e: {  	[hbm:s15@s9], [sflag:s7] =	dma.strided [spmem:s17@s29], $0x4F0, s25, $0x2   }
0x18f: {  	_ =	swait.ge [sflag:s16], $0x4F0  }
0x190: {  	[sflag:s16] =	ssyncset.done $0x0  }
0x191: {  	[sflag:s16] =	ssyncadd.s32 $0xFFFFFB10  }
0x192: {  	_ =	sfence.sel $0x180000  }
0x193: {  	[bflag:$0x0] =	sbarrier.arrive $0xFFFF  }
0x194: {  	_ =	strace $0x90000050  }
0x195: {  	s0 =	stileid.u32;
	[bflag:$0x2] =	sbarrier.arrive $0xFFFF  }
0x196: {  	p0 =	sne.s32 s0, $0x0;
	s0 =	rddreg [dreg:$0x4]  }
0x197: {  	s0 =	sadd.s32 @!p0 $0x100000, s0  }
0x198: {  	[sflag:s0] =	ssyncadd.tile.s32 @!p0 $0x1;
	_ =	shalt  }
.Lfunc_end2:
_tile_overlayer_lowered:
.L_overlay_start_2:
0x199: {  	(tag) =	ssettag $0x2  }
0x19a: {  	s0 =	rddreg [dreg:$0x0];
	s2 =	stileid.u32  }
0x19b: {  	s1 =	rddreg [dreg:$0x1];
	p0 =	sne.s32 s2, $0x0  }
0x19c: {  	s3 =	rddreg [dreg:$0x2];
	[bflag:$0x3] =	sbarrier.arrive $0xFFFF;
	s2 =	simm.s32 @!p0 $0x1C09  }
0x19d: {  	[timem:s3], [sflag:s2] =	dma.local @!p0 [hbm:s0], s1  }
0x19e: {  	s0 =	simm.s32 @!p0 $0x9  }
0x19f: {  	_ =	swait.ge @!p0 [sflag:s0], s1  }
0x1a0: {  	s1 =	ssub.s32 @!p0 $0x0, s1;
	[sflag:s0] =	ssyncset.done @!p0 $0x0  }
0x1a1: {  	[sflag:s0] =	ssyncadd.s32 @!p0 s1  }
0x1a2: {  	[bflag:$0x3] =	sbarrier.arrive $0xFFFF  }
0x1a3: {  	_ =	shalt  }

// kernel: kernel.8.cloned.1.call-start
scs
__scs_entry_jumppad:
0x0: {  	(pc) =	sbr.rel $0x88, $3  }
0x1: {  	(tag) =	ssettag $0x0;
	lr =	simm.s32 $0x1  }
0x2: {  	[smem:$0x3F97] =	sst lr;
	_ =	strace $0xD0000000  }
0x3: {  	_ = 	snop  }
0x4: {  	_ = 	snop  }
0x5: {  	_ = 	snop  }
0x6: {  	_ = 	snop  }
0x7: {  	_ = 	snop  }
__scs_overlays_trampoline_lowered:
0x8: {  	[smem:$0x3FA6] =	sst s0  }
0x9: {  	[smem:$0x3FA7] =	sst s1  }
0xa: {  	[smem:$0x3FA8] =	sst s2  }
0xb: {  	[smem:$0x3FA9] =	sst s3  }
0xc: {  	[smem:$0x3FAA] =	sst s4  }
0xd: {  	[smem:$0x3FAB] =	sst s5  }
0xe: {  	[smem:$0x3FAC] =	sst s6  }
0xf: {  	[smem:$0x3FAD] =	sst s7  }
0x10: {  	[smem:$0x3FAE] =	sst s8  }
0x11: {  	[smem:$0x3FAF] =	sst s9;
	s0 =	simm.s32 @!p0 $0x0  }
0x12: {  	s1 =	sld [smem:$0x3F95];
	s0 =	simm.s32 @p0 $0x1  }
0x13: {  	[smem:$0x3FB0] =	sst s0;
	s0 =	simm.s32 @!p1 $0x0  }
0x14: {  	s2 =	sld [smem:$0x3F94];
	s0 =	simm.s32 @p1 $0x1  }
0x15: {  	[smem:$0x3FB1] =	sst s0;
	s0 =	simm.s32 @!p2 $0x0  }
0x16: {  	s3 =	sld [smem:$0x3FDB];
	s0 =	simm.s32 @p2 $0x1  }
0x17: {  	s4 =	simm.s32 $0x1BF5;
	[smem:$0x3FB3] =	sst s0  }
0x18: {  	s0 =	sld [smem:$0x3F96];
	_ =	swait.ge [sflag:s4], $0x0  }
0x19: {  	s7 =	sld [smem:$0x3F97]  }
0x1a: {  	s8 =	sadd.s32 $0xFFFFE003, lr  }
0x1b: {  	s9 =	sadd.s32 $0xFFFFFEF7, lr;
	s5 =	simm.s32 $0xFFFFFFFF;
	p2 =	slt.u32 s8, $0xFFFFF086  }
0x1c: {  	p1 =	slt.u32 s9, $0xF7A;
	s5 =	simm.s32 @!p2 $0x0  }
0x1d: {  	s5 =	simm.s32 @p1 $0x1;
	p0 =	seq.s32 s7, s2  }
0x1e: {  	s7 =	smul.u32 @!p0 $0xF7A, s2;
	p2 =	seq.s32 @!p0 s5, $0x0  }
0x1f: {  	s9 =	smul.u32 $0xF7A, s1;
	s8 =	simm.s32 @!p0 $0x1BF5;
	p2 =	por !p2, p0  }
0x20: {  	[sflag:s8] =	ssyncset.s32 @!p0 $0xFFFFF086;
	s6 =	sadd.s32 @!p0 s3, s7;
	s7 =	simm.s32 @!p0 $0x108  }
0x21: {  	s3 =	sadd.s32 s3, s9;
	s6 =	sadd.s32 @!p0 $0x88, s6;
	s7 =	simm.s32 @p2 $0x1082  }
0x22: {  	[simem:s7], [sflag:s8] =	dma.local @!p0 [hbm:s6], $0xF7A  }
0x23: {  	s9 =	sor.u32 $0xD0000000, s2;
	s6 =	simm.s32 $0x108;
	_ =	swait.ge @!p0 [sflag:s8], $0x0  }
0x24: {  	s3 =	sadd.s32 $0x88, s3;
	s6 =	simm.s32 @!p1 $0x1082;
	[sflag:s4] =	ssyncset.s32 $0xFFFFF086  }
0x25: {  	[simem:s6], [sflag:s4] =	dma.local [hbm:s3], $0xF7A  }
0x26: {  	[smem:$0x3F97] =	sst s1;
	(tag) =	ssettag s2;
	_ =	strace s9  }
0x27: {  	s1 =	sld [smem:$0x3FA7]  }
0x28: {  	s2 =	sld [smem:$0x3FA8]  }
0x29: {  	s4 =	sld [smem:$0x3FAA]  }
0x2a: {  	p0 =	seq.s32 s5, $0x0;
	s5 =	sld [smem:$0x3FAB]  }
0x2b: {  	s6 =	sld [smem:$0x3FAC]  }
0x2c: {  	s7 =	sld [smem:$0x3FAD]  }
0x2d: {  	s3 =	simm.s32 $0x108;
	s8 =	sld [smem:$0x3FAE]  }
0x2e: {  	s3 =	simm.s32 @!p0 $0x1082;
	s9 =	sld [smem:$0x3FAF]  }
0x2f: {  	lr =	sadd.s32 s0, s3;
	s0 =	sld [smem:$0x3FA6]  }
0x30: {  	s3 =	sld [smem:$0x3FA9]  }
0x31: {  	[smem:$0x3FB2] =	sst s10  }
0x32: {  	s10 =	sld [smem:$0x3FB0];
	_ =	sdelay $0x3  }
0x33: {  	p0 =	seq.s32 s10, $0x1;
	s10 =	sld [smem:$0x3FB2];
	_ =	sdelay $0x3  }
0x34: {  	[smem:$0x3FB2] =	sst s10  }
0x35: {  	s10 =	sld [smem:$0x3FB1];
	_ =	sdelay $0x3  }
0x36: {  	p1 =	seq.s32 s10, $0x1;
	s10 =	sld [smem:$0x3FB2];
	_ =	sdelay $0x3  }
0x37: {  	[smem:$0x3FB2] =	sst s10  }
0x38: {  	s10 =	sld [smem:$0x3FB3]  }
0x39: {  	_ = 	snop;
	(pc) =	sbr.ind lr, $3  }
0x3a: {  	_ = 	snop  }
0x3b: {  	_ = 	snop  }
0x3c: {  	p2 =	seq.s32 s10, $0x1;
	s10 =	sld [smem:$0x3FB2]  }
0x3d: {  	_ =	shalt  }
0x3e: {  	_ =	shalt  }
0x3f: {  	_ =	shalt  }
0x40: {  	_ =	shalt  }
0x41: {  	_ =	shalt  }
0x42: {  	_ =	shalt  }
0x43: {  	_ =	shalt  }
0x44: {  	_ =	shalt  }
0x45: {  	_ =	shalt  }
0x46: {  	_ =	shalt  }
0x47: {  	_ =	shalt  }
0x48: {  	_ =	shalt  }
0x49: {  	_ =	shalt  }
0x4a: {  	_ =	shalt  }
0x4b: {  	_ =	shalt  }
0x4c: {  	_ =	shalt  }
0x4d: {  	_ =	shalt  }
0x4e: {  	_ =	shalt  }
0x4f: {  	_ =	shalt  }
0x50: {  	_ =	shalt  }
0x51: {  	_ =	shalt  }
0x52: {  	_ =	shalt  }
0x53: {  	_ =	shalt  }
0x54: {  	_ =	shalt  }
0x55: {  	_ =	shalt  }
0x56: {  	_ =	shalt  }
0x57: {  	_ =	shalt  }
0x58: {  	_ =	shalt  }
0x59: {  	_ =	shalt  }
0x5a: {  	_ =	shalt  }
0x5b: {  	_ =	shalt  }
0x5c: {  	_ =	shalt  }
0x5d: {  	_ =	shalt  }
0x5e: {  	_ =	shalt  }
0x5f: {  	_ =	shalt  }
0x60: {  	_ =	shalt  }
0x61: {  	_ =	shalt  }
0x62: {  	_ =	shalt  }
0x63: {  	_ =	shalt  }
0x64: {  	_ =	shalt  }
0x65: {  	_ =	shalt  }
0x66: {  	_ =	shalt  }
0x67: {  	_ =	shalt  }
0x68: {  	_ =	shalt  }
0x69: {  	_ =	shalt  }
0x6a: {  	_ =	shalt  }
0x6b: {  	_ =	shalt  }
0x6c: {  	_ =	shalt  }
0x6d: {  	_ =	shalt  }
0x6e: {  	_ =	shalt  }
0x6f: {  	_ =	shalt  }
0x70: {  	_ =	shalt  }
0x71: {  	_ =	shalt  }
0x72: {  	_ =	shalt  }
0x73: {  	_ =	shalt  }
0x74: {  	_ =	shalt  }
0x75: {  	_ =	shalt  }
0x76: {  	_ =	shalt  }
0x77: {  	_ =	shalt  }
0x78: {  	_ =	shalt  }
0x79: {  	_ =	shalt  }
0x7a: {  	_ =	shalt  }
0x7b: {  	_ =	shalt  }
0x7c: {  	_ =	shalt  }
0x7d: {  	_ =	shalt  }
0x7e: {  	_ =	shalt  }
0x7f: {  	_ =	shalt  }
0x80: {  	_ =	shalt  }
0x81: {  	_ =	shalt  }
0x82: {  	_ =	shalt  }
0x83: {  	_ =	shalt  }
0x84: {  	_ =	shalt  }
0x85: {  	_ =	shalt  }
0x86: {  	_ =	shalt  }
0x87: {  	_ =	shalt  }
.Lfunc_end0:
.L_simem_size_0:
called_computation_lowered:
.L_overlay_start_0:
0x88: {  	s2 =	sld [smem:$0x3FD9]  }
0x89: {  	s3 =	sld [smem:$0x3FFE];
	_ =	sdelay $0x1  }
0x8a: {  	s1 =	srdreg.scid  }
0x8b: {  	s0 =	sand.u32 $0x1, s1  }
0x8c: {  	s17 =	sshll.u32 s0, $0xA;
	s2 =	sadd.s32 s3, s2  }
0x8d: {  	s2 =	sadd.s32 s2, s17  }
0x8e: {  	[smem:$0x3FBE] =	sst s2  }
0x8f: {  	_ = 	snop  }
0x90: {  	s2 =	sld [smem:$0x3FD0];
	(tm) =	ssettm $0x1  }
0x91: {  	s18 =	sld [smem:$0x3FFB];
	_ =	sdelay $0x3  }
0x92: {  	_ =	strace s18  }
0x93: {  	s3 =	sld [smem:$0x3FFC];
	_ =	sdelay $0x3  }
0x94: {  	_ =	strace s3  }
0x95: {  	s3 =	sld [smem:$0x3FFD];
	_ =	sdelay $0x3  }
0x96: {  	_ =	strace s3  }
0x97: {  	_ =	strace $0x8FFFFFFF  }
0x98: {  	s19 =	sld [smem:$0x3FDB];
	_ =	sdelay $0x1  }
0x99: {  	s4 =	simm.s32 $_scs_section_size  }
0x9a: {  	s5 =	simm.s32 $_size__tile_overlayer_lowered;
	s6 =	simm.s32 $_tile_overlayer_lowered  }
0x9b: {  	s22 =	simm.s32 $0x1BFF;
	s21 =	sshll.u32 s6, $0x1;
	s3 =	sadd.s32 s4, s19  }
0x9c: {  	s7 =	simm.s32 $0x0;
	s20 =	sshll.u32 s5, $0x1;
	s5 =	sadd.s32 s21, s3  }
0x9d: {  	[timem:s7], [sflag:s22] =	dma.local [hbm:s5], s20  }
0x9e: {  	_ =	swait.ge [sflag:s22], s20  }
0x9f: {  	s4 =	ssub.s32 $0x0, s20;
	[sflag:s22] =	ssyncset.done $0x0  }
0xa0: {  	[sflag:s22] =	ssyncadd.s32 s4;
	_ =	sdelay $0x1  }
0xa1: {  	s23 =	simm.s32 $0x1B8B  }
0xa2: {  	_ =	swait.ge [sflag:s23], $0x1  }
0xa3: {  	[sflag:s23] =	ssyncset.done $0x0  }
0xa4: {  	s25 =	simm.s32 $0x1B8E;
	s24 =	sld [smem:$0x3FFE];
	[sflag:s23] =	ssyncadd.s32 $0xFFFFFFFF  }
0xa5: {  	s26 =	simm.s32 $execute0_lowered;
	[smem:$0x3FD2] =	sst s25  }
0xa6: {  	s5 =	sshll.u32 s26, $0x1;
	_ =	strace $0x80000046;
	[dreg:$0x1] =	wrdreg $0xFFFFFFFF  }
0xa7: {  	s28 =	simm.s32 $_size_execute0_lowered;
	s3 =	sadd.s32 s3, s5;
	[dreg:$0x0] =	wrdreg $0x0  }
0xa8: {  	s5 =	sshll.u32 s28, $0x1;
	[dreg:$0x2] =	wrdreg s3  }
0xa9: {  	[dreg:$0x3] =	wrdreg s5  }
0xaa: {  	[dreg:$0x4] =	wrdreg $0xC0  }
0xab: {  	_ =	task [dreg:s7], $0x5FFFF  }
0xac: {  	[dreg:$0x1] =	wrdreg $0xFFFFFFFF  }
0xad: {  	[dreg:$0x0] =	wrdreg $0x60  }
0xae: {  	[dreg:$0x2] =	wrdreg s24  }
0xaf: {  	[dreg:$0x3] =	wrdreg s2  }
0xb0: {  	[dreg:$0x4] =	wrdreg $0x57800  }
0xb1: {  	[dreg:$0x5] =	wrdreg $0x9  }
0xb2: {  	_ =	task.clear_ibuf [dreg:s7], $0x6FFFF;
	_ =	strace $0x90000046  }
0xb3: {  	s29 =	simm.s32 $0x9;
	_ =	strace $0x80000048  }
0xb4: {  	_ =	swait.ge [sflag:s29], $0x1  }
0xb5: {  	[sflag:s29] =	ssyncadd.s32 $0xFFFFFFFF  }
0xb6: {  	_ =	strace $0x90000048  }
0xb7: {  	_ =	sfence  }
0xb8: {  	s30 =	sld [smem:$0x0];
	_ =	sdelay $0x2  }
0xb9: {  	s31 =	sshll.u32 s1, $0xD;
	s1 =	sshrl.u32 s1, $0x2  }
0xba: {  	s3 =	sand.u32 $0x4000, s31;
	s1 =	sadd.s32 s1, s30  }
0xbb: {  	s0 =	sor.u32 s3, s0;
	s1 =	sshll.u32 s1, $0x11  }
0xbc: {  	s0 =	sor.u32 s1, s0  }
0xbd: {  	s0 =	sadd.s32 $0x8F2B, s0  }
0xbe: {  	[sflag:s0] =	ssyncadd.remote.s32 $0x1  }
0xbf: {  	_ =	sfence.sel $0xFFFF  }
0xc0: {  	[dreg:$0x0] =	wrdreg $0xFFFFFFFF;
	(pc) =	sbr.abs _section_cstart, $3  }
0xc1: {  	[dreg:$0x1] =	wrdreg $0xFFFFFFFF  }
0xc2: {  	_ =	task.clear_ibuf [dreg:s7], $0x2FFFF;
	_ =	strace $0x9FFFFFFF  }
0xc3: {  	(tm) =	ssettm $0x7FFFFFFF  }
tec
execute0_lowered:
.L_overlay_start_1:
0x0: {  	(tag) =	ssettag $0x1  }
0x1: {  	s4 =	rddreg [dreg:$0x0]  }
0x2: {  	s0 =	srdreg.scid;
	s6 =	rddreg [dreg:$0x1]  }
0x3: {  	s2 =	rddreg [dreg:$0x2];
	s1 =	stileid.u32;
	s3 =	simm.s32 $0x0  }
0x4: {  	s11 =	simm.s32 $0x100;
	s12 =	simm.s32 $0x180;
	s13 =	simm.s32 $0x1  }
0x5: {  	s14 =	simm.s32 $0x2;
	s5 =	sand.u32 $0x1, s0;
	s0 =	rddreg [dreg:$0x3]  }
0x6: {  	s15 =	simm.s32 $0x3;
	s16 =	simm.s32 $0x4;
	[smem:$0x7FF] =	sst s3  }
0x7: {  	s9 =	smul.u32 $0x2780, s1;
	s7 =	sshll.u32 s5, $0x4;
	_ =	strace $0x80000047  }
0x8: {  	s8 =	ssub.s32 $0x2, s5;
	s10 =	smul.u32 $0x4F00, s5;
	s7 =	sor.u32 s1, s7  }
0x9: {  	s31 =	sshrl.u32 s8, $0x1;
	s5 =	sadd.s32 s9, s2;
	s18 =	sshrl.u32 s9, $0x3  }
0xa: {  	s9 =	simm.s32 $0x80;
	s7 =	smul.u32 $0x500, s7;
	s17 =	sadd.s32 s6, s10  }
0xb: {  	s10 =	simm.s32 $0x2800;
	s17 =	sadd.s32 s18, s17;
	s18 =	simm.s32 $0x0  }
0xc: {  	s4 =	sadd.s32 s7, s4;
	s7 =	ssub.s32 s8, s31;
	s8 =	simm.s32 $0x3000  }
0xd: {  	v0 =	vimm.f32 $1.000000000e+00;
	v1 =	vimm.f32 $0.0e+00;
	s4 =	sadd.s32 $0x2200, s4;
	s6 =	smax.u32 s7, $0x1;
	s7 =	simm.s32 $0x5  }
.LBB2_1:
0xe: {  	[tilespmem:s3], [sflag:$0x5] =	stream.linear.gather [hbm4b:s4+s3], $0x2800, $0x38;
	[tilespmem:$0x7F00] =	vst v63  }
0xf: {  	_ =	swait.ge [sflag:s7], $0x2800  }
0x10: {  	[sflag:s7] =	ssyncset.done $0x0  }
0x11: {  	s20 =	simm.s32 $0x2840;
	[sflag:s7] =	ssyncadd.s32 $0xFFFFD800  }
0x12: {  	[tilespmem:s20+$0xFFFFFFC0] =	vst v0  }
0x13: {  	[tilespmem:s20+$0x30] =	vst v0  }
0x14: {  	[tilespmem:s20+$0x20] =	vst v0  }
0x15: {  	[tilespmem:s20+$0x10] =	vst v0  }
0x16: {  	[tilespmem:s20+$0x0] =	vst v0  }
0x17: {  	[tilespmem:s20+$0xFFFFFFF0] =	vst v0  }
0x18: {  	s21 =	simm.s32 $0x0;
	[tilespmem:s20+$0xFFFFFFE0] =	vst v0  }
.LBB2_2:
0x19: {  	s21 =	sadd.s32 $0x8, s21;
	[tilespmem:s20+$0xFFFFFFD0] =	vst v0;
	s20 =	sadd.s32 $0x80, s20;
	s19 =	simm.s32 $0x3040  }
0x1a: {  	[tilespmem:s20+$0xFFFFFFC0] =	vst v0;
	p0 =	slt.u32 s21, $0x78  }
0x1b: {  	[tilespmem:s20+$0x30] =	vst v0  }
.Ltmp0:
0x1c: {  	[tilespmem:s20+$0x20] =	vst v0;
	(pc) =	sbr.rel @p0 .LBB2_2-.Ltmp0, $4  }
0x1d: {  	[tilespmem:s20+$0x10] =	vst v0  }
0x1e: {  	[tilespmem:s20+$0x0] =	vst v0  }
0x1f: {  	[tilespmem:s20+$0xFFFFFFF0] =	vst v0  }
0x20: {  	[tilespmem:s20+$0xFFFFFFE0] =	vst v0  }
0x21: {  	[tilespmem:s20+$0xFFFFFFD0] =	vst v0  }
0x22: {  	[tilespmem:s19+$0xFFFFFFC0] =	vst v1  }
0x23: {  	[tilespmem:s19+$0x30] =	vst v1  }
0x24: {  	[tilespmem:s19+$0x20] =	vst v1  }
0x25: {  	[tilespmem:s19+$0x10] =	vst v1  }
0x26: {  	[tilespmem:s19+$0x0] =	vst v1  }
0x27: {  	[tilespmem:s19+$0xFFFFFFF0] =	vst v1  }
0x28: {  	s20 =	simm.s32 $0x0;
	[tilespmem:s19+$0xFFFFFFE0] =	vst v1  }
.LBB2_4:
0x29: {  	s20 =	sadd.s32 $0x8, s20;
	[tilespmem:s19+$0xFFFFFFD0] =	vst v1;
	s19 =	sadd.s32 $0x80, s19  }
0x2a: {  	[tilespmem:s19+$0xFFFFFFC0] =	vst v1;
	p0 =	slt.u32 s20, $0x270  }
0x2b: {  	[tilespmem:s19+$0x30] =	vst v1  }
.Ltmp1:
0x2c: {  	[tilespmem:s19+$0x20] =	vst v1;
	(pc) =	sbr.rel @p0 .LBB2_4-.Ltmp1, $4  }
0x2d: {  	[tilespmem:s19+$0x10] =	vst v1  }
0x2e: {  	[tilespmem:s19+$0x0] =	vst v1  }
0x2f: {  	[tilespmem:s19+$0xFFFFFFF0] =	vst v1  }
0x30: {  	[tilespmem:s19+$0xFFFFFFE0] =	vst v1  }
0x31: {  	[tilespmem:s19+$0xFFFFFFD0] =	vst v1  }
0x32: {  	[spmem:s5] =	stream.linear.scatter [tilespmem:s8], [sflag:$0x5], $0x2780, $0x38;
	[tilespmem:$0x7F00] =	vst v63  }
0x33: {  	_ =	swait.ge [sflag:s7], $0x2780  }
0x34: {  	[sflag:s7] =	ssyncset.done $0x0  }
0x35: {  	[sflag:s7] =	ssyncadd.s32 $0xFFFFD880  }
0x36: {  	[bflag:$0x0] =	sbarrier.arrive $0xFFFF  }
0x37: {  	[spmem:s2] =	stream.indirect.scatter.add.f32 [tilespmem:s10], [sflag:$0x1], $0x10, s3, s9, $0xb8;
	[tilespmem:$0x7F00] =	vst v63  }
0x38: {  	_ = 	snop  }
0x39: {  	[spmem:s2] =	stream.indirect.scatter.add.f32 [tilespmem:s10], [sflag:$0x2], $0x10, s9, s9, $0xb8;
	[tilespmem:$0x7F00] =	vst v63  }
0x3a: {  	_ = 	snop  }
0x3b: {  	[spmem:s2] =	stream.indirect.scatter.add.f32 [tilespmem:s10], [sflag:$0x3], $0x10, s11, s9, $0xb8;
	[tilespmem:$0x7F00] =	vst v63  }
0x3c: {  	_ = 	snop  }
0x3d: {  	[spmem:s2] =	stream.indirect.scatter.add.f32 [tilespmem:s10], [sflag:$0x4], $0x10, s12, s9, $0xb8;
	[tilespmem:$0x7F00] =	vst v63  }
0x3e: {  	_ =	swait.ge [sflag:s13], $0x800  }
0x3f: {  	[sflag:s13] =	ssyncset.done $0x0  }
0x40: {  	s29 =	simm.s32 $0x200;
	[sflag:s13] =	ssyncadd.s32 $0xFFFFF800  }
0x41: {  	[spmem:s2] =	stream.indirect.scatter.add.f32 [tilespmem:s10], [sflag:$0x1], $0x10, s29, s9, $0xb8;
	[tilespmem:$0x7F00] =	vst v63  }
0x42: {  	_ =	swait.ge [sflag:s14], $0x800  }
0x43: {  	[sflag:s14] =	ssyncset.done $0x0  }
0x44: {  	s30 =	simm.s32 $0x280;
	[sflag:s14] =	ssyncadd.s32 $0xFFFFF800  }
0x45: {  	[spmem:s2] =	stream.indirect.scatter.add.f32 [tilespmem:s10], [sflag:$0x2], $0x10, s30, s9, $0xb8;
	[tilespmem:$0x7F00] =	vst v63  }
0x46: {  	_ =	swait.ge [sflag:s15], $0x800  }
0x47: {  	[sflag:s15] =	ssyncset.done $0x0  }
0x48: {  	s31 =	simm.s32 $0x300;
	[sflag:s15] =	ssyncadd.s32 $0xFFFFF800  }
0x49: {  	[spmem:s2] =	stream.indirect.scatter.add.f32 [tilespmem:s10], [sflag:$0x3], $0x10, s31, s9, $0xb8;
	[tilespmem:$0x7F00] =	vst v63  }
0x4a: {  	_ =	swait.ge [sflag:s16], $0x800  }
0x4b: {  	[sflag:s16] =	ssyncset.done $0x0  }
0x4c: {  	s19 =	simm.s32 $0xFFFF7000;
	s20 =	simm.s32 $0x380;
	[sflag:s16] =	ssyncadd.s32 $0xFFFFF800  }
.LBB2_6:
0x4d: {  	[spmem:s2] =	stream.indirect.scatter.add.f32 [tilespmem:s10], [sflag:$0x4], $0x10, s20, s9, $0xb8;
	[tilespmem:$0x7F00] =	vst v63  }
0x4e: {  	s20 =	smov.u32 s19  }
0x4f: {  	p0 =	sne.s32 s19, $0xFFFFF800;
	s19 =	sadd.s32 $0x800, s19;
	_ =	swait.ge [sflag:s13], $0x800  }
0x50: {  	s20 =	sshra.s32 s20, $0x2;
	[sflag:s13] =	ssyncset.done $0x0  }
0x51: {  	s21 =	sadd.s32 $0x2800, s20;
	[sflag:s13] =	ssyncadd.s32 $0xFFFFF800  }
0x52: {  	[spmem:s2] =	stream.indirect.scatter.add.f32 [tilespmem:s10], [sflag:$0x1], $0x10, s21, s9, $0xb8;
	[tilespmem:$0x7F00] =	vst v63  }
0x53: {  	_ =	swait.ge [sflag:s14], $0x800  }
0x54: {  	[sflag:s14] =	ssyncset.done $0x0  }
0x55: {  	s21 =	sadd.s32 $0x2880, s20;
	[sflag:s14] =	ssyncadd.s32 $0xFFFFF800  }
0x56: {  	[spmem:s2] =	stream.indirect.scatter.add.f32 [tilespmem:s10], [sflag:$0x2], $0x10, s21, s9, $0xb8;
	[tilespmem:$0x7F00] =	vst v63  }
0x57: {  	_ =	swait.ge [sflag:s15], $0x800  }
0x58: {  	[sflag:s15] =	ssyncset.done $0x0  }
.Ltmp2:
0x59: {  	s21 =	sadd.s32 $0x2900, s20;
	[sflag:s15] =	ssyncadd.s32 $0xFFFFF800;
	(pc) =	sbr.rel @p0 .LBB2_6-.Ltmp2, $4  }
0x5a: {  	[spmem:s2] =	stream.indirect.scatter.add.f32 [tilespmem:s10], [sflag:$0x3], $0x10, s21, s9, $0xb8;
	[tilespmem:$0x7F00] =	vst v63  }
0x5b: {  	_ =	swait.ge [sflag:s16], $0x800  }
0x5c: {  	[sflag:s16] =	ssyncset.done $0x0  }
0x5d: {  	s20 =	sadd.s32 $0x2980, s20;
	[sflag:s16] =	ssyncadd.s32 $0xFFFFF800  }
0x5e: {  	[spmem:s2] =	stream.indirect.scatter.add.f32 [tilespmem:s10], [sflag:$0x4], $0x10, s20, s9, $0xb8;
	[tilespmem:$0x7F00] =	vst v63  }
0x5f: {  	_ =	swait.ge [sflag:s13], $0x800  }
0x60: {  	[sflag:s13] =	ssyncset.done $0x0  }
0x61: {  	[sflag:s13] =	ssyncadd.s32 $0xFFFFF800  }
0x62: {  	_ =	swait.ge [sflag:s14], $0x800  }
0x63: {  	[sflag:s14] =	ssyncset.done $0x0  }
0x64: {  	[sflag:s14] =	ssyncadd.s32 $0xFFFFF800  }
0x65: {  	_ =	swait.ge [sflag:s15], $0x800  }
0x66: {  	[sflag:s15] =	ssyncset.done $0x0  }
0x67: {  	[sflag:s15] =	ssyncadd.s32 $0xFFFFF800  }
0x68: {  	_ =	swait.ge [sflag:s16], $0x800  }
0x69: {  	s19 =	sshll.u32 s1, $0x6;
	s18 =	sadd.s32 $0x1, s18;
	[sflag:s16] =	ssyncset.done $0x0  }
0x6a: {  	s31 =	sshrl.u32 s5, $0x3;
	p0 =	sne.s32 s18, s6;
	[sflag:s16] =	ssyncadd.s32 $0xFFFFF800  }
.Ltmp3:
0x6b: {  	s19 =	sor.u32 $0x1C05, s19;
	[bflag:$0x0] =	sbarrier.arrive $0xFFFF;
	(pc) =	sbr.rel @p0 .LBB2_1-.Ltmp3, $4  }
0x6c: {  	[hbm:s17], [sflag:s19] =	dma.local [spmem:s31], $0x4F0  }
0x6d: {  	_ =	swait.ge [sflag:s7], $0x4F0  }
0x6e: {  	[sflag:s7] =	ssyncset.done $0x0  }
0x6f: {  	[sflag:s7] =	ssyncadd.s32 $0xFFFFFB10  }
0x70: {  	_ =	sfence.sel $0x180000  }
0x71: {  	[bflag:$0x0] =	sbarrier.arrive $0xFFFF  }
0x72: {  	p0 =	sne.s32 s1, $0x0;
	_ =	strace $0x90000047  }
0x73: {  	s0 =	sadd.s32 @!p0 $0x100000, s0;
	[bflag:$0x2] =	sbarrier.arrive $0xFFFF  }
0x74: {  	[sflag:s0] =	ssyncadd.tile.s32 @!p0 $0x1;
	_ =	shalt  }
.Lfunc_end2:
_tile_overlayer_lowered:
.L_overlay_start_2:
0x75: {  	(tag) =	ssettag $0x2  }
0x76: {  	s0 =	rddreg [dreg:$0x0];
	s2 =	stileid.u32  }
0x77: {  	s1 =	rddreg [dreg:$0x1];
	p0 =	sne.s32 s2, $0x0  }
0x78: {  	s3 =	rddreg [dreg:$0x2];
	[bflag:$0x3] =	sbarrier.arrive $0xFFFF;
	s2 =	simm.s32 @!p0 $0x1C05  }
0x79: {  	[timem:s3], [sflag:s2] =	dma.local @!p0 [hbm:s0], s1  }
0x7a: {  	s0 =	simm.s32 @!p0 $0x5  }
0x7b: {  	_ =	swait.ge @!p0 [sflag:s0], s1  }
0x7c: {  	s1 =	ssub.s32 @!p0 $0x0, s1;
	[sflag:s0] =	ssyncset.done @!p0 $0x0  }
0x7d: {  	[sflag:s0] =	ssyncadd.s32 @!p0 s1  }
0x7e: {  	[bflag:$0x3] =	sbarrier.arrive $0xFFFF  }
0x7f: {  	_ =	shalt  }

</sc_bundles>
